<compile_context>
chip_gen: v7x
topology: tpu7x:2x2x1
jax: 0.10.2.dev20260603
libtpu: 0.0.44.dev20260713+nightly
codegen_flags: <defaults>
</compile_context>

<pallas_src>
import functools

import jax
import jax.numpy as jnp
from jax import lax
from jax.experimental import pallas as pl
from jax.experimental.pallas import tpu as pltpu
from jax.experimental.pallas import tpu_sc as plsc

K = 15
SLOTS = 16
LAM = 1.0


def _mlp_body(x_ref, We1_ref, be1_ref, We2_ref, be2_ref, We3_ref, be3_ref,
              Wd1_ref, bd1_ref, Wd2_ref, bd2_ref, Wd3_ref, bd3_ref,
              z_ref, xr2_ref, rec_ref):
    pid = pl.program_id(0)
    x = x_ref[...]
    f32 = jnp.float32
    bf = jnp.bfloat16

    def mm(a, w_ref, b_ref):
        return jnp.dot(a.astype(bf), w_ref[...],
                       preferred_element_type=f32) + b_ref[...]

    h = jnp.maximum(mm(x, We1_ref, be1_ref), 0.0)
    h = jnp.maximum(mm(h, We2_ref, be2_ref), 0.0)
    z = mm(h, We3_ref, be3_ref)
    h = jnp.maximum(mm(z, Wd1_ref, bd1_ref), 0.0)
    h = jnp.maximum(mm(h, Wd2_ref, bd2_ref), 0.0)
    x_rec = mm(h, Wd3_ref, bd3_ref)
    z_ref[...] = z
    xr2_ref[...] = jnp.sum(x * x, axis=1, keepdims=True)

    @pl.when(pid == 0)
    def _():
        rec_ref[...] = jnp.zeros_like(rec_ref)

    diff = x_rec - x
    rec_ref[...] += jnp.sum(diff * diff).reshape(1, 1)


def _knn_body(bm, x_ref, xT_ref, xr2row_ref, vals_ref, idxs_ref, kth_ref):
    pid = pl.program_id(0)
    x = x_ref[...]
    g = jnp.dot(x, xT_ref[...], preferred_element_type=jnp.float32)
    r_blk = jnp.sum(x * x, axis=1, keepdims=True)
    d2 = jnp.maximum(r_blk + xr2row_ref[...] - 2.0 * g, 0.0)
    col = jax.lax.broadcasted_iota(jnp.int32, d2.shape, 1)
    row = jax.lax.broadcasted_iota(jnp.int32, d2.shape, 0) + pid * bm
    key = (jax.lax.bitcast_convert_type(d2, jnp.int32) & jnp.int32(~0xFFF)) \
        | col
    bigi = jnp.int32(0x7FFFFFFF)
    work = jnp.where(col == row, bigi, key)
    m = None
    for t in range(K):
        m = jnp.min(work, axis=1, keepdims=True)
        vals_ref[:, t:t + 1] = jax.lax.bitcast_convert_type(
            m & jnp.int32(~0xFFF), jnp.float32)
        idxs_ref[:, t:t + 1] = m & jnp.int32(0xFFF)
        work = jnp.where(work == m, bigi, work)
    vals_ref[:, K:K + 1] = jnp.zeros((bm, 1), jnp.float32)
    idxs_ref[:, K:K + 1] = row[:, :1]
    kth_ref[...] = jax.lax.bitcast_convert_type(
        m & jnp.int32(~0xFFF), jnp.float32)


def _pair_stage_sc(z, idxs, kth):
    b, lat = z.shape
    nw = 32
    rpw = b // nw
    ch = 8
    nch = rpw // ch
    mesh = plsc.VectorSubcoreMesh(core_axis_name="c", subcore_axis_name="s")
    idxs_flat = idxs.reshape(-1)

    nd = lat // 16

    @functools.partial(
        pl.kernel, mesh=mesh,
        compiler_params=pltpu.CompilerParams(needs_layout_passes=False),
        out_type=[
            jax.ShapeDtypeStruct((b * SLOTS,), jnp.float32),
            jax.ShapeDtypeStruct((b * SLOTS,), jnp.float32),
        ],
        scratch_types=[
            pltpu.VMEM((b,), jnp.float32),
            pltpu.VMEM((rpw * SLOTS,), jnp.int32),
            pltpu.VMEM((rpw, lat), jnp.float32),
            pltpu.VMEM((ch * SLOTS, lat), jnp.float32),
            pltpu.VMEM((ch * SLOTS, lat), jnp.float32),
            pltpu.VMEM((rpw * SLOTS,), jnp.float32),
            pltpu.VMEM((rpw * SLOTS,), jnp.float32),
            pltpu.SemaphoreType.DMA,
            pltpu.SemaphoreType.DMA,
        ],
    )
    def k(z_hbm, idxf_hbm, kth_hbm, zd2_hbm, gk_hbm,
          kth_v, idx_v, zi2_v, zj0_v, zj1_v, ozd2_v, ogk_v, sem0, sem1):
        wid = lax.axis_index("c") * 16 + lax.axis_index("s")
        base = wid * rpw
        pltpu.sync_copy(kth_hbm, kth_v)
        pltpu.sync_copy(z_hbm.at[pl.ds(base, rpw)], zi2_v)
        pltpu.sync_copy(idxf_hbm.at[pl.ds(base * SLOTS, rpw * SLOTS)], idx_v)
        lane = lax.iota(jnp.int32, 16)
        zjs = (zj0_v, zj1_v)
        sems = (sem0, sem1)

        def start(c):
            return pltpu.async_copy(
                z_hbm.at[idx_v.at[pl.ds(c * ch * SLOTS, ch * SLOTS)]],
                zjs[c % 2], sems[c % 2])

        cps = {0: start(0)}
        for c in range(nch):
            if c + 1 < nch:
                cps[c + 1] = start(c + 1)
            cps.pop(c).wait()
            zj_v = zjs[c % 2]

            def rbody(r, carry):
                rr = c * ch + r
                zic = [zi2_v[rr, pl.ds(dc * 16, 16)] for dc in range(nd)]

                def sbody(s, res):
                    p = r * SLOTS + s
                    acc = jnp.zeros((16,), jnp.float32)
                    for dc in range(nd):
                        vj = zj_v[p, pl.ds(dc * 16, 16)]
                        dlt = vj - zic[dc]
                        acc = acc + dlt * dlt
                    sval = jnp.sum(acc)
                    return jnp.where(lane == s, jnp.full((16,), sval), res)

                res = lax.fori_loop(0, SLOTS, sbody,
                                    jnp.zeros((16,), jnp.float32))
                ozd2_v[pl.ds(rr * SLOTS, SLOTS)] = res
                idx_row = idx_v[pl.ds(rr * SLOTS, SLOTS)]
                ogk_v[pl.ds(rr * SLOTS, SLOTS)] = plsc.load_gather(
                    kth_v, [idx_row])
                return carry

            lax.fori_loop(0, ch, rbody, 0)
        pltpu.sync_copy(ozd2_v, zd2_hbm.at[pl.ds(base * SLOTS, rpw * SLOTS)])
        pltpu.sync_copy(ogk_v, gk_hbm.at[pl.ds(base * SLOTS, rpw * SLOTS)])

    zd2p, gk = k(z, idxs_flat, kth)
    return zd2p.reshape(b, SLOTS), gk.reshape(b, SLOTS)


def _final_body(b, d_in, vals_ref, zd2p_ref, gk_ref, rec_ref,
                tot_ref, rl_ref, dl_ref):
    xd2 = vals_ref[...]
    zd2 = zd2p_ref[...]
    gk = gk_ref[...]
    slot = jax.lax.broadcasted_iota(jnp.int32, xd2.shape, 1) < K
    kth = xd2[:, K - 1:K]
    xmax = jnp.sqrt(jnp.max(kth))
    zmax = jnp.sqrt(jnp.max(jnp.where(slot, zd2, -jnp.inf)))
    xm = xmax + 1e-8
    zm = zmax + 1e-8
    t = (jnp.sqrt(zd2) / zm - jnp.sqrt(xd2) / xm) ** 2
    s2 = jnp.sum(jnp.where(slot, t, 0.0))
    mut = slot & (xd2 <= gk)
    smut = jnp.sum(jnp.where(mut, t, 0.0))
    nmut = jnp.sum(mut.astype(jnp.float32))
    cnt = 2.0 * b * K - nmut
    dl = ((2.0 * s2 - smut) / cnt).reshape(1, 1)
    rl = rec_ref[...] / (b * d_in)
    dl_ref[...] = dl
    rl_ref[...] = rl
    tot_ref[...] = rl + LAM * dl


def kernel(x, We1, be1, We2, be2, We3, be3, Wd1, bd1, Wd2, bd2, Wd3, bd3):
    b, d_in = x.shape
    h1 = We1.shape[1]
    h2 = We2.shape[1]
    lat = We3.shape[1]
    bm = 256 if b % 256 == 0 else b
    nb = b // bm
    f32 = jnp.float32

    full = lambda shape: pl.BlockSpec(shape, lambda i: (0, 0))
    rowblk = lambda w: pl.BlockSpec((bm, w), lambda i: (i, 0))

    bf = jnp.bfloat16
    z, xr2, rec = pl.pallas_call(
        _mlp_body,
        grid=(nb,),
        in_specs=[
            rowblk(d_in),
            full((d_in, h1)), full((1, h1)),
            full((h1, h2)), full((1, h2)),
            full((h2, lat)), full((1, lat)),
            full((lat, h2)), full((1, h2)),
            full((h2, h1)), full((1, h1)),
            full((h1, d_in)), full((1, d_in)),
        ],
        out_specs=[
            rowblk(lat), rowblk(1),
            pl.BlockSpec((1, 1), lambda i: (0, 0)),
        ],
        out_shape=[
            jax.ShapeDtypeStruct((b, lat), f32),
            jax.ShapeDtypeStruct((b, 1), f32),
            jax.ShapeDtypeStruct((1, 1), f32),
        ],
    )(x, We1.astype(bf), be1.reshape(1, -1), We2.astype(bf),
      be2.reshape(1, -1), We3.astype(bf), be3.reshape(1, -1),
      Wd1.astype(bf), bd1.reshape(1, -1), Wd2.astype(bf),
      bd2.reshape(1, -1), Wd3.astype(bf), bd3.reshape(1, -1))

    vals, idxs, kth = pl.pallas_call(
        functools.partial(_knn_body, bm),
        grid=(nb,),
        in_specs=[rowblk(d_in), full((d_in, b)), full((1, b))],
        out_specs=[rowblk(SLOTS), rowblk(SLOTS), rowblk(1)],
        out_shape=[
            jax.ShapeDtypeStruct((b, SLOTS), f32),
            jax.ShapeDtypeStruct((b, SLOTS), jnp.int32),
            jax.ShapeDtypeStruct((b, 1), f32),
        ],
    )(x, x.T, xr2.reshape(1, b))

    zd2p, gk = _pair_stage_sc(z, idxs, kth.reshape(b))

    tot, rl, dl = pl.pallas_call(
        functools.partial(_final_body, b, d_in),
        in_specs=[pl.BlockSpec((b, SLOTS), lambda: (0, 0))] * 3
        + [pl.BlockSpec((1, 1), lambda: (0, 0))],
        out_specs=[pl.BlockSpec((1, 1), lambda: (0, 0))] * 3,
        out_shape=[jax.ShapeDtypeStruct((1, 1), f32)] * 3,
    )(vals, zd2p, gk, rec)

    return (tot[0, 0], rl[0, 0], dl[0, 0])

# --- scband reference (transcript-rebuilt; emitter-appended) ---
"""Pipeline reference for scband-mmaeknn-42563125903683 (READ-ONLY COPY).

The authoritative reference and input builder live on the scoring server;
editing this copy changes nothing except your own understanding.
"""

import jax, jax.numpy as jnp
import numpy as np

B = 4096
D_IN = 1024
H1 = 2048
H2 = 512
LAT = 128
K = 15
LAM = 1.0


def setup_inputs(seed: int = 0) -> dict:
    key = jax.random.key(seed)
    ks = jax.random.split(key, 8)
    x = jax.random.normal(ks[0], (B, D_IN), dtype=jnp.float32)

    def w(k, shape):
        return jax.random.normal(k, shape, dtype=jnp.float32) * 0.02

    return {
        "x": x,
        "We1": w(ks[1], (D_IN, H1)), "be1": jnp.zeros((H1,), jnp.float32),
        "We2": w(ks[2], (H1, H2)), "be2": jnp.zeros((H2,), jnp.float32),
        "We3": w(ks[3], (H2, LAT)), "be3": jnp.zeros((LAT,), jnp.float32),
        "Wd1": w(ks[4], (LAT, H2)), "bd1": jnp.zeros((H2,), jnp.float32),
        "Wd2": w(ks[5], (H2, H1)), "bd2": jnp.zeros((H1,), jnp.float32),
        "Wd3": w(ks[6], (H1, D_IN)), "bd3": jnp.zeros((D_IN,), jnp.float32),
    }


def _cdist(a, b):
    d2 = jnp.sum(a * a, axis=1)[:, None] + jnp.sum(b * b, axis=1)[None, :] - 2.0 * (a @ b.T)
    d2 = jnp.maximum(d2, 0.0)
    safe = jnp.where(d2 > 0, d2, 1.0)
    return jnp.where(d2 > 0, jnp.sqrt(safe), 0.0)


def _knn_distance_loss(z, x, k):
    Bn = z.shape[0]
    x_dist = _cdist(x, x)
    z_dist = _cdist(z, z)
    eye = jnp.eye(Bn, dtype=bool)
    x_nd = jnp.where(eye, jnp.inf, x_dist)
    _, knn_idx = jax.lax.top_k(-x_nd, k)
    row_idx = jnp.broadcast_to(jnp.arange(Bn)[:, None], (Bn, k))
    mask = jnp.zeros((Bn, Bn), dtype=bool).at[row_idx, knn_idx].set(True)
    mask = mask | mask.T
    x_max = jnp.max(jnp.where(mask, x_dist, -jnp.inf))
    z_max = jnp.max(jnp.where(mask, z_dist, -jnp.inf))
    x_norm = x_dist / (x_max + 1e-08)
    z_norm = z_dist / (z_max + 1e-08)
    sq = (z_norm - x_norm) ** 2
    return jnp.sum(jnp.where(mask, sq, 0.0)) / jnp.sum(mask).astype(jnp.float32)


def reference(x, We1, be1, We2, be2, We3, be3, Wd1, bd1, Wd2, bd2, Wd3, bd3):
    h = jax.nn.relu(x @ We1 + be1)
    h = jax.nn.relu(h @ We2 + be2)
    z = h @ We3 + be3
    h = jax.nn.relu(z @ Wd1 + bd1)
    h = jax.nn.relu(h @ Wd2 + bd2)
    x_rec = h @ Wd3 + bd3
    rec_loss = jnp.mean((x_rec - x) ** 2)
    dist_loss = _knn_distance_loss(z, x, K)
    total = rec_loss + LAM * dist_loss
    return (total, rec_loss, dist_loss)

if __name__ == "__main__":
    import jax
    _d = setup_inputs()
    print(jax.jit(kernel)(*tuple(_d.values())))

</pallas_src>

<mosaic_0001>
#map = affine_map<(d0, d1) -> (0, 0)>
#map1 = affine_map<(d0, d1) -> (0)>
module attributes {stable_mosaic.version = 14 : i64} {
  func.func @k(%arg0: i32, %arg1: i32, %arg2: memref<4096x128xf32, #tpu.memory_space<hbm>>, %arg3: memref<65536xi32, #tpu.memory_space<hbm>>, %arg4: memref<4096xf32, #tpu.memory_space<hbm>>, %arg5: memref<65536xf32, #tpu.memory_space<hbm>>, %arg6: memref<65536xf32, #tpu.memory_space<hbm>>, %arg7: memref<4096xf32, #tpu.memory_space<vmem>>, %arg8: memref<2048xi32, #tpu.memory_space<vmem>>, %arg9: memref<128x128xf32, #tpu.memory_space<vmem>>, %arg10: memref<128x128xf32, #tpu.memory_space<vmem>>, %arg11: memref<128x128xf32, #tpu.memory_space<vmem>>, %arg12: memref<2048xf32, #tpu.memory_space<vmem>>, %arg13: memref<2048xf32, #tpu.memory_space<vmem>>, %arg14: memref<!tpu.dma_semaphore, #tpu.memory_space<semaphore_mem>>, %arg15: memref<!tpu.dma_semaphore, #tpu.memory_space<semaphore_mem>>) attributes {dimension_semantics = [#tpu.dimension_semantics<core_parallel>, #tpu.dimension_semantics<subcore_parallel>], iteration_bounds = array<i64: 2, 16>, scalar_prefetch = 0 : i64, scratch_operands = 9 : i64, tpu.core_type = #tpu.core_type<sc_vector_subcore>, window_params = [{transform_indices = #map}, {transform_indices = #map1}, {transform_indices = #map1}, {transform_indices = #map1}, {transform_indices = #map1}]} {
    %mul3A = arith.constant 16 : i32
    %mul3A_0 = arith.muli %arg0, %mul3A : i32
    %add3A = arith.addi %mul3A_0, %arg1 : i32
    %mul3A_1 = arith.constant 128 : i32
    %mul3A_2 = arith.muli %add3A, %mul3A_1 : i32
    "tpu.region"() ({
      %run_scoped3A = tpu.sem_alloc : memref<!tpu.dma_semaphore, #tpu.memory_space<semaphore_mem>>
      tpu.enqueue_dma source(%arg4 : memref<4096xf32, #tpu.memory_space<hbm>>) target(%arg7 : memref<4096xf32, #tpu.memory_space<vmem>>) target_semaphore(%run_scoped3A : memref<!tpu.dma_semaphore, #tpu.memory_space<semaphore_mem>>)
      tpu.wait_dma2 semaphore(%run_scoped3A : memref<!tpu.dma_semaphore, #tpu.memory_space<semaphore_mem>>) src(%arg4 : memref<4096xf32, #tpu.memory_space<hbm>>) dst(%arg7 : memref<4096xf32, #tpu.memory_space<vmem>>)
      tpu.yield
    }) : () -> ()
    "tpu.region"() ({
      %run_scoped3A = tpu.sem_alloc : memref<!tpu.dma_semaphore, #tpu.memory_space<semaphore_mem>>
      %dma_start3A_262 = arith.constant 0 : i32
      %dma_start3A_263 = tpu.memref_slice %arg2[%mul3A_2, %dma_start3A_262] : memref<4096x128xf32, #tpu.memory_space<hbm>> -> memref<128x128xf32, #tpu.memory_space<hbm>>
      %dma_start3A_264 = arith.constant 0 : i32
      %dma_start3A_265 = tpu.memref_slice %arg2[%mul3A_2, %dma_start3A_264] : memref<4096x128xf32, #tpu.memory_space<hbm>> -> memref<128x128xf32, #tpu.memory_space<hbm>>
      tpu.enqueue_dma source(%dma_start3A_265 : memref<128x128xf32, #tpu.memory_space<hbm>>) target(%arg9 : memref<128x128xf32, #tpu.memory_space<vmem>>) target_semaphore(%run_scoped3A : memref<!tpu.dma_semaphore, #tpu.memory_space<semaphore_mem>>)
      %dma_wait3A_266 = arith.constant 0 : i32
      %dma_wait3A_267 = tpu.memref_slice %arg2[%mul3A_2, %dma_wait3A_266] : memref<4096x128xf32, #tpu.memory_space<hbm>> -> memref<128x128xf32, #tpu.memory_space<hbm>>
      %dma_wait3A_268 = arith.constant 0 : i32
      %dma_wait3A_269 = tpu.memref_slice %arg2[%mul3A_2, %dma_wait3A_268] : memref<4096x128xf32, #tpu.memory_space<hbm>> -> memref<128x128xf32, #tpu.memory_space<hbm>>
      tpu.wait_dma2 semaphore(%run_scoped3A : memref<!tpu.dma_semaphore, #tpu.memory_space<semaphore_mem>>) src(%dma_wait3A_269 : memref<128x128xf32, #tpu.memory_space<hbm>>) dst(%arg9 : memref<128x128xf32, #tpu.memory_space<vmem>>)
      tpu.yield
    }) : () -> ()
    %mul3A_3 = arith.constant 16 : i32
    %mul3A_4 = arith.muli %mul3A_2, %mul3A_3 : i32
    "tpu.region"() ({
      %run_scoped3A = tpu.sem_alloc : memref<!tpu.dma_semaphore, #tpu.memory_space<semaphore_mem>>
      %dma_start3A_262 = tpu.memref_slice %arg3[%mul3A_4] : memref<65536xi32, #tpu.memory_space<hbm>> -> memref<2048xi32, #tpu.memory_space<hbm>>
      %dma_start3A_263 = tpu.memref_slice %arg3[%mul3A_4] : memref<65536xi32, #tpu.memory_space<hbm>> -> memref<2048xi32, #tpu.memory_space<hbm>>
      tpu.enqueue_dma source(%dma_start3A_263 : memref<2048xi32, #tpu.memory_space<hbm>>) target(%arg8 : memref<2048xi32, #tpu.memory_space<vmem>>) target_semaphore(%run_scoped3A : memref<!tpu.dma_semaphore, #tpu.memory_space<semaphore_mem>>)
      %dma_wait3A_264 = tpu.memref_slice %arg3[%mul3A_4] : memref<65536xi32, #tpu.memory_space<hbm>> -> memref<2048xi32, #tpu.memory_space<hbm>>
      %dma_wait3A_265 = tpu.memref_slice %arg3[%mul3A_4] : memref<65536xi32, #tpu.memory_space<hbm>> -> memref<2048xi32, #tpu.memory_space<hbm>>
      tpu.wait_dma2 semaphore(%run_scoped3A : memref<!tpu.dma_semaphore, #tpu.memory_space<semaphore_mem>>) src(%dma_wait3A_265 : memref<2048xi32, #tpu.memory_space<hbm>>) dst(%arg8 : memref<2048xi32, #tpu.memory_space<vmem>>)
      tpu.yield
    }) : () -> ()
    %iota3A = tpu.iota {dimensions = array<i32: 0>} : vector<16xi32>
    %dma_start3A = arith.constant 0 : i32
    %dma_start3A_5 = tpu.memref_slice %arg8[%dma_start3A] : memref<2048xi32, #tpu.memory_space<vmem>> -> memref<128xi32, #tpu.memory_space<vmem>>
    %dma_start3A_6 = arith.constant 0 : i32
    %dma_start3A_7 = arith.constant 0 : i32
    %dma_start3A_8 = tpu.memref_slice %arg2[%dma_start3A_6, %dma_start3A_7] : memref<4096x128xf32, #tpu.memory_space<hbm>> -> memref<4096x128xf32, #tpu.memory_space<hbm>>
    tpu.enqueue_indirect_dma source(%dma_start3A_8 : memref<4096x128xf32, #tpu.memory_space<hbm>>) target(%arg10 : memref<128x128xf32, #tpu.memory_space<vmem>>) offsets(%dma_start3A_5 : memref<128xi32, #tpu.memory_space<vmem>>) semaphore(%arg14 : memref<!tpu.dma_semaphore, #tpu.memory_space<semaphore_mem>>)
    %dma_start3A_9 = arith.constant 128 : i32
    %dma_start3A_10 = tpu.memref_slice %arg8[%dma_start3A_9] : memref<2048xi32, #tpu.memory_space<vmem>> -> memref<128xi32, #tpu.memory_space<vmem>>
    %dma_start3A_11 = arith.constant 0 : i32
    %dma_start3A_12 = arith.constant 0 : i32
    %dma_start3A_13 = tpu.memref_slice %arg2[%dma_start3A_11, %dma_start3A_12] : memref<4096x128xf32, #tpu.memory_space<hbm>> -> memref<4096x128xf32, #tpu.memory_space<hbm>>
    tpu.enqueue_indirect_dma source(%dma_start3A_13 : memref<4096x128xf32, #tpu.memory_space<hbm>>) target(%arg11 : memref<128x128xf32, #tpu.memory_space<vmem>>) offsets(%dma_start3A_10 : memref<128xi32, #tpu.memory_space<vmem>>) semaphore(%arg15 : memref<!tpu.dma_semaphore, #tpu.memory_space<semaphore_mem>>)
    %dma_wait3A = arith.constant 0 : i32
    %dma_wait3A_14 = tpu.memref_slice %arg8[%dma_wait3A] : memref<2048xi32, #tpu.memory_space<vmem>> -> memref<128xi32, #tpu.memory_space<vmem>>
    %dma_wait3A_15 = arith.constant 0 : i32
    %dma_wait3A_16 = arith.constant 0 : i32
    %dma_wait3A_17 = tpu.memref_slice %arg2[%dma_wait3A_15, %dma_wait3A_16] : memref<4096x128xf32, #tpu.memory_space<hbm>> -> memref<4096x128xf32, #tpu.memory_space<hbm>>
    tpu.wait_indirect_dma semaphore(%arg14 : memref<!tpu.dma_semaphore, #tpu.memory_space<semaphore_mem>>) src(%dma_wait3A_17 : memref<4096x128xf32, #tpu.memory_space<hbm>>) dst(%arg10 : memref<128x128xf32, #tpu.memory_space<vmem>>)
    %scan3A = arith.constant 0 : i32
    %scan3A_18 = arith.constant 0 : i32
    %scan3A_19 = arith.constant 8 : i32
    %scan3A_20 = arith.addi %scan3A_18, %scan3A_19 : i32
    %scan3A_21 = arith.constant 1 : i32
    scf.for %scan3A_262 = %scan3A_18 to %scan3A_20 step %scan3A_21  : i32 {
      %add3A_263 = arith.constant 0 : i32
      %add3A_264 = arith.addi %add3A_263, %scan3A_262 : i32
      %get3A = arith.index_cast %add3A_264 : i32 to index
      %get3A_265 = arith.constant 0 : index
      %get3A_266 = tpu.vector_load %arg9[%get3A, %get3A_265] {strides = array<i32>} : memref<128x128xf32, #tpu.memory_space<vmem>>, vector<16xf32>,
      %get3A_267 = arith.index_cast %add3A_264 : i32 to index
      %get3A_268 = arith.constant 16 : index
      %get3A_269 = tpu.vector_load %arg9[%get3A_267, %get3A_268] {strides = array<i32>} : memref<128x128xf32, #tpu.memory_space<vmem>>, vector<16xf32>,
      %get3A_270 = arith.index_cast %add3A_264 : i32 to index
      %get3A_271 = arith.constant 32 : index
      %get3A_272 = tpu.vector_load %arg9[%get3A_270, %get3A_271] {strides = array<i32>} : memref<128x128xf32, #tpu.memory_space<vmem>>, vector<16xf32>,
      %get3A_273 = arith.index_cast %add3A_264 : i32 to index
      %get3A_274 = arith.constant 48 : index
      %get3A_275 = tpu.vector_load %arg9[%get3A_273, %get3A_274] {strides = array<i32>} : memref<128x128xf32, #tpu.memory_space<vmem>>, vector<16xf32>,
      %get3A_276 = arith.index_cast %add3A_264 : i32 to index
      %get3A_277 = arith.constant 64 : index
      %get3A_278 = tpu.vector_load %arg9[%get3A_276, %get3A_277] {strides = array<i32>} : memref<128x128xf32, #tpu.memory_space<vmem>>, vector<16xf32>,
      %get3A_279 = arith.index_cast %add3A_264 : i32 to index
      %get3A_280 = arith.constant 80 : index
      %get3A_281 = tpu.vector_load %arg9[%get3A_279, %get3A_280] {strides = array<i32>} : memref<128x128xf32, #tpu.memory_space<vmem>>, vector<16xf32>,
      %get3A_282 = arith.index_cast %add3A_264 : i32 to index
      %get3A_283 = arith.constant 96 : index
      %get3A_284 = tpu.vector_load %arg9[%get3A_282, %get3A_283] {strides = array<i32>} : memref<128x128xf32, #tpu.memory_space<vmem>>, vector<16xf32>,
      %get3A_285 = arith.index_cast %add3A_264 : i32 to index
      %get3A_286 = arith.constant 112 : index
      %get3A_287 = tpu.vector_load %arg9[%get3A_285, %get3A_286] {strides = array<i32>} : memref<128x128xf32, #tpu.memory_space<vmem>>, vector<16xf32>,
      %broadcast_in_dim3A = arith.constant 0.000000e+00 : f32
      %broadcast_in_dim3A_288 = vector.broadcast %broadcast_in_dim3A : f32 to vector<16xf32>
      %scan3A_289 = arith.constant 0 : i32
      %scan3A_290 = arith.constant 16 : i32
      %scan3A_291 = arith.addi %scan3A_289, %scan3A_290 : i32
      %scan3A_292 = arith.constant 1 : i32
      %scan3A_293 = scf.for %scan3A_306 = %scan3A_289 to %scan3A_291 step %scan3A_292 iter_args(%scan3A_307 = %broadcast_in_dim3A_288) -> (vector<16xf32>)  : i32 {
        %mul3A_308 = arith.constant 16 : i32
        %mul3A_309 = arith.muli %scan3A_262, %mul3A_308 : i32
        %add3A_310 = arith.addi %mul3A_309, %scan3A_306 : i32
        %broadcast_in_dim3A_311 = arith.constant 0.000000e+00 : f32
        %broadcast_in_dim3A_312 = vector.broadcast %broadcast_in_dim3A_311 : f32 to vector<16xf32>
        %get3A_313 = arith.index_cast %add3A_310 : i32 to index
        %get3A_314 = arith.constant 0 : index
        %get3A_315 = tpu.vector_load %arg10[%get3A_313, %get3A_314] {strides = array<i32>} : memref<128x128xf32, #tpu.memory_space<vmem>>, vector<16xf32>,
        %sub3A = arith.subf %get3A_315, %get3A_266 : vector<16xf32>
        %mul3A_316 = arith.mulf %sub3A, %sub3A : vector<16xf32>
        %add3A_317 = arith.addf %broadcast_in_dim3A_312, %mul3A_316 : vector<16xf32>
        %get3A_318 = arith.index_cast %add3A_310 : i32 to index
        %get3A_319 = arith.constant 16 : index
        %get3A_320 = tpu.vector_load %arg10[%get3A_318, %get3A_319] {strides = array<i32>} : memref<128x128xf32, #tpu.memory_space<vmem>>, vector<16xf32>,
        %sub3A_321 = arith.subf %get3A_320, %get3A_269 : vector<16xf32>
        %mul3A_322 = arith.mulf %sub3A_321, %sub3A_321 : vector<16xf32>
        %add3A_323 = arith.addf %add3A_317, %mul3A_322 : vector<16xf32>
        %get3A_324 = arith.index_cast %add3A_310 : i32 to index
        %get3A_325 = arith.constant 32 : index
        %get3A_326 = tpu.vector_load %arg10[%get3A_324, %get3A_325] {strides = array<i32>} : memref<128x128xf32, #tpu.memory_space<vmem>>, vector<16xf32>,
        %sub3A_327 = arith.subf %get3A_326, %get3A_272 : vector<16xf32>
        %mul3A_328 = arith.mulf %sub3A_327, %sub3A_327 : vector<16xf32>
        %add3A_329 = arith.addf %add3A_323, %mul3A_328 : vector<16xf32>
        %get3A_330 = arith.index_cast %add3A_310 : i32 to index
        %get3A_331 = arith.constant 48 : index
        %get3A_332 = tpu.vector_load %arg10[%get3A_330, %get3A_331] {strides = array<i32>} : memref<128x128xf32, #tpu.memory_space<vmem>>, vector<16xf32>,
        %sub3A_333 = arith.subf %get3A_332, %get3A_275 : vector<16xf32>
        %mul3A_334 = arith.mulf %sub3A_333, %sub3A_333 : vector<16xf32>
        %add3A_335 = arith.addf %add3A_329, %mul3A_334 : vector<16xf32>
        %get3A_336 = arith.index_cast %add3A_310 : i32 to index
        %get3A_337 = arith.constant 64 : index
        %get3A_338 = tpu.vector_load %arg10[%get3A_336, %get3A_337] {strides = array<i32>} : memref<128x128xf32, #tpu.memory_space<vmem>>, vector<16xf32>,
        %sub3A_339 = arith.subf %get3A_338, %get3A_278 : vector<16xf32>
        %mul3A_340 = arith.mulf %sub3A_339, %sub3A_339 : vector<16xf32>
        %add3A_341 = arith.addf %add3A_335, %mul3A_340 : vector<16xf32>
        %get3A_342 = arith.index_cast %add3A_310 : i32 to index
        %get3A_343 = arith.constant 80 : index
        %get3A_344 = tpu.vector_load %arg10[%get3A_342, %get3A_343] {strides = array<i32>} : memref<128x128xf32, #tpu.memory_space<vmem>>, vector<16xf32>,
        %sub3A_345 = arith.subf %get3A_344, %get3A_281 : vector<16xf32>
        %mul3A_346 = arith.mulf %sub3A_345, %sub3A_345 : vector<16xf32>
        %add3A_347 = arith.addf %add3A_341, %mul3A_346 : vector<16xf32>
        %get3A_348 = arith.index_cast %add3A_310 : i32 to index
        %get3A_349 = arith.constant 96 : index
        %get3A_350 = tpu.vector_load %arg10[%get3A_348, %get3A_349] {strides = array<i32>} : memref<128x128xf32, #tpu.memory_space<vmem>>, vector<16xf32>,
        %sub3A_351 = arith.subf %get3A_350, %get3A_284 : vector<16xf32>
        %mul3A_352 = arith.mulf %sub3A_351, %sub3A_351 : vector<16xf32>
        %add3A_353 = arith.addf %add3A_347, %mul3A_352 : vector<16xf32>
        %get3A_354 = arith.index_cast %add3A_310 : i32 to index
        %get3A_355 = arith.constant 112 : index
        %get3A_356 = tpu.vector_load %arg10[%get3A_354, %get3A_355] {strides = array<i32>} : memref<128x128xf32, #tpu.memory_space<vmem>>, vector<16xf32>,
        %sub3A_357 = arith.subf %get3A_356, %get3A_287 : vector<16xf32>
        %mul3A_358 = arith.mulf %sub3A_357, %sub3A_357 : vector<16xf32>
        %add3A_359 = arith.addf %add3A_353, %mul3A_358 : vector<16xf32>
        %reduce_sum3A = arith.constant true
        %reduce_sum3A_360 = vector.broadcast %reduce_sum3A : i1 to vector<16xi1>
        %reduce_sum3A_361 = tpu.scan <sum>, %add3A_359 masked %reduce_sum3A_360 : vector<16xf32>, vector<16xi1> -> vector<16xf32>
        %reduce_sum3A_362 = vector.extract %reduce_sum3A_361[15] : f32 from vector<16xf32>
        %eq3A = vector.broadcast %scan3A_306 : i32 to vector<16xi32>
        %eq3A_363 = arith.cmpi eq, %iota3A, %eq3A : vector<16xi32>
        %broadcast_in_dim3A_364 = vector.broadcast %reduce_sum3A_362 : f32 to vector<16xf32>
        %select_n3A = arith.select %eq3A_363, %broadcast_in_dim3A_364, %scan3A_307 : vector<16xi1>, vector<16xf32>
        scf.yield %select_n3A : vector<16xf32>
      }
      %scan3A_294 = arith.constant 16 : i32
      %mul3A_295 = arith.constant 16 : i32
      %mul3A_296 = arith.muli %add3A_264, %mul3A_295 : i32
      %swap3A = arith.index_cast %mul3A_296 : i32 to index
      %swap3A_297 = tpu.vector_load %arg12[%swap3A] {strides = array<i32>} : memref<2048xf32, #tpu.memory_space<vmem>>, vector<16xf32>,
      tpu.vector_store %arg12[%swap3A], %scan3A_293 {strides = array<i32>} : memref<2048xf32, #tpu.memory_space<vmem>>, vector<16xf32>,
      %mul3A_298 = arith.constant 16 : i32
      %mul3A_299 = arith.muli %add3A_264, %mul3A_298 : i32
      %get3A_300 = arith.index_cast %mul3A_299 : i32 to index
      %get3A_301 = tpu.vector_load %arg8[%get3A_300] {strides = array<i32>} : memref<2048xi32, #tpu.memory_space<vmem>>, vector<16xi32>,
      %gather3A = tpu.vector_load_idx %arg7[%get3A_301] : memref<4096xf32, #tpu.memory_space<vmem>>[vector<16xi32>], vector<16xf32>,
      %mul3A_302 = arith.constant 16 : i32
      %mul3A_303 = arith.muli %add3A_264, %mul3A_302 : i32
      %swap3A_304 = arith.index_cast %mul3A_303 : i32 to index
      %swap3A_305 = tpu.vector_load %arg13[%swap3A_304] {strides = array<i32>} : memref<2048xf32, #tpu.memory_space<vmem>>, vector<16xf32>,
      tpu.vector_store %arg13[%swap3A_304], %gather3A {strides = array<i32>} : memref<2048xf32, #tpu.memory_space<vmem>>, vector<16xf32>,
    }
    %scan3A_22 = arith.constant 8 : i32
    %dma_start3A_23 = arith.constant 256 : i32
    %dma_start3A_24 = tpu.memref_slice %arg8[%dma_start3A_23] : memref<2048xi32, #tpu.memory_space<vmem>> -> memref<128xi32, #tpu.memory_space<vmem>>
    %dma_start3A_25 = arith.constant 0 : i32
    %dma_start3A_26 = arith.constant 0 : i32
    %dma_start3A_27 = tpu.memref_slice %arg2[%dma_start3A_25, %dma_start3A_26] : memref<4096x128xf32, #tpu.memory_space<hbm>> -> memref<4096x128xf32, #tpu.memory_space<hbm>>
    tpu.enqueue_indirect_dma source(%dma_start3A_27 : memref<4096x128xf32, #tpu.memory_space<hbm>>) target(%arg10 : memref<128x128xf32, #tpu.memory_space<vmem>>) offsets(%dma_start3A_24 : memref<128xi32, #tpu.memory_space<vmem>>) semaphore(%arg14 : memref<!tpu.dma_semaphore, #tpu.memory_space<semaphore_mem>>)
    %dma_wait3A_28 = arith.constant 128 : i32
    %dma_wait3A_29 = tpu.memref_slice %arg8[%dma_wait3A_28] : memref<2048xi32, #tpu.memory_space<vmem>> -> memref<128xi32, #tpu.memory_space<vmem>>
    %dma_wait3A_30 = arith.constant 0 : i32
    %dma_wait3A_31 = arith.constant 0 : i32
    %dma_wait3A_32 = tpu.memref_slice %arg2[%dma_wait3A_30, %dma_wait3A_31] : memref<4096x128xf32, #tpu.memory_space<hbm>> -> memref<4096x128xf32, #tpu.memory_space<hbm>>
    tpu.wait_indirect_dma semaphore(%arg15 : memref<!tpu.dma_semaphore, #tpu.memory_space<semaphore_mem>>) src(%dma_wait3A_32 : memref<4096x128xf32, #tpu.memory_space<hbm>>) dst(%arg11 : memref<128x128xf32, #tpu.memory_space<vmem>>)
    %scan3A_33 = arith.constant 0 : i32
    %scan3A_34 = arith.constant 0 : i32
    %scan3A_35 = arith.constant 8 : i32
    %scan3A_36 = arith.addi %scan3A_34, %scan3A_35 : i32
    %scan3A_37 = arith.constant 1 : i32
    scf.for %scan3A_262 = %scan3A_34 to %scan3A_36 step %scan3A_37  : i32 {
      %add3A_263 = arith.constant 8 : i32
      %add3A_264 = arith.addi %add3A_263, %scan3A_262 : i32
      %get3A = arith.index_cast %add3A_264 : i32 to index
      %get3A_265 = arith.constant 0 : index
      %get3A_266 = tpu.vector_load %arg9[%get3A, %get3A_265] {strides = array<i32>} : memref<128x128xf32, #tpu.memory_space<vmem>>, vector<16xf32>,
      %get3A_267 = arith.index_cast %add3A_264 : i32 to index
      %get3A_268 = arith.constant 16 : index
      %get3A_269 = tpu.vector_load %arg9[%get3A_267, %get3A_268] {strides = array<i32>} : memref<128x128xf32, #tpu.memory_space<vmem>>, vector<16xf32>,
      %get3A_270 = arith.index_cast %add3A_264 : i32 to index
      %get3A_271 = arith.constant 32 : index
      %get3A_272 = tpu.vector_load %arg9[%get3A_270, %get3A_271] {strides = array<i32>} : memref<128x128xf32, #tpu.memory_space<vmem>>, vector<16xf32>,
      %get3A_273 = arith.index_cast %add3A_264 : i32 to index
      %get3A_274 = arith.constant 48 : index
      %get3A_275 = tpu.vector_load %arg9[%get3A_273, %get3A_274] {strides = array<i32>} : memref<128x128xf32, #tpu.memory_space<vmem>>, vector<16xf32>,
      %get3A_276 = arith.index_cast %add3A_264 : i32 to index
      %get3A_277 = arith.constant 64 : index
      %get3A_278 = tpu.vector_load %arg9[%get3A_276, %get3A_277] {strides = array<i32>} : memref<128x128xf32, #tpu.memory_space<vmem>>, vector<16xf32>,
      %get3A_279 = arith.index_cast %add3A_264 : i32 to index
      %get3A_280 = arith.constant 80 : index
      %get3A_281 = tpu.vector_load %arg9[%get3A_279, %get3A_280] {strides = array<i32>} : memref<128x128xf32, #tpu.memory_space<vmem>>, vector<16xf32>,
      %get3A_282 = arith.index_cast %add3A_264 : i32 to index
      %get3A_283 = arith.constant 96 : index
      %get3A_284 = tpu.vector_load %arg9[%get3A_282, %get3A_283] {strides = array<i32>} : memref<128x128xf32, #tpu.memory_space<vmem>>, vector<16xf32>,
      %get3A_285 = arith.index_cast %add3A_264 : i32 to index
      %get3A_286 = arith.constant 112 : index
      %get3A_287 = tpu.vector_load %arg9[%get3A_285, %get3A_286] {strides = array<i32>} : memref<128x128xf32, #tpu.memory_space<vmem>>, vector<16xf32>,
      %broadcast_in_dim3A = arith.constant 0.000000e+00 : f32
      %broadcast_in_dim3A_288 = vector.broadcast %broadcast_in_dim3A : f32 to vector<16xf32>
      %scan3A_289 = arith.constant 0 : i32
      %scan3A_290 = arith.constant 16 : i32
      %scan3A_291 = arith.addi %scan3A_289, %scan3A_290 : i32
      %scan3A_292 = arith.constant 1 : i32
      %scan3A_293 = scf.for %scan3A_306 = %scan3A_289 to %scan3A_291 step %scan3A_292 iter_args(%scan3A_307 = %broadcast_in_dim3A_288) -> (vector<16xf32>)  : i32 {
        %mul3A_308 = arith.constant 16 : i32
        %mul3A_309 = arith.muli %scan3A_262, %mul3A_308 : i32
        %add3A_310 = arith.addi %mul3A_309, %scan3A_306 : i32
        %broadcast_in_dim3A_311 = arith.constant 0.000000e+00 : f32
        %broadcast_in_dim3A_312 = vector.broadcast %broadcast_in_dim3A_311 : f32 to vector<16xf32>
        %get3A_313 = arith.index_cast %add3A_310 : i32 to index
        %get3A_314 = arith.constant 0 : index
        %get3A_315 = tpu.vector_load %arg11[%get3A_313, %get3A_314] {strides = array<i32>} : memref<128x128xf32, #tpu.memory_space<vmem>>, vector<16xf32>,
        %sub3A = arith.subf %get3A_315, %get3A_266 : vector<16xf32>
        %mul3A_316 = arith.mulf %sub3A, %sub3A : vector<16xf32>
        %add3A_317 = arith.addf %broadcast_in_dim3A_312, %mul3A_316 : vector<16xf32>
        %get3A_318 = arith.index_cast %add3A_310 : i32 to index
        %get3A_319 = arith.constant 16 : index
        %get3A_320 = tpu.vector_load %arg11[%get3A_318, %get3A_319] {strides = array<i32>} : memref<128x128xf32, #tpu.memory_space<vmem>>, vector<16xf32>,
        %sub3A_321 = arith.subf %get3A_320, %get3A_269 : vector<16xf32>
        %mul3A_322 = arith.mulf %sub3A_321, %sub3A_321 : vector<16xf32>
        %add3A_323 = arith.addf %add3A_317, %mul3A_322 : vector<16xf32>
        %get3A_324 = arith.index_cast %add3A_310 : i32 to index
        %get3A_325 = arith.constant 32 : index
        %get3A_326 = tpu.vector_load %arg11[%get3A_324, %get3A_325] {strides = array<i32>} : memref<128x128xf32, #tpu.memory_space<vmem>>, vector<16xf32>,
        %sub3A_327 = arith.subf %get3A_326, %get3A_272 : vector<16xf32>
        %mul3A_328 = arith.mulf %sub3A_327, %sub3A_327 : vector<16xf32>
        %add3A_329 = arith.addf %add3A_323, %mul3A_328 : vector<16xf32>
        %get3A_330 = arith.index_cast %add3A_310 : i32 to index
        %get3A_331 = arith.constant 48 : index
        %get3A_332 = tpu.vector_load %arg11[%get3A_330, %get3A_331] {strides = array<i32>} : memref<128x128xf32, #tpu.memory_space<vmem>>, vector<16xf32>,
        %sub3A_333 = arith.subf %get3A_332, %get3A_275 : vector<16xf32>
        %mul3A_334 = arith.mulf %sub3A_333, %sub3A_333 : vector<16xf32>
        %add3A_335 = arith.addf %add3A_329, %mul3A_334 : vector<16xf32>
        %get3A_336 = arith.index_cast %add3A_310 : i32 to index
        %get3A_337 = arith.constant 64 : index
        %get3A_338 = tpu.vector_load %arg11[%get3A_336, %get3A_337] {strides = array<i32>} : memref<128x128xf32, #tpu.memory_space<vmem>>, vector<16xf32>,
        %sub3A_339 = arith.subf %get3A_338, %get3A_278 : vector<16xf32>
        %mul3A_340 = arith.mulf %sub3A_339, %sub3A_339 : vector<16xf32>
        %add3A_341 = arith.addf %add3A_335, %mul3A_340 : vector<16xf32>
        %get3A_342 = arith.index_cast %add3A_310 : i32 to index
        %get3A_343 = arith.constant 80 : index
        %get3A_344 = tpu.vector_load %arg11[%get3A_342, %get3A_343] {strides = array<i32>} : memref<128x128xf32, #tpu.memory_space<vmem>>, vector<16xf32>,
        %sub3A_345 = arith.subf %get3A_344, %get3A_281 : vector<16xf32>
        %mul3A_346 = arith.mulf %sub3A_345, %sub3A_345 : vector<16xf32>
        %add3A_347 = arith.addf %add3A_341, %mul3A_346 : vector<16xf32>
        %get3A_348 = arith.index_cast %add3A_310 : i32 to index
        %get3A_349 = arith.constant 96 : index
        %get3A_350 = tpu.vector_load %arg11[%get3A_348, %get3A_349] {strides = array<i32>} : memref<128x128xf32, #tpu.memory_space<vmem>>, vector<16xf32>,
        %sub3A_351 = arith.subf %get3A_350, %get3A_284 : vector<16xf32>
        %mul3A_352 = arith.mulf %sub3A_351, %sub3A_351 : vector<16xf32>
        %add3A_353 = arith.addf %add3A_347, %mul3A_352 : vector<16xf32>
        %get3A_354 = arith.index_cast %add3A_310 : i32 to index
        %get3A_355 = arith.constant 112 : index
        %get3A_356 = tpu.vector_load %arg11[%get3A_354, %get3A_355] {strides = array<i32>} : memref<128x128xf32, #tpu.memory_space<vmem>>, vector<16xf32>,
        %sub3A_357 = arith.subf %get3A_356, %get3A_287 : vector<16xf32>
        %mul3A_358 = arith.mulf %sub3A_357, %sub3A_357 : vector<16xf32>
        %add3A_359 = arith.addf %add3A_353, %mul3A_358 : vector<16xf32>
        %reduce_sum3A = arith.constant true
        %reduce_sum3A_360 = vector.broadcast %reduce_sum3A : i1 to vector<16xi1>
        %reduce_sum3A_361 = tpu.scan <sum>, %add3A_359 masked %reduce_sum3A_360 : vector<16xf32>, vector<16xi1> -> vector<16xf32>
        %reduce_sum3A_362 = vector.extract %reduce_sum3A_361[15] : f32 from vector<16xf32>
        %eq3A = vector.broadcast %scan3A_306 : i32 to vector<16xi32>
        %eq3A_363 = arith.cmpi eq, %iota3A, %eq3A : vector<16xi32>
        %broadcast_in_dim3A_364 = vector.broadcast %reduce_sum3A_362 : f32 to vector<16xf32>
        %select_n3A = arith.select %eq3A_363, %broadcast_in_dim3A_364, %scan3A_307 : vector<16xi1>, vector<16xf32>
        scf.yield %select_n3A : vector<16xf32>
      }
      %scan3A_294 = arith.constant 16 : i32
      %mul3A_295 = arith.constant 16 : i32
      %mul3A_296 = arith.muli %add3A_264, %mul3A_295 : i32
      %swap3A = arith.index_cast %mul3A_296 : i32 to index
      %swap3A_297 = tpu.vector_load %arg12[%swap3A] {strides = array<i32>} : memref<2048xf32, #tpu.memory_space<vmem>>, vector<16xf32>,
      tpu.vector_store %arg12[%swap3A], %scan3A_293 {strides = array<i32>} : memref<2048xf32, #tpu.memory_space<vmem>>, vector<16xf32>,
      %mul3A_298 = arith.constant 16 : i32
      %mul3A_299 = arith.muli %add3A_264, %mul3A_298 : i32
      %get3A_300 = arith.index_cast %mul3A_299 : i32 to index
      %get3A_301 = tpu.vector_load %arg8[%get3A_300] {strides = array<i32>} : memref<2048xi32, #tpu.memory_space<vmem>>, vector<16xi32>,
      %gather3A = tpu.vector_load_idx %arg7[%get3A_301] : memref<4096xf32, #tpu.memory_space<vmem>>[vector<16xi32>], vector<16xf32>,
      %mul3A_302 = arith.constant 16 : i32
      %mul3A_303 = arith.muli %add3A_264, %mul3A_302 : i32
      %swap3A_304 = arith.index_cast %mul3A_303 : i32 to index
      %swap3A_305 = tpu.vector_load %arg13[%swap3A_304] {strides = array<i32>} : memref<2048xf32, #tpu.memory_space<vmem>>, vector<16xf32>,
      tpu.vector_store %arg13[%swap3A_304], %gather3A {strides = array<i32>} : memref<2048xf32, #tpu.memory_space<vmem>>, vector<16xf32>,
    }
    %scan3A_38 = arith.constant 8 : i32
    %dma_start3A_39 = arith.constant 384 : i32
    %dma_start3A_40 = tpu.memref_slice %arg8[%dma_start3A_39] : memref<2048xi32, #tpu.memory_space<vmem>> -> memref<128xi32, #tpu.memory_space<vmem>>
    %dma_start3A_41 = arith.constant 0 : i32
    %dma_start3A_42 = arith.constant 0 : i32
    %dma_start3A_43 = tpu.memref_slice %arg2[%dma_start3A_41, %dma_start3A_42] : memref<4096x128xf32, #tpu.memory_space<hbm>> -> memref<4096x128xf32, #tpu.memory_space<hbm>>
    tpu.enqueue_indirect_dma source(%dma_start3A_43 : memref<4096x128xf32, #tpu.memory_space<hbm>>) target(%arg11 : memref<128x128xf32, #tpu.memory_space<vmem>>) offsets(%dma_start3A_40 : memref<128xi32, #tpu.memory_space<vmem>>) semaphore(%arg15 : memref<!tpu.dma_semaphore, #tpu.memory_space<semaphore_mem>>)
    %dma_wait3A_44 = arith.constant 256 : i32
    %dma_wait3A_45 = tpu.memref_slice %arg8[%dma_wait3A_44] : memref<2048xi32, #tpu.memory_space<vmem>> -> memref<128xi32, #tpu.memory_space<vmem>>
    %dma_wait3A_46 = arith.constant 0 : i32
    %dma_wait3A_47 = arith.constant 0 : i32
    %dma_wait3A_48 = tpu.memref_slice %arg2[%dma_wait3A_46, %dma_wait3A_47] : memref<4096x128xf32, #tpu.memory_space<hbm>> -> memref<4096x128xf32, #tpu.memory_space<hbm>>
    tpu.wait_indirect_dma semaphore(%arg14 : memref<!tpu.dma_semaphore, #tpu.memory_space<semaphore_mem>>) src(%dma_wait3A_48 : memref<4096x128xf32, #tpu.memory_space<hbm>>) dst(%arg10 : memref<128x128xf32, #tpu.memory_space<vmem>>)
    %scan3A_49 = arith.constant 0 : i32
    %scan3A_50 = arith.constant 0 : i32
    %scan3A_51 = arith.constant 8 : i32
    %scan3A_52 = arith.addi %scan3A_50, %scan3A_51 : i32
    %scan3A_53 = arith.constant 1 : i32
    scf.for %scan3A_262 = %scan3A_50 to %scan3A_52 step %scan3A_53  : i32 {
      %add3A_263 = arith.constant 16 : i32
      %add3A_264 = arith.addi %add3A_263, %scan3A_262 : i32
      %get3A = arith.index_cast %add3A_264 : i32 to index
      %get3A_265 = arith.constant 0 : index
      %get3A_266 = tpu.vector_load %arg9[%get3A, %get3A_265] {strides = array<i32>} : memref<128x128xf32, #tpu.memory_space<vmem>>, vector<16xf32>,
      %get3A_267 = arith.index_cast %add3A_264 : i32 to index
      %get3A_268 = arith.constant 16 : index
      %get3A_269 = tpu.vector_load %arg9[%get3A_267, %get3A_268] {strides = array<i32>} : memref<128x128xf32, #tpu.memory_space<vmem>>, vector<16xf32>,
      %get3A_270 = arith.index_cast %add3A_264 : i32 to index
      %get3A_271 = arith.constant 32 : index
      %get3A_272 = tpu.vector_load %arg9[%get3A_270, %get3A_271] {strides = array<i32>} : memref<128x128xf32, #tpu.memory_space<vmem>>, vector<16xf32>,
      %get3A_273 = arith.index_cast %add3A_264 : i32 to index
      %get3A_274 = arith.constant 48 : index
      %get3A_275 = tpu.vector_load %arg9[%get3A_273, %get3A_274] {strides = array<i32>} : memref<128x128xf32, #tpu.memory_space<vmem>>, vector<16xf32>,
      %get3A_276 = arith.index_cast %add3A_264 : i32 to index
      %get3A_277 = arith.constant 64 : index
      %get3A_278 = tpu.vector_load %arg9[%get3A_276, %get3A_277] {strides = array<i32>} : memref<128x128xf32, #tpu.memory_space<vmem>>, vector<16xf32>,
      %get3A_279 = arith.index_cast %add3A_264 : i32 to index
      %get3A_280 = arith.constant 80 : index
      %get3A_281 = tpu.vector_load %arg9[%get3A_279, %get3A_280] {strides = array<i32>} : memref<128x128xf32, #tpu.memory_space<vmem>>, vector<16xf32>,
      %get3A_282 = arith.index_cast %add3A_264 : i32 to index
      %get3A_283 = arith.constant 96 : index
      %get3A_284 = tpu.vector_load %arg9[%get3A_282, %get3A_283] {strides = array<i32>} : memref<128x128xf32, #tpu.memory_space<vmem>>, vector<16xf32>,
      %get3A_285 = arith.index_cast %add3A_264 : i32 to index
      %get3A_286 = arith.constant 112 : index
      %get3A_287 = tpu.vector_load %arg9[%get3A_285, %get3A_286] {strides = array<i32>} : memref<128x128xf32, #tpu.memory_space<vmem>>, vector<16xf32>,
      %broadcast_in_dim3A = arith.constant 0.000000e+00 : f32
      %broadcast_in_dim3A_288 = vector.broadcast %broadcast_in_dim3A : f32 to vector<16xf32>
      %scan3A_289 = arith.constant 0 : i32
      %scan3A_290 = arith.constant 16 : i32
      %scan3A_291 = arith.addi %scan3A_289, %scan3A_290 : i32
      %scan3A_292 = arith.constant 1 : i32
      %scan3A_293 = scf.for %scan3A_306 = %scan3A_289 to %scan3A_291 step %scan3A_292 iter_args(%scan3A_307 = %broadcast_in_dim3A_288) -> (vector<16xf32>)  : i32 {
        %mul3A_308 = arith.constant 16 : i32
        %mul3A_309 = arith.muli %scan3A_262, %mul3A_308 : i32
        %add3A_310 = arith.addi %mul3A_309, %scan3A_306 : i32
        %broadcast_in_dim3A_311 = arith.constant 0.000000e+00 : f32
        %broadcast_in_dim3A_312 = vector.broadcast %broadcast_in_dim3A_311 : f32 to vector<16xf32>
        %get3A_313 = arith.index_cast %add3A_310 : i32 to index
        %get3A_314 = arith.constant 0 : index
        %get3A_315 = tpu.vector_load %arg10[%get3A_313, %get3A_314] {strides = array<i32>} : memref<128x128xf32, #tpu.memory_space<vmem>>, vector<16xf32>,
        %sub3A = arith.subf %get3A_315, %get3A_266 : vector<16xf32>
        %mul3A_316 = arith.mulf %sub3A, %sub3A : vector<16xf32>
        %add3A_317 = arith.addf %broadcast_in_dim3A_312, %mul3A_316 : vector<16xf32>
        %get3A_318 = arith.index_cast %add3A_310 : i32 to index
        %get3A_319 = arith.constant 16 : index
        %get3A_320 = tpu.vector_load %arg10[%get3A_318, %get3A_319] {strides = array<i32>} : memref<128x128xf32, #tpu.memory_space<vmem>>, vector<16xf32>,
        %sub3A_321 = arith.subf %get3A_320, %get3A_269 : vector<16xf32>
        %mul3A_322 = arith.mulf %sub3A_321, %sub3A_321 : vector<16xf32>
        %add3A_323 = arith.addf %add3A_317, %mul3A_322 : vector<16xf32>
        %get3A_324 = arith.index_cast %add3A_310 : i32 to index
        %get3A_325 = arith.constant 32 : index
        %get3A_326 = tpu.vector_load %arg10[%get3A_324, %get3A_325] {strides = array<i32>} : memref<128x128xf32, #tpu.memory_space<vmem>>, vector<16xf32>,
        %sub3A_327 = arith.subf %get3A_326, %get3A_272 : vector<16xf32>
        %mul3A_328 = arith.mulf %sub3A_327, %sub3A_327 : vector<16xf32>
        %add3A_329 = arith.addf %add3A_323, %mul3A_328 : vector<16xf32>
        %get3A_330 = arith.index_cast %add3A_310 : i32 to index
        %get3A_331 = arith.constant 48 : index
        %get3A_332 = tpu.vector_load %arg10[%get3A_330, %get3A_331] {strides = array<i32>} : memref<128x128xf32, #tpu.memory_space<vmem>>, vector<16xf32>,
        %sub3A_333 = arith.subf %get3A_332, %get3A_275 : vector<16xf32>
        %mul3A_334 = arith.mulf %sub3A_333, %sub3A_333 : vector<16xf32>
        %add3A_335 = arith.addf %add3A_329, %mul3A_334 : vector<16xf32>
        %get3A_336 = arith.index_cast %add3A_310 : i32 to index
        %get3A_337 = arith.constant 64 : index
        %get3A_338 = tpu.vector_load %arg10[%get3A_336, %get3A_337] {strides = array<i32>} : memref<128x128xf32, #tpu.memory_space<vmem>>, vector<16xf32>,
        %sub3A_339 = arith.subf %get3A_338, %get3A_278 : vector<16xf32>
        %mul3A_340 = arith.mulf %sub3A_339, %sub3A_339 : vector<16xf32>
        %add3A_341 = arith.addf %add3A_335, %mul3A_340 : vector<16xf32>
        %get3A_342 = arith.index_cast %add3A_310 : i32 to index
        %get3A_343 = arith.constant 80 : index
        %get3A_344 = tpu.vector_load %arg10[%get3A_342, %get3A_343] {strides = array<i32>} : memref<128x128xf32, #tpu.memory_space<vmem>>, vector<16xf32>,
        %sub3A_345 = arith.subf %get3A_344, %get3A_281 : vector<16xf32>
        %mul3A_346 = arith.mulf %sub3A_345, %sub3A_345 : vector<16xf32>
        %add3A_347 = arith.addf %add3A_341, %mul3A_346 : vector<16xf32>
        %get3A_348 = arith.index_cast %add3A_310 : i32 to index
        %get3A_349 = arith.constant 96 : index
        %get3A_350 = tpu.vector_load %arg10[%get3A_348, %get3A_349] {strides = array<i32>} : memref<128x128xf32, #tpu.memory_space<vmem>>, vector<16xf32>,
        %sub3A_351 = arith.subf %get3A_350, %get3A_284 : vector<16xf32>
        %mul3A_352 = arith.mulf %sub3A_351, %sub3A_351 : vector<16xf32>
        %add3A_353 = arith.addf %add3A_347, %mul3A_352 : vector<16xf32>
        %get3A_354 = arith.index_cast %add3A_310 : i32 to index
        %get3A_355 = arith.constant 112 : index
        %get3A_356 = tpu.vector_load %arg10[%get3A_354, %get3A_355] {strides = array<i32>} : memref<128x128xf32, #tpu.memory_space<vmem>>, vector<16xf32>,
        %sub3A_357 = arith.subf %get3A_356, %get3A_287 : vector<16xf32>
        %mul3A_358 = arith.mulf %sub3A_357, %sub3A_357 : vector<16xf32>
        %add3A_359 = arith.addf %add3A_353, %mul3A_358 : vector<16xf32>
        %reduce_sum3A = arith.constant true
        %reduce_sum3A_360 = vector.broadcast %reduce_sum3A : i1 to vector<16xi1>
        %reduce_sum3A_361 = tpu.scan <sum>, %add3A_359 masked %reduce_sum3A_360 : vector<16xf32>, vector<16xi1> -> vector<16xf32>
        %reduce_sum3A_362 = vector.extract %reduce_sum3A_361[15] : f32 from vector<16xf32>
        %eq3A = vector.broadcast %scan3A_306 : i32 to vector<16xi32>
        %eq3A_363 = arith.cmpi eq, %iota3A, %eq3A : vector<16xi32>
        %broadcast_in_dim3A_364 = vector.broadcast %reduce_sum3A_362 : f32 to vector<16xf32>
        %select_n3A = arith.select %eq3A_363, %broadcast_in_dim3A_364, %scan3A_307 : vector<16xi1>, vector<16xf32>
        scf.yield %select_n3A : vector<16xf32>
      }
      %scan3A_294 = arith.constant 16 : i32
      %mul3A_295 = arith.constant 16 : i32
      %mul3A_296 = arith.muli %add3A_264, %mul3A_295 : i32
      %swap3A = arith.index_cast %mul3A_296 : i32 to index
      %swap3A_297 = tpu.vector_load %arg12[%swap3A] {strides = array<i32>} : memref<2048xf32, #tpu.memory_space<vmem>>, vector<16xf32>,
      tpu.vector_store %arg12[%swap3A], %scan3A_293 {strides = array<i32>} : memref<2048xf32, #tpu.memory_space<vmem>>, vector<16xf32>,
      %mul3A_298 = arith.constant 16 : i32
      %mul3A_299 = arith.muli %add3A_264, %mul3A_298 : i32
      %get3A_300 = arith.index_cast %mul3A_299 : i32 to index
      %get3A_301 = tpu.vector_load %arg8[%get3A_300] {strides = array<i32>} : memref<2048xi32, #tpu.memory_space<vmem>>, vector<16xi32>,
      %gather3A = tpu.vector_load_idx %arg7[%get3A_301] : memref<4096xf32, #tpu.memory_space<vmem>>[vector<16xi32>], vector<16xf32>,
      %mul3A_302 = arith.constant 16 : i32
      %mul3A_303 = arith.muli %add3A_264, %mul3A_302 : i32
      %swap3A_304 = arith.index_cast %mul3A_303 : i32 to index
      %swap3A_305 = tpu.vector_load %arg13[%swap3A_304] {strides = array<i32>} : memref<2048xf32, #tpu.memory_space<vmem>>, vector<16xf32>,
      tpu.vector_store %arg13[%swap3A_304], %gather3A {strides = array<i32>} : memref<2048xf32, #tpu.memory_space<vmem>>, vector<16xf32>,
    }
    %scan3A_54 = arith.constant 8 : i32
    %dma_start3A_55 = arith.constant 512 : i32
    %dma_start3A_56 = tpu.memref_slice %arg8[%dma_start3A_55] : memref<2048xi32, #tpu.memory_space<vmem>> -> memref<128xi32, #tpu.memory_space<vmem>>
    %dma_start3A_57 = arith.constant 0 : i32
    %dma_start3A_58 = arith.constant 0 : i32
    %dma_start3A_59 = tpu.memref_slice %arg2[%dma_start3A_57, %dma_start3A_58] : memref<4096x128xf32, #tpu.memory_space<hbm>> -> memref<4096x128xf32, #tpu.memory_space<hbm>>
    tpu.enqueue_indirect_dma source(%dma_start3A_59 : memref<4096x128xf32, #tpu.memory_space<hbm>>) target(%arg10 : memref<128x128xf32, #tpu.memory_space<vmem>>) offsets(%dma_start3A_56 : memref<128xi32, #tpu.memory_space<vmem>>) semaphore(%arg14 : memref<!tpu.dma_semaphore, #tpu.memory_space<semaphore_mem>>)
    %dma_wait3A_60 = arith.constant 384 : i32
    %dma_wait3A_61 = tpu.memref_slice %arg8[%dma_wait3A_60] : memref<2048xi32, #tpu.memory_space<vmem>> -> memref<128xi32, #tpu.memory_space<vmem>>
    %dma_wait3A_62 = arith.constant 0 : i32
    %dma_wait3A_63 = arith.constant 0 : i32
    %dma_wait3A_64 = tpu.memref_slice %arg2[%dma_wait3A_62, %dma_wait3A_63] : memref<4096x128xf32, #tpu.memory_space<hbm>> -> memref<4096x128xf32, #tpu.memory_space<hbm>>
    tpu.wait_indirect_dma semaphore(%arg15 : memref<!tpu.dma_semaphore, #tpu.memory_space<semaphore_mem>>) src(%dma_wait3A_64 : memref<4096x128xf32, #tpu.memory_space<hbm>>) dst(%arg11 : memref<128x128xf32, #tpu.memory_space<vmem>>)
    %scan3A_65 = arith.constant 0 : i32
    %scan3A_66 = arith.constant 0 : i32
    %scan3A_67 = arith.constant 8 : i32
    %scan3A_68 = arith.addi %scan3A_66, %scan3A_67 : i32
    %scan3A_69 = arith.constant 1 : i32
    scf.for %scan3A_262 = %scan3A_66 to %scan3A_68 step %scan3A_69  : i32 {
      %add3A_263 = arith.constant 24 : i32
      %add3A_264 = arith.addi %add3A_263, %scan3A_262 : i32
      %get3A = arith.index_cast %add3A_264 : i32 to index
      %get3A_265 = arith.constant 0 : index
      %get3A_266 = tpu.vector_load %arg9[%get3A, %get3A_265] {strides = array<i32>} : memref<128x128xf32, #tpu.memory_space<vmem>>, vector<16xf32>,
      %get3A_267 = arith.index_cast %add3A_264 : i32 to index
      %get3A_268 = arith.constant 16 : index
      %get3A_269 = tpu.vector_load %arg9[%get3A_267, %get3A_268] {strides = array<i32>} : memref<128x128xf32, #tpu.memory_space<vmem>>, vector<16xf32>,
      %get3A_270 = arith.index_cast %add3A_264 : i32 to index
      %get3A_271 = arith.constant 32 : index
      %get3A_272 = tpu.vector_load %arg9[%get3A_270, %get3A_271] {strides = array<i32>} : memref<128x128xf32, #tpu.memory_space<vmem>>, vector<16xf32>,
      %get3A_273 = arith.index_cast %add3A_264 : i32 to index
      %get3A_274 = arith.constant 48 : index
      %get3A_275 = tpu.vector_load %arg9[%get3A_273, %get3A_274] {strides = array<i32>} : memref<128x128xf32, #tpu.memory_space<vmem>>, vector<16xf32>,
      %get3A_276 = arith.index_cast %add3A_264 : i32 to index
      %get3A_277 = arith.constant 64 : index
      %get3A_278 = tpu.vector_load %arg9[%get3A_276, %get3A_277] {strides = array<i32>} : memref<128x128xf32, #tpu.memory_space<vmem>>, vector<16xf32>,
      %get3A_279 = arith.index_cast %add3A_264 : i32 to index
      %get3A_280 = arith.constant 80 : index
      %get3A_281 = tpu.vector_load %arg9[%get3A_279, %get3A_280] {strides = array<i32>} : memref<128x128xf32, #tpu.memory_space<vmem>>, vector<16xf32>,
      %get3A_282 = arith.index_cast %add3A_264 : i32 to index
      %get3A_283 = arith.constant 96 : index
      %get3A_284 = tpu.vector_load %arg9[%get3A_282, %get3A_283] {strides = array<i32>} : memref<128x128xf32, #tpu.memory_space<vmem>>, vector<16xf32>,
      %get3A_285 = arith.index_cast %add3A_264 : i32 to index
      %get3A_286 = arith.constant 112 : index
      %get3A_287 = tpu.vector_load %arg9[%get3A_285, %get3A_286] {strides = array<i32>} : memref<128x128xf32, #tpu.memory_space<vmem>>, vector<16xf32>,
      %broadcast_in_dim3A = arith.constant 0.000000e+00 : f32
      %broadcast_in_dim3A_288 = vector.broadcast %broadcast_in_dim3A : f32 to vector<16xf32>
      %scan3A_289 = arith.constant 0 : i32
      %scan3A_290 = arith.constant 16 : i32
      %scan3A_291 = arith.addi %scan3A_289, %scan3A_290 : i32
      %scan3A_292 = arith.constant 1 : i32
      %scan3A_293 = scf.for %scan3A_306 = %scan3A_289 to %scan3A_291 step %scan3A_292 iter_args(%scan3A_307 = %broadcast_in_dim3A_288) -> (vector<16xf32>)  : i32 {
        %mul3A_308 = arith.constant 16 : i32
        %mul3A_309 = arith.muli %scan3A_262, %mul3A_308 : i32
        %add3A_310 = arith.addi %mul3A_309, %scan3A_306 : i32
        %broadcast_in_dim3A_311 = arith.constant 0.000000e+00 : f32
        %broadcast_in_dim3A_312 = vector.broadcast %broadcast_in_dim3A_311 : f32 to vector<16xf32>
        %get3A_313 = arith.index_cast %add3A_310 : i32 to index
        %get3A_314 = arith.constant 0 : index
        %get3A_315 = tpu.vector_load %arg11[%get3A_313, %get3A_314] {strides = array<i32>} : memref<128x128xf32, #tpu.memory_space<vmem>>, vector<16xf32>,
        %sub3A = arith.subf %get3A_315, %get3A_266 : vector<16xf32>
        %mul3A_316 = arith.mulf %sub3A, %sub3A : vector<16xf32>
        %add3A_317 = arith.addf %broadcast_in_dim3A_312, %mul3A_316 : vector<16xf32>
        %get3A_318 = arith.index_cast %add3A_310 : i32 to index
        %get3A_319 = arith.constant 16 : index
        %get3A_320 = tpu.vector_load %arg11[%get3A_318, %get3A_319] {strides = array<i32>} : memref<128x128xf32, #tpu.memory_space<vmem>>, vector<16xf32>,
        %sub3A_321 = arith.subf %get3A_320, %get3A_269 : vector<16xf32>
        %mul3A_322 = arith.mulf %sub3A_321, %sub3A_321 : vector<16xf32>
        %add3A_323 = arith.addf %add3A_317, %mul3A_322 : vector<16xf32>
        %get3A_324 = arith.index_cast %add3A_310 : i32 to index
        %get3A_325 = arith.constant 32 : index
        %get3A_326 = tpu.vector_load %arg11[%get3A_324, %get3A_325] {strides = array<i32>} : memref<128x128xf32, #tpu.memory_space<vmem>>, vector<16xf32>,
        %sub3A_327 = arith.subf %get3A_326, %get3A_272 : vector<16xf32>
        %mul3A_328 = arith.mulf %sub3A_327, %sub3A_327 : vector<16xf32>
        %add3A_329 = arith.addf %add3A_323, %mul3A_328 : vector<16xf32>
        %get3A_330 = arith.index_cast %add3A_310 : i32 to index
        %get3A_331 = arith.constant 48 : index
        %get3A_332 = tpu.vector_load %arg11[%get3A_330, %get3A_331] {strides = array<i32>} : memref<128x128xf32, #tpu.memory_space<vmem>>, vector<16xf32>,
        %sub3A_333 = arith.subf %get3A_332, %get3A_275 : vector<16xf32>
        %mul3A_334 = arith.mulf %sub3A_333, %sub3A_333 : vector<16xf32>
        %add3A_335 = arith.addf %add3A_329, %mul3A_334 : vector<16xf32>
        %get3A_336 = arith.index_cast %add3A_310 : i32 to index
        %get3A_337 = arith.constant 64 : index
        %get3A_338 = tpu.vector_load %arg11[%get3A_336, %get3A_337] {strides = array<i32>} : memref<128x128xf32, #tpu.memory_space<vmem>>, vector<16xf32>,
        %sub3A_339 = arith.subf %get3A_338, %get3A_278 : vector<16xf32>
        %mul3A_340 = arith.mulf %sub3A_339, %sub3A_339 : vector<16xf32>
        %add3A_341 = arith.addf %add3A_335, %mul3A_340 : vector<16xf32>
        %get3A_342 = arith.index_cast %add3A_310 : i32 to index
        %get3A_343 = arith.constant 80 : index
        %get3A_344 = tpu.vector_load %arg11[%get3A_342, %get3A_343] {strides = array<i32>} : memref<128x128xf32, #tpu.memory_space<vmem>>, vector<16xf32>,
        %sub3A_345 = arith.subf %get3A_344, %get3A_281 : vector<16xf32>
        %mul3A_346 = arith.mulf %sub3A_345, %sub3A_345 : vector<16xf32>
        %add3A_347 = arith.addf %add3A_341, %mul3A_346 : vector<16xf32>
        %get3A_348 = arith.index_cast %add3A_310 : i32 to index
        %get3A_349 = arith.constant 96 : index
        %get3A_350 = tpu.vector_load %arg11[%get3A_348, %get3A_349] {strides = array<i32>} : memref<128x128xf32, #tpu.memory_space<vmem>>, vector<16xf32>,
        %sub3A_351 = arith.subf %get3A_350, %get3A_284 : vector<16xf32>
        %mul3A_352 = arith.mulf %sub3A_351, %sub3A_351 : vector<16xf32>
        %add3A_353 = arith.addf %add3A_347, %mul3A_352 : vector<16xf32>
        %get3A_354 = arith.index_cast %add3A_310 : i32 to index
        %get3A_355 = arith.constant 112 : index
        %get3A_356 = tpu.vector_load %arg11[%get3A_354, %get3A_355] {strides = array<i32>} : memref<128x128xf32, #tpu.memory_space<vmem>>, vector<16xf32>,
        %sub3A_357 = arith.subf %get3A_356, %get3A_287 : vector<16xf32>
        %mul3A_358 = arith.mulf %sub3A_357, %sub3A_357 : vector<16xf32>
        %add3A_359 = arith.addf %add3A_353, %mul3A_358 : vector<16xf32>
        %reduce_sum3A = arith.constant true
        %reduce_sum3A_360 = vector.broadcast %reduce_sum3A : i1 to vector<16xi1>
        %reduce_sum3A_361 = tpu.scan <sum>, %add3A_359 masked %reduce_sum3A_360 : vector<16xf32>, vector<16xi1> -> vector<16xf32>
        %reduce_sum3A_362 = vector.extract %reduce_sum3A_361[15] : f32 from vector<16xf32>
        %eq3A = vector.broadcast %scan3A_306 : i32 to vector<16xi32>
        %eq3A_363 = arith.cmpi eq, %iota3A, %eq3A : vector<16xi32>
        %broadcast_in_dim3A_364 = vector.broadcast %reduce_sum3A_362 : f32 to vector<16xf32>
        %select_n3A = arith.select %eq3A_363, %broadcast_in_dim3A_364, %scan3A_307 : vector<16xi1>, vector<16xf32>
        scf.yield %select_n3A : vector<16xf32>
      }
      %scan3A_294 = arith.constant 16 : i32
      %mul3A_295 = arith.constant 16 : i32
      %mul3A_296 = arith.muli %add3A_264, %mul3A_295 : i32
      %swap3A = arith.index_cast %mul3A_296 : i32 to index
      %swap3A_297 = tpu.vector_load %arg12[%swap3A] {strides = array<i32>} : memref<2048xf32, #tpu.memory_space<vmem>>, vector<16xf32>,
      tpu.vector_store %arg12[%swap3A], %scan3A_293 {strides = array<i32>} : memref<2048xf32, #tpu.memory_space<vmem>>, vector<16xf32>,
      %mul3A_298 = arith.constant 16 : i32
      %mul3A_299 = arith.muli %add3A_264, %mul3A_298 : i32
      %get3A_300 = arith.index_cast %mul3A_299 : i32 to index
      %get3A_301 = tpu.vector_load %arg8[%get3A_300] {strides = array<i32>} : memref<2048xi32, #tpu.memory_space<vmem>>, vector<16xi32>,
      %gather3A = tpu.vector_load_idx %arg7[%get3A_301] : memref<4096xf32, #tpu.memory_space<vmem>>[vector<16xi32>], vector<16xf32>,
      %mul3A_302 = arith.constant 16 : i32
      %mul3A_303 = arith.muli %add3A_264, %mul3A_302 : i32
      %swap3A_304 = arith.index_cast %mul3A_303 : i32 to index
      %swap3A_305 = tpu.vector_load %arg13[%swap3A_304] {strides = array<i32>} : memref<2048xf32, #tpu.memory_space<vmem>>, vector<16xf32>,
      tpu.vector_store %arg13[%swap3A_304], %gather3A {strides = array<i32>} : memref<2048xf32, #tpu.memory_space<vmem>>, vector<16xf32>,
    }
    %scan3A_70 = arith.constant 8 : i32
    %dma_start3A_71 = arith.constant 640 : i32
    %dma_start3A_72 = tpu.memref_slice %arg8[%dma_start3A_71] : memref<2048xi32, #tpu.memory_space<vmem>> -> memref<128xi32, #tpu.memory_space<vmem>>
    %dma_start3A_73 = arith.constant 0 : i32
    %dma_start3A_74 = arith.constant 0 : i32
    %dma_start3A_75 = tpu.memref_slice %arg2[%dma_start3A_73, %dma_start3A_74] : memref<4096x128xf32, #tpu.memory_space<hbm>> -> memref<4096x128xf32, #tpu.memory_space<hbm>>
    tpu.enqueue_indirect_dma source(%dma_start3A_75 : memref<4096x128xf32, #tpu.memory_space<hbm>>) target(%arg11 : memref<128x128xf32, #tpu.memory_space<vmem>>) offsets(%dma_start3A_72 : memref<128xi32, #tpu.memory_space<vmem>>) semaphore(%arg15 : memref<!tpu.dma_semaphore, #tpu.memory_space<semaphore_mem>>)
    %dma_wait3A_76 = arith.constant 512 : i32
    %dma_wait3A_77 = tpu.memref_slice %arg8[%dma_wait3A_76] : memref<2048xi32, #tpu.memory_space<vmem>> -> memref<128xi32, #tpu.memory_space<vmem>>
    %dma_wait3A_78 = arith.constant 0 : i32
    %dma_wait3A_79 = arith.constant 0 : i32
    %dma_wait3A_80 = tpu.memref_slice %arg2[%dma_wait3A_78, %dma_wait3A_79] : memref<4096x128xf32, #tpu.memory_space<hbm>> -> memref<4096x128xf32, #tpu.memory_space<hbm>>
    tpu.wait_indirect_dma semaphore(%arg14 : memref<!tpu.dma_semaphore, #tpu.memory_space<semaphore_mem>>) src(%dma_wait3A_80 : memref<4096x128xf32, #tpu.memory_space<hbm>>) dst(%arg10 : memref<128x128xf32, #tpu.memory_space<vmem>>)
    %scan3A_81 = arith.constant 0 : i32
    %scan3A_82 = arith.constant 0 : i32
    %scan3A_83 = arith.constant 8 : i32
    %scan3A_84 = arith.addi %scan3A_82, %scan3A_83 : i32
    %scan3A_85 = arith.constant 1 : i32
    scf.for %scan3A_262 = %scan3A_82 to %scan3A_84 step %scan3A_85  : i32 {
      %add3A_263 = arith.constant 32 : i32
      %add3A_264 = arith.addi %add3A_263, %scan3A_262 : i32
      %get3A = arith.index_cast %add3A_264 : i32 to index
      %get3A_265 = arith.constant 0 : index
      %get3A_266 = tpu.vector_load %arg9[%get3A, %get3A_265] {strides = array<i32>} : memref<128x128xf32, #tpu.memory_space<vmem>>, vector<16xf32>,
      %get3A_267 = arith.index_cast %add3A_264 : i32 to index
      %get3A_268 = arith.constant 16 : index
      %get3A_269 = tpu.vector_load %arg9[%get3A_267, %get3A_268] {strides = array<i32>} : memref<128x128xf32, #tpu.memory_space<vmem>>, vector<16xf32>,
      %get3A_270 = arith.index_cast %add3A_264 : i32 to index
      %get3A_271 = arith.constant 32 : index
      %get3A_272 = tpu.vector_load %arg9[%get3A_270, %get3A_271] {strides = array<i32>} : memref<128x128xf32, #tpu.memory_space<vmem>>, vector<16xf32>,
      %get3A_273 = arith.index_cast %add3A_264 : i32 to index
      %get3A_274 = arith.constant 48 : index
      %get3A_275 = tpu.vector_load %arg9[%get3A_273, %get3A_274] {strides = array<i32>} : memref<128x128xf32, #tpu.memory_space<vmem>>, vector<16xf32>,
      %get3A_276 = arith.index_cast %add3A_264 : i32 to index
      %get3A_277 = arith.constant 64 : index
      %get3A_278 = tpu.vector_load %arg9[%get3A_276, %get3A_277] {strides = array<i32>} : memref<128x128xf32, #tpu.memory_space<vmem>>, vector<16xf32>,
      %get3A_279 = arith.index_cast %add3A_264 : i32 to index
      %get3A_280 = arith.constant 80 : index
      %get3A_281 = tpu.vector_load %arg9[%get3A_279, %get3A_280] {strides = array<i32>} : memref<128x128xf32, #tpu.memory_space<vmem>>, vector<16xf32>,
      %get3A_282 = arith.index_cast %add3A_264 : i32 to index
      %get3A_283 = arith.constant 96 : index
      %get3A_284 = tpu.vector_load %arg9[%get3A_282, %get3A_283] {strides = array<i32>} : memref<128x128xf32, #tpu.memory_space<vmem>>, vector<16xf32>,
      %get3A_285 = arith.index_cast %add3A_264 : i32 to index
      %get3A_286 = arith.constant 112 : index
      %get3A_287 = tpu.vector_load %arg9[%get3A_285, %get3A_286] {strides = array<i32>} : memref<128x128xf32, #tpu.memory_space<vmem>>, vector<16xf32>,
      %broadcast_in_dim3A = arith.constant 0.000000e+00 : f32
      %broadcast_in_dim3A_288 = vector.broadcast %broadcast_in_dim3A : f32 to vector<16xf32>
      %scan3A_289 = arith.constant 0 : i32
      %scan3A_290 = arith.constant 16 : i32
      %scan3A_291 = arith.addi %scan3A_289, %scan3A_290 : i32
      %scan3A_292 = arith.constant 1 : i32
      %scan3A_293 = scf.for %scan3A_306 = %scan3A_289 to %scan3A_291 step %scan3A_292 iter_args(%scan3A_307 = %broadcast_in_dim3A_288) -> (vector<16xf32>)  : i32 {
        %mul3A_308 = arith.constant 16 : i32
        %mul3A_309 = arith.muli %scan3A_262, %mul3A_308 : i32
        %add3A_310 = arith.addi %mul3A_309, %scan3A_306 : i32
        %broadcast_in_dim3A_311 = arith.constant 0.000000e+00 : f32
        %broadcast_in_dim3A_312 = vector.broadcast %broadcast_in_dim3A_311 : f32 to vector<16xf32>
        %get3A_313 = arith.index_cast %add3A_310 : i32 to index
        %get3A_314 = arith.constant 0 : index
        %get3A_315 = tpu.vector_load %arg10[%get3A_313, %get3A_314] {strides = array<i32>} : memref<128x128xf32, #tpu.memory_space<vmem>>, vector<16xf32>,
        %sub3A = arith.subf %get3A_315, %get3A_266 : vector<16xf32>
        %mul3A_316 = arith.mulf %sub3A, %sub3A : vector<16xf32>
        %add3A_317 = arith.addf %broadcast_in_dim3A_312, %mul3A_316 : vector<16xf32>
        %get3A_318 = arith.index_cast %add3A_310 : i32 to index
        %get3A_319 = arith.constant 16 : index
        %get3A_320 = tpu.vector_load %arg10[%get3A_318, %get3A_319] {strides = array<i32>} : memref<128x128xf32, #tpu.memory_space<vmem>>, vector<16xf32>,
        %sub3A_321 = arith.subf %get3A_320, %get3A_269 : vector<16xf32>
        %mul3A_322 = arith.mulf %sub3A_321, %sub3A_321 : vector<16xf32>
        %add3A_323 = arith.addf %add3A_317, %mul3A_322 : vector<16xf32>
        %get3A_324 = arith.index_cast %add3A_310 : i32 to index
        %get3A_325 = arith.constant 32 : index
        %get3A_326 = tpu.vector_load %arg10[%get3A_324, %get3A_325] {strides = array<i32>} : memref<128x128xf32, #tpu.memory_space<vmem>>, vector<16xf32>,
        %sub3A_327 = arith.subf %get3A_326, %get3A_272 : vector<16xf32>
        %mul3A_328 = arith.mulf %sub3A_327, %sub3A_327 : vector<16xf32>
        %add3A_329 = arith.addf %add3A_323, %mul3A_328 : vector<16xf32>
        %get3A_330 = arith.index_cast %add3A_310 : i32 to index
        %get3A_331 = arith.constant 48 : index
        %get3A_332 = tpu.vector_load %arg10[%get3A_330, %get3A_331] {strides = array<i32>} : memref<128x128xf32, #tpu.memory_space<vmem>>, vector<16xf32>,
        %sub3A_333 = arith.subf %get3A_332, %get3A_275 : vector<16xf32>
        %mul3A_334 = arith.mulf %sub3A_333, %sub3A_333 : vector<16xf32>
        %add3A_335 = arith.addf %add3A_329, %mul3A_334 : vector<16xf32>
        %get3A_336 = arith.index_cast %add3A_310 : i32 to index
        %get3A_337 = arith.constant 64 : index
        %get3A_338 = tpu.vector_load %arg10[%get3A_336, %get3A_337] {strides = array<i32>} : memref<128x128xf32, #tpu.memory_space<vmem>>, vector<16xf32>,
        %sub3A_339 = arith.subf %get3A_338, %get3A_278 : vector<16xf32>
        %mul3A_340 = arith.mulf %sub3A_339, %sub3A_339 : vector<16xf32>
        %add3A_341 = arith.addf %add3A_335, %mul3A_340 : vector<16xf32>
        %get3A_342 = arith.index_cast %add3A_310 : i32 to index
        %get3A_343 = arith.constant 80 : index
        %get3A_344 = tpu.vector_load %arg10[%get3A_342, %get3A_343] {strides = array<i32>} : memref<128x128xf32, #tpu.memory_space<vmem>>, vector<16xf32>,
        %sub3A_345 = arith.subf %get3A_344, %get3A_281 : vector<16xf32>
        %mul3A_346 = arith.mulf %sub3A_345, %sub3A_345 : vector<16xf32>
        %add3A_347 = arith.addf %add3A_341, %mul3A_346 : vector<16xf32>
        %get3A_348 = arith.index_cast %add3A_310 : i32 to index
        %get3A_349 = arith.constant 96 : index
        %get3A_350 = tpu.vector_load %arg10[%get3A_348, %get3A_349] {strides = array<i32>} : memref<128x128xf32, #tpu.memory_space<vmem>>, vector<16xf32>,
        %sub3A_351 = arith.subf %get3A_350, %get3A_284 : vector<16xf32>
        %mul3A_352 = arith.mulf %sub3A_351, %sub3A_351 : vector<16xf32>
        %add3A_353 = arith.addf %add3A_347, %mul3A_352 : vector<16xf32>
        %get3A_354 = arith.index_cast %add3A_310 : i32 to index
        %get3A_355 = arith.constant 112 : index
        %get3A_356 = tpu.vector_load %arg10[%get3A_354, %get3A_355] {strides = array<i32>} : memref<128x128xf32, #tpu.memory_space<vmem>>, vector<16xf32>,
        %sub3A_357 = arith.subf %get3A_356, %get3A_287 : vector<16xf32>
        %mul3A_358 = arith.mulf %sub3A_357, %sub3A_357 : vector<16xf32>
        %add3A_359 = arith.addf %add3A_353, %mul3A_358 : vector<16xf32>
        %reduce_sum3A = arith.constant true
        %reduce_sum3A_360 = vector.broadcast %reduce_sum3A : i1 to vector<16xi1>
        %reduce_sum3A_361 = tpu.scan <sum>, %add3A_359 masked %reduce_sum3A_360 : vector<16xf32>, vector<16xi1> -> vector<16xf32>
        %reduce_sum3A_362 = vector.extract %reduce_sum3A_361[15] : f32 from vector<16xf32>
        %eq3A = vector.broadcast %scan3A_306 : i32 to vector<16xi32>
        %eq3A_363 = arith.cmpi eq, %iota3A, %eq3A : vector<16xi32>
        %broadcast_in_dim3A_364 = vector.broadcast %reduce_sum3A_362 : f32 to vector<16xf32>
        %select_n3A = arith.select %eq3A_363, %broadcast_in_dim3A_364, %scan3A_307 : vector<16xi1>, vector<16xf32>
        scf.yield %select_n3A : vector<16xf32>
      }
      %scan3A_294 = arith.constant 16 : i32
      %mul3A_295 = arith.constant 16 : i32
      %mul3A_296 = arith.muli %add3A_264, %mul3A_295 : i32
      %swap3A = arith.index_cast %mul3A_296 : i32 to index
      %swap3A_297 = tpu.vector_load %arg12[%swap3A] {strides = array<i32>} : memref<2048xf32, #tpu.memory_space<vmem>>, vector<16xf32>,
      tpu.vector_store %arg12[%swap3A], %scan3A_293 {strides = array<i32>} : memref<2048xf32, #tpu.memory_space<vmem>>, vector<16xf32>,
      %mul3A_298 = arith.constant 16 : i32
      %mul3A_299 = arith.muli %add3A_264, %mul3A_298 : i32
      %get3A_300 = arith.index_cast %mul3A_299 : i32 to index
      %get3A_301 = tpu.vector_load %arg8[%get3A_300] {strides = array<i32>} : memref<2048xi32, #tpu.memory_space<vmem>>, vector<16xi32>,
      %gather3A = tpu.vector_load_idx %arg7[%get3A_301] : memref<4096xf32, #tpu.memory_space<vmem>>[vector<16xi32>], vector<16xf32>,
      %mul3A_302 = arith.constant 16 : i32
      %mul3A_303 = arith.muli %add3A_264, %mul3A_302 : i32
      %swap3A_304 = arith.index_cast %mul3A_303 : i32 to index
      %swap3A_305 = tpu.vector_load %arg13[%swap3A_304] {strides = array<i32>} : memref<2048xf32, #tpu.memory_space<vmem>>, vector<16xf32>,
      tpu.vector_store %arg13[%swap3A_304], %gather3A {strides = array<i32>} : memref<2048xf32, #tpu.memory_space<vmem>>, vector<16xf32>,
    }
    %scan3A_86 = arith.constant 8 : i32
    %dma_start3A_87 = arith.constant 768 : i32
    %dma_start3A_88 = tpu.memref_slice %arg8[%dma_start3A_87] : memref<2048xi32, #tpu.memory_space<vmem>> -> memref<128xi32, #tpu.memory_space<vmem>>
    %dma_start3A_89 = arith.constant 0 : i32
    %dma_start3A_90 = arith.constant 0 : i32
    %dma_start3A_91 = tpu.memref_slice %arg2[%dma_start3A_89, %dma_start3A_90] : memref<4096x128xf32, #tpu.memory_space<hbm>> -> memref<4096x128xf32, #tpu.memory_space<hbm>>
    tpu.enqueue_indirect_dma source(%dma_start3A_91 : memref<4096x128xf32, #tpu.memory_space<hbm>>) target(%arg10 : memref<128x128xf32, #tpu.memory_space<vmem>>) offsets(%dma_start3A_88 : memref<128xi32, #tpu.memory_space<vmem>>) semaphore(%arg14 : memref<!tpu.dma_semaphore, #tpu.memory_space<semaphore_mem>>)
    %dma_wait3A_92 = arith.constant 640 : i32
    %dma_wait3A_93 = tpu.memref_slice %arg8[%dma_wait3A_92] : memref<2048xi32, #tpu.memory_space<vmem>> -> memref<128xi32, #tpu.memory_space<vmem>>
    %dma_wait3A_94 = arith.constant 0 : i32
    %dma_wait3A_95 = arith.constant 0 : i32
    %dma_wait3A_96 = tpu.memref_slice %arg2[%dma_wait3A_94, %dma_wait3A_95] : memref<4096x128xf32, #tpu.memory_space<hbm>> -> memref<4096x128xf32, #tpu.memory_space<hbm>>
    tpu.wait_indirect_dma semaphore(%arg15 : memref<!tpu.dma_semaphore, #tpu.memory_space<semaphore_mem>>) src(%dma_wait3A_96 : memref<4096x128xf32, #tpu.memory_space<hbm>>) dst(%arg11 : memref<128x128xf32, #tpu.memory_space<vmem>>)
    %scan3A_97 = arith.constant 0 : i32
    %scan3A_98 = arith.constant 0 : i32
    %scan3A_99 = arith.constant 8 : i32
    %scan3A_100 = arith.addi %scan3A_98, %scan3A_99 : i32
    %scan3A_101 = arith.constant 1 : i32
    scf.for %scan3A_262 = %scan3A_98 to %scan3A_100 step %scan3A_101  : i32 {
      %add3A_263 = arith.constant 40 : i32
      %add3A_264 = arith.addi %add3A_263, %scan3A_262 : i32
      %get3A = arith.index_cast %add3A_264 : i32 to index
      %get3A_265 = arith.constant 0 : index
      %get3A_266 = tpu.vector_load %arg9[%get3A, %get3A_265] {strides = array<i32>} : memref<128x128xf32, #tpu.memory_space<vmem>>, vector<16xf32>,
      %get3A_267 = arith.index_cast %add3A_264 : i32 to index
      %get3A_268 = arith.constant 16 : index
      %get3A_269 = tpu.vector_load %arg9[%get3A_267, %get3A_268] {strides = array<i32>} : memref<128x128xf32, #tpu.memory_space<vmem>>, vector<16xf32>,
      %get3A_270 = arith.index_cast %add3A_264 : i32 to index
      %get3A_271 = arith.constant 32 : index
      %get3A_272 = tpu.vector_load %arg9[%get3A_270, %get3A_271] {strides = array<i32>} : memref<128x128xf32, #tpu.memory_space<vmem>>, vector<16xf32>,
      %get3A_273 = arith.index_cast %add3A_264 : i32 to index
      %get3A_274 = arith.constant 48 : index
      %get3A_275 = tpu.vector_load %arg9[%get3A_273, %get3A_274] {strides = array<i32>} : memref<128x128xf32, #tpu.memory_space<vmem>>, vector<16xf32>,
      %get3A_276 = arith.index_cast %add3A_264 : i32 to index
      %get3A_277 = arith.constant 64 : index
      %get3A_278 = tpu.vector_load %arg9[%get3A_276, %get3A_277] {strides = array<i32>} : memref<128x128xf32, #tpu.memory_space<vmem>>, vector<16xf32>,
      %get3A_279 = arith.index_cast %add3A_264 : i32 to index
      %get3A_280 = arith.constant 80 : index
      %get3A_281 = tpu.vector_load %arg9[%get3A_279, %get3A_280] {strides = array<i32>} : memref<128x128xf32, #tpu.memory_space<vmem>>, vector<16xf32>,
      %get3A_282 = arith.index_cast %add3A_264 : i32 to index
      %get3A_283 = arith.constant 96 : index
      %get3A_284 = tpu.vector_load %arg9[%get3A_282, %get3A_283] {strides = array<i32>} : memref<128x128xf32, #tpu.memory_space<vmem>>, vector<16xf32>,
      %get3A_285 = arith.index_cast %add3A_264 : i32 to index
      %get3A_286 = arith.constant 112 : index
      %get3A_287 = tpu.vector_load %arg9[%get3A_285, %get3A_286] {strides = array<i32>} : memref<128x128xf32, #tpu.memory_space<vmem>>, vector<16xf32>,
      %broadcast_in_dim3A = arith.constant 0.000000e+00 : f32
      %broadcast_in_dim3A_288 = vector.broadcast %broadcast_in_dim3A : f32 to vector<16xf32>
      %scan3A_289 = arith.constant 0 : i32
      %scan3A_290 = arith.constant 16 : i32
      %scan3A_291 = arith.addi %scan3A_289, %scan3A_290 : i32
      %scan3A_292 = arith.constant 1 : i32
      %scan3A_293 = scf.for %scan3A_306 = %scan3A_289 to %scan3A_291 step %scan3A_292 iter_args(%scan3A_307 = %broadcast_in_dim3A_288) -> (vector<16xf32>)  : i32 {
        %mul3A_308 = arith.constant 16 : i32
        %mul3A_309 = arith.muli %scan3A_262, %mul3A_308 : i32
        %add3A_310 = arith.addi %mul3A_309, %scan3A_306 : i32
        %broadcast_in_dim3A_311 = arith.constant 0.000000e+00 : f32
        %broadcast_in_dim3A_312 = vector.broadcast %broadcast_in_dim3A_311 : f32 to vector<16xf32>
        %get3A_313 = arith.index_cast %add3A_310 : i32 to index
        %get3A_314 = arith.constant 0 : index
        %get3A_315 = tpu.vector_load %arg11[%get3A_313, %get3A_314] {strides = array<i32>} : memref<128x128xf32, #tpu.memory_space<vmem>>, vector<16xf32>,
        %sub3A = arith.subf %get3A_315, %get3A_266 : vector<16xf32>
        %mul3A_316 = arith.mulf %sub3A, %sub3A : vector<16xf32>
        %add3A_317 = arith.addf %broadcast_in_dim3A_312, %mul3A_316 : vector<16xf32>
        %get3A_318 = arith.index_cast %add3A_310 : i32 to index
        %get3A_319 = arith.constant 16 : index
        %get3A_320 = tpu.vector_load %arg11[%get3A_318, %get3A_319] {strides = array<i32>} : memref<128x128xf32, #tpu.memory_space<vmem>>, vector<16xf32>,
        %sub3A_321 = arith.subf %get3A_320, %get3A_269 : vector<16xf32>
        %mul3A_322 = arith.mulf %sub3A_321, %sub3A_321 : vector<16xf32>
        %add3A_323 = arith.addf %add3A_317, %mul3A_322 : vector<16xf32>
        %get3A_324 = arith.index_cast %add3A_310 : i32 to index
        %get3A_325 = arith.constant 32 : index
        %get3A_326 = tpu.vector_load %arg11[%get3A_324, %get3A_325] {strides = array<i32>} : memref<128x128xf32, #tpu.memory_space<vmem>>, vector<16xf32>,
        %sub3A_327 = arith.subf %get3A_326, %get3A_272 : vector<16xf32>
        %mul3A_328 = arith.mulf %sub3A_327, %sub3A_327 : vector<16xf32>
        %add3A_329 = arith.addf %add3A_323, %mul3A_328 : vector<16xf32>
        %get3A_330 = arith.index_cast %add3A_310 : i32 to index
        %get3A_331 = arith.constant 48 : index
        %get3A_332 = tpu.vector_load %arg11[%get3A_330, %get3A_331] {strides = array<i32>} : memref<128x128xf32, #tpu.memory_space<vmem>>, vector<16xf32>,
        %sub3A_333 = arith.subf %get3A_332, %get3A_275 : vector<16xf32>
        %mul3A_334 = arith.mulf %sub3A_333, %sub3A_333 : vector<16xf32>
        %add3A_335 = arith.addf %add3A_329, %mul3A_334 : vector<16xf32>
        %get3A_336 = arith.index_cast %add3A_310 : i32 to index
        %get3A_337 = arith.constant 64 : index
        %get3A_338 = tpu.vector_load %arg11[%get3A_336, %get3A_337] {strides = array<i32>} : memref<128x128xf32, #tpu.memory_space<vmem>>, vector<16xf32>,
        %sub3A_339 = arith.subf %get3A_338, %get3A_278 : vector<16xf32>
        %mul3A_340 = arith.mulf %sub3A_339, %sub3A_339 : vector<16xf32>
        %add3A_341 = arith.addf %add3A_335, %mul3A_340 : vector<16xf32>
        %get3A_342 = arith.index_cast %add3A_310 : i32 to index
        %get3A_343 = arith.constant 80 : index
        %get3A_344 = tpu.vector_load %arg11[%get3A_342, %get3A_343] {strides = array<i32>} : memref<128x128xf32, #tpu.memory_space<vmem>>, vector<16xf32>,
        %sub3A_345 = arith.subf %get3A_344, %get3A_281 : vector<16xf32>
        %mul3A_346 = arith.mulf %sub3A_345, %sub3A_345 : vector<16xf32>
        %add3A_347 = arith.addf %add3A_341, %mul3A_346 : vector<16xf32>
        %get3A_348 = arith.index_cast %add3A_310 : i32 to index
        %get3A_349 = arith.constant 96 : index
        %get3A_350 = tpu.vector_load %arg11[%get3A_348, %get3A_349] {strides = array<i32>} : memref<128x128xf32, #tpu.memory_space<vmem>>, vector<16xf32>,
        %sub3A_351 = arith.subf %get3A_350, %get3A_284 : vector<16xf32>
        %mul3A_352 = arith.mulf %sub3A_351, %sub3A_351 : vector<16xf32>
        %add3A_353 = arith.addf %add3A_347, %mul3A_352 : vector<16xf32>
        %get3A_354 = arith.index_cast %add3A_310 : i32 to index
        %get3A_355 = arith.constant 112 : index
        %get3A_356 = tpu.vector_load %arg11[%get3A_354, %get3A_355] {strides = array<i32>} : memref<128x128xf32, #tpu.memory_space<vmem>>, vector<16xf32>,
        %sub3A_357 = arith.subf %get3A_356, %get3A_287 : vector<16xf32>
        %mul3A_358 = arith.mulf %sub3A_357, %sub3A_357 : vector<16xf32>
        %add3A_359 = arith.addf %add3A_353, %mul3A_358 : vector<16xf32>
        %reduce_sum3A = arith.constant true
        %reduce_sum3A_360 = vector.broadcast %reduce_sum3A : i1 to vector<16xi1>
        %reduce_sum3A_361 = tpu.scan <sum>, %add3A_359 masked %reduce_sum3A_360 : vector<16xf32>, vector<16xi1> -> vector<16xf32>
        %reduce_sum3A_362 = vector.extract %reduce_sum3A_361[15] : f32 from vector<16xf32>
        %eq3A = vector.broadcast %scan3A_306 : i32 to vector<16xi32>
        %eq3A_363 = arith.cmpi eq, %iota3A, %eq3A : vector<16xi32>
        %broadcast_in_dim3A_364 = vector.broadcast %reduce_sum3A_362 : f32 to vector<16xf32>
        %select_n3A = arith.select %eq3A_363, %broadcast_in_dim3A_364, %scan3A_307 : vector<16xi1>, vector<16xf32>
        scf.yield %select_n3A : vector<16xf32>
      }
      %scan3A_294 = arith.constant 16 : i32
      %mul3A_295 = arith.constant 16 : i32
      %mul3A_296 = arith.muli %add3A_264, %mul3A_295 : i32
      %swap3A = arith.index_cast %mul3A_296 : i32 to index
      %swap3A_297 = tpu.vector_load %arg12[%swap3A] {strides = array<i32>} : memref<2048xf32, #tpu.memory_space<vmem>>, vector<16xf32>,
      tpu.vector_store %arg12[%swap3A], %scan3A_293 {strides = array<i32>} : memref<2048xf32, #tpu.memory_space<vmem>>, vector<16xf32>,
      %mul3A_298 = arith.constant 16 : i32
      %mul3A_299 = arith.muli %add3A_264, %mul3A_298 : i32
      %get3A_300 = arith.index_cast %mul3A_299 : i32 to index
      %get3A_301 = tpu.vector_load %arg8[%get3A_300] {strides = array<i32>} : memref<2048xi32, #tpu.memory_space<vmem>>, vector<16xi32>,
      %gather3A = tpu.vector_load_idx %arg7[%get3A_301] : memref<4096xf32, #tpu.memory_space<vmem>>[vector<16xi32>], vector<16xf32>,
      %mul3A_302 = arith.constant 16 : i32
      %mul3A_303 = arith.muli %add3A_264, %mul3A_302 : i32
      %swap3A_304 = arith.index_cast %mul3A_303 : i32 to index
      %swap3A_305 = tpu.vector_load %arg13[%swap3A_304] {strides = array<i32>} : memref<2048xf32, #tpu.memory_space<vmem>>, vector<16xf32>,
      tpu.vector_store %arg13[%swap3A_304], %gather3A {strides = array<i32>} : memref<2048xf32, #tpu.memory_space<vmem>>, vector<16xf32>,
    }
    %scan3A_102 = arith.constant 8 : i32
    %dma_start3A_103 = arith.constant 896 : i32
    %dma_start3A_104 = tpu.memref_slice %arg8[%dma_start3A_103] : memref<2048xi32, #tpu.memory_space<vmem>> -> memref<128xi32, #tpu.memory_space<vmem>>
    %dma_start3A_105 = arith.constant 0 : i32
    %dma_start3A_106 = arith.constant 0 : i32
    %dma_start3A_107 = tpu.memref_slice %arg2[%dma_start3A_105, %dma_start3A_106] : memref<4096x128xf32, #tpu.memory_space<hbm>> -> memref<4096x128xf32, #tpu.memory_space<hbm>>
    tpu.enqueue_indirect_dma source(%dma_start3A_107 : memref<4096x128xf32, #tpu.memory_space<hbm>>) target(%arg11 : memref<128x128xf32, #tpu.memory_space<vmem>>) offsets(%dma_start3A_104 : memref<128xi32, #tpu.memory_space<vmem>>) semaphore(%arg15 : memref<!tpu.dma_semaphore, #tpu.memory_space<semaphore_mem>>)
    %dma_wait3A_108 = arith.constant 768 : i32
    %dma_wait3A_109 = tpu.memref_slice %arg8[%dma_wait3A_108] : memref<2048xi32, #tpu.memory_space<vmem>> -> memref<128xi32, #tpu.memory_space<vmem>>
    %dma_wait3A_110 = arith.constant 0 : i32
    %dma_wait3A_111 = arith.constant 0 : i32
    %dma_wait3A_112 = tpu.memref_slice %arg2[%dma_wait3A_110, %dma_wait3A_111] : memref<4096x128xf32, #tpu.memory_space<hbm>> -> memref<4096x128xf32, #tpu.memory_space<hbm>>
    tpu.wait_indirect_dma semaphore(%arg14 : memref<!tpu.dma_semaphore, #tpu.memory_space<semaphore_mem>>) src(%dma_wait3A_112 : memref<4096x128xf32, #tpu.memory_space<hbm>>) dst(%arg10 : memref<128x128xf32, #tpu.memory_space<vmem>>)
    %scan3A_113 = arith.constant 0 : i32
    %scan3A_114 = arith.constant 0 : i32
    %scan3A_115 = arith.constant 8 : i32
    %scan3A_116 = arith.addi %scan3A_114, %scan3A_115 : i32
    %scan3A_117 = arith.constant 1 : i32
    scf.for %scan3A_262 = %scan3A_114 to %scan3A_116 step %scan3A_117  : i32 {
      %add3A_263 = arith.constant 48 : i32
      %add3A_264 = arith.addi %add3A_263, %scan3A_262 : i32
      %get3A = arith.index_cast %add3A_264 : i32 to index
      %get3A_265 = arith.constant 0 : index
      %get3A_266 = tpu.vector_load %arg9[%get3A, %get3A_265] {strides = array<i32>} : memref<128x128xf32, #tpu.memory_space<vmem>>, vector<16xf32>,
      %get3A_267 = arith.index_cast %add3A_264 : i32 to index
      %get3A_268 = arith.constant 16 : index
      %get3A_269 = tpu.vector_load %arg9[%get3A_267, %get3A_268] {strides = array<i32>} : memref<128x128xf32, #tpu.memory_space<vmem>>, vector<16xf32>,
      %get3A_270 = arith.index_cast %add3A_264 : i32 to index
      %get3A_271 = arith.constant 32 : index
      %get3A_272 = tpu.vector_load %arg9[%get3A_270, %get3A_271] {strides = array<i32>} : memref<128x128xf32, #tpu.memory_space<vmem>>, vector<16xf32>,
      %get3A_273 = arith.index_cast %add3A_264 : i32 to index
      %get3A_274 = arith.constant 48 : index
      %get3A_275 = tpu.vector_load %arg9[%get3A_273, %get3A_274] {strides = array<i32>} : memref<128x128xf32, #tpu.memory_space<vmem>>, vector<16xf32>,
      %get3A_276 = arith.index_cast %add3A_264 : i32 to index
      %get3A_277 = arith.constant 64 : index
      %get3A_278 = tpu.vector_load %arg9[%get3A_276, %get3A_277] {strides = array<i32>} : memref<128x128xf32, #tpu.memory_space<vmem>>, vector<16xf32>,
      %get3A_279 = arith.index_cast %add3A_264 : i32 to index
      %get3A_280 = arith.constant 80 : index
      %get3A_281 = tpu.vector_load %arg9[%get3A_279, %get3A_280] {strides = array<i32>} : memref<128x128xf32, #tpu.memory_space<vmem>>, vector<16xf32>,
      %get3A_282 = arith.index_cast %add3A_264 : i32 to index
      %get3A_283 = arith.constant 96 : index
      %get3A_284 = tpu.vector_load %arg9[%get3A_282, %get3A_283] {strides = array<i32>} : memref<128x128xf32, #tpu.memory_space<vmem>>, vector<16xf32>,
      %get3A_285 = arith.index_cast %add3A_264 : i32 to index
      %get3A_286 = arith.constant 112 : index
      %get3A_287 = tpu.vector_load %arg9[%get3A_285, %get3A_286] {strides = array<i32>} : memref<128x128xf32, #tpu.memory_space<vmem>>, vector<16xf32>,
      %broadcast_in_dim3A = arith.constant 0.000000e+00 : f32
      %broadcast_in_dim3A_288 = vector.broadcast %broadcast_in_dim3A : f32 to vector<16xf32>
      %scan3A_289 = arith.constant 0 : i32
      %scan3A_290 = arith.constant 16 : i32
      %scan3A_291 = arith.addi %scan3A_289, %scan3A_290 : i32
      %scan3A_292 = arith.constant 1 : i32
      %scan3A_293 = scf.for %scan3A_306 = %scan3A_289 to %scan3A_291 step %scan3A_292 iter_args(%scan3A_307 = %broadcast_in_dim3A_288) -> (vector<16xf32>)  : i32 {
        %mul3A_308 = arith.constant 16 : i32
        %mul3A_309 = arith.muli %scan3A_262, %mul3A_308 : i32
        %add3A_310 = arith.addi %mul3A_309, %scan3A_306 : i32
        %broadcast_in_dim3A_311 = arith.constant 0.000000e+00 : f32
        %broadcast_in_dim3A_312 = vector.broadcast %broadcast_in_dim3A_311 : f32 to vector<16xf32>
        %get3A_313 = arith.index_cast %add3A_310 : i32 to index
        %get3A_314 = arith.constant 0 : index
        %get3A_315 = tpu.vector_load %arg10[%get3A_313, %get3A_314] {strides = array<i32>} : memref<128x128xf32, #tpu.memory_space<vmem>>, vector<16xf32>,
        %sub3A = arith.subf %get3A_315, %get3A_266 : vector<16xf32>
        %mul3A_316 = arith.mulf %sub3A, %sub3A : vector<16xf32>
        %add3A_317 = arith.addf %broadcast_in_dim3A_312, %mul3A_316 : vector<16xf32>
        %get3A_318 = arith.index_cast %add3A_310 : i32 to index
        %get3A_319 = arith.constant 16 : index
        %get3A_320 = tpu.vector_load %arg10[%get3A_318, %get3A_319] {strides = array<i32>} : memref<128x128xf32, #tpu.memory_space<vmem>>, vector<16xf32>,
        %sub3A_321 = arith.subf %get3A_320, %get3A_269 : vector<16xf32>
        %mul3A_322 = arith.mulf %sub3A_321, %sub3A_321 : vector<16xf32>
        %add3A_323 = arith.addf %add3A_317, %mul3A_322 : vector<16xf32>
        %get3A_324 = arith.index_cast %add3A_310 : i32 to index
        %get3A_325 = arith.constant 32 : index
        %get3A_326 = tpu.vector_load %arg10[%get3A_324, %get3A_325] {strides = array<i32>} : memref<128x128xf32, #tpu.memory_space<vmem>>, vector<16xf32>,
        %sub3A_327 = arith.subf %get3A_326, %get3A_272 : vector<16xf32>
        %mul3A_328 = arith.mulf %sub3A_327, %sub3A_327 : vector<16xf32>
        %add3A_329 = arith.addf %add3A_323, %mul3A_328 : vector<16xf32>
        %get3A_330 = arith.index_cast %add3A_310 : i32 to index
        %get3A_331 = arith.constant 48 : index
        %get3A_332 = tpu.vector_load %arg10[%get3A_330, %get3A_331] {strides = array<i32>} : memref<128x128xf32, #tpu.memory_space<vmem>>, vector<16xf32>,
        %sub3A_333 = arith.subf %get3A_332, %get3A_275 : vector<16xf32>
        %mul3A_334 = arith.mulf %sub3A_333, %sub3A_333 : vector<16xf32>
        %add3A_335 = arith.addf %add3A_329, %mul3A_334 : vector<16xf32>
        %get3A_336 = arith.index_cast %add3A_310 : i32 to index
        %get3A_337 = arith.constant 64 : index
        %get3A_338 = tpu.vector_load %arg10[%get3A_336, %get3A_337] {strides = array<i32>} : memref<128x128xf32, #tpu.memory_space<vmem>>, vector<16xf32>,
        %sub3A_339 = arith.subf %get3A_338, %get3A_278 : vector<16xf32>
        %mul3A_340 = arith.mulf %sub3A_339, %sub3A_339 : vector<16xf32>
        %add3A_341 = arith.addf %add3A_335, %mul3A_340 : vector<16xf32>
        %get3A_342 = arith.index_cast %add3A_310 : i32 to index
        %get3A_343 = arith.constant 80 : index
        %get3A_344 = tpu.vector_load %arg10[%get3A_342, %get3A_343] {strides = array<i32>} : memref<128x128xf32, #tpu.memory_space<vmem>>, vector<16xf32>,
        %sub3A_345 = arith.subf %get3A_344, %get3A_281 : vector<16xf32>
        %mul3A_346 = arith.mulf %sub3A_345, %sub3A_345 : vector<16xf32>
        %add3A_347 = arith.addf %add3A_341, %mul3A_346 : vector<16xf32>
        %get3A_348 = arith.index_cast %add3A_310 : i32 to index
        %get3A_349 = arith.constant 96 : index
        %get3A_350 = tpu.vector_load %arg10[%get3A_348, %get3A_349] {strides = array<i32>} : memref<128x128xf32, #tpu.memory_space<vmem>>, vector<16xf32>,
        %sub3A_351 = arith.subf %get3A_350, %get3A_284 : vector<16xf32>
        %mul3A_352 = arith.mulf %sub3A_351, %sub3A_351 : vector<16xf32>
        %add3A_353 = arith.addf %add3A_347, %mul3A_352 : vector<16xf32>
        %get3A_354 = arith.index_cast %add3A_310 : i32 to index
        %get3A_355 = arith.constant 112 : index
        %get3A_356 = tpu.vector_load %arg10[%get3A_354, %get3A_355] {strides = array<i32>} : memref<128x128xf32, #tpu.memory_space<vmem>>, vector<16xf32>,
        %sub3A_357 = arith.subf %get3A_356, %get3A_287 : vector<16xf32>
        %mul3A_358 = arith.mulf %sub3A_357, %sub3A_357 : vector<16xf32>
        %add3A_359 = arith.addf %add3A_353, %mul3A_358 : vector<16xf32>
        %reduce_sum3A = arith.constant true
        %reduce_sum3A_360 = vector.broadcast %reduce_sum3A : i1 to vector<16xi1>
        %reduce_sum3A_361 = tpu.scan <sum>, %add3A_359 masked %reduce_sum3A_360 : vector<16xf32>, vector<16xi1> -> vector<16xf32>
        %reduce_sum3A_362 = vector.extract %reduce_sum3A_361[15] : f32 from vector<16xf32>
        %eq3A = vector.broadcast %scan3A_306 : i32 to vector<16xi32>
        %eq3A_363 = arith.cmpi eq, %iota3A, %eq3A : vector<16xi32>
        %broadcast_in_dim3A_364 = vector.broadcast %reduce_sum3A_362 : f32 to vector<16xf32>
        %select_n3A = arith.select %eq3A_363, %broadcast_in_dim3A_364, %scan3A_307 : vector<16xi1>, vector<16xf32>
        scf.yield %select_n3A : vector<16xf32>
      }
      %scan3A_294 = arith.constant 16 : i32
      %mul3A_295 = arith.constant 16 : i32
      %mul3A_296 = arith.muli %add3A_264, %mul3A_295 : i32
      %swap3A = arith.index_cast %mul3A_296 : i32 to index
      %swap3A_297 = tpu.vector_load %arg12[%swap3A] {strides = array<i32>} : memref<2048xf32, #tpu.memory_space<vmem>>, vector<16xf32>,
      tpu.vector_store %arg12[%swap3A], %scan3A_293 {strides = array<i32>} : memref<2048xf32, #tpu.memory_space<vmem>>, vector<16xf32>,
      %mul3A_298 = arith.constant 16 : i32
      %mul3A_299 = arith.muli %add3A_264, %mul3A_298 : i32
      %get3A_300 = arith.index_cast %mul3A_299 : i32 to index
      %get3A_301 = tpu.vector_load %arg8[%get3A_300] {strides = array<i32>} : memref<2048xi32, #tpu.memory_space<vmem>>, vector<16xi32>,
      %gather3A = tpu.vector_load_idx %arg7[%get3A_301] : memref<4096xf32, #tpu.memory_space<vmem>>[vector<16xi32>], vector<16xf32>,
      %mul3A_302 = arith.constant 16 : i32
      %mul3A_303 = arith.muli %add3A_264, %mul3A_302 : i32
      %swap3A_304 = arith.index_cast %mul3A_303 : i32 to index
      %swap3A_305 = tpu.vector_load %arg13[%swap3A_304] {strides = array<i32>} : memref<2048xf32, #tpu.memory_space<vmem>>, vector<16xf32>,
      tpu.vector_store %arg13[%swap3A_304], %gather3A {strides = array<i32>} : memref<2048xf32, #tpu.memory_space<vmem>>, vector<16xf32>,
    }
    %scan3A_118 = arith.constant 8 : i32
    %dma_start3A_119 = arith.constant 1024 : i32
    %dma_start3A_120 = tpu.memref_slice %arg8[%dma_start3A_119] : memref<2048xi32, #tpu.memory_space<vmem>> -> memref<128xi32, #tpu.memory_space<vmem>>
    %dma_start3A_121 = arith.constant 0 : i32
    %dma_start3A_122 = arith.constant 0 : i32
    %dma_start3A_123 = tpu.memref_slice %arg2[%dma_start3A_121, %dma_start3A_122] : memref<4096x128xf32, #tpu.memory_space<hbm>> -> memref<4096x128xf32, #tpu.memory_space<hbm>>
    tpu.enqueue_indirect_dma source(%dma_start3A_123 : memref<4096x128xf32, #tpu.memory_space<hbm>>) target(%arg10 : memref<128x128xf32, #tpu.memory_space<vmem>>) offsets(%dma_start3A_120 : memref<128xi32, #tpu.memory_space<vmem>>) semaphore(%arg14 : memref<!tpu.dma_semaphore, #tpu.memory_space<semaphore_mem>>)
    %dma_wait3A_124 = arith.constant 896 : i32
    %dma_wait3A_125 = tpu.memref_slice %arg8[%dma_wait3A_124] : memref<2048xi32, #tpu.memory_space<vmem>> -> memref<128xi32, #tpu.memory_space<vmem>>
    %dma_wait3A_126 = arith.constant 0 : i32
    %dma_wait3A_127 = arith.constant 0 : i32
    %dma_wait3A_128 = tpu.memref_slice %arg2[%dma_wait3A_126, %dma_wait3A_127] : memref<4096x128xf32, #tpu.memory_space<hbm>> -> memref<4096x128xf32, #tpu.memory_space<hbm>>
    tpu.wait_indirect_dma semaphore(%arg15 : memref<!tpu.dma_semaphore, #tpu.memory_space<semaphore_mem>>) src(%dma_wait3A_128 : memref<4096x128xf32, #tpu.memory_space<hbm>>) dst(%arg11 : memref<128x128xf32, #tpu.memory_space<vmem>>)
    %scan3A_129 = arith.constant 0 : i32
    %scan3A_130 = arith.constant 0 : i32
    %scan3A_131 = arith.constant 8 : i32
    %scan3A_132 = arith.addi %scan3A_130, %scan3A_131 : i32
    %scan3A_133 = arith.constant 1 : i32
    scf.for %scan3A_262 = %scan3A_130 to %scan3A_132 step %scan3A_133  : i32 {
      %add3A_263 = arith.constant 56 : i32
      %add3A_264 = arith.addi %add3A_263, %scan3A_262 : i32
      %get3A = arith.index_cast %add3A_264 : i32 to index
      %get3A_265 = arith.constant 0 : index
      %get3A_266 = tpu.vector_load %arg9[%get3A, %get3A_265] {strides = array<i32>} : memref<128x128xf32, #tpu.memory_space<vmem>>, vector<16xf32>,
      %get3A_267 = arith.index_cast %add3A_264 : i32 to index
      %get3A_268 = arith.constant 16 : index
      %get3A_269 = tpu.vector_load %arg9[%get3A_267, %get3A_268] {strides = array<i32>} : memref<128x128xf32, #tpu.memory_space<vmem>>, vector<16xf32>,
      %get3A_270 = arith.index_cast %add3A_264 : i32 to index
      %get3A_271 = arith.constant 32 : index
      %get3A_272 = tpu.vector_load %arg9[%get3A_270, %get3A_271] {strides = array<i32>} : memref<128x128xf32, #tpu.memory_space<vmem>>, vector<16xf32>,
      %get3A_273 = arith.index_cast %add3A_264 : i32 to index
      %get3A_274 = arith.constant 48 : index
      %get3A_275 = tpu.vector_load %arg9[%get3A_273, %get3A_274] {strides = array<i32>} : memref<128x128xf32, #tpu.memory_space<vmem>>, vector<16xf32>,
      %get3A_276 = arith.index_cast %add3A_264 : i32 to index
      %get3A_277 = arith.constant 64 : index
      %get3A_278 = tpu.vector_load %arg9[%get3A_276, %get3A_277] {strides = array<i32>} : memref<128x128xf32, #tpu.memory_space<vmem>>, vector<16xf32>,
      %get3A_279 = arith.index_cast %add3A_264 : i32 to index
      %get3A_280 = arith.constant 80 : index
      %get3A_281 = tpu.vector_load %arg9[%get3A_279, %get3A_280] {strides = array<i32>} : memref<128x128xf32, #tpu.memory_space<vmem>>, vector<16xf32>,
      %get3A_282 = arith.index_cast %add3A_264 : i32 to index
      %get3A_283 = arith.constant 96 : index
      %get3A_284 = tpu.vector_load %arg9[%get3A_282, %get3A_283] {strides = array<i32>} : memref<128x128xf32, #tpu.memory_space<vmem>>, vector<16xf32>,
      %get3A_285 = arith.index_cast %add3A_264 : i32 to index
      %get3A_286 = arith.constant 112 : index
      %get3A_287 = tpu.vector_load %arg9[%get3A_285, %get3A_286] {strides = array<i32>} : memref<128x128xf32, #tpu.memory_space<vmem>>, vector<16xf32>,
      %broadcast_in_dim3A = arith.constant 0.000000e+00 : f32
      %broadcast_in_dim3A_288 = vector.broadcast %broadcast_in_dim3A : f32 to vector<16xf32>
      %scan3A_289 = arith.constant 0 : i32
      %scan3A_290 = arith.constant 16 : i32
      %scan3A_291 = arith.addi %scan3A_289, %scan3A_290 : i32
      %scan3A_292 = arith.constant 1 : i32
      %scan3A_293 = scf.for %scan3A_306 = %scan3A_289 to %scan3A_291 step %scan3A_292 iter_args(%scan3A_307 = %broadcast_in_dim3A_288) -> (vector<16xf32>)  : i32 {
        %mul3A_308 = arith.constant 16 : i32
        %mul3A_309 = arith.muli %scan3A_262, %mul3A_308 : i32
        %add3A_310 = arith.addi %mul3A_309, %scan3A_306 : i32
        %broadcast_in_dim3A_311 = arith.constant 0.000000e+00 : f32
        %broadcast_in_dim3A_312 = vector.broadcast %broadcast_in_dim3A_311 : f32 to vector<16xf32>
        %get3A_313 = arith.index_cast %add3A_310 : i32 to index
        %get3A_314 = arith.constant 0 : index
        %get3A_315 = tpu.vector_load %arg11[%get3A_313, %get3A_314] {strides = array<i32>} : memref<128x128xf32, #tpu.memory_space<vmem>>, vector<16xf32>,
        %sub3A = arith.subf %get3A_315, %get3A_266 : vector<16xf32>
        %mul3A_316 = arith.mulf %sub3A, %sub3A : vector<16xf32>
        %add3A_317 = arith.addf %broadcast_in_dim3A_312, %mul3A_316 : vector<16xf32>
        %get3A_318 = arith.index_cast %add3A_310 : i32 to index
        %get3A_319 = arith.constant 16 : index
        %get3A_320 = tpu.vector_load %arg11[%get3A_318, %get3A_319] {strides = array<i32>} : memref<128x128xf32, #tpu.memory_space<vmem>>, vector<16xf32>,
        %sub3A_321 = arith.subf %get3A_320, %get3A_269 : vector<16xf32>
        %mul3A_322 = arith.mulf %sub3A_321, %sub3A_321 : vector<16xf32>
        %add3A_323 = arith.addf %add3A_317, %mul3A_322 : vector<16xf32>
        %get3A_324 = arith.index_cast %add3A_310 : i32 to index
        %get3A_325 = arith.constant 32 : index
        %get3A_326 = tpu.vector_load %arg11[%get3A_324, %get3A_325] {strides = array<i32>} : memref<128x128xf32, #tpu.memory_space<vmem>>, vector<16xf32>,
        %sub3A_327 = arith.subf %get3A_326, %get3A_272 : vector<16xf32>
        %mul3A_328 = arith.mulf %sub3A_327, %sub3A_327 : vector<16xf32>
        %add3A_329 = arith.addf %add3A_323, %mul3A_328 : vector<16xf32>
        %get3A_330 = arith.index_cast %add3A_310 : i32 to index
        %get3A_331 = arith.constant 48 : index
        %get3A_332 = tpu.vector_load %arg11[%get3A_330, %get3A_331] {strides = array<i32>} : memref<128x128xf32, #tpu.memory_space<vmem>>, vector<16xf32>,
        %sub3A_333 = arith.subf %get3A_332, %get3A_275 : vector<16xf32>
        %mul3A_334 = arith.mulf %sub3A_333, %sub3A_333 : vector<16xf32>
        %add3A_335 = arith.addf %add3A_329, %mul3A_334 : vector<16xf32>
        %get3A_336 = arith.index_cast %add3A_310 : i32 to index
        %get3A_337 = arith.constant 64 : index
        %get3A_338 = tpu.vector_load %arg11[%get3A_336, %get3A_337] {strides = array<i32>} : memref<128x128xf32, #tpu.memory_space<vmem>>, vector<16xf32>,
        %sub3A_339 = arith.subf %get3A_338, %get3A_278 : vector<16xf32>
        %mul3A_340 = arith.mulf %sub3A_339, %sub3A_339 : vector<16xf32>
        %add3A_341 = arith.addf %add3A_335, %mul3A_340 : vector<16xf32>
        %get3A_342 = arith.index_cast %add3A_310 : i32 to index
        %get3A_343 = arith.constant 80 : index
        %get3A_344 = tpu.vector_load %arg11[%get3A_342, %get3A_343] {strides = array<i32>} : memref<128x128xf32, #tpu.memory_space<vmem>>, vector<16xf32>,
        %sub3A_345 = arith.subf %get3A_344, %get3A_281 : vector<16xf32>
        %mul3A_346 = arith.mulf %sub3A_345, %sub3A_345 : vector<16xf32>
        %add3A_347 = arith.addf %add3A_341, %mul3A_346 : vector<16xf32>
        %get3A_348 = arith.index_cast %add3A_310 : i32 to index
        %get3A_349 = arith.constant 96 : index
        %get3A_350 = tpu.vector_load %arg11[%get3A_348, %get3A_349] {strides = array<i32>} : memref<128x128xf32, #tpu.memory_space<vmem>>, vector<16xf32>,
        %sub3A_351 = arith.subf %get3A_350, %get3A_284 : vector<16xf32>
        %mul3A_352 = arith.mulf %sub3A_351, %sub3A_351 : vector<16xf32>
        %add3A_353 = arith.addf %add3A_347, %mul3A_352 : vector<16xf32>
        %get3A_354 = arith.index_cast %add3A_310 : i32 to index
        %get3A_355 = arith.constant 112 : index
        %get3A_356 = tpu.vector_load %arg11[%get3A_354, %get3A_355] {strides = array<i32>} : memref<128x128xf32, #tpu.memory_space<vmem>>, vector<16xf32>,
        %sub3A_357 = arith.subf %get3A_356, %get3A_287 : vector<16xf32>
        %mul3A_358 = arith.mulf %sub3A_357, %sub3A_357 : vector<16xf32>
        %add3A_359 = arith.addf %add3A_353, %mul3A_358 : vector<16xf32>
        %reduce_sum3A = arith.constant true
        %reduce_sum3A_360 = vector.broadcast %reduce_sum3A : i1 to vector<16xi1>
        %reduce_sum3A_361 = tpu.scan <sum>, %add3A_359 masked %reduce_sum3A_360 : vector<16xf32>, vector<16xi1> -> vector<16xf32>
        %reduce_sum3A_362 = vector.extract %reduce_sum3A_361[15] : f32 from vector<16xf32>
        %eq3A = vector.broadcast %scan3A_306 : i32 to vector<16xi32>
        %eq3A_363 = arith.cmpi eq, %iota3A, %eq3A : vector<16xi32>
        %broadcast_in_dim3A_364 = vector.broadcast %reduce_sum3A_362 : f32 to vector<16xf32>
        %select_n3A = arith.select %eq3A_363, %broadcast_in_dim3A_364, %scan3A_307 : vector<16xi1>, vector<16xf32>
        scf.yield %select_n3A : vector<16xf32>
      }
      %scan3A_294 = arith.constant 16 : i32
      %mul3A_295 = arith.constant 16 : i32
      %mul3A_296 = arith.muli %add3A_264, %mul3A_295 : i32
      %swap3A = arith.index_cast %mul3A_296 : i32 to index
      %swap3A_297 = tpu.vector_load %arg12[%swap3A] {strides = array<i32>} : memref<2048xf32, #tpu.memory_space<vmem>>, vector<16xf32>,
      tpu.vector_store %arg12[%swap3A], %scan3A_293 {strides = array<i32>} : memref<2048xf32, #tpu.memory_space<vmem>>, vector<16xf32>,
      %mul3A_298 = arith.constant 16 : i32
      %mul3A_299 = arith.muli %add3A_264, %mul3A_298 : i32
      %get3A_300 = arith.index_cast %mul3A_299 : i32 to index
      %get3A_301 = tpu.vector_load %arg8[%get3A_300] {strides = array<i32>} : memref<2048xi32, #tpu.memory_space<vmem>>, vector<16xi32>,
      %gather3A = tpu.vector_load_idx %arg7[%get3A_301] : memref<4096xf32, #tpu.memory_space<vmem>>[vector<16xi32>], vector<16xf32>,
      %mul3A_302 = arith.constant 16 : i32
      %mul3A_303 = arith.muli %add3A_264, %mul3A_302 : i32
      %swap3A_304 = arith.index_cast %mul3A_303 : i32 to index
      %swap3A_305 = tpu.vector_load %arg13[%swap3A_304] {strides = array<i32>} : memref<2048xf32, #tpu.memory_space<vmem>>, vector<16xf32>,
      tpu.vector_store %arg13[%swap3A_304], %gather3A {strides = array<i32>} : memref<2048xf32, #tpu.memory_space<vmem>>, vector<16xf32>,
    }
    %scan3A_134 = arith.constant 8 : i32
    %dma_start3A_135 = arith.constant 1152 : i32
    %dma_start3A_136 = tpu.memref_slice %arg8[%dma_start3A_135] : memref<2048xi32, #tpu.memory_space<vmem>> -> memref<128xi32, #tpu.memory_space<vmem>>
    %dma_start3A_137 = arith.constant 0 : i32
    %dma_start3A_138 = arith.constant 0 : i32
    %dma_start3A_139 = tpu.memref_slice %arg2[%dma_start3A_137, %dma_start3A_138] : memref<4096x128xf32, #tpu.memory_space<hbm>> -> memref<4096x128xf32, #tpu.memory_space<hbm>>
    tpu.enqueue_indirect_dma source(%dma_start3A_139 : memref<4096x128xf32, #tpu.memory_space<hbm>>) target(%arg11 : memref<128x128xf32, #tpu.memory_space<vmem>>) offsets(%dma_start3A_136 : memref<128xi32, #tpu.memory_space<vmem>>) semaphore(%arg15 : memref<!tpu.dma_semaphore, #tpu.memory_space<semaphore_mem>>)
    %dma_wait3A_140 = arith.constant 1024 : i32
    %dma_wait3A_141 = tpu.memref_slice %arg8[%dma_wait3A_140] : memref<2048xi32, #tpu.memory_space<vmem>> -> memref<128xi32, #tpu.memory_space<vmem>>
    %dma_wait3A_142 = arith.constant 0 : i32
    %dma_wait3A_143 = arith.constant 0 : i32
    %dma_wait3A_144 = tpu.memref_slice %arg2[%dma_wait3A_142, %dma_wait3A_143] : memref<4096x128xf32, #tpu.memory_space<hbm>> -> memref<4096x128xf32, #tpu.memory_space<hbm>>
    tpu.wait_indirect_dma semaphore(%arg14 : memref<!tpu.dma_semaphore, #tpu.memory_space<semaphore_mem>>) src(%dma_wait3A_144 : memref<4096x128xf32, #tpu.memory_space<hbm>>) dst(%arg10 : memref<128x128xf32, #tpu.memory_space<vmem>>)
    %scan3A_145 = arith.constant 0 : i32
    %scan3A_146 = arith.constant 0 : i32
    %scan3A_147 = arith.constant 8 : i32
    %scan3A_148 = arith.addi %scan3A_146, %scan3A_147 : i32
    %scan3A_149 = arith.constant 1 : i32
    scf.for %scan3A_262 = %scan3A_146 to %scan3A_148 step %scan3A_149  : i32 {
      %add3A_263 = arith.constant 64 : i32
      %add3A_264 = arith.addi %add3A_263, %scan3A_262 : i32
      %get3A = arith.index_cast %add3A_264 : i32 to index
      %get3A_265 = arith.constant 0 : index
      %get3A_266 = tpu.vector_load %arg9[%get3A, %get3A_265] {strides = array<i32>} : memref<128x128xf32, #tpu.memory_space<vmem>>, vector<16xf32>,
      %get3A_267 = arith.index_cast %add3A_264 : i32 to index
      %get3A_268 = arith.constant 16 : index
      %get3A_269 = tpu.vector_load %arg9[%get3A_267, %get3A_268] {strides = array<i32>} : memref<128x128xf32, #tpu.memory_space<vmem>>, vector<16xf32>,
      %get3A_270 = arith.index_cast %add3A_264 : i32 to index
      %get3A_271 = arith.constant 32 : index
      %get3A_272 = tpu.vector_load %arg9[%get3A_270, %get3A_271] {strides = array<i32>} : memref<128x128xf32, #tpu.memory_space<vmem>>, vector<16xf32>,
      %get3A_273 = arith.index_cast %add3A_264 : i32 to index
      %get3A_274 = arith.constant 48 : index
      %get3A_275 = tpu.vector_load %arg9[%get3A_273, %get3A_274] {strides = array<i32>} : memref<128x128xf32, #tpu.memory_space<vmem>>, vector<16xf32>,
      %get3A_276 = arith.index_cast %add3A_264 : i32 to index
      %get3A_277 = arith.constant 64 : index
      %get3A_278 = tpu.vector_load %arg9[%get3A_276, %get3A_277] {strides = array<i32>} : memref<128x128xf32, #tpu.memory_space<vmem>>, vector<16xf32>,
      %get3A_279 = arith.index_cast %add3A_264 : i32 to index
      %get3A_280 = arith.constant 80 : index
      %get3A_281 = tpu.vector_load %arg9[%get3A_279, %get3A_280] {strides = array<i32>} : memref<128x128xf32, #tpu.memory_space<vmem>>, vector<16xf32>,
      %get3A_282 = arith.index_cast %add3A_264 : i32 to index
      %get3A_283 = arith.constant 96 : index
      %get3A_284 = tpu.vector_load %arg9[%get3A_282, %get3A_283] {strides = array<i32>} : memref<128x128xf32, #tpu.memory_space<vmem>>, vector<16xf32>,
      %get3A_285 = arith.index_cast %add3A_264 : i32 to index
      %get3A_286 = arith.constant 112 : index
      %get3A_287 = tpu.vector_load %arg9[%get3A_285, %get3A_286] {strides = array<i32>} : memref<128x128xf32, #tpu.memory_space<vmem>>, vector<16xf32>,
      %broadcast_in_dim3A = arith.constant 0.000000e+00 : f32
      %broadcast_in_dim3A_288 = vector.broadcast %broadcast_in_dim3A : f32 to vector<16xf32>
      %scan3A_289 = arith.constant 0 : i32
      %scan3A_290 = arith.constant 16 : i32
      %scan3A_291 = arith.addi %scan3A_289, %scan3A_290 : i32
      %scan3A_292 = arith.constant 1 : i32
      %scan3A_293 = scf.for %scan3A_306 = %scan3A_289 to %scan3A_291 step %scan3A_292 iter_args(%scan3A_307 = %broadcast_in_dim3A_288) -> (vector<16xf32>)  : i32 {
        %mul3A_308 = arith.constant 16 : i32
        %mul3A_309 = arith.muli %scan3A_262, %mul3A_308 : i32
        %add3A_310 = arith.addi %mul3A_309, %scan3A_306 : i32
        %broadcast_in_dim3A_311 = arith.constant 0.000000e+00 : f32
        %broadcast_in_dim3A_312 = vector.broadcast %broadcast_in_dim3A_311 : f32 to vector<16xf32>
        %get3A_313 = arith.index_cast %add3A_310 : i32 to index
        %get3A_314 = arith.constant 0 : index
        %get3A_315 = tpu.vector_load %arg10[%get3A_313, %get3A_314] {strides = array<i32>} : memref<128x128xf32, #tpu.memory_space<vmem>>, vector<16xf32>,
        %sub3A = arith.subf %get3A_315, %get3A_266 : vector<16xf32>
        %mul3A_316 = arith.mulf %sub3A, %sub3A : vector<16xf32>
        %add3A_317 = arith.addf %broadcast_in_dim3A_312, %mul3A_316 : vector<16xf32>
        %get3A_318 = arith.index_cast %add3A_310 : i32 to index
        %get3A_319 = arith.constant 16 : index
        %get3A_320 = tpu.vector_load %arg10[%get3A_318, %get3A_319] {strides = array<i32>} : memref<128x128xf32, #tpu.memory_space<vmem>>, vector<16xf32>,
        %sub3A_321 = arith.subf %get3A_320, %get3A_269 : vector<16xf32>
        %mul3A_322 = arith.mulf %sub3A_321, %sub3A_321 : vector<16xf32>
        %add3A_323 = arith.addf %add3A_317, %mul3A_322 : vector<16xf32>
        %get3A_324 = arith.index_cast %add3A_310 : i32 to index
        %get3A_325 = arith.constant 32 : index
        %get3A_326 = tpu.vector_load %arg10[%get3A_324, %get3A_325] {strides = array<i32>} : memref<128x128xf32, #tpu.memory_space<vmem>>, vector<16xf32>,
        %sub3A_327 = arith.subf %get3A_326, %get3A_272 : vector<16xf32>
        %mul3A_328 = arith.mulf %sub3A_327, %sub3A_327 : vector<16xf32>
        %add3A_329 = arith.addf %add3A_323, %mul3A_328 : vector<16xf32>
        %get3A_330 = arith.index_cast %add3A_310 : i32 to index
        %get3A_331 = arith.constant 48 : index
        %get3A_332 = tpu.vector_load %arg10[%get3A_330, %get3A_331] {strides = array<i32>} : memref<128x128xf32, #tpu.memory_space<vmem>>, vector<16xf32>,
        %sub3A_333 = arith.subf %get3A_332, %get3A_275 : vector<16xf32>
        %mul3A_334 = arith.mulf %sub3A_333, %sub3A_333 : vector<16xf32>
        %add3A_335 = arith.addf %add3A_329, %mul3A_334 : vector<16xf32>
        %get3A_336 = arith.index_cast %add3A_310 : i32 to index
        %get3A_337 = arith.constant 64 : index
        %get3A_338 = tpu.vector_load %arg10[%get3A_336, %get3A_337] {strides = array<i32>} : memref<128x128xf32, #tpu.memory_space<vmem>>, vector<16xf32>,
        %sub3A_339 = arith.subf %get3A_338, %get3A_278 : vector<16xf32>
        %mul3A_340 = arith.mulf %sub3A_339, %sub3A_339 : vector<16xf32>
        %add3A_341 = arith.addf %add3A_335, %mul3A_340 : vector<16xf32>
        %get3A_342 = arith.index_cast %add3A_310 : i32 to index
        %get3A_343 = arith.constant 80 : index
        %get3A_344 = tpu.vector_load %arg10[%get3A_342, %get3A_343] {strides = array<i32>} : memref<128x128xf32, #tpu.memory_space<vmem>>, vector<16xf32>,
        %sub3A_345 = arith.subf %get3A_344, %get3A_281 : vector<16xf32>
        %mul3A_346 = arith.mulf %sub3A_345, %sub3A_345 : vector<16xf32>
        %add3A_347 = arith.addf %add3A_341, %mul3A_346 : vector<16xf32>
        %get3A_348 = arith.index_cast %add3A_310 : i32 to index
        %get3A_349 = arith.constant 96 : index
        %get3A_350 = tpu.vector_load %arg10[%get3A_348, %get3A_349] {strides = array<i32>} : memref<128x128xf32, #tpu.memory_space<vmem>>, vector<16xf32>,
        %sub3A_351 = arith.subf %get3A_350, %get3A_284 : vector<16xf32>
        %mul3A_352 = arith.mulf %sub3A_351, %sub3A_351 : vector<16xf32>
        %add3A_353 = arith.addf %add3A_347, %mul3A_352 : vector<16xf32>
        %get3A_354 = arith.index_cast %add3A_310 : i32 to index
        %get3A_355 = arith.constant 112 : index
        %get3A_356 = tpu.vector_load %arg10[%get3A_354, %get3A_355] {strides = array<i32>} : memref<128x128xf32, #tpu.memory_space<vmem>>, vector<16xf32>,
        %sub3A_357 = arith.subf %get3A_356, %get3A_287 : vector<16xf32>
        %mul3A_358 = arith.mulf %sub3A_357, %sub3A_357 : vector<16xf32>
        %add3A_359 = arith.addf %add3A_353, %mul3A_358 : vector<16xf32>
        %reduce_sum3A = arith.constant true
        %reduce_sum3A_360 = vector.broadcast %reduce_sum3A : i1 to vector<16xi1>
        %reduce_sum3A_361 = tpu.scan <sum>, %add3A_359 masked %reduce_sum3A_360 : vector<16xf32>, vector<16xi1> -> vector<16xf32>
        %reduce_sum3A_362 = vector.extract %reduce_sum3A_361[15] : f32 from vector<16xf32>
        %eq3A = vector.broadcast %scan3A_306 : i32 to vector<16xi32>
        %eq3A_363 = arith.cmpi eq, %iota3A, %eq3A : vector<16xi32>
        %broadcast_in_dim3A_364 = vector.broadcast %reduce_sum3A_362 : f32 to vector<16xf32>
        %select_n3A = arith.select %eq3A_363, %broadcast_in_dim3A_364, %scan3A_307 : vector<16xi1>, vector<16xf32>
        scf.yield %select_n3A : vector<16xf32>
      }
      %scan3A_294 = arith.constant 16 : i32
      %mul3A_295 = arith.constant 16 : i32
      %mul3A_296 = arith.muli %add3A_264, %mul3A_295 : i32
      %swap3A = arith.index_cast %mul3A_296 : i32 to index
      %swap3A_297 = tpu.vector_load %arg12[%swap3A] {strides = array<i32>} : memref<2048xf32, #tpu.memory_space<vmem>>, vector<16xf32>,
      tpu.vector_store %arg12[%swap3A], %scan3A_293 {strides = array<i32>} : memref<2048xf32, #tpu.memory_space<vmem>>, vector<16xf32>,
      %mul3A_298 = arith.constant 16 : i32
      %mul3A_299 = arith.muli %add3A_264, %mul3A_298 : i32
      %get3A_300 = arith.index_cast %mul3A_299 : i32 to index
      %get3A_301 = tpu.vector_load %arg8[%get3A_300] {strides = array<i32>} : memref<2048xi32, #tpu.memory_space<vmem>>, vector<16xi32>,
      %gather3A = tpu.vector_load_idx %arg7[%get3A_301] : memref<4096xf32, #tpu.memory_space<vmem>>[vector<16xi32>], vector<16xf32>,
      %mul3A_302 = arith.constant 16 : i32
      %mul3A_303 = arith.muli %add3A_264, %mul3A_302 : i32
      %swap3A_304 = arith.index_cast %mul3A_303 : i32 to index
      %swap3A_305 = tpu.vector_load %arg13[%swap3A_304] {strides = array<i32>} : memref<2048xf32, #tpu.memory_space<vmem>>, vector<16xf32>,
      tpu.vector_store %arg13[%swap3A_304], %gather3A {strides = array<i32>} : memref<2048xf32, #tpu.memory_space<vmem>>, vector<16xf32>,
    }
    %scan3A_150 = arith.constant 8 : i32
    %dma_start3A_151 = arith.constant 1280 : i32
    %dma_start3A_152 = tpu.memref_slice %arg8[%dma_start3A_151] : memref<2048xi32, #tpu.memory_space<vmem>> -> memref<128xi32, #tpu.memory_space<vmem>>
    %dma_start3A_153 = arith.constant 0 : i32
    %dma_start3A_154 = arith.constant 0 : i32
    %dma_start3A_155 = tpu.memref_slice %arg2[%dma_start3A_153, %dma_start3A_154] : memref<4096x128xf32, #tpu.memory_space<hbm>> -> memref<4096x128xf32, #tpu.memory_space<hbm>>
    tpu.enqueue_indirect_dma source(%dma_start3A_155 : memref<4096x128xf32, #tpu.memory_space<hbm>>) target(%arg10 : memref<128x128xf32, #tpu.memory_space<vmem>>) offsets(%dma_start3A_152 : memref<128xi32, #tpu.memory_space<vmem>>) semaphore(%arg14 : memref<!tpu.dma_semaphore, #tpu.memory_space<semaphore_mem>>)
    %dma_wait3A_156 = arith.constant 1152 : i32
    %dma_wait3A_157 = tpu.memref_slice %arg8[%dma_wait3A_156] : memref<2048xi32, #tpu.memory_space<vmem>> -> memref<128xi32, #tpu.memory_space<vmem>>
    %dma_wait3A_158 = arith.constant 0 : i32
    %dma_wait3A_159 = arith.constant 0 : i32
    %dma_wait3A_160 = tpu.memref_slice %arg2[%dma_wait3A_158, %dma_wait3A_159] : memref<4096x128xf32, #tpu.memory_space<hbm>> -> memref<4096x128xf32, #tpu.memory_space<hbm>>
    tpu.wait_indirect_dma semaphore(%arg15 : memref<!tpu.dma_semaphore, #tpu.memory_space<semaphore_mem>>) src(%dma_wait3A_160 : memref<4096x128xf32, #tpu.memory_space<hbm>>) dst(%arg11 : memref<128x128xf32, #tpu.memory_space<vmem>>)
    %scan3A_161 = arith.constant 0 : i32
    %scan3A_162 = arith.constant 0 : i32
    %scan3A_163 = arith.constant 8 : i32
    %scan3A_164 = arith.addi %scan3A_162, %scan3A_163 : i32
    %scan3A_165 = arith.constant 1 : i32
    scf.for %scan3A_262 = %scan3A_162 to %scan3A_164 step %scan3A_165  : i32 {
      %add3A_263 = arith.constant 72 : i32
      %add3A_264 = arith.addi %add3A_263, %scan3A_262 : i32
      %get3A = arith.index_cast %add3A_264 : i32 to index
      %get3A_265 = arith.constant 0 : index
      %get3A_266 = tpu.vector_load %arg9[%get3A, %get3A_265] {strides = array<i32>} : memref<128x128xf32, #tpu.memory_space<vmem>>, vector<16xf32>,
      %get3A_267 = arith.index_cast %add3A_264 : i32 to index
      %get3A_268 = arith.constant 16 : index
      %get3A_269 = tpu.vector_load %arg9[%get3A_267, %get3A_268] {strides = array<i32>} : memref<128x128xf32, #tpu.memory_space<vmem>>, vector<16xf32>,
      %get3A_270 = arith.index_cast %add3A_264 : i32 to index
      %get3A_271 = arith.constant 32 : index
      %get3A_272 = tpu.vector_load %arg9[%get3A_270, %get3A_271] {strides = array<i32>} : memref<128x128xf32, #tpu.memory_space<vmem>>, vector<16xf32>,
      %get3A_273 = arith.index_cast %add3A_264 : i32 to index
      %get3A_274 = arith.constant 48 : index
      %get3A_275 = tpu.vector_load %arg9[%get3A_273, %get3A_274] {strides = array<i32>} : memref<128x128xf32, #tpu.memory_space<vmem>>, vector<16xf32>,
      %get3A_276 = arith.index_cast %add3A_264 : i32 to index
      %get3A_277 = arith.constant 64 : index
      %get3A_278 = tpu.vector_load %arg9[%get3A_276, %get3A_277] {strides = array<i32>} : memref<128x128xf32, #tpu.memory_space<vmem>>, vector<16xf32>,
      %get3A_279 = arith.index_cast %add3A_264 : i32 to index
      %get3A_280 = arith.constant 80 : index
      %get3A_281 = tpu.vector_load %arg9[%get3A_279, %get3A_280] {strides = array<i32>} : memref<128x128xf32, #tpu.memory_space<vmem>>, vector<16xf32>,
      %get3A_282 = arith.index_cast %add3A_264 : i32 to index
      %get3A_283 = arith.constant 96 : index
      %get3A_284 = tpu.vector_load %arg9[%get3A_282, %get3A_283] {strides = array<i32>} : memref<128x128xf32, #tpu.memory_space<vmem>>, vector<16xf32>,
      %get3A_285 = arith.index_cast %add3A_264 : i32 to index
      %get3A_286 = arith.constant 112 : index
      %get3A_287 = tpu.vector_load %arg9[%get3A_285, %get3A_286] {strides = array<i32>} : memref<128x128xf32, #tpu.memory_space<vmem>>, vector<16xf32>,
      %broadcast_in_dim3A = arith.constant 0.000000e+00 : f32
      %broadcast_in_dim3A_288 = vector.broadcast %broadcast_in_dim3A : f32 to vector<16xf32>
      %scan3A_289 = arith.constant 0 : i32
      %scan3A_290 = arith.constant 16 : i32
      %scan3A_291 = arith.addi %scan3A_289, %scan3A_290 : i32
      %scan3A_292 = arith.constant 1 : i32
      %scan3A_293 = scf.for %scan3A_306 = %scan3A_289 to %scan3A_291 step %scan3A_292 iter_args(%scan3A_307 = %broadcast_in_dim3A_288) -> (vector<16xf32>)  : i32 {
        %mul3A_308 = arith.constant 16 : i32
        %mul3A_309 = arith.muli %scan3A_262, %mul3A_308 : i32
        %add3A_310 = arith.addi %mul3A_309, %scan3A_306 : i32
        %broadcast_in_dim3A_311 = arith.constant 0.000000e+00 : f32
        %broadcast_in_dim3A_312 = vector.broadcast %broadcast_in_dim3A_311 : f32 to vector<16xf32>
        %get3A_313 = arith.index_cast %add3A_310 : i32 to index
        %get3A_314 = arith.constant 0 : index
        %get3A_315 = tpu.vector_load %arg11[%get3A_313, %get3A_314] {strides = array<i32>} : memref<128x128xf32, #tpu.memory_space<vmem>>, vector<16xf32>,
        %sub3A = arith.subf %get3A_315, %get3A_266 : vector<16xf32>
        %mul3A_316 = arith.mulf %sub3A, %sub3A : vector<16xf32>
        %add3A_317 = arith.addf %broadcast_in_dim3A_312, %mul3A_316 : vector<16xf32>
        %get3A_318 = arith.index_cast %add3A_310 : i32 to index
        %get3A_319 = arith.constant 16 : index
        %get3A_320 = tpu.vector_load %arg11[%get3A_318, %get3A_319] {strides = array<i32>} : memref<128x128xf32, #tpu.memory_space<vmem>>, vector<16xf32>,
        %sub3A_321 = arith.subf %get3A_320, %get3A_269 : vector<16xf32>
        %mul3A_322 = arith.mulf %sub3A_321, %sub3A_321 : vector<16xf32>
        %add3A_323 = arith.addf %add3A_317, %mul3A_322 : vector<16xf32>
        %get3A_324 = arith.index_cast %add3A_310 : i32 to index
        %get3A_325 = arith.constant 32 : index
        %get3A_326 = tpu.vector_load %arg11[%get3A_324, %get3A_325] {strides = array<i32>} : memref<128x128xf32, #tpu.memory_space<vmem>>, vector<16xf32>,
        %sub3A_327 = arith.subf %get3A_326, %get3A_272 : vector<16xf32>
        %mul3A_328 = arith.mulf %sub3A_327, %sub3A_327 : vector<16xf32>
        %add3A_329 = arith.addf %add3A_323, %mul3A_328 : vector<16xf32>
        %get3A_330 = arith.index_cast %add3A_310 : i32 to index
        %get3A_331 = arith.constant 48 : index
        %get3A_332 = tpu.vector_load %arg11[%get3A_330, %get3A_331] {strides = array<i32>} : memref<128x128xf32, #tpu.memory_space<vmem>>, vector<16xf32>,
        %sub3A_333 = arith.subf %get3A_332, %get3A_275 : vector<16xf32>
        %mul3A_334 = arith.mulf %sub3A_333, %sub3A_333 : vector<16xf32>
        %add3A_335 = arith.addf %add3A_329, %mul3A_334 : vector<16xf32>
        %get3A_336 = arith.index_cast %add3A_310 : i32 to index
        %get3A_337 = arith.constant 64 : index
        %get3A_338 = tpu.vector_load %arg11[%get3A_336, %get3A_337] {strides = array<i32>} : memref<128x128xf32, #tpu.memory_space<vmem>>, vector<16xf32>,
        %sub3A_339 = arith.subf %get3A_338, %get3A_278 : vector<16xf32>
        %mul3A_340 = arith.mulf %sub3A_339, %sub3A_339 : vector<16xf32>
        %add3A_341 = arith.addf %add3A_335, %mul3A_340 : vector<16xf32>
        %get3A_342 = arith.index_cast %add3A_310 : i32 to index
        %get3A_343 = arith.constant 80 : index
        %get3A_344 = tpu.vector_load %arg11[%get3A_342, %get3A_343] {strides = array<i32>} : memref<128x128xf32, #tpu.memory_space<vmem>>, vector<16xf32>,
        %sub3A_345 = arith.subf %get3A_344, %get3A_281 : vector<16xf32>
        %mul3A_346 = arith.mulf %sub3A_345, %sub3A_345 : vector<16xf32>
        %add3A_347 = arith.addf %add3A_341, %mul3A_346 : vector<16xf32>
        %get3A_348 = arith.index_cast %add3A_310 : i32 to index
        %get3A_349 = arith.constant 96 : index
        %get3A_350 = tpu.vector_load %arg11[%get3A_348, %get3A_349] {strides = array<i32>} : memref<128x128xf32, #tpu.memory_space<vmem>>, vector<16xf32>,
        %sub3A_351 = arith.subf %get3A_350, %get3A_284 : vector<16xf32>
        %mul3A_352 = arith.mulf %sub3A_351, %sub3A_351 : vector<16xf32>
        %add3A_353 = arith.addf %add3A_347, %mul3A_352 : vector<16xf32>
        %get3A_354 = arith.index_cast %add3A_310 : i32 to index
        %get3A_355 = arith.constant 112 : index
        %get3A_356 = tpu.vector_load %arg11[%get3A_354, %get3A_355] {strides = array<i32>} : memref<128x128xf32, #tpu.memory_space<vmem>>, vector<16xf32>,
        %sub3A_357 = arith.subf %get3A_356, %get3A_287 : vector<16xf32>
        %mul3A_358 = arith.mulf %sub3A_357, %sub3A_357 : vector<16xf32>
        %add3A_359 = arith.addf %add3A_353, %mul3A_358 : vector<16xf32>
        %reduce_sum3A = arith.constant true
        %reduce_sum3A_360 = vector.broadcast %reduce_sum3A : i1 to vector<16xi1>
        %reduce_sum3A_361 = tpu.scan <sum>, %add3A_359 masked %reduce_sum3A_360 : vector<16xf32>, vector<16xi1> -> vector<16xf32>
        %reduce_sum3A_362 = vector.extract %reduce_sum3A_361[15] : f32 from vector<16xf32>
        %eq3A = vector.broadcast %scan3A_306 : i32 to vector<16xi32>
        %eq3A_363 = arith.cmpi eq, %iota3A, %eq3A : vector<16xi32>
        %broadcast_in_dim3A_364 = vector.broadcast %reduce_sum3A_362 : f32 to vector<16xf32>
        %select_n3A = arith.select %eq3A_363, %broadcast_in_dim3A_364, %scan3A_307 : vector<16xi1>, vector<16xf32>
        scf.yield %select_n3A : vector<16xf32>
      }
      %scan3A_294 = arith.constant 16 : i32
      %mul3A_295 = arith.constant 16 : i32
      %mul3A_296 = arith.muli %add3A_264, %mul3A_295 : i32
      %swap3A = arith.index_cast %mul3A_296 : i32 to index
      %swap3A_297 = tpu.vector_load %arg12[%swap3A] {strides = array<i32>} : memref<2048xf32, #tpu.memory_space<vmem>>, vector<16xf32>,
      tpu.vector_store %arg12[%swap3A], %scan3A_293 {strides = array<i32>} : memref<2048xf32, #tpu.memory_space<vmem>>, vector<16xf32>,
      %mul3A_298 = arith.constant 16 : i32
      %mul3A_299 = arith.muli %add3A_264, %mul3A_298 : i32
      %get3A_300 = arith.index_cast %mul3A_299 : i32 to index
      %get3A_301 = tpu.vector_load %arg8[%get3A_300] {strides = array<i32>} : memref<2048xi32, #tpu.memory_space<vmem>>, vector<16xi32>,
      %gather3A = tpu.vector_load_idx %arg7[%get3A_301] : memref<4096xf32, #tpu.memory_space<vmem>>[vector<16xi32>], vector<16xf32>,
      %mul3A_302 = arith.constant 16 : i32
      %mul3A_303 = arith.muli %add3A_264, %mul3A_302 : i32
      %swap3A_304 = arith.index_cast %mul3A_303 : i32 to index
      %swap3A_305 = tpu.vector_load %arg13[%swap3A_304] {strides = array<i32>} : memref<2048xf32, #tpu.memory_space<vmem>>, vector<16xf32>,
      tpu.vector_store %arg13[%swap3A_304], %gather3A {strides = array<i32>} : memref<2048xf32, #tpu.memory_space<vmem>>, vector<16xf32>,
    }
    %scan3A_166 = arith.constant 8 : i32
    %dma_start3A_167 = arith.constant 1408 : i32
    %dma_start3A_168 = tpu.memref_slice %arg8[%dma_start3A_167] : memref<2048xi32, #tpu.memory_space<vmem>> -> memref<128xi32, #tpu.memory_space<vmem>>
    %dma_start3A_169 = arith.constant 0 : i32
    %dma_start3A_170 = arith.constant 0 : i32
    %dma_start3A_171 = tpu.memref_slice %arg2[%dma_start3A_169, %dma_start3A_170] : memref<4096x128xf32, #tpu.memory_space<hbm>> -> memref<4096x128xf32, #tpu.memory_space<hbm>>
    tpu.enqueue_indirect_dma source(%dma_start3A_171 : memref<4096x128xf32, #tpu.memory_space<hbm>>) target(%arg11 : memref<128x128xf32, #tpu.memory_space<vmem>>) offsets(%dma_start3A_168 : memref<128xi32, #tpu.memory_space<vmem>>) semaphore(%arg15 : memref<!tpu.dma_semaphore, #tpu.memory_space<semaphore_mem>>)
    %dma_wait3A_172 = arith.constant 1280 : i32
    %dma_wait3A_173 = tpu.memref_slice %arg8[%dma_wait3A_172] : memref<2048xi32, #tpu.memory_space<vmem>> -> memref<128xi32, #tpu.memory_space<vmem>>
    %dma_wait3A_174 = arith.constant 0 : i32
    %dma_wait3A_175 = arith.constant 0 : i32
    %dma_wait3A_176 = tpu.memref_slice %arg2[%dma_wait3A_174, %dma_wait3A_175] : memref<4096x128xf32, #tpu.memory_space<hbm>> -> memref<4096x128xf32, #tpu.memory_space<hbm>>
    tpu.wait_indirect_dma semaphore(%arg14 : memref<!tpu.dma_semaphore, #tpu.memory_space<semaphore_mem>>) src(%dma_wait3A_176 : memref<4096x128xf32, #tpu.memory_space<hbm>>) dst(%arg10 : memref<128x128xf32, #tpu.memory_space<vmem>>)
    %scan3A_177 = arith.constant 0 : i32
    %scan3A_178 = arith.constant 0 : i32
    %scan3A_179 = arith.constant 8 : i32
    %scan3A_180 = arith.addi %scan3A_178, %scan3A_179 : i32
    %scan3A_181 = arith.constant 1 : i32
    scf.for %scan3A_262 = %scan3A_178 to %scan3A_180 step %scan3A_181  : i32 {
      %add3A_263 = arith.constant 80 : i32
      %add3A_264 = arith.addi %add3A_263, %scan3A_262 : i32
      %get3A = arith.index_cast %add3A_264 : i32 to index
      %get3A_265 = arith.constant 0 : index
      %get3A_266 = tpu.vector_load %arg9[%get3A, %get3A_265] {strides = array<i32>} : memref<128x128xf32, #tpu.memory_space<vmem>>, vector<16xf32>,
      %get3A_267 = arith.index_cast %add3A_264 : i32 to index
      %get3A_268 = arith.constant 16 : index
      %get3A_269 = tpu.vector_load %arg9[%get3A_267, %get3A_268] {strides = array<i32>} : memref<128x128xf32, #tpu.memory_space<vmem>>, vector<16xf32>,
      %get3A_270 = arith.index_cast %add3A_264 : i32 to index
      %get3A_271 = arith.constant 32 : index
      %get3A_272 = tpu.vector_load %arg9[%get3A_270, %get3A_271] {strides = array<i32>} : memref<128x128xf32, #tpu.memory_space<vmem>>, vector<16xf32>,
      %get3A_273 = arith.index_cast %add3A_264 : i32 to index
      %get3A_274 = arith.constant 48 : index
      %get3A_275 = tpu.vector_load %arg9[%get3A_273, %get3A_274] {strides = array<i32>} : memref<128x128xf32, #tpu.memory_space<vmem>>, vector<16xf32>,
      %get3A_276 = arith.index_cast %add3A_264 : i32 to index
      %get3A_277 = arith.constant 64 : index
      %get3A_278 = tpu.vector_load %arg9[%get3A_276, %get3A_277] {strides = array<i32>} : memref<128x128xf32, #tpu.memory_space<vmem>>, vector<16xf32>,
      %get3A_279 = arith.index_cast %add3A_264 : i32 to index
      %get3A_280 = arith.constant 80 : index
      %get3A_281 = tpu.vector_load %arg9[%get3A_279, %get3A_280] {strides = array<i32>} : memref<128x128xf32, #tpu.memory_space<vmem>>, vector<16xf32>,
      %get3A_282 = arith.index_cast %add3A_264 : i32 to index
      %get3A_283 = arith.constant 96 : index
      %get3A_284 = tpu.vector_load %arg9[%get3A_282, %get3A_283] {strides = array<i32>} : memref<128x128xf32, #tpu.memory_space<vmem>>, vector<16xf32>,
      %get3A_285 = arith.index_cast %add3A_264 : i32 to index
      %get3A_286 = arith.constant 112 : index
      %get3A_287 = tpu.vector_load %arg9[%get3A_285, %get3A_286] {strides = array<i32>} : memref<128x128xf32, #tpu.memory_space<vmem>>, vector<16xf32>,
      %broadcast_in_dim3A = arith.constant 0.000000e+00 : f32
      %broadcast_in_dim3A_288 = vector.broadcast %broadcast_in_dim3A : f32 to vector<16xf32>
      %scan3A_289 = arith.constant 0 : i32
      %scan3A_290 = arith.constant 16 : i32
      %scan3A_291 = arith.addi %scan3A_289, %scan3A_290 : i32
      %scan3A_292 = arith.constant 1 : i32
      %scan3A_293 = scf.for %scan3A_306 = %scan3A_289 to %scan3A_291 step %scan3A_292 iter_args(%scan3A_307 = %broadcast_in_dim3A_288) -> (vector<16xf32>)  : i32 {
        %mul3A_308 = arith.constant 16 : i32
        %mul3A_309 = arith.muli %scan3A_262, %mul3A_308 : i32
        %add3A_310 = arith.addi %mul3A_309, %scan3A_306 : i32
        %broadcast_in_dim3A_311 = arith.constant 0.000000e+00 : f32
        %broadcast_in_dim3A_312 = vector.broadcast %broadcast_in_dim3A_311 : f32 to vector<16xf32>
        %get3A_313 = arith.index_cast %add3A_310 : i32 to index
        %get3A_314 = arith.constant 0 : index
        %get3A_315 = tpu.vector_load %arg10[%get3A_313, %get3A_314] {strides = array<i32>} : memref<128x128xf32, #tpu.memory_space<vmem>>, vector<16xf32>,
        %sub3A = arith.subf %get3A_315, %get3A_266 : vector<16xf32>
        %mul3A_316 = arith.mulf %sub3A, %sub3A : vector<16xf32>
        %add3A_317 = arith.addf %broadcast_in_dim3A_312, %mul3A_316 : vector<16xf32>
        %get3A_318 = arith.index_cast %add3A_310 : i32 to index
        %get3A_319 = arith.constant 16 : index
        %get3A_320 = tpu.vector_load %arg10[%get3A_318, %get3A_319] {strides = array<i32>} : memref<128x128xf32, #tpu.memory_space<vmem>>, vector<16xf32>,
        %sub3A_321 = arith.subf %get3A_320, %get3A_269 : vector<16xf32>
        %mul3A_322 = arith.mulf %sub3A_321, %sub3A_321 : vector<16xf32>
        %add3A_323 = arith.addf %add3A_317, %mul3A_322 : vector<16xf32>
        %get3A_324 = arith.index_cast %add3A_310 : i32 to index
        %get3A_325 = arith.constant 32 : index
        %get3A_326 = tpu.vector_load %arg10[%get3A_324, %get3A_325] {strides = array<i32>} : memref<128x128xf32, #tpu.memory_space<vmem>>, vector<16xf32>,
        %sub3A_327 = arith.subf %get3A_326, %get3A_272 : vector<16xf32>
        %mul3A_328 = arith.mulf %sub3A_327, %sub3A_327 : vector<16xf32>
        %add3A_329 = arith.addf %add3A_323, %mul3A_328 : vector<16xf32>
        %get3A_330 = arith.index_cast %add3A_310 : i32 to index
        %get3A_331 = arith.constant 48 : index
        %get3A_332 = tpu.vector_load %arg10[%get3A_330, %get3A_331] {strides = array<i32>} : memref<128x128xf32, #tpu.memory_space<vmem>>, vector<16xf32>,
        %sub3A_333 = arith.subf %get3A_332, %get3A_275 : vector<16xf32>
        %mul3A_334 = arith.mulf %sub3A_333, %sub3A_333 : vector<16xf32>
        %add3A_335 = arith.addf %add3A_329, %mul3A_334 : vector<16xf32>
        %get3A_336 = arith.index_cast %add3A_310 : i32 to index
        %get3A_337 = arith.constant 64 : index
        %get3A_338 = tpu.vector_load %arg10[%get3A_336, %get3A_337] {strides = array<i32>} : memref<128x128xf32, #tpu.memory_space<vmem>>, vector<16xf32>,
        %sub3A_339 = arith.subf %get3A_338, %get3A_278 : vector<16xf32>
        %mul3A_340 = arith.mulf %sub3A_339, %sub3A_339 : vector<16xf32>
        %add3A_341 = arith.addf %add3A_335, %mul3A_340 : vector<16xf32>
        %get3A_342 = arith.index_cast %add3A_310 : i32 to index
        %get3A_343 = arith.constant 80 : index
        %get3A_344 = tpu.vector_load %arg10[%get3A_342, %get3A_343] {strides = array<i32>} : memref<128x128xf32, #tpu.memory_space<vmem>>, vector<16xf32>,
        %sub3A_345 = arith.subf %get3A_344, %get3A_281 : vector<16xf32>
        %mul3A_346 = arith.mulf %sub3A_345, %sub3A_345 : vector<16xf32>
        %add3A_347 = arith.addf %add3A_341, %mul3A_346 : vector<16xf32>
        %get3A_348 = arith.index_cast %add3A_310 : i32 to index
        %get3A_349 = arith.constant 96 : index
        %get3A_350 = tpu.vector_load %arg10[%get3A_348, %get3A_349] {strides = array<i32>} : memref<128x128xf32, #tpu.memory_space<vmem>>, vector<16xf32>,
        %sub3A_351 = arith.subf %get3A_350, %get3A_284 : vector<16xf32>
        %mul3A_352 = arith.mulf %sub3A_351, %sub3A_351 : vector<16xf32>
        %add3A_353 = arith.addf %add3A_347, %mul3A_352 : vector<16xf32>
        %get3A_354 = arith.index_cast %add3A_310 : i32 to index
        %get3A_355 = arith.constant 112 : index
        %get3A_356 = tpu.vector_load %arg10[%get3A_354, %get3A_355] {strides = array<i32>} : memref<128x128xf32, #tpu.memory_space<vmem>>, vector<16xf32>,
        %sub3A_357 = arith.subf %get3A_356, %get3A_287 : vector<16xf32>
        %mul3A_358 = arith.mulf %sub3A_357, %sub3A_357 : vector<16xf32>
        %add3A_359 = arith.addf %add3A_353, %mul3A_358 : vector<16xf32>
        %reduce_sum3A = arith.constant true
        %reduce_sum3A_360 = vector.broadcast %reduce_sum3A : i1 to vector<16xi1>
        %reduce_sum3A_361 = tpu.scan <sum>, %add3A_359 masked %reduce_sum3A_360 : vector<16xf32>, vector<16xi1> -> vector<16xf32>
        %reduce_sum3A_362 = vector.extract %reduce_sum3A_361[15] : f32 from vector<16xf32>
        %eq3A = vector.broadcast %scan3A_306 : i32 to vector<16xi32>
        %eq3A_363 = arith.cmpi eq, %iota3A, %eq3A : vector<16xi32>
        %broadcast_in_dim3A_364 = vector.broadcast %reduce_sum3A_362 : f32 to vector<16xf32>
        %select_n3A = arith.select %eq3A_363, %broadcast_in_dim3A_364, %scan3A_307 : vector<16xi1>, vector<16xf32>
        scf.yield %select_n3A : vector<16xf32>
      }
      %scan3A_294 = arith.constant 16 : i32
      %mul3A_295 = arith.constant 16 : i32
      %mul3A_296 = arith.muli %add3A_264, %mul3A_295 : i32
      %swap3A = arith.index_cast %mul3A_296 : i32 to index
      %swap3A_297 = tpu.vector_load %arg12[%swap3A] {strides = array<i32>} : memref<2048xf32, #tpu.memory_space<vmem>>, vector<16xf32>,
      tpu.vector_store %arg12[%swap3A], %scan3A_293 {strides = array<i32>} : memref<2048xf32, #tpu.memory_space<vmem>>, vector<16xf32>,
      %mul3A_298 = arith.constant 16 : i32
      %mul3A_299 = arith.muli %add3A_264, %mul3A_298 : i32
      %get3A_300 = arith.index_cast %mul3A_299 : i32 to index
      %get3A_301 = tpu.vector_load %arg8[%get3A_300] {strides = array<i32>} : memref<2048xi32, #tpu.memory_space<vmem>>, vector<16xi32>,
      %gather3A = tpu.vector_load_idx %arg7[%get3A_301] : memref<4096xf32, #tpu.memory_space<vmem>>[vector<16xi32>], vector<16xf32>,
      %mul3A_302 = arith.constant 16 : i32
      %mul3A_303 = arith.muli %add3A_264, %mul3A_302 : i32
      %swap3A_304 = arith.index_cast %mul3A_303 : i32 to index
      %swap3A_305 = tpu.vector_load %arg13[%swap3A_304] {strides = array<i32>} : memref<2048xf32, #tpu.memory_space<vmem>>, vector<16xf32>,
      tpu.vector_store %arg13[%swap3A_304], %gather3A {strides = array<i32>} : memref<2048xf32, #tpu.memory_space<vmem>>, vector<16xf32>,
    }
    %scan3A_182 = arith.constant 8 : i32
    %dma_start3A_183 = arith.constant 1536 : i32
    %dma_start3A_184 = tpu.memref_slice %arg8[%dma_start3A_183] : memref<2048xi32, #tpu.memory_space<vmem>> -> memref<128xi32, #tpu.memory_space<vmem>>
    %dma_start3A_185 = arith.constant 0 : i32
    %dma_start3A_186 = arith.constant 0 : i32
    %dma_start3A_187 = tpu.memref_slice %arg2[%dma_start3A_185, %dma_start3A_186] : memref<4096x128xf32, #tpu.memory_space<hbm>> -> memref<4096x128xf32, #tpu.memory_space<hbm>>
    tpu.enqueue_indirect_dma source(%dma_start3A_187 : memref<4096x128xf32, #tpu.memory_space<hbm>>) target(%arg10 : memref<128x128xf32, #tpu.memory_space<vmem>>) offsets(%dma_start3A_184 : memref<128xi32, #tpu.memory_space<vmem>>) semaphore(%arg14 : memref<!tpu.dma_semaphore, #tpu.memory_space<semaphore_mem>>)
    %dma_wait3A_188 = arith.constant 1408 : i32
    %dma_wait3A_189 = tpu.memref_slice %arg8[%dma_wait3A_188] : memref<2048xi32, #tpu.memory_space<vmem>> -> memref<128xi32, #tpu.memory_space<vmem>>
    %dma_wait3A_190 = arith.constant 0 : i32
    %dma_wait3A_191 = arith.constant 0 : i32
    %dma_wait3A_192 = tpu.memref_slice %arg2[%dma_wait3A_190, %dma_wait3A_191] : memref<4096x128xf32, #tpu.memory_space<hbm>> -> memref<4096x128xf32, #tpu.memory_space<hbm>>
    tpu.wait_indirect_dma semaphore(%arg15 : memref<!tpu.dma_semaphore, #tpu.memory_space<semaphore_mem>>) src(%dma_wait3A_192 : memref<4096x128xf32, #tpu.memory_space<hbm>>) dst(%arg11 : memref<128x128xf32, #tpu.memory_space<vmem>>)
    %scan3A_193 = arith.constant 0 : i32
    %scan3A_194 = arith.constant 0 : i32
    %scan3A_195 = arith.constant 8 : i32
    %scan3A_196 = arith.addi %scan3A_194, %scan3A_195 : i32
    %scan3A_197 = arith.constant 1 : i32
    scf.for %scan3A_262 = %scan3A_194 to %scan3A_196 step %scan3A_197  : i32 {
      %add3A_263 = arith.constant 88 : i32
      %add3A_264 = arith.addi %add3A_263, %scan3A_262 : i32
      %get3A = arith.index_cast %add3A_264 : i32 to index
      %get3A_265 = arith.constant 0 : index
      %get3A_266 = tpu.vector_load %arg9[%get3A, %get3A_265] {strides = array<i32>} : memref<128x128xf32, #tpu.memory_space<vmem>>, vector<16xf32>,
      %get3A_267 = arith.index_cast %add3A_264 : i32 to index
      %get3A_268 = arith.constant 16 : index
      %get3A_269 = tpu.vector_load %arg9[%get3A_267, %get3A_268] {strides = array<i32>} : memref<128x128xf32, #tpu.memory_space<vmem>>, vector<16xf32>,
      %get3A_270 = arith.index_cast %add3A_264 : i32 to index
      %get3A_271 = arith.constant 32 : index
      %get3A_272 = tpu.vector_load %arg9[%get3A_270, %get3A_271] {strides = array<i32>} : memref<128x128xf32, #tpu.memory_space<vmem>>, vector<16xf32>,
      %get3A_273 = arith.index_cast %add3A_264 : i32 to index
      %get3A_274 = arith.constant 48 : index
      %get3A_275 = tpu.vector_load %arg9[%get3A_273, %get3A_274] {strides = array<i32>} : memref<128x128xf32, #tpu.memory_space<vmem>>, vector<16xf32>,
      %get3A_276 = arith.index_cast %add3A_264 : i32 to index
      %get3A_277 = arith.constant 64 : index
      %get3A_278 = tpu.vector_load %arg9[%get3A_276, %get3A_277] {strides = array<i32>} : memref<128x128xf32, #tpu.memory_space<vmem>>, vector<16xf32>,
      %get3A_279 = arith.index_cast %add3A_264 : i32 to index
      %get3A_280 = arith.constant 80 : index
      %get3A_281 = tpu.vector_load %arg9[%get3A_279, %get3A_280] {strides = array<i32>} : memref<128x128xf32, #tpu.memory_space<vmem>>, vector<16xf32>,
      %get3A_282 = arith.index_cast %add3A_264 : i32 to index
      %get3A_283 = arith.constant 96 : index
      %get3A_284 = tpu.vector_load %arg9[%get3A_282, %get3A_283] {strides = array<i32>} : memref<128x128xf32, #tpu.memory_space<vmem>>, vector<16xf32>,
      %get3A_285 = arith.index_cast %add3A_264 : i32 to index
      %get3A_286 = arith.constant 112 : index
      %get3A_287 = tpu.vector_load %arg9[%get3A_285, %get3A_286] {strides = array<i32>} : memref<128x128xf32, #tpu.memory_space<vmem>>, vector<16xf32>,
      %broadcast_in_dim3A = arith.constant 0.000000e+00 : f32
      %broadcast_in_dim3A_288 = vector.broadcast %broadcast_in_dim3A : f32 to vector<16xf32>
      %scan3A_289 = arith.constant 0 : i32
      %scan3A_290 = arith.constant 16 : i32
      %scan3A_291 = arith.addi %scan3A_289, %scan3A_290 : i32
      %scan3A_292 = arith.constant 1 : i32
      %scan3A_293 = scf.for %scan3A_306 = %scan3A_289 to %scan3A_291 step %scan3A_292 iter_args(%scan3A_307 = %broadcast_in_dim3A_288) -> (vector<16xf32>)  : i32 {
        %mul3A_308 = arith.constant 16 : i32
        %mul3A_309 = arith.muli %scan3A_262, %mul3A_308 : i32
        %add3A_310 = arith.addi %mul3A_309, %scan3A_306 : i32
        %broadcast_in_dim3A_311 = arith.constant 0.000000e+00 : f32
        %broadcast_in_dim3A_312 = vector.broadcast %broadcast_in_dim3A_311 : f32 to vector<16xf32>
        %get3A_313 = arith.index_cast %add3A_310 : i32 to index
        %get3A_314 = arith.constant 0 : index
        %get3A_315 = tpu.vector_load %arg11[%get3A_313, %get3A_314] {strides = array<i32>} : memref<128x128xf32, #tpu.memory_space<vmem>>, vector<16xf32>,
        %sub3A = arith.subf %get3A_315, %get3A_266 : vector<16xf32>
        %mul3A_316 = arith.mulf %sub3A, %sub3A : vector<16xf32>
        %add3A_317 = arith.addf %broadcast_in_dim3A_312, %mul3A_316 : vector<16xf32>
        %get3A_318 = arith.index_cast %add3A_310 : i32 to index
        %get3A_319 = arith.constant 16 : index
        %get3A_320 = tpu.vector_load %arg11[%get3A_318, %get3A_319] {strides = array<i32>} : memref<128x128xf32, #tpu.memory_space<vmem>>, vector<16xf32>,
        %sub3A_321 = arith.subf %get3A_320, %get3A_269 : vector<16xf32>
        %mul3A_322 = arith.mulf %sub3A_321, %sub3A_321 : vector<16xf32>
        %add3A_323 = arith.addf %add3A_317, %mul3A_322 : vector<16xf32>
        %get3A_324 = arith.index_cast %add3A_310 : i32 to index
        %get3A_325 = arith.constant 32 : index
        %get3A_326 = tpu.vector_load %arg11[%get3A_324, %get3A_325] {strides = array<i32>} : memref<128x128xf32, #tpu.memory_space<vmem>>, vector<16xf32>,
        %sub3A_327 = arith.subf %get3A_326, %get3A_272 : vector<16xf32>
        %mul3A_328 = arith.mulf %sub3A_327, %sub3A_327 : vector<16xf32>
        %add3A_329 = arith.addf %add3A_323, %mul3A_328 : vector<16xf32>
        %get3A_330 = arith.index_cast %add3A_310 : i32 to index
        %get3A_331 = arith.constant 48 : index
        %get3A_332 = tpu.vector_load %arg11[%get3A_330, %get3A_331] {strides = array<i32>} : memref<128x128xf32, #tpu.memory_space<vmem>>, vector<16xf32>,
        %sub3A_333 = arith.subf %get3A_332, %get3A_275 : vector<16xf32>
        %mul3A_334 = arith.mulf %sub3A_333, %sub3A_333 : vector<16xf32>
        %add3A_335 = arith.addf %add3A_329, %mul3A_334 : vector<16xf32>
        %get3A_336 = arith.index_cast %add3A_310 : i32 to index
        %get3A_337 = arith.constant 64 : index
        %get3A_338 = tpu.vector_load %arg11[%get3A_336, %get3A_337] {strides = array<i32>} : memref<128x128xf32, #tpu.memory_space<vmem>>, vector<16xf32>,
        %sub3A_339 = arith.subf %get3A_338, %get3A_278 : vector<16xf32>
        %mul3A_340 = arith.mulf %sub3A_339, %sub3A_339 : vector<16xf32>
        %add3A_341 = arith.addf %add3A_335, %mul3A_340 : vector<16xf32>
        %get3A_342 = arith.index_cast %add3A_310 : i32 to index
        %get3A_343 = arith.constant 80 : index
        %get3A_344 = tpu.vector_load %arg11[%get3A_342, %get3A_343] {strides = array<i32>} : memref<128x128xf32, #tpu.memory_space<vmem>>, vector<16xf32>,
        %sub3A_345 = arith.subf %get3A_344, %get3A_281 : vector<16xf32>
        %mul3A_346 = arith.mulf %sub3A_345, %sub3A_345 : vector<16xf32>
        %add3A_347 = arith.addf %add3A_341, %mul3A_346 : vector<16xf32>
        %get3A_348 = arith.index_cast %add3A_310 : i32 to index
        %get3A_349 = arith.constant 96 : index
        %get3A_350 = tpu.vector_load %arg11[%get3A_348, %get3A_349] {strides = array<i32>} : memref<128x128xf32, #tpu.memory_space<vmem>>, vector<16xf32>,
        %sub3A_351 = arith.subf %get3A_350, %get3A_284 : vector<16xf32>
        %mul3A_352 = arith.mulf %sub3A_351, %sub3A_351 : vector<16xf32>
        %add3A_353 = arith.addf %add3A_347, %mul3A_352 : vector<16xf32>
        %get3A_354 = arith.index_cast %add3A_310 : i32 to index
        %get3A_355 = arith.constant 112 : index
        %get3A_356 = tpu.vector_load %arg11[%get3A_354, %get3A_355] {strides = array<i32>} : memref<128x128xf32, #tpu.memory_space<vmem>>, vector<16xf32>,
        %sub3A_357 = arith.subf %get3A_356, %get3A_287 : vector<16xf32>
        %mul3A_358 = arith.mulf %sub3A_357, %sub3A_357 : vector<16xf32>
        %add3A_359 = arith.addf %add3A_353, %mul3A_358 : vector<16xf32>
        %reduce_sum3A = arith.constant true
        %reduce_sum3A_360 = vector.broadcast %reduce_sum3A : i1 to vector<16xi1>
        %reduce_sum3A_361 = tpu.scan <sum>, %add3A_359 masked %reduce_sum3A_360 : vector<16xf32>, vector<16xi1> -> vector<16xf32>
        %reduce_sum3A_362 = vector.extract %reduce_sum3A_361[15] : f32 from vector<16xf32>
        %eq3A = vector.broadcast %scan3A_306 : i32 to vector<16xi32>
        %eq3A_363 = arith.cmpi eq, %iota3A, %eq3A : vector<16xi32>
        %broadcast_in_dim3A_364 = vector.broadcast %reduce_sum3A_362 : f32 to vector<16xf32>
        %select_n3A = arith.select %eq3A_363, %broadcast_in_dim3A_364, %scan3A_307 : vector<16xi1>, vector<16xf32>
        scf.yield %select_n3A : vector<16xf32>
      }
      %scan3A_294 = arith.constant 16 : i32
      %mul3A_295 = arith.constant 16 : i32
      %mul3A_296 = arith.muli %add3A_264, %mul3A_295 : i32
      %swap3A = arith.index_cast %mul3A_296 : i32 to index
      %swap3A_297 = tpu.vector_load %arg12[%swap3A] {strides = array<i32>} : memref<2048xf32, #tpu.memory_space<vmem>>, vector<16xf32>,
      tpu.vector_store %arg12[%swap3A], %scan3A_293 {strides = array<i32>} : memref<2048xf32, #tpu.memory_space<vmem>>, vector<16xf32>,
      %mul3A_298 = arith.constant 16 : i32
      %mul3A_299 = arith.muli %add3A_264, %mul3A_298 : i32
      %get3A_300 = arith.index_cast %mul3A_299 : i32 to index
      %get3A_301 = tpu.vector_load %arg8[%get3A_300] {strides = array<i32>} : memref<2048xi32, #tpu.memory_space<vmem>>, vector<16xi32>,
      %gather3A = tpu.vector_load_idx %arg7[%get3A_301] : memref<4096xf32, #tpu.memory_space<vmem>>[vector<16xi32>], vector<16xf32>,
      %mul3A_302 = arith.constant 16 : i32
      %mul3A_303 = arith.muli %add3A_264, %mul3A_302 : i32
      %swap3A_304 = arith.index_cast %mul3A_303 : i32 to index
      %swap3A_305 = tpu.vector_load %arg13[%swap3A_304] {strides = array<i32>} : memref<2048xf32, #tpu.memory_space<vmem>>, vector<16xf32>,
      tpu.vector_store %arg13[%swap3A_304], %gather3A {strides = array<i32>} : memref<2048xf32, #tpu.memory_space<vmem>>, vector<16xf32>,
    }
    %scan3A_198 = arith.constant 8 : i32
    %dma_start3A_199 = arith.constant 1664 : i32
    %dma_start3A_200 = tpu.memref_slice %arg8[%dma_start3A_199] : memref<2048xi32, #tpu.memory_space<vmem>> -> memref<128xi32, #tpu.memory_space<vmem>>
    %dma_start3A_201 = arith.constant 0 : i32
    %dma_start3A_202 = arith.constant 0 : i32
    %dma_start3A_203 = tpu.memref_slice %arg2[%dma_start3A_201, %dma_start3A_202] : memref<4096x128xf32, #tpu.memory_space<hbm>> -> memref<4096x128xf32, #tpu.memory_space<hbm>>
    tpu.enqueue_indirect_dma source(%dma_start3A_203 : memref<4096x128xf32, #tpu.memory_space<hbm>>) target(%arg11 : memref<128x128xf32, #tpu.memory_space<vmem>>) offsets(%dma_start3A_200 : memref<128xi32, #tpu.memory_space<vmem>>) semaphore(%arg15 : memref<!tpu.dma_semaphore, #tpu.memory_space<semaphore_mem>>)
    %dma_wait3A_204 = arith.constant 1536 : i32
    %dma_wait3A_205 = tpu.memref_slice %arg8[%dma_wait3A_204] : memref<2048xi32, #tpu.memory_space<vmem>> -> memref<128xi32, #tpu.memory_space<vmem>>
    %dma_wait3A_206 = arith.constant 0 : i32
    %dma_wait3A_207 = arith.constant 0 : i32
    %dma_wait3A_208 = tpu.memref_slice %arg2[%dma_wait3A_206, %dma_wait3A_207] : memref<4096x128xf32, #tpu.memory_space<hbm>> -> memref<4096x128xf32, #tpu.memory_space<hbm>>
    tpu.wait_indirect_dma semaphore(%arg14 : memref<!tpu.dma_semaphore, #tpu.memory_space<semaphore_mem>>) src(%dma_wait3A_208 : memref<4096x128xf32, #tpu.memory_space<hbm>>) dst(%arg10 : memref<128x128xf32, #tpu.memory_space<vmem>>)
    %scan3A_209 = arith.constant 0 : i32
    %scan3A_210 = arith.constant 0 : i32
    %scan3A_211 = arith.constant 8 : i32
    %scan3A_212 = arith.addi %scan3A_210, %scan3A_211 : i32
    %scan3A_213 = arith.constant 1 : i32
    scf.for %scan3A_262 = %scan3A_210 to %scan3A_212 step %scan3A_213  : i32 {
      %add3A_263 = arith.constant 96 : i32
      %add3A_264 = arith.addi %add3A_263, %scan3A_262 : i32
      %get3A = arith.index_cast %add3A_264 : i32 to index
      %get3A_265 = arith.constant 0 : index
      %get3A_266 = tpu.vector_load %arg9[%get3A, %get3A_265] {strides = array<i32>} : memref<128x128xf32, #tpu.memory_space<vmem>>, vector<16xf32>,
      %get3A_267 = arith.index_cast %add3A_264 : i32 to index
      %get3A_268 = arith.constant 16 : index
      %get3A_269 = tpu.vector_load %arg9[%get3A_267, %get3A_268] {strides = array<i32>} : memref<128x128xf32, #tpu.memory_space<vmem>>, vector<16xf32>,
      %get3A_270 = arith.index_cast %add3A_264 : i32 to index
      %get3A_271 = arith.constant 32 : index
      %get3A_272 = tpu.vector_load %arg9[%get3A_270, %get3A_271] {strides = array<i32>} : memref<128x128xf32, #tpu.memory_space<vmem>>, vector<16xf32>,
      %get3A_273 = arith.index_cast %add3A_264 : i32 to index
      %get3A_274 = arith.constant 48 : index
      %get3A_275 = tpu.vector_load %arg9[%get3A_273, %get3A_274] {strides = array<i32>} : memref<128x128xf32, #tpu.memory_space<vmem>>, vector<16xf32>,
      %get3A_276 = arith.index_cast %add3A_264 : i32 to index
      %get3A_277 = arith.constant 64 : index
      %get3A_278 = tpu.vector_load %arg9[%get3A_276, %get3A_277] {strides = array<i32>} : memref<128x128xf32, #tpu.memory_space<vmem>>, vector<16xf32>,
      %get3A_279 = arith.index_cast %add3A_264 : i32 to index
      %get3A_280 = arith.constant 80 : index
      %get3A_281 = tpu.vector_load %arg9[%get3A_279, %get3A_280] {strides = array<i32>} : memref<128x128xf32, #tpu.memory_space<vmem>>, vector<16xf32>,
      %get3A_282 = arith.index_cast %add3A_264 : i32 to index
      %get3A_283 = arith.constant 96 : index
      %get3A_284 = tpu.vector_load %arg9[%get3A_282, %get3A_283] {strides = array<i32>} : memref<128x128xf32, #tpu.memory_space<vmem>>, vector<16xf32>,
      %get3A_285 = arith.index_cast %add3A_264 : i32 to index
      %get3A_286 = arith.constant 112 : index
      %get3A_287 = tpu.vector_load %arg9[%get3A_285, %get3A_286] {strides = array<i32>} : memref<128x128xf32, #tpu.memory_space<vmem>>, vector<16xf32>,
      %broadcast_in_dim3A = arith.constant 0.000000e+00 : f32
      %broadcast_in_dim3A_288 = vector.broadcast %broadcast_in_dim3A : f32 to vector<16xf32>
      %scan3A_289 = arith.constant 0 : i32
      %scan3A_290 = arith.constant 16 : i32
      %scan3A_291 = arith.addi %scan3A_289, %scan3A_290 : i32
      %scan3A_292 = arith.constant 1 : i32
      %scan3A_293 = scf.for %scan3A_306 = %scan3A_289 to %scan3A_291 step %scan3A_292 iter_args(%scan3A_307 = %broadcast_in_dim3A_288) -> (vector<16xf32>)  : i32 {
        %mul3A_308 = arith.constant 16 : i32
        %mul3A_309 = arith.muli %scan3A_262, %mul3A_308 : i32
        %add3A_310 = arith.addi %mul3A_309, %scan3A_306 : i32
        %broadcast_in_dim3A_311 = arith.constant 0.000000e+00 : f32
        %broadcast_in_dim3A_312 = vector.broadcast %broadcast_in_dim3A_311 : f32 to vector<16xf32>
        %get3A_313 = arith.index_cast %add3A_310 : i32 to index
        %get3A_314 = arith.constant 0 : index
        %get3A_315 = tpu.vector_load %arg10[%get3A_313, %get3A_314] {strides = array<i32>} : memref<128x128xf32, #tpu.memory_space<vmem>>, vector<16xf32>,
        %sub3A = arith.subf %get3A_315, %get3A_266 : vector<16xf32>
        %mul3A_316 = arith.mulf %sub3A, %sub3A : vector<16xf32>
        %add3A_317 = arith.addf %broadcast_in_dim3A_312, %mul3A_316 : vector<16xf32>
        %get3A_318 = arith.index_cast %add3A_310 : i32 to index
        %get3A_319 = arith.constant 16 : index
        %get3A_320 = tpu.vector_load %arg10[%get3A_318, %get3A_319] {strides = array<i32>} : memref<128x128xf32, #tpu.memory_space<vmem>>, vector<16xf32>,
        %sub3A_321 = arith.subf %get3A_320, %get3A_269 : vector<16xf32>
        %mul3A_322 = arith.mulf %sub3A_321, %sub3A_321 : vector<16xf32>
        %add3A_323 = arith.addf %add3A_317, %mul3A_322 : vector<16xf32>
        %get3A_324 = arith.index_cast %add3A_310 : i32 to index
        %get3A_325 = arith.constant 32 : index
        %get3A_326 = tpu.vector_load %arg10[%get3A_324, %get3A_325] {strides = array<i32>} : memref<128x128xf32, #tpu.memory_space<vmem>>, vector<16xf32>,
        %sub3A_327 = arith.subf %get3A_326, %get3A_272 : vector<16xf32>
        %mul3A_328 = arith.mulf %sub3A_327, %sub3A_327 : vector<16xf32>
        %add3A_329 = arith.addf %add3A_323, %mul3A_328 : vector<16xf32>
        %get3A_330 = arith.index_cast %add3A_310 : i32 to index
        %get3A_331 = arith.constant 48 : index
        %get3A_332 = tpu.vector_load %arg10[%get3A_330, %get3A_331] {strides = array<i32>} : memref<128x128xf32, #tpu.memory_space<vmem>>, vector<16xf32>,
        %sub3A_333 = arith.subf %get3A_332, %get3A_275 : vector<16xf32>
        %mul3A_334 = arith.mulf %sub3A_333, %sub3A_333 : vector<16xf32>
        %add3A_335 = arith.addf %add3A_329, %mul3A_334 : vector<16xf32>
        %get3A_336 = arith.index_cast %add3A_310 : i32 to index
        %get3A_337 = arith.constant 64 : index
        %get3A_338 = tpu.vector_load %arg10[%get3A_336, %get3A_337] {strides = array<i32>} : memref<128x128xf32, #tpu.memory_space<vmem>>, vector<16xf32>,
        %sub3A_339 = arith.subf %get3A_338, %get3A_278 : vector<16xf32>
        %mul3A_340 = arith.mulf %sub3A_339, %sub3A_339 : vector<16xf32>
        %add3A_341 = arith.addf %add3A_335, %mul3A_340 : vector<16xf32>
        %get3A_342 = arith.index_cast %add3A_310 : i32 to index
        %get3A_343 = arith.constant 80 : index
        %get3A_344 = tpu.vector_load %arg10[%get3A_342, %get3A_343] {strides = array<i32>} : memref<128x128xf32, #tpu.memory_space<vmem>>, vector<16xf32>,
        %sub3A_345 = arith.subf %get3A_344, %get3A_281 : vector<16xf32>
        %mul3A_346 = arith.mulf %sub3A_345, %sub3A_345 : vector<16xf32>
        %add3A_347 = arith.addf %add3A_341, %mul3A_346 : vector<16xf32>
        %get3A_348 = arith.index_cast %add3A_310 : i32 to index
        %get3A_349 = arith.constant 96 : index
        %get3A_350 = tpu.vector_load %arg10[%get3A_348, %get3A_349] {strides = array<i32>} : memref<128x128xf32, #tpu.memory_space<vmem>>, vector<16xf32>,
        %sub3A_351 = arith.subf %get3A_350, %get3A_284 : vector<16xf32>
        %mul3A_352 = arith.mulf %sub3A_351, %sub3A_351 : vector<16xf32>
        %add3A_353 = arith.addf %add3A_347, %mul3A_352 : vector<16xf32>
        %get3A_354 = arith.index_cast %add3A_310 : i32 to index
        %get3A_355 = arith.constant 112 : index
        %get3A_356 = tpu.vector_load %arg10[%get3A_354, %get3A_355] {strides = array<i32>} : memref<128x128xf32, #tpu.memory_space<vmem>>, vector<16xf32>,
        %sub3A_357 = arith.subf %get3A_356, %get3A_287 : vector<16xf32>
        %mul3A_358 = arith.mulf %sub3A_357, %sub3A_357 : vector<16xf32>
        %add3A_359 = arith.addf %add3A_353, %mul3A_358 : vector<16xf32>
        %reduce_sum3A = arith.constant true
        %reduce_sum3A_360 = vector.broadcast %reduce_sum3A : i1 to vector<16xi1>
        %reduce_sum3A_361 = tpu.scan <sum>, %add3A_359 masked %reduce_sum3A_360 : vector<16xf32>, vector<16xi1> -> vector<16xf32>
        %reduce_sum3A_362 = vector.extract %reduce_sum3A_361[15] : f32 from vector<16xf32>
        %eq3A = vector.broadcast %scan3A_306 : i32 to vector<16xi32>
        %eq3A_363 = arith.cmpi eq, %iota3A, %eq3A : vector<16xi32>
        %broadcast_in_dim3A_364 = vector.broadcast %reduce_sum3A_362 : f32 to vector<16xf32>
        %select_n3A = arith.select %eq3A_363, %broadcast_in_dim3A_364, %scan3A_307 : vector<16xi1>, vector<16xf32>
        scf.yield %select_n3A : vector<16xf32>
      }
      %scan3A_294 = arith.constant 16 : i32
      %mul3A_295 = arith.constant 16 : i32
      %mul3A_296 = arith.muli %add3A_264, %mul3A_295 : i32
      %swap3A = arith.index_cast %mul3A_296 : i32 to index
      %swap3A_297 = tpu.vector_load %arg12[%swap3A] {strides = array<i32>} : memref<2048xf32, #tpu.memory_space<vmem>>, vector<16xf32>,
      tpu.vector_store %arg12[%swap3A], %scan3A_293 {strides = array<i32>} : memref<2048xf32, #tpu.memory_space<vmem>>, vector<16xf32>,
      %mul3A_298 = arith.constant 16 : i32
      %mul3A_299 = arith.muli %add3A_264, %mul3A_298 : i32
      %get3A_300 = arith.index_cast %mul3A_299 : i32 to index
      %get3A_301 = tpu.vector_load %arg8[%get3A_300] {strides = array<i32>} : memref<2048xi32, #tpu.memory_space<vmem>>, vector<16xi32>,
      %gather3A = tpu.vector_load_idx %arg7[%get3A_301] : memref<4096xf32, #tpu.memory_space<vmem>>[vector<16xi32>], vector<16xf32>,
      %mul3A_302 = arith.constant 16 : i32
      %mul3A_303 = arith.muli %add3A_264, %mul3A_302 : i32
      %swap3A_304 = arith.index_cast %mul3A_303 : i32 to index
      %swap3A_305 = tpu.vector_load %arg13[%swap3A_304] {strides = array<i32>} : memref<2048xf32, #tpu.memory_space<vmem>>, vector<16xf32>,
      tpu.vector_store %arg13[%swap3A_304], %gather3A {strides = array<i32>} : memref<2048xf32, #tpu.memory_space<vmem>>, vector<16xf32>,
    }
    %scan3A_214 = arith.constant 8 : i32
    %dma_start3A_215 = arith.constant 1792 : i32
    %dma_start3A_216 = tpu.memref_slice %arg8[%dma_start3A_215] : memref<2048xi32, #tpu.memory_space<vmem>> -> memref<128xi32, #tpu.memory_space<vmem>>
    %dma_start3A_217 = arith.constant 0 : i32
    %dma_start3A_218 = arith.constant 0 : i32
    %dma_start3A_219 = tpu.memref_slice %arg2[%dma_start3A_217, %dma_start3A_218] : memref<4096x128xf32, #tpu.memory_space<hbm>> -> memref<4096x128xf32, #tpu.memory_space<hbm>>
    tpu.enqueue_indirect_dma source(%dma_start3A_219 : memref<4096x128xf32, #tpu.memory_space<hbm>>) target(%arg10 : memref<128x128xf32, #tpu.memory_space<vmem>>) offsets(%dma_start3A_216 : memref<128xi32, #tpu.memory_space<vmem>>) semaphore(%arg14 : memref<!tpu.dma_semaphore, #tpu.memory_space<semaphore_mem>>)
    %dma_wait3A_220 = arith.constant 1664 : i32
    %dma_wait3A_221 = tpu.memref_slice %arg8[%dma_wait3A_220] : memref<2048xi32, #tpu.memory_space<vmem>> -> memref<128xi32, #tpu.memory_space<vmem>>
    %dma_wait3A_222 = arith.constant 0 : i32
    %dma_wait3A_223 = arith.constant 0 : i32
    %dma_wait3A_224 = tpu.memref_slice %arg2[%dma_wait3A_222, %dma_wait3A_223] : memref<4096x128xf32, #tpu.memory_space<hbm>> -> memref<4096x128xf32, #tpu.memory_space<hbm>>
    tpu.wait_indirect_dma semaphore(%arg15 : memref<!tpu.dma_semaphore, #tpu.memory_space<semaphore_mem>>) src(%dma_wait3A_224 : memref<4096x128xf32, #tpu.memory_space<hbm>>) dst(%arg11 : memref<128x128xf32, #tpu.memory_space<vmem>>)
    %scan3A_225 = arith.constant 0 : i32
    %scan3A_226 = arith.constant 0 : i32
    %scan3A_227 = arith.constant 8 : i32
    %scan3A_228 = arith.addi %scan3A_226, %scan3A_227 : i32
    %scan3A_229 = arith.constant 1 : i32
    scf.for %scan3A_262 = %scan3A_226 to %scan3A_228 step %scan3A_229  : i32 {
      %add3A_263 = arith.constant 104 : i32
      %add3A_264 = arith.addi %add3A_263, %scan3A_262 : i32
      %get3A = arith.index_cast %add3A_264 : i32 to index
      %get3A_265 = arith.constant 0 : index
      %get3A_266 = tpu.vector_load %arg9[%get3A, %get3A_265] {strides = array<i32>} : memref<128x128xf32, #tpu.memory_space<vmem>>, vector<16xf32>,
      %get3A_267 = arith.index_cast %add3A_264 : i32 to index
      %get3A_268 = arith.constant 16 : index
      %get3A_269 = tpu.vector_load %arg9[%get3A_267, %get3A_268] {strides = array<i32>} : memref<128x128xf32, #tpu.memory_space<vmem>>, vector<16xf32>,
      %get3A_270 = arith.index_cast %add3A_264 : i32 to index
      %get3A_271 = arith.constant 32 : index
      %get3A_272 = tpu.vector_load %arg9[%get3A_270, %get3A_271] {strides = array<i32>} : memref<128x128xf32, #tpu.memory_space<vmem>>, vector<16xf32>,
      %get3A_273 = arith.index_cast %add3A_264 : i32 to index
      %get3A_274 = arith.constant 48 : index
      %get3A_275 = tpu.vector_load %arg9[%get3A_273, %get3A_274] {strides = array<i32>} : memref<128x128xf32, #tpu.memory_space<vmem>>, vector<16xf32>,
      %get3A_276 = arith.index_cast %add3A_264 : i32 to index
      %get3A_277 = arith.constant 64 : index
      %get3A_278 = tpu.vector_load %arg9[%get3A_276, %get3A_277] {strides = array<i32>} : memref<128x128xf32, #tpu.memory_space<vmem>>, vector<16xf32>,
      %get3A_279 = arith.index_cast %add3A_264 : i32 to index
      %get3A_280 = arith.constant 80 : index
      %get3A_281 = tpu.vector_load %arg9[%get3A_279, %get3A_280] {strides = array<i32>} : memref<128x128xf32, #tpu.memory_space<vmem>>, vector<16xf32>,
      %get3A_282 = arith.index_cast %add3A_264 : i32 to index
      %get3A_283 = arith.constant 96 : index
      %get3A_284 = tpu.vector_load %arg9[%get3A_282, %get3A_283] {strides = array<i32>} : memref<128x128xf32, #tpu.memory_space<vmem>>, vector<16xf32>,
      %get3A_285 = arith.index_cast %add3A_264 : i32 to index
      %get3A_286 = arith.constant 112 : index
      %get3A_287 = tpu.vector_load %arg9[%get3A_285, %get3A_286] {strides = array<i32>} : memref<128x128xf32, #tpu.memory_space<vmem>>, vector<16xf32>,
      %broadcast_in_dim3A = arith.constant 0.000000e+00 : f32
      %broadcast_in_dim3A_288 = vector.broadcast %broadcast_in_dim3A : f32 to vector<16xf32>
      %scan3A_289 = arith.constant 0 : i32
      %scan3A_290 = arith.constant 16 : i32
      %scan3A_291 = arith.addi %scan3A_289, %scan3A_290 : i32
      %scan3A_292 = arith.constant 1 : i32
      %scan3A_293 = scf.for %scan3A_306 = %scan3A_289 to %scan3A_291 step %scan3A_292 iter_args(%scan3A_307 = %broadcast_in_dim3A_288) -> (vector<16xf32>)  : i32 {
        %mul3A_308 = arith.constant 16 : i32
        %mul3A_309 = arith.muli %scan3A_262, %mul3A_308 : i32
        %add3A_310 = arith.addi %mul3A_309, %scan3A_306 : i32
        %broadcast_in_dim3A_311 = arith.constant 0.000000e+00 : f32
        %broadcast_in_dim3A_312 = vector.broadcast %broadcast_in_dim3A_311 : f32 to vector<16xf32>
        %get3A_313 = arith.index_cast %add3A_310 : i32 to index
        %get3A_314 = arith.constant 0 : index
        %get3A_315 = tpu.vector_load %arg11[%get3A_313, %get3A_314] {strides = array<i32>} : memref<128x128xf32, #tpu.memory_space<vmem>>, vector<16xf32>,
        %sub3A = arith.subf %get3A_315, %get3A_266 : vector<16xf32>
        %mul3A_316 = arith.mulf %sub3A, %sub3A : vector<16xf32>
        %add3A_317 = arith.addf %broadcast_in_dim3A_312, %mul3A_316 : vector<16xf32>
        %get3A_318 = arith.index_cast %add3A_310 : i32 to index
        %get3A_319 = arith.constant 16 : index
        %get3A_320 = tpu.vector_load %arg11[%get3A_318, %get3A_319] {strides = array<i32>} : memref<128x128xf32, #tpu.memory_space<vmem>>, vector<16xf32>,
        %sub3A_321 = arith.subf %get3A_320, %get3A_269 : vector<16xf32>
        %mul3A_322 = arith.mulf %sub3A_321, %sub3A_321 : vector<16xf32>
        %add3A_323 = arith.addf %add3A_317, %mul3A_322 : vector<16xf32>
        %get3A_324 = arith.index_cast %add3A_310 : i32 to index
        %get3A_325 = arith.constant 32 : index
        %get3A_326 = tpu.vector_load %arg11[%get3A_324, %get3A_325] {strides = array<i32>} : memref<128x128xf32, #tpu.memory_space<vmem>>, vector<16xf32>,
        %sub3A_327 = arith.subf %get3A_326, %get3A_272 : vector<16xf32>
        %mul3A_328 = arith.mulf %sub3A_327, %sub3A_327 : vector<16xf32>
        %add3A_329 = arith.addf %add3A_323, %mul3A_328 : vector<16xf32>
        %get3A_330 = arith.index_cast %add3A_310 : i32 to index
        %get3A_331 = arith.constant 48 : index
        %get3A_332 = tpu.vector_load %arg11[%get3A_330, %get3A_331] {strides = array<i32>} : memref<128x128xf32, #tpu.memory_space<vmem>>, vector<16xf32>,
        %sub3A_333 = arith.subf %get3A_332, %get3A_275 : vector<16xf32>
        %mul3A_334 = arith.mulf %sub3A_333, %sub3A_333 : vector<16xf32>
        %add3A_335 = arith.addf %add3A_329, %mul3A_334 : vector<16xf32>
        %get3A_336 = arith.index_cast %add3A_310 : i32 to index
        %get3A_337 = arith.constant 64 : index
        %get3A_338 = tpu.vector_load %arg11[%get3A_336, %get3A_337] {strides = array<i32>} : memref<128x128xf32, #tpu.memory_space<vmem>>, vector<16xf32>,
        %sub3A_339 = arith.subf %get3A_338, %get3A_278 : vector<16xf32>
        %mul3A_340 = arith.mulf %sub3A_339, %sub3A_339 : vector<16xf32>
        %add3A_341 = arith.addf %add3A_335, %mul3A_340 : vector<16xf32>
        %get3A_342 = arith.index_cast %add3A_310 : i32 to index
        %get3A_343 = arith.constant 80 : index
        %get3A_344 = tpu.vector_load %arg11[%get3A_342, %get3A_343] {strides = array<i32>} : memref<128x128xf32, #tpu.memory_space<vmem>>, vector<16xf32>,
        %sub3A_345 = arith.subf %get3A_344, %get3A_281 : vector<16xf32>
        %mul3A_346 = arith.mulf %sub3A_345, %sub3A_345 : vector<16xf32>
        %add3A_347 = arith.addf %add3A_341, %mul3A_346 : vector<16xf32>
        %get3A_348 = arith.index_cast %add3A_310 : i32 to index
        %get3A_349 = arith.constant 96 : index
        %get3A_350 = tpu.vector_load %arg11[%get3A_348, %get3A_349] {strides = array<i32>} : memref<128x128xf32, #tpu.memory_space<vmem>>, vector<16xf32>,
        %sub3A_351 = arith.subf %get3A_350, %get3A_284 : vector<16xf32>
        %mul3A_352 = arith.mulf %sub3A_351, %sub3A_351 : vector<16xf32>
        %add3A_353 = arith.addf %add3A_347, %mul3A_352 : vector<16xf32>
        %get3A_354 = arith.index_cast %add3A_310 : i32 to index
        %get3A_355 = arith.constant 112 : index
        %get3A_356 = tpu.vector_load %arg11[%get3A_354, %get3A_355] {strides = array<i32>} : memref<128x128xf32, #tpu.memory_space<vmem>>, vector<16xf32>,
        %sub3A_357 = arith.subf %get3A_356, %get3A_287 : vector<16xf32>
        %mul3A_358 = arith.mulf %sub3A_357, %sub3A_357 : vector<16xf32>
        %add3A_359 = arith.addf %add3A_353, %mul3A_358 : vector<16xf32>
        %reduce_sum3A = arith.constant true
        %reduce_sum3A_360 = vector.broadcast %reduce_sum3A : i1 to vector<16xi1>
        %reduce_sum3A_361 = tpu.scan <sum>, %add3A_359 masked %reduce_sum3A_360 : vector<16xf32>, vector<16xi1> -> vector<16xf32>
        %reduce_sum3A_362 = vector.extract %reduce_sum3A_361[15] : f32 from vector<16xf32>
        %eq3A = vector.broadcast %scan3A_306 : i32 to vector<16xi32>
        %eq3A_363 = arith.cmpi eq, %iota3A, %eq3A : vector<16xi32>
        %broadcast_in_dim3A_364 = vector.broadcast %reduce_sum3A_362 : f32 to vector<16xf32>
        %select_n3A = arith.select %eq3A_363, %broadcast_in_dim3A_364, %scan3A_307 : vector<16xi1>, vector<16xf32>
        scf.yield %select_n3A : vector<16xf32>
      }
      %scan3A_294 = arith.constant 16 : i32
      %mul3A_295 = arith.constant 16 : i32
      %mul3A_296 = arith.muli %add3A_264, %mul3A_295 : i32
      %swap3A = arith.index_cast %mul3A_296 : i32 to index
      %swap3A_297 = tpu.vector_load %arg12[%swap3A] {strides = array<i32>} : memref<2048xf32, #tpu.memory_space<vmem>>, vector<16xf32>,
      tpu.vector_store %arg12[%swap3A], %scan3A_293 {strides = array<i32>} : memref<2048xf32, #tpu.memory_space<vmem>>, vector<16xf32>,
      %mul3A_298 = arith.constant 16 : i32
      %mul3A_299 = arith.muli %add3A_264, %mul3A_298 : i32
      %get3A_300 = arith.index_cast %mul3A_299 : i32 to index
      %get3A_301 = tpu.vector_load %arg8[%get3A_300] {strides = array<i32>} : memref<2048xi32, #tpu.memory_space<vmem>>, vector<16xi32>,
      %gather3A = tpu.vector_load_idx %arg7[%get3A_301] : memref<4096xf32, #tpu.memory_space<vmem>>[vector<16xi32>], vector<16xf32>,
      %mul3A_302 = arith.constant 16 : i32
      %mul3A_303 = arith.muli %add3A_264, %mul3A_302 : i32
      %swap3A_304 = arith.index_cast %mul3A_303 : i32 to index
      %swap3A_305 = tpu.vector_load %arg13[%swap3A_304] {strides = array<i32>} : memref<2048xf32, #tpu.memory_space<vmem>>, vector<16xf32>,
      tpu.vector_store %arg13[%swap3A_304], %gather3A {strides = array<i32>} : memref<2048xf32, #tpu.memory_space<vmem>>, vector<16xf32>,
    }
    %scan3A_230 = arith.constant 8 : i32
    %dma_start3A_231 = arith.constant 1920 : i32
    %dma_start3A_232 = tpu.memref_slice %arg8[%dma_start3A_231] : memref<2048xi32, #tpu.memory_space<vmem>> -> memref<128xi32, #tpu.memory_space<vmem>>
    %dma_start3A_233 = arith.constant 0 : i32
    %dma_start3A_234 = arith.constant 0 : i32
    %dma_start3A_235 = tpu.memref_slice %arg2[%dma_start3A_233, %dma_start3A_234] : memref<4096x128xf32, #tpu.memory_space<hbm>> -> memref<4096x128xf32, #tpu.memory_space<hbm>>
    tpu.enqueue_indirect_dma source(%dma_start3A_235 : memref<4096x128xf32, #tpu.memory_space<hbm>>) target(%arg11 : memref<128x128xf32, #tpu.memory_space<vmem>>) offsets(%dma_start3A_232 : memref<128xi32, #tpu.memory_space<vmem>>) semaphore(%arg15 : memref<!tpu.dma_semaphore, #tpu.memory_space<semaphore_mem>>)
    %dma_wait3A_236 = arith.constant 1792 : i32
    %dma_wait3A_237 = tpu.memref_slice %arg8[%dma_wait3A_236] : memref<2048xi32, #tpu.memory_space<vmem>> -> memref<128xi32, #tpu.memory_space<vmem>>
    %dma_wait3A_238 = arith.constant 0 : i32
    %dma_wait3A_239 = arith.constant 0 : i32
    %dma_wait3A_240 = tpu.memref_slice %arg2[%dma_wait3A_238, %dma_wait3A_239] : memref<4096x128xf32, #tpu.memory_space<hbm>> -> memref<4096x128xf32, #tpu.memory_space<hbm>>
    tpu.wait_indirect_dma semaphore(%arg14 : memref<!tpu.dma_semaphore, #tpu.memory_space<semaphore_mem>>) src(%dma_wait3A_240 : memref<4096x128xf32, #tpu.memory_space<hbm>>) dst(%arg10 : memref<128x128xf32, #tpu.memory_space<vmem>>)
    %scan3A_241 = arith.constant 0 : i32
    %scan3A_242 = arith.constant 0 : i32
    %scan3A_243 = arith.constant 8 : i32
    %scan3A_244 = arith.addi %scan3A_242, %scan3A_243 : i32
    %scan3A_245 = arith.constant 1 : i32
    scf.for %scan3A_262 = %scan3A_242 to %scan3A_244 step %scan3A_245  : i32 {
      %add3A_263 = arith.constant 112 : i32
      %add3A_264 = arith.addi %add3A_263, %scan3A_262 : i32
      %get3A = arith.index_cast %add3A_264 : i32 to index
      %get3A_265 = arith.constant 0 : index
      %get3A_266 = tpu.vector_load %arg9[%get3A, %get3A_265] {strides = array<i32>} : memref<128x128xf32, #tpu.memory_space<vmem>>, vector<16xf32>,
      %get3A_267 = arith.index_cast %add3A_264 : i32 to index
      %get3A_268 = arith.constant 16 : index
      %get3A_269 = tpu.vector_load %arg9[%get3A_267, %get3A_268] {strides = array<i32>} : memref<128x128xf32, #tpu.memory_space<vmem>>, vector<16xf32>,
      %get3A_270 = arith.index_cast %add3A_264 : i32 to index
      %get3A_271 = arith.constant 32 : index
      %get3A_272 = tpu.vector_load %arg9[%get3A_270, %get3A_271] {strides = array<i32>} : memref<128x128xf32, #tpu.memory_space<vmem>>, vector<16xf32>,
      %get3A_273 = arith.index_cast %add3A_264 : i32 to index
      %get3A_274 = arith.constant 48 : index
      %get3A_275 = tpu.vector_load %arg9[%get3A_273, %get3A_274] {strides = array<i32>} : memref<128x128xf32, #tpu.memory_space<vmem>>, vector<16xf32>,
      %get3A_276 = arith.index_cast %add3A_264 : i32 to index
      %get3A_277 = arith.constant 64 : index
      %get3A_278 = tpu.vector_load %arg9[%get3A_276, %get3A_277] {strides = array<i32>} : memref<128x128xf32, #tpu.memory_space<vmem>>, vector<16xf32>,
      %get3A_279 = arith.index_cast %add3A_264 : i32 to index
      %get3A_280 = arith.constant 80 : index
      %get3A_281 = tpu.vector_load %arg9[%get3A_279, %get3A_280] {strides = array<i32>} : memref<128x128xf32, #tpu.memory_space<vmem>>, vector<16xf32>,
      %get3A_282 = arith.index_cast %add3A_264 : i32 to index
      %get3A_283 = arith.constant 96 : index
      %get3A_284 = tpu.vector_load %arg9[%get3A_282, %get3A_283] {strides = array<i32>} : memref<128x128xf32, #tpu.memory_space<vmem>>, vector<16xf32>,
      %get3A_285 = arith.index_cast %add3A_264 : i32 to index
      %get3A_286 = arith.constant 112 : index
      %get3A_287 = tpu.vector_load %arg9[%get3A_285, %get3A_286] {strides = array<i32>} : memref<128x128xf32, #tpu.memory_space<vmem>>, vector<16xf32>,
      %broadcast_in_dim3A = arith.constant 0.000000e+00 : f32
      %broadcast_in_dim3A_288 = vector.broadcast %broadcast_in_dim3A : f32 to vector<16xf32>
      %scan3A_289 = arith.constant 0 : i32
      %scan3A_290 = arith.constant 16 : i32
      %scan3A_291 = arith.addi %scan3A_289, %scan3A_290 : i32
      %scan3A_292 = arith.constant 1 : i32
      %scan3A_293 = scf.for %scan3A_306 = %scan3A_289 to %scan3A_291 step %scan3A_292 iter_args(%scan3A_307 = %broadcast_in_dim3A_288) -> (vector<16xf32>)  : i32 {
        %mul3A_308 = arith.constant 16 : i32
        %mul3A_309 = arith.muli %scan3A_262, %mul3A_308 : i32
        %add3A_310 = arith.addi %mul3A_309, %scan3A_306 : i32
        %broadcast_in_dim3A_311 = arith.constant 0.000000e+00 : f32
        %broadcast_in_dim3A_312 = vector.broadcast %broadcast_in_dim3A_311 : f32 to vector<16xf32>
        %get3A_313 = arith.index_cast %add3A_310 : i32 to index
        %get3A_314 = arith.constant 0 : index
        %get3A_315 = tpu.vector_load %arg10[%get3A_313, %get3A_314] {strides = array<i32>} : memref<128x128xf32, #tpu.memory_space<vmem>>, vector<16xf32>,
        %sub3A = arith.subf %get3A_315, %get3A_266 : vector<16xf32>
        %mul3A_316 = arith.mulf %sub3A, %sub3A : vector<16xf32>
        %add3A_317 = arith.addf %broadcast_in_dim3A_312, %mul3A_316 : vector<16xf32>
        %get3A_318 = arith.index_cast %add3A_310 : i32 to index
        %get3A_319 = arith.constant 16 : index
        %get3A_320 = tpu.vector_load %arg10[%get3A_318, %get3A_319] {strides = array<i32>} : memref<128x128xf32, #tpu.memory_space<vmem>>, vector<16xf32>,
        %sub3A_321 = arith.subf %get3A_320, %get3A_269 : vector<16xf32>
        %mul3A_322 = arith.mulf %sub3A_321, %sub3A_321 : vector<16xf32>
        %add3A_323 = arith.addf %add3A_317, %mul3A_322 : vector<16xf32>
        %get3A_324 = arith.index_cast %add3A_310 : i32 to index
        %get3A_325 = arith.constant 32 : index
        %get3A_326 = tpu.vector_load %arg10[%get3A_324, %get3A_325] {strides = array<i32>} : memref<128x128xf32, #tpu.memory_space<vmem>>, vector<16xf32>,
        %sub3A_327 = arith.subf %get3A_326, %get3A_272 : vector<16xf32>
        %mul3A_328 = arith.mulf %sub3A_327, %sub3A_327 : vector<16xf32>
        %add3A_329 = arith.addf %add3A_323, %mul3A_328 : vector<16xf32>
        %get3A_330 = arith.index_cast %add3A_310 : i32 to index
        %get3A_331 = arith.constant 48 : index
        %get3A_332 = tpu.vector_load %arg10[%get3A_330, %get3A_331] {strides = array<i32>} : memref<128x128xf32, #tpu.memory_space<vmem>>, vector<16xf32>,
        %sub3A_333 = arith.subf %get3A_332, %get3A_275 : vector<16xf32>
        %mul3A_334 = arith.mulf %sub3A_333, %sub3A_333 : vector<16xf32>
        %add3A_335 = arith.addf %add3A_329, %mul3A_334 : vector<16xf32>
        %get3A_336 = arith.index_cast %add3A_310 : i32 to index
        %get3A_337 = arith.constant 64 : index
        %get3A_338 = tpu.vector_load %arg10[%get3A_336, %get3A_337] {strides = array<i32>} : memref<128x128xf32, #tpu.memory_space<vmem>>, vector<16xf32>,
        %sub3A_339 = arith.subf %get3A_338, %get3A_278 : vector<16xf32>
        %mul3A_340 = arith.mulf %sub3A_339, %sub3A_339 : vector<16xf32>
        %add3A_341 = arith.addf %add3A_335, %mul3A_340 : vector<16xf32>
        %get3A_342 = arith.index_cast %add3A_310 : i32 to index
        %get3A_343 = arith.constant 80 : index
        %get3A_344 = tpu.vector_load %arg10[%get3A_342, %get3A_343] {strides = array<i32>} : memref<128x128xf32, #tpu.memory_space<vmem>>, vector<16xf32>,
        %sub3A_345 = arith.subf %get3A_344, %get3A_281 : vector<16xf32>
        %mul3A_346 = arith.mulf %sub3A_345, %sub3A_345 : vector<16xf32>
        %add3A_347 = arith.addf %add3A_341, %mul3A_346 : vector<16xf32>
        %get3A_348 = arith.index_cast %add3A_310 : i32 to index
        %get3A_349 = arith.constant 96 : index
        %get3A_350 = tpu.vector_load %arg10[%get3A_348, %get3A_349] {strides = array<i32>} : memref<128x128xf32, #tpu.memory_space<vmem>>, vector<16xf32>,
        %sub3A_351 = arith.subf %get3A_350, %get3A_284 : vector<16xf32>
        %mul3A_352 = arith.mulf %sub3A_351, %sub3A_351 : vector<16xf32>
        %add3A_353 = arith.addf %add3A_347, %mul3A_352 : vector<16xf32>
        %get3A_354 = arith.index_cast %add3A_310 : i32 to index
        %get3A_355 = arith.constant 112 : index
        %get3A_356 = tpu.vector_load %arg10[%get3A_354, %get3A_355] {strides = array<i32>} : memref<128x128xf32, #tpu.memory_space<vmem>>, vector<16xf32>,
        %sub3A_357 = arith.subf %get3A_356, %get3A_287 : vector<16xf32>
        %mul3A_358 = arith.mulf %sub3A_357, %sub3A_357 : vector<16xf32>
        %add3A_359 = arith.addf %add3A_353, %mul3A_358 : vector<16xf32>
        %reduce_sum3A = arith.constant true
        %reduce_sum3A_360 = vector.broadcast %reduce_sum3A : i1 to vector<16xi1>
        %reduce_sum3A_361 = tpu.scan <sum>, %add3A_359 masked %reduce_sum3A_360 : vector<16xf32>, vector<16xi1> -> vector<16xf32>
        %reduce_sum3A_362 = vector.extract %reduce_sum3A_361[15] : f32 from vector<16xf32>
        %eq3A = vector.broadcast %scan3A_306 : i32 to vector<16xi32>
        %eq3A_363 = arith.cmpi eq, %iota3A, %eq3A : vector<16xi32>
        %broadcast_in_dim3A_364 = vector.broadcast %reduce_sum3A_362 : f32 to vector<16xf32>
        %select_n3A = arith.select %eq3A_363, %broadcast_in_dim3A_364, %scan3A_307 : vector<16xi1>, vector<16xf32>
        scf.yield %select_n3A : vector<16xf32>
      }
      %scan3A_294 = arith.constant 16 : i32
      %mul3A_295 = arith.constant 16 : i32
      %mul3A_296 = arith.muli %add3A_264, %mul3A_295 : i32
      %swap3A = arith.index_cast %mul3A_296 : i32 to index
      %swap3A_297 = tpu.vector_load %arg12[%swap3A] {strides = array<i32>} : memref<2048xf32, #tpu.memory_space<vmem>>, vector<16xf32>,
      tpu.vector_store %arg12[%swap3A], %scan3A_293 {strides = array<i32>} : memref<2048xf32, #tpu.memory_space<vmem>>, vector<16xf32>,
      %mul3A_298 = arith.constant 16 : i32
      %mul3A_299 = arith.muli %add3A_264, %mul3A_298 : i32
      %get3A_300 = arith.index_cast %mul3A_299 : i32 to index
      %get3A_301 = tpu.vector_load %arg8[%get3A_300] {strides = array<i32>} : memref<2048xi32, #tpu.memory_space<vmem>>, vector<16xi32>,
      %gather3A = tpu.vector_load_idx %arg7[%get3A_301] : memref<4096xf32, #tpu.memory_space<vmem>>[vector<16xi32>], vector<16xf32>,
      %mul3A_302 = arith.constant 16 : i32
      %mul3A_303 = arith.muli %add3A_264, %mul3A_302 : i32
      %swap3A_304 = arith.index_cast %mul3A_303 : i32 to index
      %swap3A_305 = tpu.vector_load %arg13[%swap3A_304] {strides = array<i32>} : memref<2048xf32, #tpu.memory_space<vmem>>, vector<16xf32>,
      tpu.vector_store %arg13[%swap3A_304], %gather3A {strides = array<i32>} : memref<2048xf32, #tpu.memory_space<vmem>>, vector<16xf32>,
    }
    %scan3A_246 = arith.constant 8 : i32
    %dma_wait3A_247 = arith.constant 1920 : i32
    %dma_wait3A_248 = tpu.memref_slice %arg8[%dma_wait3A_247] : memref<2048xi32, #tpu.memory_space<vmem>> -> memref<128xi32, #tpu.memory_space<vmem>>
    %dma_wait3A_249 = arith.constant 0 : i32
    %dma_wait3A_250 = arith.constant 0 : i32
    %dma_wait3A_251 = tpu.memref_slice %arg2[%dma_wait3A_249, %dma_wait3A_250] : memref<4096x128xf32, #tpu.memory_space<hbm>> -> memref<4096x128xf32, #tpu.memory_space<hbm>>
    tpu.wait_indirect_dma semaphore(%arg15 : memref<!tpu.dma_semaphore, #tpu.memory_space<semaphore_mem>>) src(%dma_wait3A_251 : memref<4096x128xf32, #tpu.memory_space<hbm>>) dst(%arg11 : memref<128x128xf32, #tpu.memory_space<vmem>>)
    %scan3A_252 = arith.constant 0 : i32
    %scan3A_253 = arith.constant 0 : i32
    %scan3A_254 = arith.constant 8 : i32
    %scan3A_255 = arith.addi %scan3A_253, %scan3A_254 : i32
    %scan3A_256 = arith.constant 1 : i32
    scf.for %scan3A_262 = %scan3A_253 to %scan3A_255 step %scan3A_256  : i32 {
      %add3A_263 = arith.constant 120 : i32
      %add3A_264 = arith.addi %add3A_263, %scan3A_262 : i32
      %get3A = arith.index_cast %add3A_264 : i32 to index
      %get3A_265 = arith.constant 0 : index
      %get3A_266 = tpu.vector_load %arg9[%get3A, %get3A_265] {strides = array<i32>} : memref<128x128xf32, #tpu.memory_space<vmem>>, vector<16xf32>,
      %get3A_267 = arith.index_cast %add3A_264 : i32 to index
      %get3A_268 = arith.constant 16 : index
      %get3A_269 = tpu.vector_load %arg9[%get3A_267, %get3A_268] {strides = array<i32>} : memref<128x128xf32, #tpu.memory_space<vmem>>, vector<16xf32>,
      %get3A_270 = arith.index_cast %add3A_264 : i32 to index
      %get3A_271 = arith.constant 32 : index
      %get3A_272 = tpu.vector_load %arg9[%get3A_270, %get3A_271] {strides = array<i32>} : memref<128x128xf32, #tpu.memory_space<vmem>>, vector<16xf32>,
      %get3A_273 = arith.index_cast %add3A_264 : i32 to index
      %get3A_274 = arith.constant 48 : index
      %get3A_275 = tpu.vector_load %arg9[%get3A_273, %get3A_274] {strides = array<i32>} : memref<128x128xf32, #tpu.memory_space<vmem>>, vector<16xf32>,
      %get3A_276 = arith.index_cast %add3A_264 : i32 to index
      %get3A_277 = arith.constant 64 : index
      %get3A_278 = tpu.vector_load %arg9[%get3A_276, %get3A_277] {strides = array<i32>} : memref<128x128xf32, #tpu.memory_space<vmem>>, vector<16xf32>,
      %get3A_279 = arith.index_cast %add3A_264 : i32 to index
      %get3A_280 = arith.constant 80 : index
      %get3A_281 = tpu.vector_load %arg9[%get3A_279, %get3A_280] {strides = array<i32>} : memref<128x128xf32, #tpu.memory_space<vmem>>, vector<16xf32>,
      %get3A_282 = arith.index_cast %add3A_264 : i32 to index
      %get3A_283 = arith.constant 96 : index
      %get3A_284 = tpu.vector_load %arg9[%get3A_282, %get3A_283] {strides = array<i32>} : memref<128x128xf32, #tpu.memory_space<vmem>>, vector<16xf32>,
      %get3A_285 = arith.index_cast %add3A_264 : i32 to index
      %get3A_286 = arith.constant 112 : index
      %get3A_287 = tpu.vector_load %arg9[%get3A_285, %get3A_286] {strides = array<i32>} : memref<128x128xf32, #tpu.memory_space<vmem>>, vector<16xf32>,
      %broadcast_in_dim3A = arith.constant 0.000000e+00 : f32
      %broadcast_in_dim3A_288 = vector.broadcast %broadcast_in_dim3A : f32 to vector<16xf32>
      %scan3A_289 = arith.constant 0 : i32
      %scan3A_290 = arith.constant 16 : i32
      %scan3A_291 = arith.addi %scan3A_289, %scan3A_290 : i32
      %scan3A_292 = arith.constant 1 : i32
      %scan3A_293 = scf.for %scan3A_306 = %scan3A_289 to %scan3A_291 step %scan3A_292 iter_args(%scan3A_307 = %broadcast_in_dim3A_288) -> (vector<16xf32>)  : i32 {
        %mul3A_308 = arith.constant 16 : i32
        %mul3A_309 = arith.muli %scan3A_262, %mul3A_308 : i32
        %add3A_310 = arith.addi %mul3A_309, %scan3A_306 : i32
        %broadcast_in_dim3A_311 = arith.constant 0.000000e+00 : f32
        %broadcast_in_dim3A_312 = vector.broadcast %broadcast_in_dim3A_311 : f32 to vector<16xf32>
        %get3A_313 = arith.index_cast %add3A_310 : i32 to index
        %get3A_314 = arith.constant 0 : index
        %get3A_315 = tpu.vector_load %arg11[%get3A_313, %get3A_314] {strides = array<i32>} : memref<128x128xf32, #tpu.memory_space<vmem>>, vector<16xf32>,
        %sub3A = arith.subf %get3A_315, %get3A_266 : vector<16xf32>
        %mul3A_316 = arith.mulf %sub3A, %sub3A : vector<16xf32>
        %add3A_317 = arith.addf %broadcast_in_dim3A_312, %mul3A_316 : vector<16xf32>
        %get3A_318 = arith.index_cast %add3A_310 : i32 to index
        %get3A_319 = arith.constant 16 : index
        %get3A_320 = tpu.vector_load %arg11[%get3A_318, %get3A_319] {strides = array<i32>} : memref<128x128xf32, #tpu.memory_space<vmem>>, vector<16xf32>,
        %sub3A_321 = arith.subf %get3A_320, %get3A_269 : vector<16xf32>
        %mul3A_322 = arith.mulf %sub3A_321, %sub3A_321 : vector<16xf32>
        %add3A_323 = arith.addf %add3A_317, %mul3A_322 : vector<16xf32>
        %get3A_324 = arith.index_cast %add3A_310 : i32 to index
        %get3A_325 = arith.constant 32 : index
        %get3A_326 = tpu.vector_load %arg11[%get3A_324, %get3A_325] {strides = array<i32>} : memref<128x128xf32, #tpu.memory_space<vmem>>, vector<16xf32>,
        %sub3A_327 = arith.subf %get3A_326, %get3A_272 : vector<16xf32>
        %mul3A_328 = arith.mulf %sub3A_327, %sub3A_327 : vector<16xf32>
        %add3A_329 = arith.addf %add3A_323, %mul3A_328 : vector<16xf32>
        %get3A_330 = arith.index_cast %add3A_310 : i32 to index
        %get3A_331 = arith.constant 48 : index
        %get3A_332 = tpu.vector_load %arg11[%get3A_330, %get3A_331] {strides = array<i32>} : memref<128x128xf32, #tpu.memory_space<vmem>>, vector<16xf32>,
        %sub3A_333 = arith.subf %get3A_332, %get3A_275 : vector<16xf32>
        %mul3A_334 = arith.mulf %sub3A_333, %sub3A_333 : vector<16xf32>
        %add3A_335 = arith.addf %add3A_329, %mul3A_334 : vector<16xf32>
        %get3A_336 = arith.index_cast %add3A_310 : i32 to index
        %get3A_337 = arith.constant 64 : index
        %get3A_338 = tpu.vector_load %arg11[%get3A_336, %get3A_337] {strides = array<i32>} : memref<128x128xf32, #tpu.memory_space<vmem>>, vector<16xf32>,
        %sub3A_339 = arith.subf %get3A_338, %get3A_278 : vector<16xf32>
        %mul3A_340 = arith.mulf %sub3A_339, %sub3A_339 : vector<16xf32>
        %add3A_341 = arith.addf %add3A_335, %mul3A_340 : vector<16xf32>
        %get3A_342 = arith.index_cast %add3A_310 : i32 to index
        %get3A_343 = arith.constant 80 : index
        %get3A_344 = tpu.vector_load %arg11[%get3A_342, %get3A_343] {strides = array<i32>} : memref<128x128xf32, #tpu.memory_space<vmem>>, vector<16xf32>,
        %sub3A_345 = arith.subf %get3A_344, %get3A_281 : vector<16xf32>
        %mul3A_346 = arith.mulf %sub3A_345, %sub3A_345 : vector<16xf32>
        %add3A_347 = arith.addf %add3A_341, %mul3A_346 : vector<16xf32>
        %get3A_348 = arith.index_cast %add3A_310 : i32 to index
        %get3A_349 = arith.constant 96 : index
        %get3A_350 = tpu.vector_load %arg11[%get3A_348, %get3A_349] {strides = array<i32>} : memref<128x128xf32, #tpu.memory_space<vmem>>, vector<16xf32>,
        %sub3A_351 = arith.subf %get3A_350, %get3A_284 : vector<16xf32>
        %mul3A_352 = arith.mulf %sub3A_351, %sub3A_351 : vector<16xf32>
        %add3A_353 = arith.addf %add3A_347, %mul3A_352 : vector<16xf32>
        %get3A_354 = arith.index_cast %add3A_310 : i32 to index
        %get3A_355 = arith.constant 112 : index
        %get3A_356 = tpu.vector_load %arg11[%get3A_354, %get3A_355] {strides = array<i32>} : memref<128x128xf32, #tpu.memory_space<vmem>>, vector<16xf32>,
        %sub3A_357 = arith.subf %get3A_356, %get3A_287 : vector<16xf32>
        %mul3A_358 = arith.mulf %sub3A_357, %sub3A_357 : vector<16xf32>
        %add3A_359 = arith.addf %add3A_353, %mul3A_358 : vector<16xf32>
        %reduce_sum3A = arith.constant true
        %reduce_sum3A_360 = vector.broadcast %reduce_sum3A : i1 to vector<16xi1>
        %reduce_sum3A_361 = tpu.scan <sum>, %add3A_359 masked %reduce_sum3A_360 : vector<16xf32>, vector<16xi1> -> vector<16xf32>
        %reduce_sum3A_362 = vector.extract %reduce_sum3A_361[15] : f32 from vector<16xf32>
        %eq3A = vector.broadcast %scan3A_306 : i32 to vector<16xi32>
        %eq3A_363 = arith.cmpi eq, %iota3A, %eq3A : vector<16xi32>
        %broadcast_in_dim3A_364 = vector.broadcast %reduce_sum3A_362 : f32 to vector<16xf32>
        %select_n3A = arith.select %eq3A_363, %broadcast_in_dim3A_364, %scan3A_307 : vector<16xi1>, vector<16xf32>
        scf.yield %select_n3A : vector<16xf32>
      }
      %scan3A_294 = arith.constant 16 : i32
      %mul3A_295 = arith.constant 16 : i32
      %mul3A_296 = arith.muli %add3A_264, %mul3A_295 : i32
      %swap3A = arith.index_cast %mul3A_296 : i32 to index
      %swap3A_297 = tpu.vector_load %arg12[%swap3A] {strides = array<i32>} : memref<2048xf32, #tpu.memory_space<vmem>>, vector<16xf32>,
      tpu.vector_store %arg12[%swap3A], %scan3A_293 {strides = array<i32>} : memref<2048xf32, #tpu.memory_space<vmem>>, vector<16xf32>,
      %mul3A_298 = arith.constant 16 : i32
      %mul3A_299 = arith.muli %add3A_264, %mul3A_298 : i32
      %get3A_300 = arith.index_cast %mul3A_299 : i32 to index
      %get3A_301 = tpu.vector_load %arg8[%get3A_300] {strides = array<i32>} : memref<2048xi32, #tpu.memory_space<vmem>>, vector<16xi32>,
      %gather3A = tpu.vector_load_idx %arg7[%get3A_301] : memref<4096xf32, #tpu.memory_space<vmem>>[vector<16xi32>], vector<16xf32>,
      %mul3A_302 = arith.constant 16 : i32
      %mul3A_303 = arith.muli %add3A_264, %mul3A_302 : i32
      %swap3A_304 = arith.index_cast %mul3A_303 : i32 to index
      %swap3A_305 = tpu.vector_load %arg13[%swap3A_304] {strides = array<i32>} : memref<2048xf32, #tpu.memory_space<vmem>>, vector<16xf32>,
      tpu.vector_store %arg13[%swap3A_304], %gather3A {strides = array<i32>} : memref<2048xf32, #tpu.memory_space<vmem>>, vector<16xf32>,
    }
    %scan3A_257 = arith.constant 8 : i32
    %mul3A_258 = arith.constant 16 : i32
    %mul3A_259 = arith.muli %mul3A_2, %mul3A_258 : i32
    "tpu.region"() ({
      %run_scoped3A = tpu.sem_alloc : memref<!tpu.dma_semaphore, #tpu.memory_space<semaphore_mem>>
      %dma_start3A_262 = tpu.memref_slice %arg5[%mul3A_259] : memref<65536xf32, #tpu.memory_space<hbm>> -> memref<2048xf32, #tpu.memory_space<hbm>>
      %dma_start3A_263 = tpu.memref_slice %arg5[%mul3A_259] : memref<65536xf32, #tpu.memory_space<hbm>> -> memref<2048xf32, #tpu.memory_space<hbm>>
      tpu.enqueue_dma source(%arg12 : memref<2048xf32, #tpu.memory_space<vmem>>) target(%dma_start3A_263 : memref<2048xf32, #tpu.memory_space<hbm>>) target_semaphore(%run_scoped3A : memref<!tpu.dma_semaphore, #tpu.memory_space<semaphore_mem>>)
      %dma_wait3A_264 = tpu.memref_slice %arg5[%mul3A_259] : memref<65536xf32, #tpu.memory_space<hbm>> -> memref<2048xf32, #tpu.memory_space<hbm>>
      %dma_wait3A_265 = tpu.memref_slice %arg5[%mul3A_259] : memref<65536xf32, #tpu.memory_space<hbm>> -> memref<2048xf32, #tpu.memory_space<hbm>>
      tpu.wait_dma2 semaphore(%run_scoped3A : memref<!tpu.dma_semaphore, #tpu.memory_space<semaphore_mem>>) src(%arg12 : memref<2048xf32, #tpu.memory_space<vmem>>) dst(%dma_wait3A_265 : memref<2048xf32, #tpu.memory_space<hbm>>)
      tpu.yield
    }) : () -> ()
    %mul3A_260 = arith.constant 16 : i32
    %mul3A_261 = arith.muli %mul3A_2, %mul3A_260 : i32
    "tpu.region"() ({
      %run_scoped3A = tpu.sem_alloc : memref<!tpu.dma_semaphore, #tpu.memory_space<semaphore_mem>>
      %dma_start3A_262 = tpu.memref_slice %arg6[%mul3A_261] : memref<65536xf32, #tpu.memory_space<hbm>> -> memref<2048xf32, #tpu.memory_space<hbm>>
      %dma_start3A_263 = tpu.memref_slice %arg6[%mul3A_261] : memref<65536xf32, #tpu.memory_space<hbm>> -> memref<2048xf32, #tpu.memory_space<hbm>>
      tpu.enqueue_dma source(%arg13 : memref<2048xf32, #tpu.memory_space<vmem>>) target(%dma_start3A_263 : memref<2048xf32, #tpu.memory_space<hbm>>) target_semaphore(%run_scoped3A : memref<!tpu.dma_semaphore, #tpu.memory_space<semaphore_mem>>)
      %dma_wait3A_264 = tpu.memref_slice %arg6[%mul3A_261] : memref<65536xf32, #tpu.memory_space<hbm>> -> memref<2048xf32, #tpu.memory_space<hbm>>
      %dma_wait3A_265 = tpu.memref_slice %arg6[%mul3A_261] : memref<65536xf32, #tpu.memory_space<hbm>> -> memref<2048xf32, #tpu.memory_space<hbm>>
      tpu.wait_dma2 semaphore(%run_scoped3A : memref<!tpu.dma_semaphore, #tpu.memory_space<semaphore_mem>>) src(%arg13 : memref<2048xf32, #tpu.memory_space<vmem>>) dst(%dma_wait3A_265 : memref<2048xf32, #tpu.memory_space<hbm>>)
      tpu.yield
    }) : () -> ()
    return
  }
}

module attributes {stable_mosaic.version = 14 : i64} {
  func.func @_mlp_body(%arg0: i32, %arg1: memref<256x1024xf32, #tpu.memory_space<vmem>>, %arg2: memref<1024x2048xbf16, #tpu.memory_space<vmem>>, %arg3: memref<1x2048xf32, #tpu.memory_space<vmem>>, %arg4: memref<2048x512xbf16, #tpu.memory_space<vmem>>, %arg5: memref<1x512xf32, #tpu.memory_space<vmem>>, %arg6: memref<512x128xbf16, #tpu.memory_space<vmem>>, %arg7: memref<1x128xf32, #tpu.memory_space<vmem>>, %arg8: memref<128x512xbf16, #tpu.memory_space<vmem>>, %arg9: memref<1x512xf32, #tpu.memory_space<vmem>>, %arg10: memref<512x2048xbf16, #tpu.memory_space<vmem>>, %arg11: memref<1x2048xf32, #tpu.memory_space<vmem>>, %arg12: memref<2048x1024xbf16, #tpu.memory_space<vmem>>, %arg13: memref<1x1024xf32, #tpu.memory_space<vmem>>, %arg14: memref<256x128xf32, #tpu.memory_space<vmem>>, %arg15: memref<256x1xf32, #tpu.memory_space<vmem>>, %arg16: memref<1x1xf32, #tpu.memory_space<vmem>>) attributes {dimension_semantics = [#tpu.dimension_semantics<arbitrary>], iteration_bounds = array<i64: 16>, scalar_prefetch = 0 : i64, scratch_operands = 0 : i64, tpu.core_type = #tpu.core_type<tc>, window_params = [{transform_indices = @transform_0, window_bounds = array<i64: 256, 1024>}, {pipeline_mode = #tpu.pipeline_mode<synchronous>, transform_indices = @transform_1, window_bounds = array<i64: 1024, 2048>}, {pipeline_mode = #tpu.pipeline_mode<synchronous>, transform_indices = @transform_2, window_bounds = array<i64: 1, 2048>}, {pipeline_mode = #tpu.pipeline_mode<synchronous>, transform_indices = @transform_3, window_bounds = array<i64: 2048, 512>}, {pipeline_mode = #tpu.pipeline_mode<synchronous>, transform_indices = @transform_4, window_bounds = array<i64: 1, 512>}, {pipeline_mode = #tpu.pipeline_mode<synchronous>, transform_indices = @transform_5, window_bounds = array<i64: 512, 128>}, {pipeline_mode = #tpu.pipeline_mode<synchronous>, transform_indices = @transform_6, window_bounds = array<i64: 1, 128>}, {pipeline_mode = #tpu.pipeline_mode<synchronous>, transform_indices = @transform_7, window_bounds = array<i64: 128, 512>}, {pipeline_mode = #tpu.pipeline_mode<synchronous>, transform_indices = @transform_8, window_bounds = array<i64: 1, 512>}, {pipeline_mode = #tpu.pipeline_mode<synchronous>, transform_indices = @transform_9, window_bounds = array<i64: 512, 2048>}, {pipeline_mode = #tpu.pipeline_mode<synchronous>, transform_indices = @transform_10, window_bounds = array<i64: 1, 2048>}, {pipeline_mode = #tpu.pipeline_mode<synchronous>, transform_indices = @transform_11, window_bounds = array<i64: 2048, 1024>}, {pipeline_mode = #tpu.pipeline_mode<synchronous>, transform_indices = @transform_12, window_bounds = array<i64: 1, 1024>}, {transform_indices = @transform_13, window_bounds = array<i64: 256, 128>}, {transform_indices = @transform_14, window_bounds = array<i64: 256, 1>}, {pipeline_mode = #tpu.pipeline_mode<synchronous>, transform_indices = @transform_15, window_bounds = array<i64: 1, 1>}]} {
    %get3A = arith.constant 0 : index
    %get3A_0 = arith.constant 0 : index
    %get3A_1 = vector.load %arg1[%get3A, %get3A_0] : memref<256x1024xf32, #tpu.memory_space<vmem>>, vector<256x1024xf32>
    %convert_element_type3A = arith.truncf %get3A_1 : vector<256x1024xf32> to vector<256x1024xbf16>
    %get3A_2 = arith.constant 0 : index
    %get3A_3 = arith.constant 0 : index
    %get3A_4 = vector.load %arg2[%get3A_2, %get3A_3] : memref<1024x2048xbf16, #tpu.memory_space<vmem>>, vector<1024x2048xbf16>
    %dot_general3A = arith.constant dense<0.000000e+00> : vector<256x2048xf32>
    %dot_general3A_5 = tpu.matmul %convert_element_type3A, %get3A_4, %dot_general3A {dimension_numbers = #tpu.dot_dimension_numbers<[1], [0], [0], [1], [0, 0, 1, 1], [], []>, transpose_lhs_hint = false} : vector<256x1024xbf16>, vector<1024x2048xbf16>, vector<256x2048xf32> -> vector<256x2048xf32>
    %get3A_6 = arith.constant 0 : index
    %get3A_7 = arith.constant 0 : index
    %get3A_8 = vector.load %arg3[%get3A_6, %get3A_7] : memref<1x2048xf32, #tpu.memory_space<vmem>>, vector<1x2048xf32>
    %add3A = vector.broadcast %get3A_8 : vector<1x2048xf32> to vector<256x2048xf32>
    %add3A_9 = arith.addf %dot_general3A_5, %add3A : vector<256x2048xf32>
    %max3A = arith.constant 0.000000e+00 : f32
    %max3A_10 = vector.broadcast %max3A : f32 to vector<256x2048xf32>
    %max3A_11 = arith.maximumf %add3A_9, %max3A_10 : vector<256x2048xf32>
    %convert_element_type3A_12 = arith.truncf %max3A_11 : vector<256x2048xf32> to vector<256x2048xbf16>
    %get3A_13 = arith.constant 0 : index
    %get3A_14 = arith.constant 0 : index
    %get3A_15 = vector.load %arg4[%get3A_13, %get3A_14] : memref<2048x512xbf16, #tpu.memory_space<vmem>>, vector<2048x512xbf16>
    %dot_general3A_16 = arith.constant dense<0.000000e+00> : vector<256x512xf32>
    %dot_general3A_17 = tpu.matmul %convert_element_type3A_12, %get3A_15, %dot_general3A_16 {dimension_numbers = #tpu.dot_dimension_numbers<[1], [0], [0], [1], [0, 0, 1, 1], [], []>, transpose_lhs_hint = false} : vector<256x2048xbf16>, vector<2048x512xbf16>, vector<256x512xf32> -> vector<256x512xf32>
    %get3A_18 = arith.constant 0 : index
    %get3A_19 = arith.constant 0 : index
    %get3A_20 = vector.load %arg5[%get3A_18, %get3A_19] : memref<1x512xf32, #tpu.memory_space<vmem>>, vector<1x512xf32>
    %add3A_21 = vector.broadcast %get3A_20 : vector<1x512xf32> to vector<256x512xf32>
    %add3A_22 = arith.addf %dot_general3A_17, %add3A_21 : vector<256x512xf32>
    %max3A_23 = arith.constant 0.000000e+00 : f32
    %max3A_24 = vector.broadcast %max3A_23 : f32 to vector<256x512xf32>
    %max3A_25 = arith.maximumf %add3A_22, %max3A_24 : vector<256x512xf32>
    %convert_element_type3A_26 = arith.truncf %max3A_25 : vector<256x512xf32> to vector<256x512xbf16>
    %get3A_27 = arith.constant 0 : index
    %get3A_28 = arith.constant 0 : index
    %get3A_29 = vector.load %arg6[%get3A_27, %get3A_28] : memref<512x128xbf16, #tpu.memory_space<vmem>>, vector<512x128xbf16>
    %dot_general3A_30 = arith.constant dense<0.000000e+00> : vector<256x128xf32>
    %dot_general3A_31 = tpu.matmul %convert_element_type3A_26, %get3A_29, %dot_general3A_30 {dimension_numbers = #tpu.dot_dimension_numbers<[1], [0], [0], [1], [0, 0, 1, 1], [], []>, transpose_lhs_hint = false} : vector<256x512xbf16>, vector<512x128xbf16>, vector<256x128xf32> -> vector<256x128xf32>
    %get3A_32 = arith.constant 0 : index
    %get3A_33 = arith.constant 0 : index
    %get3A_34 = vector.load %arg7[%get3A_32, %get3A_33] : memref<1x128xf32, #tpu.memory_space<vmem>>, vector<1x128xf32>
    %add3A_35 = vector.broadcast %get3A_34 : vector<1x128xf32> to vector<256x128xf32>
    %add3A_36 = arith.addf %dot_general3A_31, %add3A_35 : vector<256x128xf32>
    %convert_element_type3A_37 = arith.truncf %add3A_36 : vector<256x128xf32> to vector<256x128xbf16>
    %get3A_38 = arith.constant 0 : index
    %get3A_39 = arith.constant 0 : index
    %get3A_40 = vector.load %arg8[%get3A_38, %get3A_39] : memref<128x512xbf16, #tpu.memory_space<vmem>>, vector<128x512xbf16>
    %dot_general3A_41 = arith.constant dense<0.000000e+00> : vector<256x512xf32>
    %dot_general3A_42 = tpu.matmul %convert_element_type3A_37, %get3A_40, %dot_general3A_41 {dimension_numbers = #tpu.dot_dimension_numbers<[1], [0], [0], [1], [0, 0, 1, 1], [], []>, transpose_lhs_hint = false} : vector<256x128xbf16>, vector<128x512xbf16>, vector<256x512xf32> -> vector<256x512xf32>
    %get3A_43 = arith.constant 0 : index
    %get3A_44 = arith.constant 0 : index
    %get3A_45 = vector.load %arg9[%get3A_43, %get3A_44] : memref<1x512xf32, #tpu.memory_space<vmem>>, vector<1x512xf32>
    %add3A_46 = vector.broadcast %get3A_45 : vector<1x512xf32> to vector<256x512xf32>
    %add3A_47 = arith.addf %dot_general3A_42, %add3A_46 : vector<256x512xf32>
    %max3A_48 = arith.constant 0.000000e+00 : f32
    %max3A_49 = vector.broadcast %max3A_48 : f32 to vector<256x512xf32>
    %max3A_50 = arith.maximumf %add3A_47, %max3A_49 : vector<256x512xf32>
    %convert_element_type3A_51 = arith.truncf %max3A_50 : vector<256x512xf32> to vector<256x512xbf16>
    %get3A_52 = arith.constant 0 : index
    %get3A_53 = arith.constant 0 : index
    %get3A_54 = vector.load %arg10[%get3A_52, %get3A_53] : memref<512x2048xbf16, #tpu.memory_space<vmem>>, vector<512x2048xbf16>
    %dot_general3A_55 = arith.constant dense<0.000000e+00> : vector<256x2048xf32>
    %dot_general3A_56 = tpu.matmul %convert_element_type3A_51, %get3A_54, %dot_general3A_55 {dimension_numbers = #tpu.dot_dimension_numbers<[1], [0], [0], [1], [0, 0, 1, 1], [], []>, transpose_lhs_hint = false} : vector<256x512xbf16>, vector<512x2048xbf16>, vector<256x2048xf32> -> vector<256x2048xf32>
    %get3A_57 = arith.constant 0 : index
    %get3A_58 = arith.constant 0 : index
    %get3A_59 = vector.load %arg11[%get3A_57, %get3A_58] : memref<1x2048xf32, #tpu.memory_space<vmem>>, vector<1x2048xf32>
    %add3A_60 = vector.broadcast %get3A_59 : vector<1x2048xf32> to vector<256x2048xf32>
    %add3A_61 = arith.addf %dot_general3A_56, %add3A_60 : vector<256x2048xf32>
    %max3A_62 = arith.constant 0.000000e+00 : f32
    %max3A_63 = vector.broadcast %max3A_62 : f32 to vector<256x2048xf32>
    %max3A_64 = arith.maximumf %add3A_61, %max3A_63 : vector<256x2048xf32>
    %convert_element_type3A_65 = arith.truncf %max3A_64 : vector<256x2048xf32> to vector<256x2048xbf16>
    %get3A_66 = arith.constant 0 : index
    %get3A_67 = arith.constant 0 : index
    %get3A_68 = vector.load %arg12[%get3A_66, %get3A_67] : memref<2048x1024xbf16, #tpu.memory_space<vmem>>, vector<2048x1024xbf16>
    %dot_general3A_69 = arith.constant dense<0.000000e+00> : vector<256x1024xf32>
    %dot_general3A_70 = tpu.matmul %convert_element_type3A_65, %get3A_68, %dot_general3A_69 {dimension_numbers = #tpu.dot_dimension_numbers<[1], [0], [0], [1], [0, 0, 1, 1], [], []>, transpose_lhs_hint = false} : vector<256x2048xbf16>, vector<2048x1024xbf16>, vector<256x1024xf32> -> vector<256x1024xf32>
    %get3A_71 = arith.constant 0 : index
    %get3A_72 = arith.constant 0 : index
    %get3A_73 = vector.load %arg13[%get3A_71, %get3A_72] : memref<1x1024xf32, #tpu.memory_space<vmem>>, vector<1x1024xf32>
    %add3A_74 = vector.broadcast %get3A_73 : vector<1x1024xf32> to vector<256x1024xf32>
    %add3A_75 = arith.addf %dot_general3A_70, %add3A_74 : vector<256x1024xf32>
    %swap3A = arith.constant 0 : index
    %swap3A_76 = arith.constant 0 : index
    %swap3A_77 = vector.load %arg14[%swap3A, %swap3A_76] : memref<256x128xf32, #tpu.memory_space<vmem>>, vector<256x128xf32>
    tpu.vector_store %arg14[%swap3A, %swap3A_76], %add3A_36 {strides = array<i32>} : memref<256x128xf32, #tpu.memory_space<vmem>>, vector<256x128xf32>,
    %mul3A = arith.mulf %get3A_1, %get3A_1 : vector<256x1024xf32>
    %reduce_sum3A = arith.constant dense<0.000000e+00> : vector<256xf32>
    %reduce_sum3A_78 = vector.multi_reduction <add>, %mul3A, %reduce_sum3A [1] : vector<256x1024xf32> to vector<256xf32>
    %broadcast_in_dim3A = vector.shape_cast %reduce_sum3A_78 : vector<256xf32> to vector<256x1xf32>
    %swap3A_79 = arith.constant 0 : index
    %swap3A_80 = arith.constant 0 : index
    %swap3A_81 = vector.load %arg15[%swap3A_79, %swap3A_80] : memref<256x1xf32, #tpu.memory_space<vmem>>, vector<256x1xf32>
    tpu.vector_store %arg15[%swap3A_79, %swap3A_80], %broadcast_in_dim3A {strides = array<i32>} : memref<256x1xf32, #tpu.memory_space<vmem>>, vector<256x1xf32>,
    %eq3A = arith.constant 0 : i32
    %eq3A_82 = arith.cmpi eq, %arg0, %eq3A : i32
    %convert_element_type3A_83 = arith.extui %eq3A_82 : i1 to i32
    %cond3A = arith.constant 0 : i32
    %cond3A_84 = arith.cmpi ne, %convert_element_type3A_83, %cond3A : i32
    scf.if %cond3A_84 {
      %broadcast_in_dim3A_98 = arith.constant 0.000000e+00 : f32
      %broadcast_in_dim3A_99 = vector.broadcast %broadcast_in_dim3A_98 : f32 to vector<1x1xf32>
      %swap3A_100 = arith.constant 0 : index
      %swap3A_101 = arith.constant 0 : index
      %swap3A_102 = vector.load %arg16[%swap3A_100, %swap3A_101] : memref<1x1xf32, #tpu.memory_space<vmem>>, vector<1x1xf32>
      tpu.vector_store %arg16[%swap3A_100, %swap3A_101], %broadcast_in_dim3A_99 {strides = array<i32>} : memref<1x1xf32, #tpu.memory_space<vmem>>, vector<1x1xf32>,
    } else {
    }
    %sub3A = arith.subf %add3A_75, %get3A_1 : vector<256x1024xf32>
    %get3A_85 = arith.constant 0 : index
    %get3A_86 = arith.constant 0 : index
    %get3A_87 = vector.load %arg16[%get3A_85, %get3A_86] : memref<1x1xf32, #tpu.memory_space<vmem>>, vector<1x1xf32>
    %mul3A_88 = arith.mulf %sub3A, %sub3A : vector<256x1024xf32>
    %reduce_sum3A_89 = vector.shape_cast %mul3A_88 : vector<256x1024xf32> to vector<1x256x1024xf32>
    %reduce_sum3A_90 = arith.constant dense<0.000000e+00> : vector<1xf32>
    %reduce_sum3A_91 = vector.multi_reduction <add>, %reduce_sum3A_89, %reduce_sum3A_90 [1, 2] : vector<1x256x1024xf32> to vector<1xf32>
    %reduce_sum3A_92 = vector.shape_cast %reduce_sum3A_91 : vector<1xf32> to vector<1x1x1xf32>
    %reduce_sum3A_93 = vector.extract %reduce_sum3A_92[0, 0, 0] : f32 from vector<1x1x1xf32>
    %reshape3A = vector.broadcast %reduce_sum3A_93 : f32 to vector<1x1xf32>
    %add3A_94 = arith.addf %get3A_87, %reshape3A : vector<1x1xf32>
    %swap3A_95 = arith.constant 0 : index
    %swap3A_96 = arith.constant 0 : index
    %swap3A_97 = vector.load %arg16[%swap3A_95, %swap3A_96] : memref<1x1xf32, #tpu.memory_space<vmem>>, vector<1x1xf32>
    tpu.vector_store %arg16[%swap3A_95, %swap3A_96], %add3A_94 {strides = array<i32>} : memref<1x1xf32, #tpu.memory_space<vmem>>, vector<1x1xf32>,
    return
  }
  func.func @transform_0(%arg0: i32) -> (i32, i32) {
    %c0_i32 = arith.constant 0 : i32
    %c0_i32_0 = arith.constant 0 : i32
    return %arg0, %c0_i32 : i32, i32
  }
  func.func @transform_1(%arg0: i32) -> (i32, i32) {
    %c0_i32 = arith.constant 0 : i32
    %c0_i32_0 = arith.constant 0 : i32
    %c0_i32_1 = arith.constant 0 : i32
    return %c0_i32, %c0_i32_0 : i32, i32
  }
  func.func @transform_2(%arg0: i32) -> (i32, i32) {
    %c0_i32 = arith.constant 0 : i32
    %c0_i32_0 = arith.constant 0 : i32
    %c0_i32_1 = arith.constant 0 : i32
    return %c0_i32, %c0_i32_0 : i32, i32
  }
  func.func @transform_3(%arg0: i32) -> (i32, i32) {
    %c0_i32 = arith.constant 0 : i32
    %c0_i32_0 = arith.constant 0 : i32
    %c0_i32_1 = arith.constant 0 : i32
    return %c0_i32, %c0_i32_0 : i32, i32
  }
  func.func @transform_4(%arg0: i32) -> (i32, i32) {
    %c0_i32 = arith.constant 0 : i32
    %c0_i32_0 = arith.constant 0 : i32
    %c0_i32_1 = arith.constant 0 : i32
    return %c0_i32, %c0_i32_0 : i32, i32
  }
  func.func @transform_5(%arg0: i32) -> (i32, i32) {
    %c0_i32 = arith.constant 0 : i32
    %c0_i32_0 = arith.constant 0 : i32
    %c0_i32_1 = arith.constant 0 : i32
    return %c0_i32, %c0_i32_0 : i32, i32
  }
  func.func @transform_6(%arg0: i32) -> (i32, i32) {
    %c0_i32 = arith.constant 0 : i32
    %c0_i32_0 = arith.constant 0 : i32
    %c0_i32_1 = arith.constant 0 : i32
    return %c0_i32, %c0_i32_0 : i32, i32
  }
  func.func @transform_7(%arg0: i32) -> (i32, i32) {
    %c0_i32 = arith.constant 0 : i32
    %c0_i32_0 = arith.constant 0 : i32
    %c0_i32_1 = arith.constant 0 : i32
    return %c0_i32, %c0_i32_0 : i32, i32
  }
  func.func @transform_8(%arg0: i32) -> (i32, i32) {
    %c0_i32 = arith.constant 0 : i32
    %c0_i32_0 = arith.constant 0 : i32
    %c0_i32_1 = arith.constant 0 : i32
    return %c0_i32, %c0_i32_0 : i32, i32
  }
  func.func @transform_9(%arg0: i32) -> (i32, i32) {
    %c0_i32 = arith.constant 0 : i32
    %c0_i32_0 = arith.constant 0 : i32
    %c0_i32_1 = arith.constant 0 : i32
    return %c0_i32, %c0_i32_0 : i32, i32
  }
  func.func @transform_10(%arg0: i32) -> (i32, i32) {
    %c0_i32 = arith.constant 0 : i32
    %c0_i32_0 = arith.constant 0 : i32
    %c0_i32_1 = arith.constant 0 : i32
    return %c0_i32, %c0_i32_0 : i32, i32
  }
  func.func @transform_11(%arg0: i32) -> (i32, i32) {
    %c0_i32 = arith.constant 0 : i32
    %c0_i32_0 = arith.constant 0 : i32
    %c0_i32_1 = arith.constant 0 : i32
    return %c0_i32, %c0_i32_0 : i32, i32
  }
  func.func @transform_12(%arg0: i32) -> (i32, i32) {
    %c0_i32 = arith.constant 0 : i32
    %c0_i32_0 = arith.constant 0 : i32
    %c0_i32_1 = arith.constant 0 : i32
    return %c0_i32, %c0_i32_0 : i32, i32
  }
  func.func @transform_13(%arg0: i32) -> (i32, i32) {
    %c0_i32 = arith.constant 0 : i32
    %c0_i32_0 = arith.constant 0 : i32
    return %arg0, %c0_i32 : i32, i32
  }
  func.func @transform_14(%arg0: i32) -> (i32, i32) {
    %c0_i32 = arith.constant 0 : i32
    %c0_i32_0 = arith.constant 0 : i32
    return %arg0, %c0_i32 : i32, i32
  }
  func.func @transform_15(%arg0: i32) -> (i32, i32) {
    %c0_i32 = arith.constant 0 : i32
    %c0_i32_0 = arith.constant 0 : i32
    %c0_i32_1 = arith.constant 0 : i32
    return %c0_i32, %c0_i32_0 : i32, i32
  }
}

module attributes {stable_mosaic.version = 14 : i64} {
  func.func @_knn_body(%arg0: i32, %arg1: memref<256x1024xf32, #tpu.memory_space<vmem>>, %arg2: memref<1024x4096xf32, #tpu.memory_space<vmem>>, %arg3: memref<1x4096xf32, #tpu.memory_space<vmem>>, %arg4: memref<256x16xf32, #tpu.memory_space<vmem>>, %arg5: memref<256x16xi32, #tpu.memory_space<vmem>>, %arg6: memref<256x1xf32, #tpu.memory_space<vmem>>) attributes {dimension_semantics = [#tpu.dimension_semantics<arbitrary>], iteration_bounds = array<i64: 16>, scalar_prefetch = 0 : i64, scratch_operands = 0 : i64, tpu.core_type = #tpu.core_type<tc>, window_params = [{transform_indices = @transform_0, window_bounds = array<i64: 256, 1024>}, {pipeline_mode = #tpu.pipeline_mode<synchronous>, transform_indices = @transform_1, window_bounds = array<i64: 1024, 4096>}, {pipeline_mode = #tpu.pipeline_mode<synchronous>, transform_indices = @transform_2, window_bounds = array<i64: 1, 4096>}, {transform_indices = @transform_3, window_bounds = array<i64: 256, 16>}, {transform_indices = @transform_4, window_bounds = array<i64: 256, 16>}, {transform_indices = @transform_5, window_bounds = array<i64: 256, 1>}]} {
    %get3A = arith.constant 0 : index
    %get3A_0 = arith.constant 0 : index
    %get3A_1 = vector.load %arg1[%get3A, %get3A_0] : memref<256x1024xf32, #tpu.memory_space<vmem>>, vector<256x1024xf32>
    %get3A_2 = arith.constant 0 : index
    %get3A_3 = arith.constant 0 : index
    %get3A_4 = vector.load %arg2[%get3A_2, %get3A_3] : memref<1024x4096xf32, #tpu.memory_space<vmem>>, vector<1024x4096xf32>
    %dot_general3A = arith.constant dense<0.000000e+00> : vector<256x4096xf32>
    %dot_general3A_5 = tpu.matmul %get3A_1, %get3A_4, %dot_general3A {dimension_numbers = #tpu.dot_dimension_numbers<[1], [0], [0], [1], [0, 0, 1, 1], [], []>, transpose_lhs_hint = false} : vector<256x1024xf32>, vector<1024x4096xf32>, vector<256x4096xf32> -> vector<256x4096xf32>
    %mul3A = arith.mulf %get3A_1, %get3A_1 : vector<256x1024xf32>
    %reduce_sum3A = arith.constant dense<0.000000e+00> : vector<256xf32>
    %reduce_sum3A_6 = vector.multi_reduction <add>, %mul3A, %reduce_sum3A [1] : vector<256x1024xf32> to vector<256xf32>
    %broadcast_in_dim3A = vector.shape_cast %reduce_sum3A_6 : vector<256xf32> to vector<256x1xf32>
    %get3A_7 = arith.constant 0 : index
    %get3A_8 = arith.constant 0 : index
    %get3A_9 = vector.load %arg3[%get3A_7, %get3A_8] : memref<1x4096xf32, #tpu.memory_space<vmem>>, vector<1x4096xf32>
    %add3A = vector.broadcast %broadcast_in_dim3A : vector<256x1xf32> to vector<256x4096xf32>
    %add3A_10 = vector.broadcast %get3A_9 : vector<1x4096xf32> to vector<256x4096xf32>
    %add3A_11 = arith.addf %add3A, %add3A_10 : vector<256x4096xf32>
    %mul3A_12 = arith.constant 2.000000e+00 : f32
    %mul3A_13 = vector.broadcast %mul3A_12 : f32 to vector<256x4096xf32>
    %mul3A_14 = arith.mulf %mul3A_13, %dot_general3A_5 : vector<256x4096xf32>
    %sub3A = arith.subf %add3A_11, %mul3A_14 : vector<256x4096xf32>
    %max3A = arith.constant 0.000000e+00 : f32
    %max3A_15 = vector.broadcast %max3A : f32 to vector<256x4096xf32>
    %max3A_16 = arith.maximumf %sub3A, %max3A_15 : vector<256x4096xf32>
    %iota3A = tpu.iota {dimensions = array<i32: 1>} : vector<256x4096xi32>
    %iota3A_17 = tpu.iota {dimensions = array<i32: 0>} : vector<256x4096xi32>
    %mul3A_18 = arith.constant 256 : i32
    %mul3A_19 = arith.muli %arg0, %mul3A_18 : i32
    %add3A_20 = vector.broadcast %mul3A_19 : i32 to vector<256x4096xi32>
    %add3A_21 = arith.addi %iota3A_17, %add3A_20 : vector<256x4096xi32>
    %bitcast_convert_type3A = tpu.bitcast %max3A_16 : vector<256x4096xf32> -> vector<256x4096xi32>
    %and3A = arith.constant -4096 : i32
    %and3A_22 = vector.broadcast %and3A : i32 to vector<256x4096xi32>
    %and3A_23 = arith.andi %bitcast_convert_type3A, %and3A_22 : vector<256x4096xi32>
    %or3A = arith.ori %and3A_23, %iota3A : vector<256x4096xi32>
    %eq3A = arith.cmpi eq, %iota3A, %add3A_21 : vector<256x4096xi32>
    %jit3A = arith.constant 2147483647 : i32
    %broadcast_in_dim3A_24 = vector.broadcast %jit3A : i32 to vector<256x4096xi32>
    %select_n3A = arith.select %eq3A, %broadcast_in_dim3A_24, %or3A : vector<256x4096xi1>, vector<256x4096xi32>
    %reduce_min3A = arith.constant dense<2147483647> : vector<256xi32>
    %reduce_min3A_25 = vector.multi_reduction <minsi>, %select_n3A, %reduce_min3A [1] : vector<256x4096xi32> to vector<256xi32>
    %broadcast_in_dim3A_26 = vector.shape_cast %reduce_min3A_25 : vector<256xi32> to vector<256x1xi32>
    %and3A_27 = arith.constant -4096 : i32
    %and3A_28 = vector.broadcast %and3A_27 : i32 to vector<256x1xi32>
    %and3A_29 = arith.andi %broadcast_in_dim3A_26, %and3A_28 : vector<256x1xi32>
    %bitcast_convert_type3A_30 = tpu.bitcast %and3A_29 : vector<256x1xi32> -> vector<256x1xf32>
    %swap3A = arith.constant 0 : index
    %swap3A_31 = arith.constant 0 : index
    %swap3A_32 = vector.load %arg4[%swap3A, %swap3A_31] : memref<256x16xf32, #tpu.memory_space<vmem>>, vector<256x1xf32>
    tpu.vector_store %arg4[%swap3A, %swap3A_31], %bitcast_convert_type3A_30 {strides = array<i32>} : memref<256x16xf32, #tpu.memory_space<vmem>>, vector<256x1xf32>,
    %and3A_33 = arith.constant 4095 : i32
    %and3A_34 = vector.broadcast %and3A_33 : i32 to vector<256x1xi32>
    %and3A_35 = arith.andi %broadcast_in_dim3A_26, %and3A_34 : vector<256x1xi32>
    %swap3A_36 = arith.constant 0 : index
    %swap3A_37 = arith.constant 0 : index
    %swap3A_38 = vector.load %arg5[%swap3A_36, %swap3A_37] : memref<256x16xi32, #tpu.memory_space<vmem>>, vector<256x1xi32>
    tpu.vector_store %arg5[%swap3A_36, %swap3A_37], %and3A_35 {strides = array<i32>} : memref<256x16xi32, #tpu.memory_space<vmem>>, vector<256x1xi32>,
    %eq3A_39 = vector.broadcast %broadcast_in_dim3A_26 : vector<256x1xi32> to vector<256x4096xi32>
    %eq3A_40 = arith.cmpi eq, %select_n3A, %eq3A_39 : vector<256x4096xi32>
    %jit3A_41 = arith.constant 2147483647 : i32
    %broadcast_in_dim3A_42 = vector.broadcast %jit3A_41 : i32 to vector<256x4096xi32>
    %select_n3A_43 = arith.select %eq3A_40, %broadcast_in_dim3A_42, %select_n3A : vector<256x4096xi1>, vector<256x4096xi32>
    %reduce_min3A_44 = arith.constant dense<2147483647> : vector<256xi32>
    %reduce_min3A_45 = vector.multi_reduction <minsi>, %select_n3A_43, %reduce_min3A_44 [1] : vector<256x4096xi32> to vector<256xi32>
    %broadcast_in_dim3A_46 = vector.shape_cast %reduce_min3A_45 : vector<256xi32> to vector<256x1xi32>
    %and3A_47 = arith.constant -4096 : i32
    %and3A_48 = vector.broadcast %and3A_47 : i32 to vector<256x1xi32>
    %and3A_49 = arith.andi %broadcast_in_dim3A_46, %and3A_48 : vector<256x1xi32>
    %bitcast_convert_type3A_50 = tpu.bitcast %and3A_49 : vector<256x1xi32> -> vector<256x1xf32>
    %swap3A_51 = arith.constant 0 : index
    %swap3A_52 = arith.constant 1 : index
    %swap3A_53 = vector.load %arg4[%swap3A_51, %swap3A_52] : memref<256x16xf32, #tpu.memory_space<vmem>>, vector<256x1xf32>
    tpu.vector_store %arg4[%swap3A_51, %swap3A_52], %bitcast_convert_type3A_50 {strides = array<i32>} : memref<256x16xf32, #tpu.memory_space<vmem>>, vector<256x1xf32>,
    %and3A_54 = arith.constant 4095 : i32
    %and3A_55 = vector.broadcast %and3A_54 : i32 to vector<256x1xi32>
    %and3A_56 = arith.andi %broadcast_in_dim3A_46, %and3A_55 : vector<256x1xi32>
    %swap3A_57 = arith.constant 0 : index
    %swap3A_58 = arith.constant 1 : index
    %swap3A_59 = vector.load %arg5[%swap3A_57, %swap3A_58] : memref<256x16xi32, #tpu.memory_space<vmem>>, vector<256x1xi32>
    tpu.vector_store %arg5[%swap3A_57, %swap3A_58], %and3A_56 {strides = array<i32>} : memref<256x16xi32, #tpu.memory_space<vmem>>, vector<256x1xi32>,
    %eq3A_60 = vector.broadcast %broadcast_in_dim3A_46 : vector<256x1xi32> to vector<256x4096xi32>
    %eq3A_61 = arith.cmpi eq, %select_n3A_43, %eq3A_60 : vector<256x4096xi32>
    %jit3A_62 = arith.constant 2147483647 : i32
    %broadcast_in_dim3A_63 = vector.broadcast %jit3A_62 : i32 to vector<256x4096xi32>
    %select_n3A_64 = arith.select %eq3A_61, %broadcast_in_dim3A_63, %select_n3A_43 : vector<256x4096xi1>, vector<256x4096xi32>
    %reduce_min3A_65 = arith.constant dense<2147483647> : vector<256xi32>
    %reduce_min3A_66 = vector.multi_reduction <minsi>, %select_n3A_64, %reduce_min3A_65 [1] : vector<256x4096xi32> to vector<256xi32>
    %broadcast_in_dim3A_67 = vector.shape_cast %reduce_min3A_66 : vector<256xi32> to vector<256x1xi32>
    %and3A_68 = arith.constant -4096 : i32
    %and3A_69 = vector.broadcast %and3A_68 : i32 to vector<256x1xi32>
    %and3A_70 = arith.andi %broadcast_in_dim3A_67, %and3A_69 : vector<256x1xi32>
    %bitcast_convert_type3A_71 = tpu.bitcast %and3A_70 : vector<256x1xi32> -> vector<256x1xf32>
    %swap3A_72 = arith.constant 0 : index
    %swap3A_73 = arith.constant 2 : index
    %swap3A_74 = vector.load %arg4[%swap3A_72, %swap3A_73] : memref<256x16xf32, #tpu.memory_space<vmem>>, vector<256x1xf32>
    tpu.vector_store %arg4[%swap3A_72, %swap3A_73], %bitcast_convert_type3A_71 {strides = array<i32>} : memref<256x16xf32, #tpu.memory_space<vmem>>, vector<256x1xf32>,
    %and3A_75 = arith.constant 4095 : i32
    %and3A_76 = vector.broadcast %and3A_75 : i32 to vector<256x1xi32>
    %and3A_77 = arith.andi %broadcast_in_dim3A_67, %and3A_76 : vector<256x1xi32>
    %swap3A_78 = arith.constant 0 : index
    %swap3A_79 = arith.constant 2 : index
    %swap3A_80 = vector.load %arg5[%swap3A_78, %swap3A_79] : memref<256x16xi32, #tpu.memory_space<vmem>>, vector<256x1xi32>
    tpu.vector_store %arg5[%swap3A_78, %swap3A_79], %and3A_77 {strides = array<i32>} : memref<256x16xi32, #tpu.memory_space<vmem>>, vector<256x1xi32>,
    %eq3A_81 = vector.broadcast %broadcast_in_dim3A_67 : vector<256x1xi32> to vector<256x4096xi32>
    %eq3A_82 = arith.cmpi eq, %select_n3A_64, %eq3A_81 : vector<256x4096xi32>
    %jit3A_83 = arith.constant 2147483647 : i32
    %broadcast_in_dim3A_84 = vector.broadcast %jit3A_83 : i32 to vector<256x4096xi32>
    %select_n3A_85 = arith.select %eq3A_82, %broadcast_in_dim3A_84, %select_n3A_64 : vector<256x4096xi1>, vector<256x4096xi32>
    %reduce_min3A_86 = arith.constant dense<2147483647> : vector<256xi32>
    %reduce_min3A_87 = vector.multi_reduction <minsi>, %select_n3A_85, %reduce_min3A_86 [1] : vector<256x4096xi32> to vector<256xi32>
    %broadcast_in_dim3A_88 = vector.shape_cast %reduce_min3A_87 : vector<256xi32> to vector<256x1xi32>
    %and3A_89 = arith.constant -4096 : i32
    %and3A_90 = vector.broadcast %and3A_89 : i32 to vector<256x1xi32>
    %and3A_91 = arith.andi %broadcast_in_dim3A_88, %and3A_90 : vector<256x1xi32>
    %bitcast_convert_type3A_92 = tpu.bitcast %and3A_91 : vector<256x1xi32> -> vector<256x1xf32>
    %swap3A_93 = arith.constant 0 : index
    %swap3A_94 = arith.constant 3 : index
    %swap3A_95 = vector.load %arg4[%swap3A_93, %swap3A_94] : memref<256x16xf32, #tpu.memory_space<vmem>>, vector<256x1xf32>
    tpu.vector_store %arg4[%swap3A_93, %swap3A_94], %bitcast_convert_type3A_92 {strides = array<i32>} : memref<256x16xf32, #tpu.memory_space<vmem>>, vector<256x1xf32>,
    %and3A_96 = arith.constant 4095 : i32
    %and3A_97 = vector.broadcast %and3A_96 : i32 to vector<256x1xi32>
    %and3A_98 = arith.andi %broadcast_in_dim3A_88, %and3A_97 : vector<256x1xi32>
    %swap3A_99 = arith.constant 0 : index
    %swap3A_100 = arith.constant 3 : index
    %swap3A_101 = vector.load %arg5[%swap3A_99, %swap3A_100] : memref<256x16xi32, #tpu.memory_space<vmem>>, vector<256x1xi32>
    tpu.vector_store %arg5[%swap3A_99, %swap3A_100], %and3A_98 {strides = array<i32>} : memref<256x16xi32, #tpu.memory_space<vmem>>, vector<256x1xi32>,
    %eq3A_102 = vector.broadcast %broadcast_in_dim3A_88 : vector<256x1xi32> to vector<256x4096xi32>
    %eq3A_103 = arith.cmpi eq, %select_n3A_85, %eq3A_102 : vector<256x4096xi32>
    %jit3A_104 = arith.constant 2147483647 : i32
    %broadcast_in_dim3A_105 = vector.broadcast %jit3A_104 : i32 to vector<256x4096xi32>
    %select_n3A_106 = arith.select %eq3A_103, %broadcast_in_dim3A_105, %select_n3A_85 : vector<256x4096xi1>, vector<256x4096xi32>
    %reduce_min3A_107 = arith.constant dense<2147483647> : vector<256xi32>
    %reduce_min3A_108 = vector.multi_reduction <minsi>, %select_n3A_106, %reduce_min3A_107 [1] : vector<256x4096xi32> to vector<256xi32>
    %broadcast_in_dim3A_109 = vector.shape_cast %reduce_min3A_108 : vector<256xi32> to vector<256x1xi32>
    %and3A_110 = arith.constant -4096 : i32
    %and3A_111 = vector.broadcast %and3A_110 : i32 to vector<256x1xi32>
    %and3A_112 = arith.andi %broadcast_in_dim3A_109, %and3A_111 : vector<256x1xi32>
    %bitcast_convert_type3A_113 = tpu.bitcast %and3A_112 : vector<256x1xi32> -> vector<256x1xf32>
    %swap3A_114 = arith.constant 0 : index
    %swap3A_115 = arith.constant 4 : index
    %swap3A_116 = vector.load %arg4[%swap3A_114, %swap3A_115] : memref<256x16xf32, #tpu.memory_space<vmem>>, vector<256x1xf32>
    tpu.vector_store %arg4[%swap3A_114, %swap3A_115], %bitcast_convert_type3A_113 {strides = array<i32>} : memref<256x16xf32, #tpu.memory_space<vmem>>, vector<256x1xf32>,
    %and3A_117 = arith.constant 4095 : i32
    %and3A_118 = vector.broadcast %and3A_117 : i32 to vector<256x1xi32>
    %and3A_119 = arith.andi %broadcast_in_dim3A_109, %and3A_118 : vector<256x1xi32>
    %swap3A_120 = arith.constant 0 : index
    %swap3A_121 = arith.constant 4 : index
    %swap3A_122 = vector.load %arg5[%swap3A_120, %swap3A_121] : memref<256x16xi32, #tpu.memory_space<vmem>>, vector<256x1xi32>
    tpu.vector_store %arg5[%swap3A_120, %swap3A_121], %and3A_119 {strides = array<i32>} : memref<256x16xi32, #tpu.memory_space<vmem>>, vector<256x1xi32>,
    %eq3A_123 = vector.broadcast %broadcast_in_dim3A_109 : vector<256x1xi32> to vector<256x4096xi32>
    %eq3A_124 = arith.cmpi eq, %select_n3A_106, %eq3A_123 : vector<256x4096xi32>
    %jit3A_125 = arith.constant 2147483647 : i32
    %broadcast_in_dim3A_126 = vector.broadcast %jit3A_125 : i32 to vector<256x4096xi32>
    %select_n3A_127 = arith.select %eq3A_124, %broadcast_in_dim3A_126, %select_n3A_106 : vector<256x4096xi1>, vector<256x4096xi32>
    %reduce_min3A_128 = arith.constant dense<2147483647> : vector<256xi32>
    %reduce_min3A_129 = vector.multi_reduction <minsi>, %select_n3A_127, %reduce_min3A_128 [1] : vector<256x4096xi32> to vector<256xi32>
    %broadcast_in_dim3A_130 = vector.shape_cast %reduce_min3A_129 : vector<256xi32> to vector<256x1xi32>
    %and3A_131 = arith.constant -4096 : i32
    %and3A_132 = vector.broadcast %and3A_131 : i32 to vector<256x1xi32>
    %and3A_133 = arith.andi %broadcast_in_dim3A_130, %and3A_132 : vector<256x1xi32>
    %bitcast_convert_type3A_134 = tpu.bitcast %and3A_133 : vector<256x1xi32> -> vector<256x1xf32>
    %swap3A_135 = arith.constant 0 : index
    %swap3A_136 = arith.constant 5 : index
    %swap3A_137 = vector.load %arg4[%swap3A_135, %swap3A_136] : memref<256x16xf32, #tpu.memory_space<vmem>>, vector<256x1xf32>
    tpu.vector_store %arg4[%swap3A_135, %swap3A_136], %bitcast_convert_type3A_134 {strides = array<i32>} : memref<256x16xf32, #tpu.memory_space<vmem>>, vector<256x1xf32>,
    %and3A_138 = arith.constant 4095 : i32
    %and3A_139 = vector.broadcast %and3A_138 : i32 to vector<256x1xi32>
    %and3A_140 = arith.andi %broadcast_in_dim3A_130, %and3A_139 : vector<256x1xi32>
    %swap3A_141 = arith.constant 0 : index
    %swap3A_142 = arith.constant 5 : index
    %swap3A_143 = vector.load %arg5[%swap3A_141, %swap3A_142] : memref<256x16xi32, #tpu.memory_space<vmem>>, vector<256x1xi32>
    tpu.vector_store %arg5[%swap3A_141, %swap3A_142], %and3A_140 {strides = array<i32>} : memref<256x16xi32, #tpu.memory_space<vmem>>, vector<256x1xi32>,
    %eq3A_144 = vector.broadcast %broadcast_in_dim3A_130 : vector<256x1xi32> to vector<256x4096xi32>
    %eq3A_145 = arith.cmpi eq, %select_n3A_127, %eq3A_144 : vector<256x4096xi32>
    %jit3A_146 = arith.constant 2147483647 : i32
    %broadcast_in_dim3A_147 = vector.broadcast %jit3A_146 : i32 to vector<256x4096xi32>
    %select_n3A_148 = arith.select %eq3A_145, %broadcast_in_dim3A_147, %select_n3A_127 : vector<256x4096xi1>, vector<256x4096xi32>
    %reduce_min3A_149 = arith.constant dense<2147483647> : vector<256xi32>
    %reduce_min3A_150 = vector.multi_reduction <minsi>, %select_n3A_148, %reduce_min3A_149 [1] : vector<256x4096xi32> to vector<256xi32>
    %broadcast_in_dim3A_151 = vector.shape_cast %reduce_min3A_150 : vector<256xi32> to vector<256x1xi32>
    %and3A_152 = arith.constant -4096 : i32
    %and3A_153 = vector.broadcast %and3A_152 : i32 to vector<256x1xi32>
    %and3A_154 = arith.andi %broadcast_in_dim3A_151, %and3A_153 : vector<256x1xi32>
    %bitcast_convert_type3A_155 = tpu.bitcast %and3A_154 : vector<256x1xi32> -> vector<256x1xf32>
    %swap3A_156 = arith.constant 0 : index
    %swap3A_157 = arith.constant 6 : index
    %swap3A_158 = vector.load %arg4[%swap3A_156, %swap3A_157] : memref<256x16xf32, #tpu.memory_space<vmem>>, vector<256x1xf32>
    tpu.vector_store %arg4[%swap3A_156, %swap3A_157], %bitcast_convert_type3A_155 {strides = array<i32>} : memref<256x16xf32, #tpu.memory_space<vmem>>, vector<256x1xf32>,
    %and3A_159 = arith.constant 4095 : i32
    %and3A_160 = vector.broadcast %and3A_159 : i32 to vector<256x1xi32>
    %and3A_161 = arith.andi %broadcast_in_dim3A_151, %and3A_160 : vector<256x1xi32>
    %swap3A_162 = arith.constant 0 : index
    %swap3A_163 = arith.constant 6 : index
    %swap3A_164 = vector.load %arg5[%swap3A_162, %swap3A_163] : memref<256x16xi32, #tpu.memory_space<vmem>>, vector<256x1xi32>
    tpu.vector_store %arg5[%swap3A_162, %swap3A_163], %and3A_161 {strides = array<i32>} : memref<256x16xi32, #tpu.memory_space<vmem>>, vector<256x1xi32>,
    %eq3A_165 = vector.broadcast %broadcast_in_dim3A_151 : vector<256x1xi32> to vector<256x4096xi32>
    %eq3A_166 = arith.cmpi eq, %select_n3A_148, %eq3A_165 : vector<256x4096xi32>
    %jit3A_167 = arith.constant 2147483647 : i32
    %broadcast_in_dim3A_168 = vector.broadcast %jit3A_167 : i32 to vector<256x4096xi32>
    %select_n3A_169 = arith.select %eq3A_166, %broadcast_in_dim3A_168, %select_n3A_148 : vector<256x4096xi1>, vector<256x4096xi32>
    %reduce_min3A_170 = arith.constant dense<2147483647> : vector<256xi32>
    %reduce_min3A_171 = vector.multi_reduction <minsi>, %select_n3A_169, %reduce_min3A_170 [1] : vector<256x4096xi32> to vector<256xi32>
    %broadcast_in_dim3A_172 = vector.shape_cast %reduce_min3A_171 : vector<256xi32> to vector<256x1xi32>
    %and3A_173 = arith.constant -4096 : i32
    %and3A_174 = vector.broadcast %and3A_173 : i32 to vector<256x1xi32>
    %and3A_175 = arith.andi %broadcast_in_dim3A_172, %and3A_174 : vector<256x1xi32>
    %bitcast_convert_type3A_176 = tpu.bitcast %and3A_175 : vector<256x1xi32> -> vector<256x1xf32>
    %swap3A_177 = arith.constant 0 : index
    %swap3A_178 = arith.constant 7 : index
    %swap3A_179 = vector.load %arg4[%swap3A_177, %swap3A_178] : memref<256x16xf32, #tpu.memory_space<vmem>>, vector<256x1xf32>
    tpu.vector_store %arg4[%swap3A_177, %swap3A_178], %bitcast_convert_type3A_176 {strides = array<i32>} : memref<256x16xf32, #tpu.memory_space<vmem>>, vector<256x1xf32>,
    %and3A_180 = arith.constant 4095 : i32
    %and3A_181 = vector.broadcast %and3A_180 : i32 to vector<256x1xi32>
    %and3A_182 = arith.andi %broadcast_in_dim3A_172, %and3A_181 : vector<256x1xi32>
    %swap3A_183 = arith.constant 0 : index
    %swap3A_184 = arith.constant 7 : index
    %swap3A_185 = vector.load %arg5[%swap3A_183, %swap3A_184] : memref<256x16xi32, #tpu.memory_space<vmem>>, vector<256x1xi32>
    tpu.vector_store %arg5[%swap3A_183, %swap3A_184], %and3A_182 {strides = array<i32>} : memref<256x16xi32, #tpu.memory_space<vmem>>, vector<256x1xi32>,
    %eq3A_186 = vector.broadcast %broadcast_in_dim3A_172 : vector<256x1xi32> to vector<256x4096xi32>
    %eq3A_187 = arith.cmpi eq, %select_n3A_169, %eq3A_186 : vector<256x4096xi32>
    %jit3A_188 = arith.constant 2147483647 : i32
    %broadcast_in_dim3A_189 = vector.broadcast %jit3A_188 : i32 to vector<256x4096xi32>
    %select_n3A_190 = arith.select %eq3A_187, %broadcast_in_dim3A_189, %select_n3A_169 : vector<256x4096xi1>, vector<256x4096xi32>
    %reduce_min3A_191 = arith.constant dense<2147483647> : vector<256xi32>
    %reduce_min3A_192 = vector.multi_reduction <minsi>, %select_n3A_190, %reduce_min3A_191 [1] : vector<256x4096xi32> to vector<256xi32>
    %broadcast_in_dim3A_193 = vector.shape_cast %reduce_min3A_192 : vector<256xi32> to vector<256x1xi32>
    %and3A_194 = arith.constant -4096 : i32
    %and3A_195 = vector.broadcast %and3A_194 : i32 to vector<256x1xi32>
    %and3A_196 = arith.andi %broadcast_in_dim3A_193, %and3A_195 : vector<256x1xi32>
    %bitcast_convert_type3A_197 = tpu.bitcast %and3A_196 : vector<256x1xi32> -> vector<256x1xf32>
    %swap3A_198 = arith.constant 0 : index
    %swap3A_199 = arith.constant 8 : index
    %swap3A_200 = vector.load %arg4[%swap3A_198, %swap3A_199] : memref<256x16xf32, #tpu.memory_space<vmem>>, vector<256x1xf32>
    tpu.vector_store %arg4[%swap3A_198, %swap3A_199], %bitcast_convert_type3A_197 {strides = array<i32>} : memref<256x16xf32, #tpu.memory_space<vmem>>, vector<256x1xf32>,
    %and3A_201 = arith.constant 4095 : i32
    %and3A_202 = vector.broadcast %and3A_201 : i32 to vector<256x1xi32>
    %and3A_203 = arith.andi %broadcast_in_dim3A_193, %and3A_202 : vector<256x1xi32>
    %swap3A_204 = arith.constant 0 : index
    %swap3A_205 = arith.constant 8 : index
    %swap3A_206 = vector.load %arg5[%swap3A_204, %swap3A_205] : memref<256x16xi32, #tpu.memory_space<vmem>>, vector<256x1xi32>
    tpu.vector_store %arg5[%swap3A_204, %swap3A_205], %and3A_203 {strides = array<i32>} : memref<256x16xi32, #tpu.memory_space<vmem>>, vector<256x1xi32>,
    %eq3A_207 = vector.broadcast %broadcast_in_dim3A_193 : vector<256x1xi32> to vector<256x4096xi32>
    %eq3A_208 = arith.cmpi eq, %select_n3A_190, %eq3A_207 : vector<256x4096xi32>
    %jit3A_209 = arith.constant 2147483647 : i32
    %broadcast_in_dim3A_210 = vector.broadcast %jit3A_209 : i32 to vector<256x4096xi32>
    %select_n3A_211 = arith.select %eq3A_208, %broadcast_in_dim3A_210, %select_n3A_190 : vector<256x4096xi1>, vector<256x4096xi32>
    %reduce_min3A_212 = arith.constant dense<2147483647> : vector<256xi32>
    %reduce_min3A_213 = vector.multi_reduction <minsi>, %select_n3A_211, %reduce_min3A_212 [1] : vector<256x4096xi32> to vector<256xi32>
    %broadcast_in_dim3A_214 = vector.shape_cast %reduce_min3A_213 : vector<256xi32> to vector<256x1xi32>
    %and3A_215 = arith.constant -4096 : i32
    %and3A_216 = vector.broadcast %and3A_215 : i32 to vector<256x1xi32>
    %and3A_217 = arith.andi %broadcast_in_dim3A_214, %and3A_216 : vector<256x1xi32>
    %bitcast_convert_type3A_218 = tpu.bitcast %and3A_217 : vector<256x1xi32> -> vector<256x1xf32>
    %swap3A_219 = arith.constant 0 : index
    %swap3A_220 = arith.constant 9 : index
    %swap3A_221 = vector.load %arg4[%swap3A_219, %swap3A_220] : memref<256x16xf32, #tpu.memory_space<vmem>>, vector<256x1xf32>
    tpu.vector_store %arg4[%swap3A_219, %swap3A_220], %bitcast_convert_type3A_218 {strides = array<i32>} : memref<256x16xf32, #tpu.memory_space<vmem>>, vector<256x1xf32>,
    %and3A_222 = arith.constant 4095 : i32
    %and3A_223 = vector.broadcast %and3A_222 : i32 to vector<256x1xi32>
    %and3A_224 = arith.andi %broadcast_in_dim3A_214, %and3A_223 : vector<256x1xi32>
    %swap3A_225 = arith.constant 0 : index
    %swap3A_226 = arith.constant 9 : index
    %swap3A_227 = vector.load %arg5[%swap3A_225, %swap3A_226] : memref<256x16xi32, #tpu.memory_space<vmem>>, vector<256x1xi32>
    tpu.vector_store %arg5[%swap3A_225, %swap3A_226], %and3A_224 {strides = array<i32>} : memref<256x16xi32, #tpu.memory_space<vmem>>, vector<256x1xi32>,
    %eq3A_228 = vector.broadcast %broadcast_in_dim3A_214 : vector<256x1xi32> to vector<256x4096xi32>
    %eq3A_229 = arith.cmpi eq, %select_n3A_211, %eq3A_228 : vector<256x4096xi32>
    %jit3A_230 = arith.constant 2147483647 : i32
    %broadcast_in_dim3A_231 = vector.broadcast %jit3A_230 : i32 to vector<256x4096xi32>
    %select_n3A_232 = arith.select %eq3A_229, %broadcast_in_dim3A_231, %select_n3A_211 : vector<256x4096xi1>, vector<256x4096xi32>
    %reduce_min3A_233 = arith.constant dense<2147483647> : vector<256xi32>
    %reduce_min3A_234 = vector.multi_reduction <minsi>, %select_n3A_232, %reduce_min3A_233 [1] : vector<256x4096xi32> to vector<256xi32>
    %broadcast_in_dim3A_235 = vector.shape_cast %reduce_min3A_234 : vector<256xi32> to vector<256x1xi32>
    %and3A_236 = arith.constant -4096 : i32
    %and3A_237 = vector.broadcast %and3A_236 : i32 to vector<256x1xi32>
    %and3A_238 = arith.andi %broadcast_in_dim3A_235, %and3A_237 : vector<256x1xi32>
    %bitcast_convert_type3A_239 = tpu.bitcast %and3A_238 : vector<256x1xi32> -> vector<256x1xf32>
    %swap3A_240 = arith.constant 0 : index
    %swap3A_241 = arith.constant 10 : index
    %swap3A_242 = vector.load %arg4[%swap3A_240, %swap3A_241] : memref<256x16xf32, #tpu.memory_space<vmem>>, vector<256x1xf32>
    tpu.vector_store %arg4[%swap3A_240, %swap3A_241], %bitcast_convert_type3A_239 {strides = array<i32>} : memref<256x16xf32, #tpu.memory_space<vmem>>, vector<256x1xf32>,
    %and3A_243 = arith.constant 4095 : i32
    %and3A_244 = vector.broadcast %and3A_243 : i32 to vector<256x1xi32>
    %and3A_245 = arith.andi %broadcast_in_dim3A_235, %and3A_244 : vector<256x1xi32>
    %swap3A_246 = arith.constant 0 : index
    %swap3A_247 = arith.constant 10 : index
    %swap3A_248 = vector.load %arg5[%swap3A_246, %swap3A_247] : memref<256x16xi32, #tpu.memory_space<vmem>>, vector<256x1xi32>
    tpu.vector_store %arg5[%swap3A_246, %swap3A_247], %and3A_245 {strides = array<i32>} : memref<256x16xi32, #tpu.memory_space<vmem>>, vector<256x1xi32>,
    %eq3A_249 = vector.broadcast %broadcast_in_dim3A_235 : vector<256x1xi32> to vector<256x4096xi32>
    %eq3A_250 = arith.cmpi eq, %select_n3A_232, %eq3A_249 : vector<256x4096xi32>
    %jit3A_251 = arith.constant 2147483647 : i32
    %broadcast_in_dim3A_252 = vector.broadcast %jit3A_251 : i32 to vector<256x4096xi32>
    %select_n3A_253 = arith.select %eq3A_250, %broadcast_in_dim3A_252, %select_n3A_232 : vector<256x4096xi1>, vector<256x4096xi32>
    %reduce_min3A_254 = arith.constant dense<2147483647> : vector<256xi32>
    %reduce_min3A_255 = vector.multi_reduction <minsi>, %select_n3A_253, %reduce_min3A_254 [1] : vector<256x4096xi32> to vector<256xi32>
    %broadcast_in_dim3A_256 = vector.shape_cast %reduce_min3A_255 : vector<256xi32> to vector<256x1xi32>
    %and3A_257 = arith.constant -4096 : i32
    %and3A_258 = vector.broadcast %and3A_257 : i32 to vector<256x1xi32>
    %and3A_259 = arith.andi %broadcast_in_dim3A_256, %and3A_258 : vector<256x1xi32>
    %bitcast_convert_type3A_260 = tpu.bitcast %and3A_259 : vector<256x1xi32> -> vector<256x1xf32>
    %swap3A_261 = arith.constant 0 : index
    %swap3A_262 = arith.constant 11 : index
    %swap3A_263 = vector.load %arg4[%swap3A_261, %swap3A_262] : memref<256x16xf32, #tpu.memory_space<vmem>>, vector<256x1xf32>
    tpu.vector_store %arg4[%swap3A_261, %swap3A_262], %bitcast_convert_type3A_260 {strides = array<i32>} : memref<256x16xf32, #tpu.memory_space<vmem>>, vector<256x1xf32>,
    %and3A_264 = arith.constant 4095 : i32
    %and3A_265 = vector.broadcast %and3A_264 : i32 to vector<256x1xi32>
    %and3A_266 = arith.andi %broadcast_in_dim3A_256, %and3A_265 : vector<256x1xi32>
    %swap3A_267 = arith.constant 0 : index
    %swap3A_268 = arith.constant 11 : index
    %swap3A_269 = vector.load %arg5[%swap3A_267, %swap3A_268] : memref<256x16xi32, #tpu.memory_space<vmem>>, vector<256x1xi32>
    tpu.vector_store %arg5[%swap3A_267, %swap3A_268], %and3A_266 {strides = array<i32>} : memref<256x16xi32, #tpu.memory_space<vmem>>, vector<256x1xi32>,
    %eq3A_270 = vector.broadcast %broadcast_in_dim3A_256 : vector<256x1xi32> to vector<256x4096xi32>
    %eq3A_271 = arith.cmpi eq, %select_n3A_253, %eq3A_270 : vector<256x4096xi32>
    %jit3A_272 = arith.constant 2147483647 : i32
    %broadcast_in_dim3A_273 = vector.broadcast %jit3A_272 : i32 to vector<256x4096xi32>
    %select_n3A_274 = arith.select %eq3A_271, %broadcast_in_dim3A_273, %select_n3A_253 : vector<256x4096xi1>, vector<256x4096xi32>
    %reduce_min3A_275 = arith.constant dense<2147483647> : vector<256xi32>
    %reduce_min3A_276 = vector.multi_reduction <minsi>, %select_n3A_274, %reduce_min3A_275 [1] : vector<256x4096xi32> to vector<256xi32>
    %broadcast_in_dim3A_277 = vector.shape_cast %reduce_min3A_276 : vector<256xi32> to vector<256x1xi32>
    %and3A_278 = arith.constant -4096 : i32
    %and3A_279 = vector.broadcast %and3A_278 : i32 to vector<256x1xi32>
    %and3A_280 = arith.andi %broadcast_in_dim3A_277, %and3A_279 : vector<256x1xi32>
    %bitcast_convert_type3A_281 = tpu.bitcast %and3A_280 : vector<256x1xi32> -> vector<256x1xf32>
    %swap3A_282 = arith.constant 0 : index
    %swap3A_283 = arith.constant 12 : index
    %swap3A_284 = vector.load %arg4[%swap3A_282, %swap3A_283] : memref<256x16xf32, #tpu.memory_space<vmem>>, vector<256x1xf32>
    tpu.vector_store %arg4[%swap3A_282, %swap3A_283], %bitcast_convert_type3A_281 {strides = array<i32>} : memref<256x16xf32, #tpu.memory_space<vmem>>, vector<256x1xf32>,
    %and3A_285 = arith.constant 4095 : i32
    %and3A_286 = vector.broadcast %and3A_285 : i32 to vector<256x1xi32>
    %and3A_287 = arith.andi %broadcast_in_dim3A_277, %and3A_286 : vector<256x1xi32>
    %swap3A_288 = arith.constant 0 : index
    %swap3A_289 = arith.constant 12 : index
    %swap3A_290 = vector.load %arg5[%swap3A_288, %swap3A_289] : memref<256x16xi32, #tpu.memory_space<vmem>>, vector<256x1xi32>
    tpu.vector_store %arg5[%swap3A_288, %swap3A_289], %and3A_287 {strides = array<i32>} : memref<256x16xi32, #tpu.memory_space<vmem>>, vector<256x1xi32>,
    %eq3A_291 = vector.broadcast %broadcast_in_dim3A_277 : vector<256x1xi32> to vector<256x4096xi32>
    %eq3A_292 = arith.cmpi eq, %select_n3A_274, %eq3A_291 : vector<256x4096xi32>
    %jit3A_293 = arith.constant 2147483647 : i32
    %broadcast_in_dim3A_294 = vector.broadcast %jit3A_293 : i32 to vector<256x4096xi32>
    %select_n3A_295 = arith.select %eq3A_292, %broadcast_in_dim3A_294, %select_n3A_274 : vector<256x4096xi1>, vector<256x4096xi32>
    %reduce_min3A_296 = arith.constant dense<2147483647> : vector<256xi32>
    %reduce_min3A_297 = vector.multi_reduction <minsi>, %select_n3A_295, %reduce_min3A_296 [1] : vector<256x4096xi32> to vector<256xi32>
    %broadcast_in_dim3A_298 = vector.shape_cast %reduce_min3A_297 : vector<256xi32> to vector<256x1xi32>
    %and3A_299 = arith.constant -4096 : i32
    %and3A_300 = vector.broadcast %and3A_299 : i32 to vector<256x1xi32>
    %and3A_301 = arith.andi %broadcast_in_dim3A_298, %and3A_300 : vector<256x1xi32>
    %bitcast_convert_type3A_302 = tpu.bitcast %and3A_301 : vector<256x1xi32> -> vector<256x1xf32>
    %swap3A_303 = arith.constant 0 : index
    %swap3A_304 = arith.constant 13 : index
    %swap3A_305 = vector.load %arg4[%swap3A_303, %swap3A_304] : memref<256x16xf32, #tpu.memory_space<vmem>>, vector<256x1xf32>
    tpu.vector_store %arg4[%swap3A_303, %swap3A_304], %bitcast_convert_type3A_302 {strides = array<i32>} : memref<256x16xf32, #tpu.memory_space<vmem>>, vector<256x1xf32>,
    %and3A_306 = arith.constant 4095 : i32
    %and3A_307 = vector.broadcast %and3A_306 : i32 to vector<256x1xi32>
    %and3A_308 = arith.andi %broadcast_in_dim3A_298, %and3A_307 : vector<256x1xi32>
    %swap3A_309 = arith.constant 0 : index
    %swap3A_310 = arith.constant 13 : index
    %swap3A_311 = vector.load %arg5[%swap3A_309, %swap3A_310] : memref<256x16xi32, #tpu.memory_space<vmem>>, vector<256x1xi32>
    tpu.vector_store %arg5[%swap3A_309, %swap3A_310], %and3A_308 {strides = array<i32>} : memref<256x16xi32, #tpu.memory_space<vmem>>, vector<256x1xi32>,
    %eq3A_312 = vector.broadcast %broadcast_in_dim3A_298 : vector<256x1xi32> to vector<256x4096xi32>
    %eq3A_313 = arith.cmpi eq, %select_n3A_295, %eq3A_312 : vector<256x4096xi32>
    %jit3A_314 = arith.constant 2147483647 : i32
    %broadcast_in_dim3A_315 = vector.broadcast %jit3A_314 : i32 to vector<256x4096xi32>
    %select_n3A_316 = arith.select %eq3A_313, %broadcast_in_dim3A_315, %select_n3A_295 : vector<256x4096xi1>, vector<256x4096xi32>
    %reduce_min3A_317 = arith.constant dense<2147483647> : vector<256xi32>
    %reduce_min3A_318 = vector.multi_reduction <minsi>, %select_n3A_316, %reduce_min3A_317 [1] : vector<256x4096xi32> to vector<256xi32>
    %broadcast_in_dim3A_319 = vector.shape_cast %reduce_min3A_318 : vector<256xi32> to vector<256x1xi32>
    %and3A_320 = arith.constant -4096 : i32
    %and3A_321 = vector.broadcast %and3A_320 : i32 to vector<256x1xi32>
    %and3A_322 = arith.andi %broadcast_in_dim3A_319, %and3A_321 : vector<256x1xi32>
    %bitcast_convert_type3A_323 = tpu.bitcast %and3A_322 : vector<256x1xi32> -> vector<256x1xf32>
    %swap3A_324 = arith.constant 0 : index
    %swap3A_325 = arith.constant 14 : index
    %swap3A_326 = vector.load %arg4[%swap3A_324, %swap3A_325] : memref<256x16xf32, #tpu.memory_space<vmem>>, vector<256x1xf32>
    tpu.vector_store %arg4[%swap3A_324, %swap3A_325], %bitcast_convert_type3A_323 {strides = array<i32>} : memref<256x16xf32, #tpu.memory_space<vmem>>, vector<256x1xf32>,
    %and3A_327 = arith.constant 4095 : i32
    %and3A_328 = vector.broadcast %and3A_327 : i32 to vector<256x1xi32>
    %and3A_329 = arith.andi %broadcast_in_dim3A_319, %and3A_328 : vector<256x1xi32>
    %swap3A_330 = arith.constant 0 : index
    %swap3A_331 = arith.constant 14 : index
    %swap3A_332 = vector.load %arg5[%swap3A_330, %swap3A_331] : memref<256x16xi32, #tpu.memory_space<vmem>>, vector<256x1xi32>
    tpu.vector_store %arg5[%swap3A_330, %swap3A_331], %and3A_329 {strides = array<i32>} : memref<256x16xi32, #tpu.memory_space<vmem>>, vector<256x1xi32>,
    %broadcast_in_dim3A_333 = arith.constant 0.000000e+00 : f32
    %broadcast_in_dim3A_334 = vector.broadcast %broadcast_in_dim3A_333 : f32 to vector<256x1xf32>
    %swap3A_335 = arith.constant 0 : index
    %swap3A_336 = arith.constant 15 : index
    %swap3A_337 = vector.load %arg4[%swap3A_335, %swap3A_336] : memref<256x16xf32, #tpu.memory_space<vmem>>, vector<256x1xf32>
    tpu.vector_store %arg4[%swap3A_335, %swap3A_336], %broadcast_in_dim3A_334 {strides = array<i32>} : memref<256x16xf32, #tpu.memory_space<vmem>>, vector<256x1xf32>,
    %slice3A = vector.extract_strided_slice %add3A_21 {offsets = [0, 0], sizes = [256, 1], strides = [1, 1]} : vector<256x4096xi32> to vector<256x1xi32>
    %swap3A_338 = arith.constant 0 : index
    %swap3A_339 = arith.constant 15 : index
    %swap3A_340 = vector.load %arg5[%swap3A_338, %swap3A_339] : memref<256x16xi32, #tpu.memory_space<vmem>>, vector<256x1xi32>
    tpu.vector_store %arg5[%swap3A_338, %swap3A_339], %slice3A {strides = array<i32>} : memref<256x16xi32, #tpu.memory_space<vmem>>, vector<256x1xi32>,
    %and3A_341 = arith.constant -4096 : i32
    %and3A_342 = vector.broadcast %and3A_341 : i32 to vector<256x1xi32>
    %and3A_343 = arith.andi %broadcast_in_dim3A_319, %and3A_342 : vector<256x1xi32>
    %bitcast_convert_type3A_344 = tpu.bitcast %and3A_343 : vector<256x1xi32> -> vector<256x1xf32>
    %swap3A_345 = arith.constant 0 : index
    %swap3A_346 = arith.constant 0 : index
    %swap3A_347 = vector.load %arg6[%swap3A_345, %swap3A_346] : memref<256x1xf32, #tpu.memory_space<vmem>>, vector<256x1xf32>
    tpu.vector_store %arg6[%swap3A_345, %swap3A_346], %bitcast_convert_type3A_344 {strides = array<i32>} : memref<256x1xf32, #tpu.memory_space<vmem>>, vector<256x1xf32>,
    return
  }
  func.func @transform_0(%arg0: i32) -> (i32, i32) {
    %c0_i32 = arith.constant 0 : i32
    %c0_i32_0 = arith.constant 0 : i32
    return %arg0, %c0_i32 : i32, i32
  }
  func.func @transform_1(%arg0: i32) -> (i32, i32) {
    %c0_i32 = arith.constant 0 : i32
    %c0_i32_0 = arith.constant 0 : i32
    %c0_i32_1 = arith.constant 0 : i32
    return %c0_i32, %c0_i32_0 : i32, i32
  }
  func.func @transform_2(%arg0: i32) -> (i32, i32) {
    %c0_i32 = arith.constant 0 : i32
    %c0_i32_0 = arith.constant 0 : i32
    %c0_i32_1 = arith.constant 0 : i32
    return %c0_i32, %c0_i32_0 : i32, i32
  }
  func.func @transform_3(%arg0: i32) -> (i32, i32) {
    %c0_i32 = arith.constant 0 : i32
    %c0_i32_0 = arith.constant 0 : i32
    return %arg0, %c0_i32 : i32, i32
  }
  func.func @transform_4(%arg0: i32) -> (i32, i32) {
    %c0_i32 = arith.constant 0 : i32
    %c0_i32_0 = arith.constant 0 : i32
    return %arg0, %c0_i32 : i32, i32
  }
  func.func @transform_5(%arg0: i32) -> (i32, i32) {
    %c0_i32 = arith.constant 0 : i32
    %c0_i32_0 = arith.constant 0 : i32
    return %arg0, %c0_i32 : i32, i32
  }
}

module attributes {stable_mosaic.version = 14 : i64} {
  func.func @_final_body(%arg0: memref<4096x16xf32, #tpu.memory_space<vmem>>, %arg1: memref<4096x16xf32, #tpu.memory_space<vmem>>, %arg2: memref<4096x16xf32, #tpu.memory_space<vmem>>, %arg3: memref<1x1xf32, #tpu.memory_space<vmem>>, %arg4: memref<1x1xf32, #tpu.memory_space<vmem>>, %arg5: memref<1x1xf32, #tpu.memory_space<vmem>>, %arg6: memref<1x1xf32, #tpu.memory_space<vmem>>) attributes {dimension_semantics = [], scalar_prefetch = 0 : i64, scratch_operands = 0 : i64, tpu.core_type = #tpu.core_type<tc>} {
    %get3A = arith.constant 0 : index
    %get3A_0 = arith.constant 0 : index
    %get3A_1 = vector.load %arg0[%get3A, %get3A_0] : memref<4096x16xf32, #tpu.memory_space<vmem>>, vector<4096x16xf32>
    %get3A_2 = arith.constant 0 : index
    %get3A_3 = arith.constant 0 : index
    %get3A_4 = vector.load %arg1[%get3A_2, %get3A_3] : memref<4096x16xf32, #tpu.memory_space<vmem>>, vector<4096x16xf32>
    %get3A_5 = arith.constant 0 : index
    %get3A_6 = arith.constant 0 : index
    %get3A_7 = vector.load %arg2[%get3A_5, %get3A_6] : memref<4096x16xf32, #tpu.memory_space<vmem>>, vector<4096x16xf32>
    %iota3A = tpu.iota {dimensions = array<i32: 1>} : vector<4096x16xi32>
    %lt3A = arith.constant 15 : i32
    %lt3A_8 = vector.broadcast %lt3A : i32 to vector<4096x16xi32>
    %lt3A_9 = arith.cmpi slt, %iota3A, %lt3A_8 : vector<4096x16xi32>
    %slice3A = vector.extract_strided_slice %get3A_1 {offsets = [0, 14], sizes = [4096, 1], strides = [1, 1]} : vector<4096x16xf32> to vector<4096x1xf32>
    %reduce_max3A = vector.shape_cast %slice3A : vector<4096x1xf32> to vector<1x4096x1xf32>
    %reduce_max3A_10 = arith.constant dense<0xFF800000> : vector<1xf32>
    %reduce_max3A_11 = vector.multi_reduction <maximumf>, %reduce_max3A, %reduce_max3A_10 [1, 2] : vector<1x4096x1xf32> to vector<1xf32>
    %reduce_max3A_12 = vector.shape_cast %reduce_max3A_11 : vector<1xf32> to vector<1x1x1xf32>
    %reduce_max3A_13 = vector.extract %reduce_max3A_12[0, 0, 0] : f32 from vector<1x1x1xf32>
    %sqrt3A = math.sqrt %reduce_max3A_13 : f32
    %jit3A = arith.constant 0xFF800000 : f32
    %broadcast_in_dim3A = vector.broadcast %jit3A : f32 to vector<4096x16xf32>
    %select_n3A = arith.select %lt3A_9, %get3A_4, %broadcast_in_dim3A : vector<4096x16xi1>, vector<4096x16xf32>
    %reduce_max3A_14 = vector.shape_cast %select_n3A : vector<4096x16xf32> to vector<1x4096x16xf32>
    %reduce_max3A_15 = arith.constant dense<0xFF800000> : vector<1xf32>
    %reduce_max3A_16 = vector.multi_reduction <maximumf>, %reduce_max3A_14, %reduce_max3A_15 [1, 2] : vector<1x4096x16xf32> to vector<1xf32>
    %reduce_max3A_17 = vector.shape_cast %reduce_max3A_16 : vector<1xf32> to vector<1x1x1xf32>
    %reduce_max3A_18 = vector.extract %reduce_max3A_17[0, 0, 0] : f32 from vector<1x1x1xf32>
    %sqrt3A_19 = math.sqrt %reduce_max3A_18 : f32
    %add3A = arith.constant 9.99999993E-9 : f32
    %add3A_20 = arith.addf %sqrt3A, %add3A : f32
    %add3A_21 = arith.constant 9.99999993E-9 : f32
    %add3A_22 = arith.addf %sqrt3A_19, %add3A_21 : f32
    %sqrt3A_23 = math.sqrt %get3A_4 : vector<4096x16xf32>
    %div3A = vector.broadcast %add3A_22 : f32 to vector<4096x16xf32>
    %div3A_24 = arith.divf %sqrt3A_23, %div3A : vector<4096x16xf32>
    %sqrt3A_25 = math.sqrt %get3A_1 : vector<4096x16xf32>
    %div3A_26 = vector.broadcast %add3A_20 : f32 to vector<4096x16xf32>
    %div3A_27 = arith.divf %sqrt3A_25, %div3A_26 : vector<4096x16xf32>
    %sub3A = arith.subf %div3A_24, %div3A_27 : vector<4096x16xf32>
    %integer_pow3A = arith.mulf %sub3A, %sub3A : vector<4096x16xf32>
    %jit3A_28 = arith.constant 0.000000e+00 : f32
    %broadcast_in_dim3A_29 = vector.broadcast %jit3A_28 : f32 to vector<4096x16xf32>
    %select_n3A_30 = arith.select %lt3A_9, %integer_pow3A, %broadcast_in_dim3A_29 : vector<4096x16xi1>, vector<4096x16xf32>
    %reduce_sum3A = vector.shape_cast %select_n3A_30 : vector<4096x16xf32> to vector<1x4096x16xf32>
    %reduce_sum3A_31 = arith.constant dense<0.000000e+00> : vector<1xf32>
    %reduce_sum3A_32 = vector.multi_reduction <add>, %reduce_sum3A, %reduce_sum3A_31 [1, 2] : vector<1x4096x16xf32> to vector<1xf32>
    %reduce_sum3A_33 = vector.shape_cast %reduce_sum3A_32 : vector<1xf32> to vector<1x1x1xf32>
    %reduce_sum3A_34 = vector.extract %reduce_sum3A_33[0, 0, 0] : f32 from vector<1x1x1xf32>
    %le3A = arith.cmpf ole, %get3A_1, %get3A_7 : vector<4096x16xf32>
    %and3A = arith.andi %lt3A_9, %le3A : vector<4096x16xi1>
    %jit3A_35 = arith.constant 0.000000e+00 : f32
    %broadcast_in_dim3A_36 = vector.broadcast %jit3A_35 : f32 to vector<4096x16xf32>
    %select_n3A_37 = arith.select %and3A, %integer_pow3A, %broadcast_in_dim3A_36 : vector<4096x16xi1>, vector<4096x16xf32>
    %reduce_sum3A_38 = vector.shape_cast %select_n3A_37 : vector<4096x16xf32> to vector<1x4096x16xf32>
    %reduce_sum3A_39 = arith.constant dense<0.000000e+00> : vector<1xf32>
    %reduce_sum3A_40 = vector.multi_reduction <add>, %reduce_sum3A_38, %reduce_sum3A_39 [1, 2] : vector<1x4096x16xf32> to vector<1xf32>
    %reduce_sum3A_41 = vector.shape_cast %reduce_sum3A_40 : vector<1xf32> to vector<1x1x1xf32>
    %reduce_sum3A_42 = vector.extract %reduce_sum3A_41[0, 0, 0] : f32 from vector<1x1x1xf32>
    %convert_element_type3A = arith.extui %and3A : vector<4096x16xi1> to vector<4096x16xi32>
    %convert_element_type3A_43 = arith.sitofp %convert_element_type3A : vector<4096x16xi32> to vector<4096x16xf32>
    %reduce_sum3A_44 = vector.shape_cast %convert_element_type3A_43 : vector<4096x16xf32> to vector<1x4096x16xf32>
    %reduce_sum3A_45 = arith.constant dense<0.000000e+00> : vector<1xf32>
    %reduce_sum3A_46 = vector.multi_reduction <add>, %reduce_sum3A_44, %reduce_sum3A_45 [1, 2] : vector<1x4096x16xf32> to vector<1xf32>
    %reduce_sum3A_47 = vector.shape_cast %reduce_sum3A_46 : vector<1xf32> to vector<1x1x1xf32>
    %reduce_sum3A_48 = vector.extract %reduce_sum3A_47[0, 0, 0] : f32 from vector<1x1x1xf32>
    %sub3A_49 = arith.constant 1.228800e+05 : f32
    %sub3A_50 = arith.subf %sub3A_49, %reduce_sum3A_48 : f32
    %mul3A = arith.constant 2.000000e+00 : f32
    %mul3A_51 = arith.mulf %mul3A, %reduce_sum3A_34 : f32
    %sub3A_52 = arith.subf %mul3A_51, %reduce_sum3A_42 : f32
    %div3A_53 = arith.divf %sub3A_52, %sub3A_50 : f32
    %reshape3A = vector.broadcast %div3A_53 : f32 to vector<1x1xf32>
    %get3A_54 = arith.constant 0 : index
    %get3A_55 = arith.constant 0 : index
    %get3A_56 = vector.load %arg3[%get3A_54, %get3A_55] : memref<1x1xf32, #tpu.memory_space<vmem>>, vector<1x1xf32>
    %div3A_57 = arith.constant 0x4A800000 : f32
    %div3A_58 = vector.broadcast %div3A_57 : f32 to vector<1x1xf32>
    %div3A_59 = arith.divf %get3A_56, %div3A_58 : vector<1x1xf32>
    %swap3A = arith.constant 0 : index
    %swap3A_60 = arith.constant 0 : index
    %swap3A_61 = vector.load %arg6[%swap3A, %swap3A_60] : memref<1x1xf32, #tpu.memory_space<vmem>>, vector<1x1xf32>
    tpu.vector_store %arg6[%swap3A, %swap3A_60], %reshape3A {strides = array<i32>} : memref<1x1xf32, #tpu.memory_space<vmem>>, vector<1x1xf32>,
    %swap3A_62 = arith.constant 0 : index
    %swap3A_63 = arith.constant 0 : index
    %swap3A_64 = vector.load %arg5[%swap3A_62, %swap3A_63] : memref<1x1xf32, #tpu.memory_space<vmem>>, vector<1x1xf32>
    tpu.vector_store %arg5[%swap3A_62, %swap3A_63], %div3A_59 {strides = array<i32>} : memref<1x1xf32, #tpu.memory_space<vmem>>, vector<1x1xf32>,
    %mul3A_65 = arith.constant 1.000000e+00 : f32
    %mul3A_66 = vector.broadcast %mul3A_65 : f32 to vector<1x1xf32>
    %mul3A_67 = arith.mulf %mul3A_66, %reshape3A : vector<1x1xf32>
    %add3A_68 = arith.addf %div3A_59, %mul3A_67 : vector<1x1xf32>
    %swap3A_69 = arith.constant 0 : index
    %swap3A_70 = arith.constant 0 : index
    %swap3A_71 = vector.load %arg4[%swap3A_69, %swap3A_70] : memref<1x1xf32, #tpu.memory_space<vmem>>, vector<1x1xf32>
    tpu.vector_store %arg4[%swap3A_69, %swap3A_70], %add3A_68 {strides = array<i32>} : memref<1x1xf32, #tpu.memory_space<vmem>>, vector<1x1xf32>,
    return
  }
}

</mosaic_0001>

<sc_bundles>
// kernel: kernel.6.cloned.1.call-start
scs
__scs_entry_jumppad:
0x0: {  	(pc) =	sbr.rel $0x88, $3  }
0x1: {  	(tag) =	ssettag $0x0;
	lr =	simm.s32 $0x1  }
0x2: {  	[smem:$0x3F94] =	sst lr;
	_ =	strace $0xD0000000  }
0x3: {  	_ = 	snop  }
0x4: {  	_ = 	snop  }
0x5: {  	_ = 	snop  }
0x6: {  	_ = 	snop  }
0x7: {  	_ = 	snop  }
__scs_overlays_trampoline_lowered:
0x8: {  	[smem:$0x3FA3] =	sst s0  }
0x9: {  	[smem:$0x3FA4] =	sst s1  }
0xa: {  	[smem:$0x3FA5] =	sst s2  }
0xb: {  	[smem:$0x3FA6] =	sst s3  }
0xc: {  	[smem:$0x3FA7] =	sst s4  }
0xd: {  	[smem:$0x3FA8] =	sst s5  }
0xe: {  	[smem:$0x3FA9] =	sst s6  }
0xf: {  	[smem:$0x3FAA] =	sst s7  }
0x10: {  	[smem:$0x3FAB] =	sst s8  }
0x11: {  	[smem:$0x3FAC] =	sst s9;
	s0 =	simm.s32 @!p0 $0x0  }
0x12: {  	s1 =	sld [smem:$0x3F92];
	s0 =	simm.s32 @p0 $0x1  }
0x13: {  	[smem:$0x3FAD] =	sst s0;
	s0 =	simm.s32 @!p1 $0x0  }
0x14: {  	s2 =	sld [smem:$0x3F91];
	s0 =	simm.s32 @p1 $0x1  }
0x15: {  	[smem:$0x3FAE] =	sst s0;
	s0 =	simm.s32 @!p2 $0x0  }
0x16: {  	s3 =	sld [smem:$0x3FDB];
	s0 =	simm.s32 @p2 $0x1  }
0x17: {  	s4 =	simm.s32 $0x1BF5;
	[smem:$0x3FB0] =	sst s0  }
0x18: {  	s0 =	sld [smem:$0x3F93];
	_ =	swait.ge [sflag:s4], $0x0  }
0x19: {  	s7 =	sld [smem:$0x3F94]  }
0x1a: {  	s8 =	sadd.s32 $0xFFFFE003, lr  }
0x1b: {  	s9 =	sadd.s32 $0xFFFFFEF7, lr;
	s5 =	simm.s32 $0xFFFFFFFF;
	p2 =	slt.u32 s8, $0xFFFFF086  }
0x1c: {  	p1 =	slt.u32 s9, $0xF7A;
	s5 =	simm.s32 @!p2 $0x0  }
0x1d: {  	s5 =	simm.s32 @p1 $0x1;
	p0 =	seq.s32 s7, s2  }
0x1e: {  	s7 =	smul.u32 @!p0 $0xF7A, s2;
	p2 =	seq.s32 @!p0 s5, $0x0  }
0x1f: {  	s9 =	smul.u32 $0xF7A, s1;
	s8 =	simm.s32 @!p0 $0x1BF5;
	p2 =	por !p2, p0  }
0x20: {  	[sflag:s8] =	ssyncset.s32 @!p0 $0xFFFFF086;
	s6 =	sadd.s32 @!p0 s3, s7;
	s7 =	simm.s32 @!p0 $0x108  }
0x21: {  	s3 =	sadd.s32 s3, s9;
	s6 =	sadd.s32 @!p0 $0x88, s6;
	s7 =	simm.s32 @p2 $0x1082  }
0x22: {  	[simem:s7], [sflag:s8] =	dma.local @!p0 [hbm:s6], $0xF7A  }
0x23: {  	s9 =	sor.u32 $0xD0000000, s2;
	s6 =	simm.s32 $0x108;
	_ =	swait.ge @!p0 [sflag:s8], $0x0  }
0x24: {  	s3 =	sadd.s32 $0x88, s3;
	s6 =	simm.s32 @!p1 $0x1082;
	[sflag:s4] =	ssyncset.s32 $0xFFFFF086  }
0x25: {  	[simem:s6], [sflag:s4] =	dma.local [hbm:s3], $0xF7A  }
0x26: {  	[smem:$0x3F94] =	sst s1;
	(tag) =	ssettag s2;
	_ =	strace s9  }
0x27: {  	s1 =	sld [smem:$0x3FA4]  }
0x28: {  	s2 =	sld [smem:$0x3FA5]  }
0x29: {  	s4 =	sld [smem:$0x3FA7]  }
0x2a: {  	p0 =	seq.s32 s5, $0x0;
	s5 =	sld [smem:$0x3FA8]  }
0x2b: {  	s6 =	sld [smem:$0x3FA9]  }
0x2c: {  	s7 =	sld [smem:$0x3FAA]  }
0x2d: {  	s3 =	simm.s32 $0x108;
	s8 =	sld [smem:$0x3FAB]  }
0x2e: {  	s3 =	simm.s32 @!p0 $0x1082;
	s9 =	sld [smem:$0x3FAC]  }
0x2f: {  	lr =	sadd.s32 s0, s3;
	s0 =	sld [smem:$0x3FA3]  }
0x30: {  	s3 =	sld [smem:$0x3FA6]  }
0x31: {  	[smem:$0x3FAF] =	sst s10  }
0x32: {  	s10 =	sld [smem:$0x3FAD];
	_ =	sdelay $0x3  }
0x33: {  	p0 =	seq.s32 s10, $0x1;
	s10 =	sld [smem:$0x3FAF];
	_ =	sdelay $0x3  }
0x34: {  	[smem:$0x3FAF] =	sst s10  }
0x35: {  	s10 =	sld [smem:$0x3FAE];
	_ =	sdelay $0x3  }
0x36: {  	p1 =	seq.s32 s10, $0x1;
	s10 =	sld [smem:$0x3FAF];
	_ =	sdelay $0x3  }
0x37: {  	[smem:$0x3FAF] =	sst s10  }
0x38: {  	s10 =	sld [smem:$0x3FB0]  }
0x39: {  	_ = 	snop;
	(pc) =	sbr.ind lr, $3  }
0x3a: {  	_ = 	snop  }
0x3b: {  	_ = 	snop  }
0x3c: {  	p2 =	seq.s32 s10, $0x1;
	s10 =	sld [smem:$0x3FAF]  }
0x3d: {  	_ =	shalt  }
0x3e: {  	_ =	shalt  }
0x3f: {  	_ =	shalt  }
0x40: {  	_ =	shalt  }
0x41: {  	_ =	shalt  }
0x42: {  	_ =	shalt  }
0x43: {  	_ =	shalt  }
0x44: {  	_ =	shalt  }
0x45: {  	_ =	shalt  }
0x46: {  	_ =	shalt  }
0x47: {  	_ =	shalt  }
0x48: {  	_ =	shalt  }
0x49: {  	_ =	shalt  }
0x4a: {  	_ =	shalt  }
0x4b: {  	_ =	shalt  }
0x4c: {  	_ =	shalt  }
0x4d: {  	_ =	shalt  }
0x4e: {  	_ =	shalt  }
0x4f: {  	_ =	shalt  }
0x50: {  	_ =	shalt  }
0x51: {  	_ =	shalt  }
0x52: {  	_ =	shalt  }
0x53: {  	_ =	shalt  }
0x54: {  	_ =	shalt  }
0x55: {  	_ =	shalt  }
0x56: {  	_ =	shalt  }
0x57: {  	_ =	shalt  }
0x58: {  	_ =	shalt  }
0x59: {  	_ =	shalt  }
0x5a: {  	_ =	shalt  }
0x5b: {  	_ =	shalt  }
0x5c: {  	_ =	shalt  }
0x5d: {  	_ =	shalt  }
0x5e: {  	_ =	shalt  }
0x5f: {  	_ =	shalt  }
0x60: {  	_ =	shalt  }
0x61: {  	_ =	shalt  }
0x62: {  	_ =	shalt  }
0x63: {  	_ =	shalt  }
0x64: {  	_ =	shalt  }
0x65: {  	_ =	shalt  }
0x66: {  	_ =	shalt  }
0x67: {  	_ =	shalt  }
0x68: {  	_ =	shalt  }
0x69: {  	_ =	shalt  }
0x6a: {  	_ =	shalt  }
0x6b: {  	_ =	shalt  }
0x6c: {  	_ =	shalt  }
0x6d: {  	_ =	shalt  }
0x6e: {  	_ =	shalt  }
0x6f: {  	_ =	shalt  }
0x70: {  	_ =	shalt  }
0x71: {  	_ =	shalt  }
0x72: {  	_ =	shalt  }
0x73: {  	_ =	shalt  }
0x74: {  	_ =	shalt  }
0x75: {  	_ =	shalt  }
0x76: {  	_ =	shalt  }
0x77: {  	_ =	shalt  }
0x78: {  	_ =	shalt  }
0x79: {  	_ =	shalt  }
0x7a: {  	_ =	shalt  }
0x7b: {  	_ =	shalt  }
0x7c: {  	_ =	shalt  }
0x7d: {  	_ =	shalt  }
0x7e: {  	_ =	shalt  }
0x7f: {  	_ =	shalt  }
0x80: {  	_ =	shalt  }
0x81: {  	_ =	shalt  }
0x82: {  	_ =	shalt  }
0x83: {  	_ =	shalt  }
0x84: {  	_ =	shalt  }
0x85: {  	_ =	shalt  }
0x86: {  	_ =	shalt  }
0x87: {  	_ =	shalt  }
.Lfunc_end0:
.L_simem_size_0:
called_computation_lowered:
.L_overlay_start_0:
0x88: {  	s2 =	sld [smem:$0x3FD9]  }
0x89: {  	s3 =	sld [smem:$0x3FFE];
	_ =	sdelay $0x1  }
0x8a: {  	s1 =	srdreg.scid  }
0x8b: {  	s0 =	sand.u32 $0x1, s1  }
0x8c: {  	s16 =	sshll.u32 s0, $0xA;
	s2 =	sadd.s32 s3, s2  }
0x8d: {  	s2 =	sadd.s32 s2, s16  }
0x8e: {  	[smem:$0x3FBB] =	sst s2  }
0x8f: {  	_ = 	snop  }
0x90: {  	(tm) =	ssettm $0x1  }
0x91: {  	s17 =	sld [smem:$0x3FFB];
	_ =	sdelay $0x3  }
0x92: {  	_ =	strace s17  }
0x93: {  	s2 =	sld [smem:$0x3FFC];
	_ =	sdelay $0x3  }
0x94: {  	_ =	strace s2  }
0x95: {  	s2 =	sld [smem:$0x3FFD];
	_ =	sdelay $0x3  }
0x96: {  	_ =	strace s2  }
0x97: {  	_ =	strace $0x8FFFFFFF  }
0x98: {  	s18 =	sld [smem:$0x3FDB];
	_ =	sdelay $0x1  }
0x99: {  	s19 =	simm.s32 $_scs_section_size  }
0x9a: {  	s4 =	simm.s32 $_size__tile_overlayer_lowered;
	s5 =	simm.s32 $_tile_overlayer_lowered  }
0x9b: {  	s22 =	simm.s32 $0x1BFF;
	s21 =	sshll.u32 s5, $0x1;
	s2 =	sadd.s32 s19, s18  }
0x9c: {  	s6 =	simm.s32 $0x0;
	s20 =	sshll.u32 s4, $0x1;
	s4 =	sadd.s32 s21, s2  }
0x9d: {  	[timem:s6], [sflag:s22] =	dma.local [hbm:s4], s20  }
0x9e: {  	_ =	swait.ge [sflag:s22], s20  }
0x9f: {  	s3 =	ssub.s32 $0x0, s20;
	[sflag:s22] =	ssyncset.done $0x0  }
0xa0: {  	[sflag:s22] =	ssyncadd.s32 s3;
	_ =	sdelay $0x1  }
0xa1: {  	s23 =	simm.s32 $0x1B8B  }
0xa2: {  	_ =	swait.ge [sflag:s23], $0x1  }
0xa3: {  	[sflag:s23] =	ssyncset.done $0x0  }
0xa4: {  	s25 =	simm.s32 $0x1B8E;
	s24 =	sld [smem:$0x3FFE];
	[sflag:s23] =	ssyncadd.s32 $0xFFFFFFFF  }
0xa5: {  	s26 =	simm.s32 $execute0_lowered;
	[smem:$0x3FD2] =	sst s25  }
0xa6: {  	s4 =	sshll.u32 s26, $0x1;
	_ =	strace $0x80000046;
	[dreg:$0x1] =	wrdreg $0xFFFFFFFF  }
0xa7: {  	s28 =	simm.s32 $_size_execute0_lowered;
	s2 =	sadd.s32 s2, s4;
	[dreg:$0x0] =	wrdreg $0x0  }
0xa8: {  	s4 =	sshll.u32 s28, $0x1;
	[dreg:$0x2] =	wrdreg s2  }
0xa9: {  	[dreg:$0x3] =	wrdreg s4  }
0xaa: {  	[dreg:$0x4] =	wrdreg $0xC0  }
0xab: {  	_ =	task [dreg:s6], $0x5FFFF  }
0xac: {  	[dreg:$0x1] =	wrdreg $0xFFFFFFFF  }
0xad: {  	[dreg:$0x0] =	wrdreg $0x60  }
0xae: {  	[dreg:$0x2] =	wrdreg s24  }
0xaf: {  	[dreg:$0x3] =	wrdreg $0x9  }
0xb0: {  	_ =	task.clear_ibuf [dreg:s6], $0x4FFFF;
	_ =	strace $0x90000046  }
0xb1: {  	s29 =	simm.s32 $0x9;
	_ =	strace $0x80000048  }
0xb2: {  	_ =	swait.ge [sflag:s29], $0x1  }
0xb3: {  	[sflag:s29] =	ssyncadd.s32 $0xFFFFFFFF  }
0xb4: {  	_ =	strace $0x90000048  }
0xb5: {  	_ =	sfence  }
0xb6: {  	s30 =	sld [smem:$0x0];
	_ =	sdelay $0x2  }
0xb7: {  	s31 =	sshll.u32 s1, $0xD;
	s1 =	sshrl.u32 s1, $0x2  }
0xb8: {  	s3 =	sand.u32 $0x4000, s31;
	s1 =	sadd.s32 s1, s30  }
0xb9: {  	s0 =	sor.u32 s3, s0;
	s1 =	sshll.u32 s1, $0x11  }
0xba: {  	s0 =	sor.u32 s1, s0  }
0xbb: {  	s0 =	sadd.s32 $0x8F2B, s0  }
0xbc: {  	[sflag:s0] =	ssyncadd.remote.s32 $0x1  }
0xbd: {  	_ =	sfence.sel $0xFFFF  }
0xbe: {  	[dreg:$0x0] =	wrdreg $0xFFFFFFFF;
	(pc) =	sbr.abs _section_cstart, $3  }
0xbf: {  	[dreg:$0x1] =	wrdreg $0xFFFFFFFF  }
0xc0: {  	_ =	task.clear_ibuf [dreg:s6], $0x2FFFF;
	_ =	strace $0x9FFFFFFF  }
0xc1: {  	(tm) =	ssettm $0x7FFFFFFF  }
tec
execute0_lowered:
.L_overlay_start_1:
0x0: {  	(tag) =	ssettag $0x1  }
0x1: {  	s0 =	rddreg [dreg:$0x0];
	s1 =	simm.s32 $0x0;
	s2 =	srdreg.scid  }
0x2: {  	s6 =	stileid.u32;
	s10 =	simm.s32 $0x3;
	s12 =	simm.s32 $0x1000  }
0x3: {  	s13 =	simm.s32 $0x80;
	s14 =	simm.s32 $0x5800;
	s16 =	simm.s32 $0x9800  }
0x4: {  	s17 =	simm.s32 $0x1;
	s19 =	simm.s32 $0x2;
	s30 =	simm.s32 $0x1600  }
0x5: {  	s31 =	simm.s32 $0x1680;
	s11 =	simm.s32 $0xD800;
	s15 =	simm.s32 $0xE000  }
0x6: {  	s18 =	simm.s32 $0x0;
	[smem:$0x7FF] =	sst s1;
	s2 =	sand.u32 $0x1, s2  }
0x7: {  	s3 =	sadd.s32 $0x82A00, s0;
	s4 =	sadd.s32 $0x2800, s0;
	s5 =	sshll.u32 s2, $0x4  }
0x8: {  	_ =	strace $0x80000047;
	s2 =	ssub.s32 $0x2, s2;
	s5 =	sor.u32 s6, s5  }
0x9: {  	s7 =	sshrl.u32 s2, $0x1;
	s6 =	sshll.u32 s5, $0x8;
	s5 =	sshll.u32 s5, $0xB  }
0xa: {  	s2 =	ssub.s32 s2, s7;
	s0 =	sadd.s32 s6, s0;
	s5 =	sadd.s32 s3, s5  }
0xb: {  	s9 =	smax.u32 s2, $0x1;
	s2 =	simm.s32 $0x1780;
	s6 =	sadd.s32 $0x2A00, s0  }
0xc: {  	v0 =	vlaneseq.u32;
	s7 =	sadd.s32 $0x4A00, s0;
	s8 =	sadd.s32 $0x6A00, s0;
	s0 =	simm.s32 $0x1700  }
.LBB2_1:
0xd: {  	[tilespmem:s1], [sflag:$0x3] =	stream.linear.gather [hbm4b:s4+s1], $0x1000, $0x38;
	[tilespmem:$0xE800] =	vst v63  }
0xe: {  	_ =	swait.ge [sflag:s10], $0x1000  }
0xf: {  	[sflag:s10] =	ssyncset.done $0x0  }
0x10: {  	s20 =	simm.s32 $0x1800;
	[sflag:s10] =	ssyncadd.s32 $0xFFFFF000  }
0x11: {  	[tilespmem:s20], [sflag:$0x3] =	stream.linear.gather [hbm4b:s5+s1], $0x4000, $0x38;
	[tilespmem:$0xE800] =	vst v63  }
0x12: {  	_ =	swait.ge [sflag:s10], $0x4000  }
0x13: {  	[sflag:s10] =	ssyncset.done $0x0  }
0x14: {  	[sflag:s10] =	ssyncadd.s32 $0xFFFFC000  }
0x15: {  	[tilespmem:s12], [sflag:$0x3] =	stream.linear.gather [hbm4b:s6+s1], $0x800, $0x38;
	[tilespmem:$0xE800] =	vst v63  }
0x16: {  	_ =	swait.ge [sflag:s10], $0x800  }
0x17: {  	[sflag:s10] =	ssyncset.done $0x0  }
0x18: {  	[sflag:s10] =	ssyncadd.s32 $0xFFFFF800  }
0x19: {  	[tilespmem:s14], [sflag:$0x1] =	stream.indirect.gather [hbm4b:s3+s13], $0x80, s12, s13, $0xb8;
	[tilespmem:$0xE800] =	vst v63  }
0x1a: {  	s29 =	simm.s32 $0x1080  }
0x1b: {  	[tilespmem:s16], [sflag:$0x2] =	stream.indirect.gather [hbm4b:s3+s13], $0x80, s29, s13, $0xb8;
	[tilespmem:$0xE800] =	vst v63  }
0x1c: {  	_ =	swait.ge [sflag:s17], $0x4000  }
0x1d: {  	[sflag:s17] =	ssyncset.done $0x0  }
0x1e: {  	s21 =	simm.s32 $0x0;
	s20 =	simm.s32 $0x5840;
	[sflag:s17] =	ssyncadd.s32 $0xFFFFC000  }
.LBB2_2:
0x1f: {  	v9 =	vld [tilespmem:s20+$0xFFFFFFC0]  }
0x20: {  	v10 =	vld [tilespmem:s20+$0xFFFFFFD0]  }
0x21: {  	v11 =	vld [tilespmem:s20+$0xFFFFFFE0]  }
0x22: {  	s22 =	sshll.u32 s21, $0x7;
	v12 =	vld [tilespmem:s20+$0xFFFFFFF0]  }
0x23: {  	v13 =	vld [tilespmem:s20+$0x0];
	s22 =	sand.u32 $0x3FFFFF80, s22  }
0x24: {  	v7 =	vld [tilespmem:s22+$0x1800]  }
0x25: {  	v8 =	vld [tilespmem:s22+$0x1810]  }
0x26: {  	v14 =	vld [tilespmem:s20+$0x10]  }
0x27: {  	s29 =	sadd.s32 $0x80, s20;
	v6 =	vld [tilespmem:s22+$0x1820]  }
0x28: {  	v15 =	vld [tilespmem:s29+$0xFFFFFFC0]  }
0x29: {  	v5 =	vld [tilespmem:s22+$0x1830]  }
0x2a: {  	v16 =	vld [tilespmem:s29+$0xFFFFFFD0];
	v9 =	vsub.f32 v9, v7;
	v10 =	vsub.f32 v10, v8  }
0x2b: {  	v4 =	vld [tilespmem:s22+$0x1840]  }
0x2c: {  	v17 =	vld [tilespmem:s29+$0xFFFFFFE0];
	v11 =	vsub.f32 v11, v6;
	v9 =	vmul.f32 v9, v9;
	v10 =	vmul.f32 v10, v10  }
0x2d: {  	v3 =	vld [tilespmem:s22+$0x1850]  }
0x2e: {  	v2 =	vld [tilespmem:s22+$0x1860];
	v12 =	vsub.f32 v12, v5;
	v9 =	vadd.f32 v10, v9;
	v10 =	vmul.f32 v11, v11  }
0x2f: {  	v11 =	vld [tilespmem:s20+$0x20]  }
0x30: {  	v1 =	vld [tilespmem:s22+$0x1870];
	v9 =	vadd.f32 v10, v9;
	v10 =	vmul.f32 v12, v12;
	v12 =	vsub.f32 v13, v4  }
0x31: {  	v13 =	vld [tilespmem:s20+$0x30]  }
0x32: {  	v18 =	vld [tilespmem:s29+$0xFFFFFFF0];
	v14 =	vsub.f32 v14, v3;
	v9 =	vadd.f32 v10, v9;
	v10 =	vmul.f32 v12, v12  }
0x33: {  	v19 =	vld [tilespmem:s29+$0x0];
	s23 =	sadd.s32 $0x80, s29;
	v16 =	vsub.f32 v16, v8;
	v12 =	vsub.f32 v15, v7  }
0x34: {  	v20 =	vld [tilespmem:s23+$0xFFFFFFC0];
	v11 =	vsub.f32 v11, v2;
	v9 =	vadd.f32 v10, v9;
	v10 =	vmul.f32 v14, v14  }
0x35: {  	v15 =	vld [tilespmem:s29+$0x30];
	v12 =	vmul.f32 v12, v12;
	v14 =	vmul.f32 v16, v16;
	v16 =	vsub.f32 v17, v6  }
0x36: {  	v17 =	vld [tilespmem:s29+$0x10];
	v13 =	vsub.f32 v13, v1;
	v9 =	vadd.f32 v10, v9;
	v10 =	vmul.f32 v11, v11  }
0x37: {  	v11 =	vsub.f32 v18, v5;
	v18 =	vld [tilespmem:s23+$0xFFFFFFD0];
	v12 =	vadd.f32 v14, v12;
	v14 =	vmul.f32 v16, v16  }
0x38: {  	v16 =	vld [tilespmem:s29+$0x20];
	v13 =	vmul.f32 v13, v13;
	v9 =	vadd.f32 v10, v9  }
0x39: {  	v21 =	vld [tilespmem:s23+$0xFFFFFFE0];
	v19 =	vsub.f32 v19, v4;
	v14 =	vadd.f32 v14, v12;
	v11 =	vmul.f32 v11, v11  }
0x3a: {  	v10 =	vsub.f32 v15, v1;
	v15 =	vld [tilespmem:s23+$0xFFFFFFF0];
	v22 =	vadd.f32 v13, v9  }
0x3b: {  	v12 =	vld [tilespmem:s23+$0x30];
	v17 =	vsub.f32 v17, v3;
	v9 =	vadd.f32 v11, v14;
	v14 =	vmul.f32 v19, v19  }
0x3c: {  	v19 =	vsub.f32 v20, v7;
	v11 =	vld [tilespmem:s23+$0x20];
	v18 =	vsub.f32 v18, v8;
	(xrf2) =	vadd.scan.msk.f32 $0xffff, v22  }
0x3d: {  	v13 =	vld [tilespmem:s23+$0x0];
	v20 =	vsub.f32 v16, v2;
	v17 =	vmul.f32 v17, v17;
	v16 =	vadd.f32 v14, v9  }
0x3e: {  	s26 =	sadd.s32 $0x80, s23;
	v24 =	vsub.f32 v21, v6;
	v19 =	vmul.f32 v19, v19;
	v14 =	vld [tilespmem:s23+$0x10];
	v23 =	vmul.f32 v18, v18  }
0x3f: {  	s25 =	simm.s32 $0x0;
	s24 =	simm.s32 $0x3;
	v9 =	vimm.f32 $0.0e+00;
	v21 =	vmul.f32 v20, v20;
	v18 =	vadd.f32 v17, v16;
	v16 =	vld [tilespmem:s26+$0xFFFFFFC0]  }
0x40: {  	s28 =	simm.s32 $0x4;
	s22 =	simm.s32 $0x2;
	s23 =	simm.s32 $0x1;
	v15 =	vsub.f32 v15, v5;
	v20 =	vmul.f32 v24, v24;
	v17 =	vld [tilespmem:s26+$0xFFFFFFD0];
	v19 =	vadd.f32 v23, v19  }
.LBB2_3:
0x41: {  	p0 =	sne.s32 s28, $0xF;
	v18 =	vadd.f32 v21, v18;
	v21 =	vmul.f32 v10, v10;
	v10 =	vsub.f32 v12, v1  }
0x42: {  	v15 =	vmul.f32 v15, v15;
	v22 =	vld [tilespmem:s26+$0xFFFFFFE0];
	v19 =	vadd.f32 v20, v19;
	v13 =	vsub.f32 v13, v4  }
0x43: {  	v20 =	vld [tilespmem:s26+$0xFFFFFFF0];
	v14 =	vsub.f32 v14, v3;
	v18 =	vadd.f32 v21, v18;
	v21 =	vmov s25;
	s25 =	smov.u32 s23;
	s23 =	smov.u32 s22;
	s22 =	smov.u32 s24  }
0x44: {  	s24 =	smov.u32 s28;
	v16 =	vsub.f32 v16, v7;
	v12 =	vld [tilespmem:s26+$0x30];
	v25 =	vadd.f32 v15, v19;
	v19 =	vmul.f32 v13, v13  }
.Ltmp0:
0x45: {  	v23 =	vsub.f32 v11, v2;
	vm0 =	veq.s32 v21, v0;
	v17 =	vsub.f32 v17, v8;
	v11 =	vld [tilespmem:s26+$0x20];
	(xrf2) =	vadd.scan.msk.f32 $0xffff, v18;
	(pc) =	sbr.rel @p0 .LBB2_3-.Ltmp0, $4  }
0x46: {  	v24 =	vmul.f32 v16, v16;
	v13 =	vld [tilespmem:s26+$0x0];
	v18 =	vadd.f32 v19, v25;
	v19 =	vmul.f32 v14, v14;
	v15, _, _ =	vpop (xrf2)  }
0x47: {  	v25 =	vmul.f32 v17, v17;
	v22 =	vsub.f32 v22, v6;
	v14 =	vld [tilespmem:s26+$0x10];
	s26 =	sadd.s32 $0x80, s26;
	v26 =	vbroadcast v15, $0xF  }
0x48: {  	v21 =	vmul.f32 v23, v23;
	v16 =	vld [tilespmem:s26+$0xFFFFFFC0];
	v15 =	vsub.f32 v20, v5;
	v18 =	vadd.f32 v19, v18  }
0x49: {  	s28 =	sadd.s32 $0x1, s28;
	v17 =	vld [tilespmem:s26+$0xFFFFFFD0];
	v19 =	vadd.f32 v25, v24;
	v20 =	vmul.f32 v22, v22;
	v9 =	vsel vm0, v26, v9  }
0x4a: {  	_ = 	snop  }
0x4b: {  	v22 =	vld [tilespmem:s26+$0xFFFFFFE0];
	_ =	sdelay $0x1  }
0x4c: {  	v23 =	vld [tilespmem:s26+$0xFFFFFFF0]  }
0x4d: {  	v7 =	vsub.f32 v16, v7;
	v8 =	vsub.f32 v17, v8  }
0x4e: {  	v49 =	vld [tilespmem:s26+$0x0]  }
0x4f: {  	v6 =	vsub.f32 v22, v6;
	v7 =	vmul.f32 v7, v7;
	v8 =	vmul.f32 v8, v8  }
0x50: {  	v12 =	vsub.f32 v12, v1;
	v50 =	vadd.f32 v21, v18;
	v51 =	vld [tilespmem:s26+$0x10]  }
0x51: {  	v5 =	vsub.f32 v23, v5;
	v6 =	vmul.f32 v6, v6;
	v7 =	vadd.f32 v8, v7  }
0x52: {  	v15 =	vmul.f32 v15, v15;
	v53 =	vld [tilespmem:s26+$0x20];
	v52 =	vadd.f32 v20, v19;
	v13 =	vsub.f32 v13, v4  }
0x53: {  	v54 =	vsub.f32 v49, v4;
	v5 =	vmul.f32 v5, v5;
	v6 =	vadd.f32 v6, v7  }
0x54: {  	v56 =	vld [tilespmem:s26+$0x30];
	v55 =	vsub.f32 v14, v3;
	v13 =	vmul.f32 v13, v13;
	v8 =	vadd.f32 v15, v52  }
0x55: {  	v3 =	vsub.f32 v51, v3;
	v4 =	vmul.f32 v54, v54;
	v5 =	vadd.f32 v5, v6  }
0x56: {  	v57 =	vsub.f32 v11, v2;
	v8 =	vadd.f32 v13, v8;
	v7 =	vmul.f32 v55, v55  }
0x57: {  	v2 =	vsub.f32 v53, v2;
	v3 =	vmul.f32 v3, v3;
	v4 =	vadd.f32 v4, v5  }
0x58: {  	v58 =	vmul.f32 v10, v10;
	v7 =	vadd.f32 v7, v8;
	v6 =	vmul.f32 v57, v57  }
0x59: {  	v1 =	vsub.f32 v56, v1;
	v2 =	vmul.f32 v2, v2;
	v3 =	vadd.f32 v3, v4  }
0x5a: {  	v59 =	vadd.f32 v58, v50;
	v61 =	vmul.f32 v12, v12;
	v60 =	vadd.f32 v6, v7  }
0x5b: {  	v1 =	vmul.f32 v1, v1;
	v2 =	vadd.f32 v2, v3  }
0x5c: {  	(xrf2) =	vadd.scan.msk.f32 $0xffff, v59;
	v3 =	vadd.f32 v61, v60  }
0x5d: {  	v1 =	vadd.f32 v1, v2  }
0x5e: {  	(xrf2) =	vadd.scan.msk.f32 $0xffff, v3  }
0x5f: {  	(xrf2) =	vadd.scan.msk.f32 $0xffff, v1;
	_ =	sdelay $0x4  }
0x60: {  	v3 =	vmov s25  }
0x61: {  	s29 =	sshll.u32 s21, $0x4;
	vm0 =	veq.s32 v3, v0;
	v3 =	vmov s23;
	v1, _, _ =	vpop (xrf2)  }
0x62: {  	v62 =	vld [tilespmem:s29+$0x1000];
	v2, _, _ =	vpop (xrf2);
	v1 =	vbroadcast v1, $0xF  }
0x63: {  	v2 =	vbroadcast v2, $0xF  }
0x64: {  	vm13 =	veq.s32 v3, v0;
	v1 =	vsel vm0, v1, v9;
	v3, _, _ =	vpop (xrf2)  }
0x65: {  	v1 =	vsel vm13, v2, v1;
	v2 =	vmov s22;
	v3 =	vbroadcast v3, $0xF;
	v63, _, _ =	vpop (xrf2)  }
0x66: {  	vm14 =	veq.s32 v2, v0;
	v2 =	vmov s24;
	v5 =	vbroadcast v63, $0xF  }
0x67: {  	vm15 =	veq.s32 v2, v0;
	v1 =	vsel vm14, v3, v1  }
0x68: {  	v1 =	vsel vm15, v5, v1  }
0x69: {  	s21 =	sadd.s32 $0x1, s21;
	[tilespmem:s29+$0xD800] =	vst v1  }
0x6a: {  	p0 =	sne.s32 s21, $0x8;
	v1 =	vld.idx.msk [tilespmem:v62+s1+$0x0], $0xffff  }
.Ltmp1:
0x6b: {  	_ = 	snop;
	(pc) =	sbr.rel @p0 .LBB2_2-.Ltmp1, $2  }
0x6c: {  	_ =	sdelay $0x2  }
0x6d: {  	s20 =	sadd.s32 $0x800, s20;
	[tilespmem:s29+$0xE000] =	vst v1  }
0x6e: {  	s20 =	simm.s32 $0x1100  }
0x6f: {  	[tilespmem:s14], [sflag:$0x1] =	stream.indirect.gather [hbm4b:s3+s13], $0x80, s20, s13, $0xb8;
	[tilespmem:$0xE800] =	vst v63  }
0x70: {  	_ =	swait.ge [sflag:s19], $0x4000  }
0x71: {  	[sflag:s19] =	ssyncset.done $0x0  }
0x72: {  	s21 =	simm.s32 $0x9840;
	s20 =	simm.s32 $0x0;
	[sflag:s19] =	ssyncadd.s32 $0xFFFFC000  }
.LBB2_6:
0x73: {  	v9 =	vld [tilespmem:s21+$0xFFFFFFC0]  }
0x74: {  	v10 =	vld [tilespmem:s21+$0xFFFFFFD0]  }
0x75: {  	s22 =	sor.u32 $0x8, s20;
	v11 =	vld [tilespmem:s21+$0xFFFFFFE0]  }
0x76: {  	v12 =	vld [tilespmem:s21+$0xFFFFFFF0];
	s23 =	sshll.u32 s22, $0x7  }
0x77: {  	v13 =	vld [tilespmem:s21+$0x0];
	s23 =	sand.u32 $0x3FFFFF80, s23  }
0x78: {  	v7 =	vld [tilespmem:s23+$0x1800]  }
0x79: {  	v8 =	vld [tilespmem:s23+$0x1810]  }
0x7a: {  	v14 =	vld [tilespmem:s21+$0x10]  }
0x7b: {  	s26 =	sadd.s32 $0x80, s21;
	v6 =	vld [tilespmem:s23+$0x1820]  }
0x7c: {  	v15 =	vld [tilespmem:s26+$0xFFFFFFC0]  }
0x7d: {  	v5 =	vld [tilespmem:s23+$0x1830]  }
0x7e: {  	v16 =	vld [tilespmem:s26+$0xFFFFFFD0];
	v9 =	vsub.f32 v9, v7;
	v10 =	vsub.f32 v10, v8  }
0x7f: {  	v4 =	vld [tilespmem:s23+$0x1840]  }
0x80: {  	v17 =	vld [tilespmem:s26+$0xFFFFFFE0];
	v11 =	vsub.f32 v11, v6;
	v9 =	vmul.f32 v9, v9;
	v10 =	vmul.f32 v10, v10  }
0x81: {  	v3 =	vld [tilespmem:s23+$0x1850]  }
0x82: {  	v2 =	vld [tilespmem:s23+$0x1860];
	v12 =	vsub.f32 v12, v5;
	v9 =	vadd.f32 v10, v9;
	v10 =	vmul.f32 v11, v11  }
0x83: {  	v11 =	vld [tilespmem:s21+$0x20]  }
0x84: {  	v1 =	vld [tilespmem:s23+$0x1870];
	v9 =	vadd.f32 v10, v9;
	v10 =	vmul.f32 v12, v12;
	v12 =	vsub.f32 v13, v4  }
0x85: {  	v13 =	vld [tilespmem:s21+$0x30]  }
0x86: {  	v18 =	vld [tilespmem:s26+$0xFFFFFFF0];
	v14 =	vsub.f32 v14, v3;
	v9 =	vadd.f32 v10, v9;
	v10 =	vmul.f32 v12, v12  }
0x87: {  	v19 =	vld [tilespmem:s26+$0x0];
	s24 =	sadd.s32 $0x80, s26;
	v16 =	vsub.f32 v16, v8;
	v12 =	vsub.f32 v15, v7  }
0x88: {  	v20 =	vld [tilespmem:s24+$0xFFFFFFC0];
	v11 =	vsub.f32 v11, v2;
	v9 =	vadd.f32 v10, v9;
	v10 =	vmul.f32 v14, v14  }
0x89: {  	v15 =	vld [tilespmem:s26+$0x30];
	v12 =	vmul.f32 v12, v12;
	v14 =	vmul.f32 v16, v16;
	v16 =	vsub.f32 v17, v6  }
0x8a: {  	v17 =	vld [tilespmem:s26+$0x10];
	v13 =	vsub.f32 v13, v1;
	v9 =	vadd.f32 v10, v9;
	v10 =	vmul.f32 v11, v11  }
0x8b: {  	v11 =	vsub.f32 v18, v5;
	v18 =	vld [tilespmem:s24+$0xFFFFFFD0];
	v12 =	vadd.f32 v14, v12;
	v14 =	vmul.f32 v16, v16  }
0x8c: {  	v16 =	vld [tilespmem:s26+$0x20];
	v13 =	vmul.f32 v13, v13;
	v9 =	vadd.f32 v10, v9  }
0x8d: {  	v21 =	vld [tilespmem:s24+$0xFFFFFFE0];
	v19 =	vsub.f32 v19, v4;
	v14 =	vadd.f32 v14, v12;
	v11 =	vmul.f32 v11, v11  }
0x8e: {  	v10 =	vsub.f32 v15, v1;
	v15 =	vld [tilespmem:s24+$0xFFFFFFF0];
	v22 =	vadd.f32 v13, v9  }
0x8f: {  	v12 =	vld [tilespmem:s24+$0x30];
	v17 =	vsub.f32 v17, v3;
	v9 =	vadd.f32 v11, v14;
	v14 =	vmul.f32 v19, v19  }
0x90: {  	v19 =	vsub.f32 v20, v7;
	v11 =	vld [tilespmem:s24+$0x20];
	v18 =	vsub.f32 v18, v8;
	(xrf2) =	vadd.scan.msk.f32 $0xffff, v22  }
0x91: {  	v13 =	vld [tilespmem:s24+$0x0];
	v20 =	vsub.f32 v16, v2;
	v17 =	vmul.f32 v17, v17;
	v16 =	vadd.f32 v14, v9  }
0x92: {  	s28 =	sadd.s32 $0x80, s24;
	v24 =	vsub.f32 v21, v6;
	v19 =	vmul.f32 v19, v19;
	v14 =	vld [tilespmem:s24+$0x10];
	v23 =	vmul.f32 v18, v18  }
0x93: {  	s25 =	simm.s32 $0x3;
	s29 =	simm.s32 $0x4;
	v9 =	vimm.f32 $0.0e+00;
	v21 =	vmul.f32 v20, v20;
	v18 =	vadd.f32 v17, v16;
	v16 =	vld [tilespmem:s28+$0xFFFFFFC0]  }
0x94: {  	s23 =	simm.s32 $0x2;
	s26 =	simm.s32 $0x0;
	s24 =	simm.s32 $0x1;
	v15 =	vsub.f32 v15, v5;
	v20 =	vmul.f32 v24, v24;
	v17 =	vld [tilespmem:s28+$0xFFFFFFD0];
	v19 =	vadd.f32 v23, v19  }
.LBB2_7:
0x95: {  	p0 =	sne.s32 s29, $0xF;
	v18 =	vadd.f32 v21, v18;
	v21 =	vmul.f32 v10, v10;
	v10 =	vsub.f32 v12, v1  }
0x96: {  	v15 =	vmul.f32 v15, v15;
	v22 =	vld [tilespmem:s28+$0xFFFFFFE0];
	v19 =	vadd.f32 v20, v19;
	v13 =	vsub.f32 v13, v4  }
0x97: {  	v20 =	vld [tilespmem:s28+$0xFFFFFFF0];
	v14 =	vsub.f32 v14, v3;
	v18 =	vadd.f32 v21, v18;
	v21 =	vmov s26;
	s26 =	smov.u32 s24;
	s24 =	smov.u32 s23;
	s23 =	smov.u32 s25  }
0x98: {  	s25 =	smov.u32 s29;
	v16 =	vsub.f32 v16, v7;
	v12 =	vld [tilespmem:s28+$0x30];
	v25 =	vadd.f32 v15, v19;
	v19 =	vmul.f32 v13, v13  }
.Ltmp2:
0x99: {  	v23 =	vsub.f32 v11, v2;
	vm0 =	veq.s32 v21, v0;
	v17 =	vsub.f32 v17, v8;
	v11 =	vld [tilespmem:s28+$0x20];
	(xrf2) =	vadd.scan.msk.f32 $0xffff, v18;
	(pc) =	sbr.rel @p0 .LBB2_7-.Ltmp2, $4  }
0x9a: {  	v24 =	vmul.f32 v16, v16;
	v13 =	vld [tilespmem:s28+$0x0];
	v18 =	vadd.f32 v19, v25;
	v19 =	vmul.f32 v14, v14;
	v15, _, _ =	vpop (xrf2)  }
0x9b: {  	v25 =	vmul.f32 v17, v17;
	v22 =	vsub.f32 v22, v6;
	v14 =	vld [tilespmem:s28+$0x10];
	s28 =	sadd.s32 $0x80, s28;
	v26 =	vbroadcast v15, $0xF  }
0x9c: {  	v21 =	vmul.f32 v23, v23;
	v16 =	vld [tilespmem:s28+$0xFFFFFFC0];
	v15 =	vsub.f32 v20, v5;
	v18 =	vadd.f32 v19, v18  }
0x9d: {  	s29 =	sadd.s32 $0x1, s29;
	v17 =	vld [tilespmem:s28+$0xFFFFFFD0];
	v19 =	vadd.f32 v25, v24;
	v20 =	vmul.f32 v22, v22;
	v9 =	vsel vm0, v26, v9  }
0x9e: {  	_ = 	snop  }
0x9f: {  	v22 =	vld [tilespmem:s28+$0xFFFFFFE0];
	_ =	sdelay $0x1  }
0xa0: {  	v23 =	vld [tilespmem:s28+$0xFFFFFFF0]  }
0xa1: {  	v7 =	vsub.f32 v16, v7;
	v8 =	vsub.f32 v17, v8  }
0xa2: {  	v49 =	vld [tilespmem:s28+$0x0]  }
0xa3: {  	v6 =	vsub.f32 v22, v6;
	v7 =	vmul.f32 v7, v7;
	v8 =	vmul.f32 v8, v8  }
0xa4: {  	v12 =	vsub.f32 v12, v1;
	v50 =	vadd.f32 v21, v18;
	v51 =	vld [tilespmem:s28+$0x10]  }
0xa5: {  	v5 =	vsub.f32 v23, v5;
	v6 =	vmul.f32 v6, v6;
	v7 =	vadd.f32 v8, v7  }
0xa6: {  	v15 =	vmul.f32 v15, v15;
	v53 =	vld [tilespmem:s28+$0x20];
	v52 =	vadd.f32 v20, v19;
	v13 =	vsub.f32 v13, v4  }
0xa7: {  	v54 =	vsub.f32 v49, v4;
	v5 =	vmul.f32 v5, v5;
	v6 =	vadd.f32 v6, v7  }
0xa8: {  	v56 =	vld [tilespmem:s28+$0x30];
	v55 =	vsub.f32 v14, v3;
	v13 =	vmul.f32 v13, v13;
	v8 =	vadd.f32 v15, v52  }
0xa9: {  	v3 =	vsub.f32 v51, v3;
	v4 =	vmul.f32 v54, v54;
	v5 =	vadd.f32 v5, v6  }
0xaa: {  	v57 =	vsub.f32 v11, v2;
	v8 =	vadd.f32 v13, v8;
	v7 =	vmul.f32 v55, v55  }
0xab: {  	v2 =	vsub.f32 v53, v2;
	v3 =	vmul.f32 v3, v3;
	v4 =	vadd.f32 v4, v5  }
0xac: {  	v58 =	vmul.f32 v10, v10;
	v7 =	vadd.f32 v7, v8;
	v6 =	vmul.f32 v57, v57  }
0xad: {  	v1 =	vsub.f32 v56, v1;
	v2 =	vmul.f32 v2, v2;
	v3 =	vadd.f32 v3, v4  }
0xae: {  	v59 =	vadd.f32 v58, v50;
	v61 =	vmul.f32 v12, v12;
	v60 =	vadd.f32 v6, v7  }
0xaf: {  	v1 =	vmul.f32 v1, v1;
	v2 =	vadd.f32 v2, v3  }
0xb0: {  	(xrf2) =	vadd.scan.msk.f32 $0xffff, v59;
	v3 =	vadd.f32 v61, v60  }
0xb1: {  	v1 =	vadd.f32 v1, v2  }
0xb2: {  	(xrf2) =	vadd.scan.msk.f32 $0xffff, v3  }
0xb3: {  	(xrf2) =	vadd.scan.msk.f32 $0xffff, v1;
	_ =	sdelay $0x4  }
0xb4: {  	v3 =	vmov s26  }
0xb5: {  	s22 =	sshll.u32 s22, $0x4;
	vm0 =	veq.s32 v3, v0;
	v3 =	vmov s24;
	v1, _, _ =	vpop (xrf2)  }
0xb6: {  	v62 =	vld [tilespmem:s22+$0x1000];
	v2, _, _ =	vpop (xrf2);
	v1 =	vbroadcast v1, $0xF  }
0xb7: {  	v2 =	vbroadcast v2, $0xF  }
0xb8: {  	vm13 =	veq.s32 v3, v0;
	v1 =	vsel vm0, v1, v9;
	v3, _, _ =	vpop (xrf2)  }
0xb9: {  	v1 =	vsel vm13, v2, v1;
	v2 =	vmov s23;
	v3 =	vbroadcast v3, $0xF;
	v63, _, _ =	vpop (xrf2)  }
0xba: {  	vm14 =	veq.s32 v2, v0;
	v2 =	vmov s25;
	v5 =	vbroadcast v63, $0xF  }
0xbb: {  	vm15 =	veq.s32 v2, v0;
	v1 =	vsel vm14, v3, v1  }
0xbc: {  	v1 =	vsel vm15, v5, v1  }
0xbd: {  	s20 =	sadd.s32 $0x1, s20;
	[tilespmem:s22+$0xD800] =	vst v1  }
0xbe: {  	p0 =	sne.s32 s20, $0x8;
	v1 =	vld.idx.msk [tilespmem:v62+s1+$0x0], $0xffff  }
.Ltmp3:
0xbf: {  	_ = 	snop;
	(pc) =	sbr.rel @p0 .LBB2_6-.Ltmp3, $2  }
0xc0: {  	_ =	sdelay $0x2  }
0xc1: {  	s21 =	sadd.s32 $0x800, s21;
	[tilespmem:s22+$0xE000] =	vst v1  }
0xc2: {  	s20 =	simm.s32 $0x1180  }
0xc3: {  	[tilespmem:s16], [sflag:$0x2] =	stream.indirect.gather [hbm4b:s3+s13], $0x80, s20, s13, $0xb8;
	[tilespmem:$0xE800] =	vst v63  }
0xc4: {  	_ =	swait.ge [sflag:s17], $0x4000  }
0xc5: {  	[sflag:s17] =	ssyncset.done $0x0  }
0xc6: {  	s21 =	simm.s32 $0x5840;
	s20 =	simm.s32 $0x0;
	[sflag:s17] =	ssyncadd.s32 $0xFFFFC000  }
.LBB2_10:
0xc7: {  	v9 =	vld [tilespmem:s21+$0xFFFFFFC0]  }
0xc8: {  	v10 =	vld [tilespmem:s21+$0xFFFFFFD0]  }
0xc9: {  	s22 =	sor.u32 $0x10, s20;
	v11 =	vld [tilespmem:s21+$0xFFFFFFE0]  }
0xca: {  	v12 =	vld [tilespmem:s21+$0xFFFFFFF0];
	s23 =	sshll.u32 s22, $0x7  }
0xcb: {  	v13 =	vld [tilespmem:s21+$0x0];
	s23 =	sand.u32 $0x3FFFFF80, s23  }
0xcc: {  	v7 =	vld [tilespmem:s23+$0x1800]  }
0xcd: {  	v8 =	vld [tilespmem:s23+$0x1810]  }
0xce: {  	v14 =	vld [tilespmem:s21+$0x10]  }
0xcf: {  	s26 =	sadd.s32 $0x80, s21;
	v6 =	vld [tilespmem:s23+$0x1820]  }
0xd0: {  	v15 =	vld [tilespmem:s26+$0xFFFFFFC0]  }
0xd1: {  	v5 =	vld [tilespmem:s23+$0x1830]  }
0xd2: {  	v16 =	vld [tilespmem:s26+$0xFFFFFFD0];
	v9 =	vsub.f32 v9, v7;
	v10 =	vsub.f32 v10, v8  }
0xd3: {  	v4 =	vld [tilespmem:s23+$0x1840]  }
0xd4: {  	v17 =	vld [tilespmem:s26+$0xFFFFFFE0];
	v11 =	vsub.f32 v11, v6;
	v9 =	vmul.f32 v9, v9;
	v10 =	vmul.f32 v10, v10  }
0xd5: {  	v3 =	vld [tilespmem:s23+$0x1850]  }
0xd6: {  	v2 =	vld [tilespmem:s23+$0x1860];
	v12 =	vsub.f32 v12, v5;
	v9 =	vadd.f32 v10, v9;
	v10 =	vmul.f32 v11, v11  }
0xd7: {  	v11 =	vld [tilespmem:s21+$0x20]  }
0xd8: {  	v1 =	vld [tilespmem:s23+$0x1870];
	v9 =	vadd.f32 v10, v9;
	v10 =	vmul.f32 v12, v12;
	v12 =	vsub.f32 v13, v4  }
0xd9: {  	v13 =	vld [tilespmem:s21+$0x30]  }
0xda: {  	v18 =	vld [tilespmem:s26+$0xFFFFFFF0];
	v14 =	vsub.f32 v14, v3;
	v9 =	vadd.f32 v10, v9;
	v10 =	vmul.f32 v12, v12  }
0xdb: {  	v19 =	vld [tilespmem:s26+$0x0];
	s24 =	sadd.s32 $0x80, s26;
	v16 =	vsub.f32 v16, v8;
	v12 =	vsub.f32 v15, v7  }
0xdc: {  	v20 =	vld [tilespmem:s24+$0xFFFFFFC0];
	v11 =	vsub.f32 v11, v2;
	v9 =	vadd.f32 v10, v9;
	v10 =	vmul.f32 v14, v14  }
0xdd: {  	v15 =	vld [tilespmem:s26+$0x30];
	v12 =	vmul.f32 v12, v12;
	v14 =	vmul.f32 v16, v16;
	v16 =	vsub.f32 v17, v6  }
0xde: {  	v17 =	vld [tilespmem:s26+$0x10];
	v13 =	vsub.f32 v13, v1;
	v9 =	vadd.f32 v10, v9;
	v10 =	vmul.f32 v11, v11  }
0xdf: {  	v11 =	vsub.f32 v18, v5;
	v18 =	vld [tilespmem:s24+$0xFFFFFFD0];
	v12 =	vadd.f32 v14, v12;
	v14 =	vmul.f32 v16, v16  }
0xe0: {  	v16 =	vld [tilespmem:s26+$0x20];
	v13 =	vmul.f32 v13, v13;
	v9 =	vadd.f32 v10, v9  }
0xe1: {  	v21 =	vld [tilespmem:s24+$0xFFFFFFE0];
	v19 =	vsub.f32 v19, v4;
	v14 =	vadd.f32 v14, v12;
	v11 =	vmul.f32 v11, v11  }
0xe2: {  	v10 =	vsub.f32 v15, v1;
	v15 =	vld [tilespmem:s24+$0xFFFFFFF0];
	v22 =	vadd.f32 v13, v9  }
0xe3: {  	v12 =	vld [tilespmem:s24+$0x30];
	v17 =	vsub.f32 v17, v3;
	v9 =	vadd.f32 v11, v14;
	v14 =	vmul.f32 v19, v19  }
0xe4: {  	v19 =	vsub.f32 v20, v7;
	v11 =	vld [tilespmem:s24+$0x20];
	v18 =	vsub.f32 v18, v8;
	(xrf2) =	vadd.scan.msk.f32 $0xffff, v22  }
0xe5: {  	v13 =	vld [tilespmem:s24+$0x0];
	v20 =	vsub.f32 v16, v2;
	v17 =	vmul.f32 v17, v17;
	v16 =	vadd.f32 v14, v9  }
0xe6: {  	s28 =	sadd.s32 $0x80, s24;
	v24 =	vsub.f32 v21, v6;
	v19 =	vmul.f32 v19, v19;
	v14 =	vld [tilespmem:s24+$0x10];
	v23 =	vmul.f32 v18, v18  }
0xe7: {  	s25 =	simm.s32 $0x3;
	s29 =	simm.s32 $0x4;
	v9 =	vimm.f32 $0.0e+00;
	v21 =	vmul.f32 v20, v20;
	v18 =	vadd.f32 v17, v16;
	v16 =	vld [tilespmem:s28+$0xFFFFFFC0]  }
0xe8: {  	s23 =	simm.s32 $0x2;
	s26 =	simm.s32 $0x0;
	s24 =	simm.s32 $0x1;
	v15 =	vsub.f32 v15, v5;
	v20 =	vmul.f32 v24, v24;
	v17 =	vld [tilespmem:s28+$0xFFFFFFD0];
	v19 =	vadd.f32 v23, v19  }
.LBB2_11:
0xe9: {  	p0 =	sne.s32 s29, $0xF;
	v18 =	vadd.f32 v21, v18;
	v21 =	vmul.f32 v10, v10;
	v10 =	vsub.f32 v12, v1  }
0xea: {  	v15 =	vmul.f32 v15, v15;
	v22 =	vld [tilespmem:s28+$0xFFFFFFE0];
	v19 =	vadd.f32 v20, v19;
	v13 =	vsub.f32 v13, v4  }
0xeb: {  	v20 =	vld [tilespmem:s28+$0xFFFFFFF0];
	v14 =	vsub.f32 v14, v3;
	v18 =	vadd.f32 v21, v18;
	v21 =	vmov s26;
	s26 =	smov.u32 s24;
	s24 =	smov.u32 s23;
	s23 =	smov.u32 s25  }
0xec: {  	s25 =	smov.u32 s29;
	v16 =	vsub.f32 v16, v7;
	v12 =	vld [tilespmem:s28+$0x30];
	v25 =	vadd.f32 v15, v19;
	v19 =	vmul.f32 v13, v13  }
.Ltmp4:
0xed: {  	v23 =	vsub.f32 v11, v2;
	vm0 =	veq.s32 v21, v0;
	v17 =	vsub.f32 v17, v8;
	v11 =	vld [tilespmem:s28+$0x20];
	(xrf2) =	vadd.scan.msk.f32 $0xffff, v18;
	(pc) =	sbr.rel @p0 .LBB2_11-.Ltmp4, $4  }
0xee: {  	v24 =	vmul.f32 v16, v16;
	v13 =	vld [tilespmem:s28+$0x0];
	v18 =	vadd.f32 v19, v25;
	v19 =	vmul.f32 v14, v14;
	v15, _, _ =	vpop (xrf2)  }
0xef: {  	v25 =	vmul.f32 v17, v17;
	v22 =	vsub.f32 v22, v6;
	v14 =	vld [tilespmem:s28+$0x10];
	s28 =	sadd.s32 $0x80, s28;
	v26 =	vbroadcast v15, $0xF  }
0xf0: {  	v21 =	vmul.f32 v23, v23;
	v16 =	vld [tilespmem:s28+$0xFFFFFFC0];
	v15 =	vsub.f32 v20, v5;
	v18 =	vadd.f32 v19, v18  }
0xf1: {  	s29 =	sadd.s32 $0x1, s29;
	v17 =	vld [tilespmem:s28+$0xFFFFFFD0];
	v19 =	vadd.f32 v25, v24;
	v20 =	vmul.f32 v22, v22;
	v9 =	vsel vm0, v26, v9  }
0xf2: {  	_ = 	snop  }
0xf3: {  	v22 =	vld [tilespmem:s28+$0xFFFFFFE0];
	_ =	sdelay $0x1  }
0xf4: {  	v23 =	vld [tilespmem:s28+$0xFFFFFFF0]  }
0xf5: {  	v7 =	vsub.f32 v16, v7;
	v8 =	vsub.f32 v17, v8  }
0xf6: {  	v49 =	vld [tilespmem:s28+$0x0]  }
0xf7: {  	v6 =	vsub.f32 v22, v6;
	v7 =	vmul.f32 v7, v7;
	v8 =	vmul.f32 v8, v8  }
0xf8: {  	v12 =	vsub.f32 v12, v1;
	v50 =	vadd.f32 v21, v18;
	v51 =	vld [tilespmem:s28+$0x10]  }
0xf9: {  	v5 =	vsub.f32 v23, v5;
	v6 =	vmul.f32 v6, v6;
	v7 =	vadd.f32 v8, v7  }
0xfa: {  	v15 =	vmul.f32 v15, v15;
	v53 =	vld [tilespmem:s28+$0x20];
	v52 =	vadd.f32 v20, v19;
	v13 =	vsub.f32 v13, v4  }
0xfb: {  	v54 =	vsub.f32 v49, v4;
	v5 =	vmul.f32 v5, v5;
	v6 =	vadd.f32 v6, v7  }
0xfc: {  	v56 =	vld [tilespmem:s28+$0x30];
	v55 =	vsub.f32 v14, v3;
	v13 =	vmul.f32 v13, v13;
	v8 =	vadd.f32 v15, v52  }
0xfd: {  	v3 =	vsub.f32 v51, v3;
	v4 =	vmul.f32 v54, v54;
	v5 =	vadd.f32 v5, v6  }
0xfe: {  	v57 =	vsub.f32 v11, v2;
	v8 =	vadd.f32 v13, v8;
	v7 =	vmul.f32 v55, v55  }
0xff: {  	v2 =	vsub.f32 v53, v2;
	v3 =	vmul.f32 v3, v3;
	v4 =	vadd.f32 v4, v5  }
0x100: {  	v58 =	vmul.f32 v10, v10;
	v7 =	vadd.f32 v7, v8;
	v6 =	vmul.f32 v57, v57  }
0x101: {  	v1 =	vsub.f32 v56, v1;
	v2 =	vmul.f32 v2, v2;
	v3 =	vadd.f32 v3, v4  }
0x102: {  	v59 =	vadd.f32 v58, v50;
	v61 =	vmul.f32 v12, v12;
	v60 =	vadd.f32 v6, v7  }
0x103: {  	v1 =	vmul.f32 v1, v1;
	v2 =	vadd.f32 v2, v3  }
0x104: {  	(xrf2) =	vadd.scan.msk.f32 $0xffff, v59;
	v3 =	vadd.f32 v61, v60  }
0x105: {  	v1 =	vadd.f32 v1, v2  }
0x106: {  	(xrf2) =	vadd.scan.msk.f32 $0xffff, v3  }
0x107: {  	(xrf2) =	vadd.scan.msk.f32 $0xffff, v1;
	_ =	sdelay $0x4  }
0x108: {  	v3 =	vmov s26  }
0x109: {  	s22 =	sshll.u32 s22, $0x4;
	vm0 =	veq.s32 v3, v0;
	v3 =	vmov s24;
	v1, _, _ =	vpop (xrf2)  }
0x10a: {  	v62 =	vld [tilespmem:s22+$0x1000];
	v2, _, _ =	vpop (xrf2);
	v1 =	vbroadcast v1, $0xF  }
0x10b: {  	v2 =	vbroadcast v2, $0xF  }
0x10c: {  	vm13 =	veq.s32 v3, v0;
	v1 =	vsel vm0, v1, v9;
	v3, _, _ =	vpop (xrf2)  }
0x10d: {  	v1 =	vsel vm13, v2, v1;
	v2 =	vmov s23;
	v3 =	vbroadcast v3, $0xF;
	v63, _, _ =	vpop (xrf2)  }
0x10e: {  	vm14 =	veq.s32 v2, v0;
	v2 =	vmov s25;
	v5 =	vbroadcast v63, $0xF  }
0x10f: {  	vm15 =	veq.s32 v2, v0;
	v1 =	vsel vm14, v3, v1  }
0x110: {  	v1 =	vsel vm15, v5, v1  }
0x111: {  	s20 =	sadd.s32 $0x1, s20;
	[tilespmem:s22+$0xD800] =	vst v1  }
0x112: {  	p0 =	sne.s32 s20, $0x8;
	v1 =	vld.idx.msk [tilespmem:v62+s1+$0x0], $0xffff  }
.Ltmp5:
0x113: {  	_ = 	snop;
	(pc) =	sbr.rel @p0 .LBB2_10-.Ltmp5, $2  }
0x114: {  	_ =	sdelay $0x2  }
0x115: {  	s21 =	sadd.s32 $0x800, s21;
	[tilespmem:s22+$0xE000] =	vst v1  }
0x116: {  	s20 =	simm.s32 $0x1200  }
0x117: {  	[tilespmem:s14], [sflag:$0x1] =	stream.indirect.gather [hbm4b:s3+s13], $0x80, s20, s13, $0xb8;
	[tilespmem:$0xE800] =	vst v63  }
0x118: {  	_ =	swait.ge [sflag:s19], $0x4000  }
0x119: {  	[sflag:s19] =	ssyncset.done $0x0  }
0x11a: {  	s21 =	simm.s32 $0x9840;
	s20 =	simm.s32 $0x0;
	[sflag:s19] =	ssyncadd.s32 $0xFFFFC000  }
.LBB2_14:
0x11b: {  	v9 =	vld [tilespmem:s21+$0xFFFFFFC0]  }
0x11c: {  	v10 =	vld [tilespmem:s21+$0xFFFFFFD0]  }
0x11d: {  	s22 =	sor.u32 $0x18, s20;
	v11 =	vld [tilespmem:s21+$0xFFFFFFE0]  }
0x11e: {  	v12 =	vld [tilespmem:s21+$0xFFFFFFF0];
	s23 =	sshll.u32 s22, $0x7  }
0x11f: {  	v13 =	vld [tilespmem:s21+$0x0];
	s23 =	sand.u32 $0x3FFFFF80, s23  }
0x120: {  	v7 =	vld [tilespmem:s23+$0x1800]  }
0x121: {  	v8 =	vld [tilespmem:s23+$0x1810]  }
0x122: {  	v14 =	vld [tilespmem:s21+$0x10]  }
0x123: {  	s26 =	sadd.s32 $0x80, s21;
	v6 =	vld [tilespmem:s23+$0x1820]  }
0x124: {  	v15 =	vld [tilespmem:s26+$0xFFFFFFC0]  }
0x125: {  	v5 =	vld [tilespmem:s23+$0x1830]  }
0x126: {  	v16 =	vld [tilespmem:s26+$0xFFFFFFD0];
	v9 =	vsub.f32 v9, v7;
	v10 =	vsub.f32 v10, v8  }
0x127: {  	v4 =	vld [tilespmem:s23+$0x1840]  }
0x128: {  	v17 =	vld [tilespmem:s26+$0xFFFFFFE0];
	v11 =	vsub.f32 v11, v6;
	v9 =	vmul.f32 v9, v9;
	v10 =	vmul.f32 v10, v10  }
0x129: {  	v3 =	vld [tilespmem:s23+$0x1850]  }
0x12a: {  	v2 =	vld [tilespmem:s23+$0x1860];
	v12 =	vsub.f32 v12, v5;
	v9 =	vadd.f32 v10, v9;
	v10 =	vmul.f32 v11, v11  }
0x12b: {  	v11 =	vld [tilespmem:s21+$0x20]  }
0x12c: {  	v1 =	vld [tilespmem:s23+$0x1870];
	v9 =	vadd.f32 v10, v9;
	v10 =	vmul.f32 v12, v12;
	v12 =	vsub.f32 v13, v4  }
0x12d: {  	v13 =	vld [tilespmem:s21+$0x30]  }
0x12e: {  	v18 =	vld [tilespmem:s26+$0xFFFFFFF0];
	v14 =	vsub.f32 v14, v3;
	v9 =	vadd.f32 v10, v9;
	v10 =	vmul.f32 v12, v12  }
0x12f: {  	v19 =	vld [tilespmem:s26+$0x0];
	s24 =	sadd.s32 $0x80, s26;
	v16 =	vsub.f32 v16, v8;
	v12 =	vsub.f32 v15, v7  }
0x130: {  	v20 =	vld [tilespmem:s24+$0xFFFFFFC0];
	v11 =	vsub.f32 v11, v2;
	v9 =	vadd.f32 v10, v9;
	v10 =	vmul.f32 v14, v14  }
0x131: {  	v15 =	vld [tilespmem:s26+$0x30];
	v12 =	vmul.f32 v12, v12;
	v14 =	vmul.f32 v16, v16;
	v16 =	vsub.f32 v17, v6  }
0x132: {  	v17 =	vld [tilespmem:s26+$0x10];
	v13 =	vsub.f32 v13, v1;
	v9 =	vadd.f32 v10, v9;
	v10 =	vmul.f32 v11, v11  }
0x133: {  	v11 =	vsub.f32 v18, v5;
	v18 =	vld [tilespmem:s24+$0xFFFFFFD0];
	v12 =	vadd.f32 v14, v12;
	v14 =	vmul.f32 v16, v16  }
0x134: {  	v16 =	vld [tilespmem:s26+$0x20];
	v13 =	vmul.f32 v13, v13;
	v9 =	vadd.f32 v10, v9  }
0x135: {  	v21 =	vld [tilespmem:s24+$0xFFFFFFE0];
	v19 =	vsub.f32 v19, v4;
	v14 =	vadd.f32 v14, v12;
	v11 =	vmul.f32 v11, v11  }
0x136: {  	v10 =	vsub.f32 v15, v1;
	v15 =	vld [tilespmem:s24+$0xFFFFFFF0];
	v22 =	vadd.f32 v13, v9  }
0x137: {  	v12 =	vld [tilespmem:s24+$0x30];
	v17 =	vsub.f32 v17, v3;
	v9 =	vadd.f32 v11, v14;
	v14 =	vmul.f32 v19, v19  }
0x138: {  	v19 =	vsub.f32 v20, v7;
	v11 =	vld [tilespmem:s24+$0x20];
	v18 =	vsub.f32 v18, v8;
	(xrf2) =	vadd.scan.msk.f32 $0xffff, v22  }
0x139: {  	v13 =	vld [tilespmem:s24+$0x0];
	v20 =	vsub.f32 v16, v2;
	v17 =	vmul.f32 v17, v17;
	v16 =	vadd.f32 v14, v9  }
0x13a: {  	s28 =	sadd.s32 $0x80, s24;
	v24 =	vsub.f32 v21, v6;
	v19 =	vmul.f32 v19, v19;
	v14 =	vld [tilespmem:s24+$0x10];
	v23 =	vmul.f32 v18, v18  }
0x13b: {  	s25 =	simm.s32 $0x3;
	s29 =	simm.s32 $0x4;
	v9 =	vimm.f32 $0.0e+00;
	v21 =	vmul.f32 v20, v20;
	v18 =	vadd.f32 v17, v16;
	v16 =	vld [tilespmem:s28+$0xFFFFFFC0]  }
0x13c: {  	s23 =	simm.s32 $0x2;
	s26 =	simm.s32 $0x0;
	s24 =	simm.s32 $0x1;
	v15 =	vsub.f32 v15, v5;
	v20 =	vmul.f32 v24, v24;
	v17 =	vld [tilespmem:s28+$0xFFFFFFD0];
	v19 =	vadd.f32 v23, v19  }
.LBB2_15:
0x13d: {  	p0 =	sne.s32 s29, $0xF;
	v18 =	vadd.f32 v21, v18;
	v21 =	vmul.f32 v10, v10;
	v10 =	vsub.f32 v12, v1  }
0x13e: {  	v15 =	vmul.f32 v15, v15;
	v22 =	vld [tilespmem:s28+$0xFFFFFFE0];
	v19 =	vadd.f32 v20, v19;
	v13 =	vsub.f32 v13, v4  }
0x13f: {  	v20 =	vld [tilespmem:s28+$0xFFFFFFF0];
	v14 =	vsub.f32 v14, v3;
	v18 =	vadd.f32 v21, v18;
	v21 =	vmov s26;
	s26 =	smov.u32 s24;
	s24 =	smov.u32 s23;
	s23 =	smov.u32 s25  }
0x140: {  	s25 =	smov.u32 s29;
	v16 =	vsub.f32 v16, v7;
	v12 =	vld [tilespmem:s28+$0x30];
	v25 =	vadd.f32 v15, v19;
	v19 =	vmul.f32 v13, v13  }
.Ltmp6:
0x141: {  	v23 =	vsub.f32 v11, v2;
	vm0 =	veq.s32 v21, v0;
	v17 =	vsub.f32 v17, v8;
	v11 =	vld [tilespmem:s28+$0x20];
	(xrf2) =	vadd.scan.msk.f32 $0xffff, v18;
	(pc) =	sbr.rel @p0 .LBB2_15-.Ltmp6, $4  }
0x142: {  	v24 =	vmul.f32 v16, v16;
	v13 =	vld [tilespmem:s28+$0x0];
	v18 =	vadd.f32 v19, v25;
	v19 =	vmul.f32 v14, v14;
	v15, _, _ =	vpop (xrf2)  }
0x143: {  	v25 =	vmul.f32 v17, v17;
	v22 =	vsub.f32 v22, v6;
	v14 =	vld [tilespmem:s28+$0x10];
	s28 =	sadd.s32 $0x80, s28;
	v26 =	vbroadcast v15, $0xF  }
0x144: {  	v21 =	vmul.f32 v23, v23;
	v16 =	vld [tilespmem:s28+$0xFFFFFFC0];
	v15 =	vsub.f32 v20, v5;
	v18 =	vadd.f32 v19, v18  }
0x145: {  	s29 =	sadd.s32 $0x1, s29;
	v17 =	vld [tilespmem:s28+$0xFFFFFFD0];
	v19 =	vadd.f32 v25, v24;
	v20 =	vmul.f32 v22, v22;
	v9 =	vsel vm0, v26, v9  }
0x146: {  	_ = 	snop  }
0x147: {  	v22 =	vld [tilespmem:s28+$0xFFFFFFE0];
	_ =	sdelay $0x1  }
0x148: {  	v23 =	vld [tilespmem:s28+$0xFFFFFFF0]  }
0x149: {  	v7 =	vsub.f32 v16, v7;
	v8 =	vsub.f32 v17, v8  }
0x14a: {  	v49 =	vld [tilespmem:s28+$0x0]  }
0x14b: {  	v6 =	vsub.f32 v22, v6;
	v7 =	vmul.f32 v7, v7;
	v8 =	vmul.f32 v8, v8  }
0x14c: {  	v12 =	vsub.f32 v12, v1;
	v50 =	vadd.f32 v21, v18;
	v51 =	vld [tilespmem:s28+$0x10]  }
0x14d: {  	v5 =	vsub.f32 v23, v5;
	v6 =	vmul.f32 v6, v6;
	v7 =	vadd.f32 v8, v7  }
0x14e: {  	v15 =	vmul.f32 v15, v15;
	v53 =	vld [tilespmem:s28+$0x20];
	v52 =	vadd.f32 v20, v19;
	v13 =	vsub.f32 v13, v4  }
0x14f: {  	v54 =	vsub.f32 v49, v4;
	v5 =	vmul.f32 v5, v5;
	v6 =	vadd.f32 v6, v7  }
0x150: {  	v56 =	vld [tilespmem:s28+$0x30];
	v55 =	vsub.f32 v14, v3;
	v13 =	vmul.f32 v13, v13;
	v8 =	vadd.f32 v15, v52  }
0x151: {  	v3 =	vsub.f32 v51, v3;
	v4 =	vmul.f32 v54, v54;
	v5 =	vadd.f32 v5, v6  }
0x152: {  	v57 =	vsub.f32 v11, v2;
	v8 =	vadd.f32 v13, v8;
	v7 =	vmul.f32 v55, v55  }
0x153: {  	v2 =	vsub.f32 v53, v2;
	v3 =	vmul.f32 v3, v3;
	v4 =	vadd.f32 v4, v5  }
0x154: {  	v58 =	vmul.f32 v10, v10;
	v7 =	vadd.f32 v7, v8;
	v6 =	vmul.f32 v57, v57  }
0x155: {  	v1 =	vsub.f32 v56, v1;
	v2 =	vmul.f32 v2, v2;
	v3 =	vadd.f32 v3, v4  }
0x156: {  	v59 =	vadd.f32 v58, v50;
	v61 =	vmul.f32 v12, v12;
	v60 =	vadd.f32 v6, v7  }
0x157: {  	v1 =	vmul.f32 v1, v1;
	v2 =	vadd.f32 v2, v3  }
0x158: {  	(xrf2) =	vadd.scan.msk.f32 $0xffff, v59;
	v3 =	vadd.f32 v61, v60  }
0x159: {  	v1 =	vadd.f32 v1, v2  }
0x15a: {  	(xrf2) =	vadd.scan.msk.f32 $0xffff, v3  }
0x15b: {  	(xrf2) =	vadd.scan.msk.f32 $0xffff, v1;
	_ =	sdelay $0x4  }
0x15c: {  	v3 =	vmov s26  }
0x15d: {  	s22 =	sshll.u32 s22, $0x4;
	vm0 =	veq.s32 v3, v0;
	v3 =	vmov s24;
	v1, _, _ =	vpop (xrf2)  }
0x15e: {  	v62 =	vld [tilespmem:s22+$0x1000];
	v2, _, _ =	vpop (xrf2);
	v1 =	vbroadcast v1, $0xF  }
0x15f: {  	v2 =	vbroadcast v2, $0xF  }
0x160: {  	vm13 =	veq.s32 v3, v0;
	v1 =	vsel vm0, v1, v9;
	v3, _, _ =	vpop (xrf2)  }
0x161: {  	v1 =	vsel vm13, v2, v1;
	v2 =	vmov s23;
	v3 =	vbroadcast v3, $0xF;
	v63, _, _ =	vpop (xrf2)  }
0x162: {  	vm14 =	veq.s32 v2, v0;
	v2 =	vmov s25;
	v5 =	vbroadcast v63, $0xF  }
0x163: {  	vm15 =	veq.s32 v2, v0;
	v1 =	vsel vm14, v3, v1  }
0x164: {  	v1 =	vsel vm15, v5, v1  }
0x165: {  	s20 =	sadd.s32 $0x1, s20;
	[tilespmem:s22+$0xD800] =	vst v1  }
0x166: {  	p0 =	sne.s32 s20, $0x8;
	v1 =	vld.idx.msk [tilespmem:v62+s1+$0x0], $0xffff  }
.Ltmp7:
0x167: {  	_ = 	snop;
	(pc) =	sbr.rel @p0 .LBB2_14-.Ltmp7, $2  }
0x168: {  	_ =	sdelay $0x2  }
0x169: {  	s21 =	sadd.s32 $0x800, s21;
	[tilespmem:s22+$0xE000] =	vst v1  }
0x16a: {  	s20 =	simm.s32 $0x1280  }
0x16b: {  	[tilespmem:s16], [sflag:$0x2] =	stream.indirect.gather [hbm4b:s3+s13], $0x80, s20, s13, $0xb8;
	[tilespmem:$0xE800] =	vst v63  }
0x16c: {  	_ =	swait.ge [sflag:s17], $0x4000  }
0x16d: {  	[sflag:s17] =	ssyncset.done $0x0  }
0x16e: {  	s21 =	simm.s32 $0x5840;
	s20 =	simm.s32 $0x0;
	[sflag:s17] =	ssyncadd.s32 $0xFFFFC000  }
.LBB2_18:
0x16f: {  	v9 =	vld [tilespmem:s21+$0xFFFFFFC0]  }
0x170: {  	v10 =	vld [tilespmem:s21+$0xFFFFFFD0]  }
0x171: {  	s22 =	sor.u32 $0x20, s20;
	v11 =	vld [tilespmem:s21+$0xFFFFFFE0]  }
0x172: {  	v12 =	vld [tilespmem:s21+$0xFFFFFFF0];
	s23 =	sshll.u32 s22, $0x7  }
0x173: {  	v13 =	vld [tilespmem:s21+$0x0];
	s23 =	sand.u32 $0x3FFFFF80, s23  }
0x174: {  	v7 =	vld [tilespmem:s23+$0x1800]  }
0x175: {  	v8 =	vld [tilespmem:s23+$0x1810]  }
0x176: {  	v14 =	vld [tilespmem:s21+$0x10]  }
0x177: {  	s26 =	sadd.s32 $0x80, s21;
	v6 =	vld [tilespmem:s23+$0x1820]  }
0x178: {  	v15 =	vld [tilespmem:s26+$0xFFFFFFC0]  }
0x179: {  	v5 =	vld [tilespmem:s23+$0x1830]  }
0x17a: {  	v16 =	vld [tilespmem:s26+$0xFFFFFFD0];
	v9 =	vsub.f32 v9, v7;
	v10 =	vsub.f32 v10, v8  }
0x17b: {  	v4 =	vld [tilespmem:s23+$0x1840]  }
0x17c: {  	v17 =	vld [tilespmem:s26+$0xFFFFFFE0];
	v11 =	vsub.f32 v11, v6;
	v9 =	vmul.f32 v9, v9;
	v10 =	vmul.f32 v10, v10  }
0x17d: {  	v3 =	vld [tilespmem:s23+$0x1850]  }
0x17e: {  	v2 =	vld [tilespmem:s23+$0x1860];
	v12 =	vsub.f32 v12, v5;
	v9 =	vadd.f32 v10, v9;
	v10 =	vmul.f32 v11, v11  }
0x17f: {  	v11 =	vld [tilespmem:s21+$0x20]  }
0x180: {  	v1 =	vld [tilespmem:s23+$0x1870];
	v9 =	vadd.f32 v10, v9;
	v10 =	vmul.f32 v12, v12;
	v12 =	vsub.f32 v13, v4  }
0x181: {  	v13 =	vld [tilespmem:s21+$0x30]  }
0x182: {  	v18 =	vld [tilespmem:s26+$0xFFFFFFF0];
	v14 =	vsub.f32 v14, v3;
	v9 =	vadd.f32 v10, v9;
	v10 =	vmul.f32 v12, v12  }
0x183: {  	v19 =	vld [tilespmem:s26+$0x0];
	s24 =	sadd.s32 $0x80, s26;
	v16 =	vsub.f32 v16, v8;
	v12 =	vsub.f32 v15, v7  }
0x184: {  	v20 =	vld [tilespmem:s24+$0xFFFFFFC0];
	v11 =	vsub.f32 v11, v2;
	v9 =	vadd.f32 v10, v9;
	v10 =	vmul.f32 v14, v14  }
0x185: {  	v15 =	vld [tilespmem:s26+$0x30];
	v12 =	vmul.f32 v12, v12;
	v14 =	vmul.f32 v16, v16;
	v16 =	vsub.f32 v17, v6  }
0x186: {  	v17 =	vld [tilespmem:s26+$0x10];
	v13 =	vsub.f32 v13, v1;
	v9 =	vadd.f32 v10, v9;
	v10 =	vmul.f32 v11, v11  }
0x187: {  	v11 =	vsub.f32 v18, v5;
	v18 =	vld [tilespmem:s24+$0xFFFFFFD0];
	v12 =	vadd.f32 v14, v12;
	v14 =	vmul.f32 v16, v16  }
0x188: {  	v16 =	vld [tilespmem:s26+$0x20];
	v13 =	vmul.f32 v13, v13;
	v9 =	vadd.f32 v10, v9  }
0x189: {  	v21 =	vld [tilespmem:s24+$0xFFFFFFE0];
	v19 =	vsub.f32 v19, v4;
	v14 =	vadd.f32 v14, v12;
	v11 =	vmul.f32 v11, v11  }
0x18a: {  	v10 =	vsub.f32 v15, v1;
	v15 =	vld [tilespmem:s24+$0xFFFFFFF0];
	v22 =	vadd.f32 v13, v9  }
0x18b: {  	v12 =	vld [tilespmem:s24+$0x30];
	v17 =	vsub.f32 v17, v3;
	v9 =	vadd.f32 v11, v14;
	v14 =	vmul.f32 v19, v19  }
0x18c: {  	v19 =	vsub.f32 v20, v7;
	v11 =	vld [tilespmem:s24+$0x20];
	v18 =	vsub.f32 v18, v8;
	(xrf2) =	vadd.scan.msk.f32 $0xffff, v22  }
0x18d: {  	v13 =	vld [tilespmem:s24+$0x0];
	v20 =	vsub.f32 v16, v2;
	v17 =	vmul.f32 v17, v17;
	v16 =	vadd.f32 v14, v9  }
0x18e: {  	s28 =	sadd.s32 $0x80, s24;
	v24 =	vsub.f32 v21, v6;
	v19 =	vmul.f32 v19, v19;
	v14 =	vld [tilespmem:s24+$0x10];
	v23 =	vmul.f32 v18, v18  }
0x18f: {  	s25 =	simm.s32 $0x3;
	s29 =	simm.s32 $0x4;
	v9 =	vimm.f32 $0.0e+00;
	v21 =	vmul.f32 v20, v20;
	v18 =	vadd.f32 v17, v16;
	v16 =	vld [tilespmem:s28+$0xFFFFFFC0]  }
0x190: {  	s23 =	simm.s32 $0x2;
	s26 =	simm.s32 $0x0;
	s24 =	simm.s32 $0x1;
	v15 =	vsub.f32 v15, v5;
	v20 =	vmul.f32 v24, v24;
	v17 =	vld [tilespmem:s28+$0xFFFFFFD0];
	v19 =	vadd.f32 v23, v19  }
.LBB2_19:
0x191: {  	p0 =	sne.s32 s29, $0xF;
	v18 =	vadd.f32 v21, v18;
	v21 =	vmul.f32 v10, v10;
	v10 =	vsub.f32 v12, v1  }
0x192: {  	v15 =	vmul.f32 v15, v15;
	v22 =	vld [tilespmem:s28+$0xFFFFFFE0];
	v19 =	vadd.f32 v20, v19;
	v13 =	vsub.f32 v13, v4  }
0x193: {  	v20 =	vld [tilespmem:s28+$0xFFFFFFF0];
	v14 =	vsub.f32 v14, v3;
	v18 =	vadd.f32 v21, v18;
	v21 =	vmov s26;
	s26 =	smov.u32 s24;
	s24 =	smov.u32 s23;
	s23 =	smov.u32 s25  }
0x194: {  	s25 =	smov.u32 s29;
	v16 =	vsub.f32 v16, v7;
	v12 =	vld [tilespmem:s28+$0x30];
	v25 =	vadd.f32 v15, v19;
	v19 =	vmul.f32 v13, v13  }
.Ltmp8:
0x195: {  	v23 =	vsub.f32 v11, v2;
	vm0 =	veq.s32 v21, v0;
	v17 =	vsub.f32 v17, v8;
	v11 =	vld [tilespmem:s28+$0x20];
	(xrf2) =	vadd.scan.msk.f32 $0xffff, v18;
	(pc) =	sbr.rel @p0 .LBB2_19-.Ltmp8, $4  }
0x196: {  	v24 =	vmul.f32 v16, v16;
	v13 =	vld [tilespmem:s28+$0x0];
	v18 =	vadd.f32 v19, v25;
	v19 =	vmul.f32 v14, v14;
	v15, _, _ =	vpop (xrf2)  }
0x197: {  	v25 =	vmul.f32 v17, v17;
	v22 =	vsub.f32 v22, v6;
	v14 =	vld [tilespmem:s28+$0x10];
	s28 =	sadd.s32 $0x80, s28;
	v26 =	vbroadcast v15, $0xF  }
0x198: {  	v21 =	vmul.f32 v23, v23;
	v16 =	vld [tilespmem:s28+$0xFFFFFFC0];
	v15 =	vsub.f32 v20, v5;
	v18 =	vadd.f32 v19, v18  }
0x199: {  	s29 =	sadd.s32 $0x1, s29;
	v17 =	vld [tilespmem:s28+$0xFFFFFFD0];
	v19 =	vadd.f32 v25, v24;
	v20 =	vmul.f32 v22, v22;
	v9 =	vsel vm0, v26, v9  }
0x19a: {  	_ = 	snop  }
0x19b: {  	v22 =	vld [tilespmem:s28+$0xFFFFFFE0];
	_ =	sdelay $0x1  }
0x19c: {  	v23 =	vld [tilespmem:s28+$0xFFFFFFF0]  }
0x19d: {  	v7 =	vsub.f32 v16, v7;
	v8 =	vsub.f32 v17, v8  }
0x19e: {  	v49 =	vld [tilespmem:s28+$0x0]  }
0x19f: {  	v6 =	vsub.f32 v22, v6;
	v7 =	vmul.f32 v7, v7;
	v8 =	vmul.f32 v8, v8  }
0x1a0: {  	v12 =	vsub.f32 v12, v1;
	v50 =	vadd.f32 v21, v18;
	v51 =	vld [tilespmem:s28+$0x10]  }
0x1a1: {  	v5 =	vsub.f32 v23, v5;
	v6 =	vmul.f32 v6, v6;
	v7 =	vadd.f32 v8, v7  }
0x1a2: {  	v15 =	vmul.f32 v15, v15;
	v53 =	vld [tilespmem:s28+$0x20];
	v52 =	vadd.f32 v20, v19;
	v13 =	vsub.f32 v13, v4  }
0x1a3: {  	v54 =	vsub.f32 v49, v4;
	v5 =	vmul.f32 v5, v5;
	v6 =	vadd.f32 v6, v7  }
0x1a4: {  	v56 =	vld [tilespmem:s28+$0x30];
	v55 =	vsub.f32 v14, v3;
	v13 =	vmul.f32 v13, v13;
	v8 =	vadd.f32 v15, v52  }
0x1a5: {  	v3 =	vsub.f32 v51, v3;
	v4 =	vmul.f32 v54, v54;
	v5 =	vadd.f32 v5, v6  }
0x1a6: {  	v57 =	vsub.f32 v11, v2;
	v8 =	vadd.f32 v13, v8;
	v7 =	vmul.f32 v55, v55  }
0x1a7: {  	v2 =	vsub.f32 v53, v2;
	v3 =	vmul.f32 v3, v3;
	v4 =	vadd.f32 v4, v5  }
0x1a8: {  	v58 =	vmul.f32 v10, v10;
	v7 =	vadd.f32 v7, v8;
	v6 =	vmul.f32 v57, v57  }
0x1a9: {  	v1 =	vsub.f32 v56, v1;
	v2 =	vmul.f32 v2, v2;
	v3 =	vadd.f32 v3, v4  }
0x1aa: {  	v59 =	vadd.f32 v58, v50;
	v61 =	vmul.f32 v12, v12;
	v60 =	vadd.f32 v6, v7  }
0x1ab: {  	v1 =	vmul.f32 v1, v1;
	v2 =	vadd.f32 v2, v3  }
0x1ac: {  	(xrf2) =	vadd.scan.msk.f32 $0xffff, v59;
	v3 =	vadd.f32 v61, v60  }
0x1ad: {  	v1 =	vadd.f32 v1, v2  }
0x1ae: {  	(xrf2) =	vadd.scan.msk.f32 $0xffff, v3  }
0x1af: {  	(xrf2) =	vadd.scan.msk.f32 $0xffff, v1;
	_ =	sdelay $0x4  }
0x1b0: {  	v3 =	vmov s26  }
0x1b1: {  	s22 =	sshll.u32 s22, $0x4;
	vm0 =	veq.s32 v3, v0;
	v3 =	vmov s24;
	v1, _, _ =	vpop (xrf2)  }
0x1b2: {  	v62 =	vld [tilespmem:s22+$0x1000];
	v2, _, _ =	vpop (xrf2);
	v1 =	vbroadcast v1, $0xF  }
0x1b3: {  	v2 =	vbroadcast v2, $0xF  }
0x1b4: {  	vm13 =	veq.s32 v3, v0;
	v1 =	vsel vm0, v1, v9;
	v3, _, _ =	vpop (xrf2)  }
0x1b5: {  	v1 =	vsel vm13, v2, v1;
	v2 =	vmov s23;
	v3 =	vbroadcast v3, $0xF;
	v63, _, _ =	vpop (xrf2)  }
0x1b6: {  	vm14 =	veq.s32 v2, v0;
	v2 =	vmov s25;
	v5 =	vbroadcast v63, $0xF  }
0x1b7: {  	vm15 =	veq.s32 v2, v0;
	v1 =	vsel vm14, v3, v1  }
0x1b8: {  	v1 =	vsel vm15, v5, v1  }
0x1b9: {  	s20 =	sadd.s32 $0x1, s20;
	[tilespmem:s22+$0xD800] =	vst v1  }
0x1ba: {  	p0 =	sne.s32 s20, $0x8;
	v1 =	vld.idx.msk [tilespmem:v62+s1+$0x0], $0xffff  }
.Ltmp9:
0x1bb: {  	_ = 	snop;
	(pc) =	sbr.rel @p0 .LBB2_18-.Ltmp9, $2  }
0x1bc: {  	_ =	sdelay $0x2  }
0x1bd: {  	s21 =	sadd.s32 $0x800, s21;
	[tilespmem:s22+$0xE000] =	vst v1  }
0x1be: {  	s20 =	simm.s32 $0x1300  }
0x1bf: {  	[tilespmem:s14], [sflag:$0x1] =	stream.indirect.gather [hbm4b:s3+s13], $0x80, s20, s13, $0xb8;
	[tilespmem:$0xE800] =	vst v63  }
0x1c0: {  	_ =	swait.ge [sflag:s19], $0x4000  }
0x1c1: {  	[sflag:s19] =	ssyncset.done $0x0  }
0x1c2: {  	s21 =	simm.s32 $0x9840;
	s20 =	simm.s32 $0x0;
	[sflag:s19] =	ssyncadd.s32 $0xFFFFC000  }
.LBB2_22:
0x1c3: {  	v9 =	vld [tilespmem:s21+$0xFFFFFFC0]  }
0x1c4: {  	v10 =	vld [tilespmem:s21+$0xFFFFFFD0]  }
0x1c5: {  	s22 =	sor.u32 $0x28, s20;
	v11 =	vld [tilespmem:s21+$0xFFFFFFE0]  }
0x1c6: {  	v12 =	vld [tilespmem:s21+$0xFFFFFFF0];
	s23 =	sshll.u32 s22, $0x7  }
0x1c7: {  	v13 =	vld [tilespmem:s21+$0x0];
	s23 =	sand.u32 $0x3FFFFF80, s23  }
0x1c8: {  	v7 =	vld [tilespmem:s23+$0x1800]  }
0x1c9: {  	v8 =	vld [tilespmem:s23+$0x1810]  }
0x1ca: {  	v14 =	vld [tilespmem:s21+$0x10]  }
0x1cb: {  	s26 =	sadd.s32 $0x80, s21;
	v6 =	vld [tilespmem:s23+$0x1820]  }
0x1cc: {  	v15 =	vld [tilespmem:s26+$0xFFFFFFC0]  }
0x1cd: {  	v5 =	vld [tilespmem:s23+$0x1830]  }
0x1ce: {  	v16 =	vld [tilespmem:s26+$0xFFFFFFD0];
	v9 =	vsub.f32 v9, v7;
	v10 =	vsub.f32 v10, v8  }
0x1cf: {  	v4 =	vld [tilespmem:s23+$0x1840]  }
0x1d0: {  	v17 =	vld [tilespmem:s26+$0xFFFFFFE0];
	v11 =	vsub.f32 v11, v6;
	v9 =	vmul.f32 v9, v9;
	v10 =	vmul.f32 v10, v10  }
0x1d1: {  	v3 =	vld [tilespmem:s23+$0x1850]  }
0x1d2: {  	v2 =	vld [tilespmem:s23+$0x1860];
	v12 =	vsub.f32 v12, v5;
	v9 =	vadd.f32 v10, v9;
	v10 =	vmul.f32 v11, v11  }
0x1d3: {  	v11 =	vld [tilespmem:s21+$0x20]  }
0x1d4: {  	v1 =	vld [tilespmem:s23+$0x1870];
	v9 =	vadd.f32 v10, v9;
	v10 =	vmul.f32 v12, v12;
	v12 =	vsub.f32 v13, v4  }
0x1d5: {  	v13 =	vld [tilespmem:s21+$0x30]  }
0x1d6: {  	v18 =	vld [tilespmem:s26+$0xFFFFFFF0];
	v14 =	vsub.f32 v14, v3;
	v9 =	vadd.f32 v10, v9;
	v10 =	vmul.f32 v12, v12  }
0x1d7: {  	v19 =	vld [tilespmem:s26+$0x0];
	s24 =	sadd.s32 $0x80, s26;
	v16 =	vsub.f32 v16, v8;
	v12 =	vsub.f32 v15, v7  }
0x1d8: {  	v20 =	vld [tilespmem:s24+$0xFFFFFFC0];
	v11 =	vsub.f32 v11, v2;
	v9 =	vadd.f32 v10, v9;
	v10 =	vmul.f32 v14, v14  }
0x1d9: {  	v15 =	vld [tilespmem:s26+$0x30];
	v12 =	vmul.f32 v12, v12;
	v14 =	vmul.f32 v16, v16;
	v16 =	vsub.f32 v17, v6  }
0x1da: {  	v17 =	vld [tilespmem:s26+$0x10];
	v13 =	vsub.f32 v13, v1;
	v9 =	vadd.f32 v10, v9;
	v10 =	vmul.f32 v11, v11  }
0x1db: {  	v11 =	vsub.f32 v18, v5;
	v18 =	vld [tilespmem:s24+$0xFFFFFFD0];
	v12 =	vadd.f32 v14, v12;
	v14 =	vmul.f32 v16, v16  }
0x1dc: {  	v16 =	vld [tilespmem:s26+$0x20];
	v13 =	vmul.f32 v13, v13;
	v9 =	vadd.f32 v10, v9  }
0x1dd: {  	v21 =	vld [tilespmem:s24+$0xFFFFFFE0];
	v19 =	vsub.f32 v19, v4;
	v14 =	vadd.f32 v14, v12;
	v11 =	vmul.f32 v11, v11  }
0x1de: {  	v10 =	vsub.f32 v15, v1;
	v15 =	vld [tilespmem:s24+$0xFFFFFFF0];
	v22 =	vadd.f32 v13, v9  }
0x1df: {  	v12 =	vld [tilespmem:s24+$0x30];
	v17 =	vsub.f32 v17, v3;
	v9 =	vadd.f32 v11, v14;
	v14 =	vmul.f32 v19, v19  }
0x1e0: {  	v19 =	vsub.f32 v20, v7;
	v11 =	vld [tilespmem:s24+$0x20];
	v18 =	vsub.f32 v18, v8;
	(xrf2) =	vadd.scan.msk.f32 $0xffff, v22  }
0x1e1: {  	v13 =	vld [tilespmem:s24+$0x0];
	v20 =	vsub.f32 v16, v2;
	v17 =	vmul.f32 v17, v17;
	v16 =	vadd.f32 v14, v9  }
0x1e2: {  	s28 =	sadd.s32 $0x80, s24;
	v24 =	vsub.f32 v21, v6;
	v19 =	vmul.f32 v19, v19;
	v14 =	vld [tilespmem:s24+$0x10];
	v23 =	vmul.f32 v18, v18  }
0x1e3: {  	s25 =	simm.s32 $0x3;
	s29 =	simm.s32 $0x4;
	v9 =	vimm.f32 $0.0e+00;
	v21 =	vmul.f32 v20, v20;
	v18 =	vadd.f32 v17, v16;
	v16 =	vld [tilespmem:s28+$0xFFFFFFC0]  }
0x1e4: {  	s23 =	simm.s32 $0x2;
	s26 =	simm.s32 $0x0;
	s24 =	simm.s32 $0x1;
	v15 =	vsub.f32 v15, v5;
	v20 =	vmul.f32 v24, v24;
	v17 =	vld [tilespmem:s28+$0xFFFFFFD0];
	v19 =	vadd.f32 v23, v19  }
.LBB2_23:
0x1e5: {  	p0 =	sne.s32 s29, $0xF;
	v18 =	vadd.f32 v21, v18;
	v21 =	vmul.f32 v10, v10;
	v10 =	vsub.f32 v12, v1  }
0x1e6: {  	v15 =	vmul.f32 v15, v15;
	v22 =	vld [tilespmem:s28+$0xFFFFFFE0];
	v19 =	vadd.f32 v20, v19;
	v13 =	vsub.f32 v13, v4  }
0x1e7: {  	v20 =	vld [tilespmem:s28+$0xFFFFFFF0];
	v14 =	vsub.f32 v14, v3;
	v18 =	vadd.f32 v21, v18;
	v21 =	vmov s26;
	s26 =	smov.u32 s24;
	s24 =	smov.u32 s23;
	s23 =	smov.u32 s25  }
0x1e8: {  	s25 =	smov.u32 s29;
	v16 =	vsub.f32 v16, v7;
	v12 =	vld [tilespmem:s28+$0x30];
	v25 =	vadd.f32 v15, v19;
	v19 =	vmul.f32 v13, v13  }
.Ltmp10:
0x1e9: {  	v23 =	vsub.f32 v11, v2;
	vm0 =	veq.s32 v21, v0;
	v17 =	vsub.f32 v17, v8;
	v11 =	vld [tilespmem:s28+$0x20];
	(xrf2) =	vadd.scan.msk.f32 $0xffff, v18;
	(pc) =	sbr.rel @p0 .LBB2_23-.Ltmp10, $4  }
0x1ea: {  	v24 =	vmul.f32 v16, v16;
	v13 =	vld [tilespmem:s28+$0x0];
	v18 =	vadd.f32 v19, v25;
	v19 =	vmul.f32 v14, v14;
	v15, _, _ =	vpop (xrf2)  }
0x1eb: {  	v25 =	vmul.f32 v17, v17;
	v22 =	vsub.f32 v22, v6;
	v14 =	vld [tilespmem:s28+$0x10];
	s28 =	sadd.s32 $0x80, s28;
	v26 =	vbroadcast v15, $0xF  }
0x1ec: {  	v21 =	vmul.f32 v23, v23;
	v16 =	vld [tilespmem:s28+$0xFFFFFFC0];
	v15 =	vsub.f32 v20, v5;
	v18 =	vadd.f32 v19, v18  }
0x1ed: {  	s29 =	sadd.s32 $0x1, s29;
	v17 =	vld [tilespmem:s28+$0xFFFFFFD0];
	v19 =	vadd.f32 v25, v24;
	v20 =	vmul.f32 v22, v22;
	v9 =	vsel vm0, v26, v9  }
0x1ee: {  	_ = 	snop  }
0x1ef: {  	v22 =	vld [tilespmem:s28+$0xFFFFFFE0];
	_ =	sdelay $0x1  }
0x1f0: {  	v23 =	vld [tilespmem:s28+$0xFFFFFFF0]  }
0x1f1: {  	v7 =	vsub.f32 v16, v7;
	v8 =	vsub.f32 v17, v8  }
0x1f2: {  	v49 =	vld [tilespmem:s28+$0x0]  }
0x1f3: {  	v6 =	vsub.f32 v22, v6;
	v7 =	vmul.f32 v7, v7;
	v8 =	vmul.f32 v8, v8  }
0x1f4: {  	v12 =	vsub.f32 v12, v1;
	v50 =	vadd.f32 v21, v18;
	v51 =	vld [tilespmem:s28+$0x10]  }
0x1f5: {  	v5 =	vsub.f32 v23, v5;
	v6 =	vmul.f32 v6, v6;
	v7 =	vadd.f32 v8, v7  }
0x1f6: {  	v15 =	vmul.f32 v15, v15;
	v53 =	vld [tilespmem:s28+$0x20];
	v52 =	vadd.f32 v20, v19;
	v13 =	vsub.f32 v13, v4  }
0x1f7: {  	v54 =	vsub.f32 v49, v4;
	v5 =	vmul.f32 v5, v5;
	v6 =	vadd.f32 v6, v7  }
0x1f8: {  	v56 =	vld [tilespmem:s28+$0x30];
	v55 =	vsub.f32 v14, v3;
	v13 =	vmul.f32 v13, v13;
	v8 =	vadd.f32 v15, v52  }
0x1f9: {  	v3 =	vsub.f32 v51, v3;
	v4 =	vmul.f32 v54, v54;
	v5 =	vadd.f32 v5, v6  }
0x1fa: {  	v57 =	vsub.f32 v11, v2;
	v8 =	vadd.f32 v13, v8;
	v7 =	vmul.f32 v55, v55  }
0x1fb: {  	v2 =	vsub.f32 v53, v2;
	v3 =	vmul.f32 v3, v3;
	v4 =	vadd.f32 v4, v5  }
0x1fc: {  	v58 =	vmul.f32 v10, v10;
	v7 =	vadd.f32 v7, v8;
	v6 =	vmul.f32 v57, v57  }
0x1fd: {  	v1 =	vsub.f32 v56, v1;
	v2 =	vmul.f32 v2, v2;
	v3 =	vadd.f32 v3, v4  }
0x1fe: {  	v59 =	vadd.f32 v58, v50;
	v61 =	vmul.f32 v12, v12;
	v60 =	vadd.f32 v6, v7  }
0x1ff: {  	v1 =	vmul.f32 v1, v1;
	v2 =	vadd.f32 v2, v3  }
0x200: {  	(xrf2) =	vadd.scan.msk.f32 $0xffff, v59;
	v3 =	vadd.f32 v61, v60  }
0x201: {  	v1 =	vadd.f32 v1, v2  }
0x202: {  	(xrf2) =	vadd.scan.msk.f32 $0xffff, v3  }
0x203: {  	(xrf2) =	vadd.scan.msk.f32 $0xffff, v1;
	_ =	sdelay $0x4  }
0x204: {  	v3 =	vmov s26  }
0x205: {  	s22 =	sshll.u32 s22, $0x4;
	vm0 =	veq.s32 v3, v0;
	v3 =	vmov s24;
	v1, _, _ =	vpop (xrf2)  }
0x206: {  	v62 =	vld [tilespmem:s22+$0x1000];
	v2, _, _ =	vpop (xrf2);
	v1 =	vbroadcast v1, $0xF  }
0x207: {  	v2 =	vbroadcast v2, $0xF  }
0x208: {  	vm13 =	veq.s32 v3, v0;
	v1 =	vsel vm0, v1, v9;
	v3, _, _ =	vpop (xrf2)  }
0x209: {  	v1 =	vsel vm13, v2, v1;
	v2 =	vmov s23;
	v3 =	vbroadcast v3, $0xF;
	v63, _, _ =	vpop (xrf2)  }
0x20a: {  	vm14 =	veq.s32 v2, v0;
	v2 =	vmov s25;
	v5 =	vbroadcast v63, $0xF  }
0x20b: {  	vm15 =	veq.s32 v2, v0;
	v1 =	vsel vm14, v3, v1  }
0x20c: {  	v1 =	vsel vm15, v5, v1  }
0x20d: {  	s20 =	sadd.s32 $0x1, s20;
	[tilespmem:s22+$0xD800] =	vst v1  }
0x20e: {  	p0 =	sne.s32 s20, $0x8;
	v1 =	vld.idx.msk [tilespmem:v62+s1+$0x0], $0xffff  }
.Ltmp11:
0x20f: {  	_ = 	snop;
	(pc) =	sbr.rel @p0 .LBB2_22-.Ltmp11, $2  }
0x210: {  	_ =	sdelay $0x2  }
0x211: {  	s21 =	sadd.s32 $0x800, s21;
	[tilespmem:s22+$0xE000] =	vst v1  }
0x212: {  	s20 =	simm.s32 $0x1380  }
0x213: {  	[tilespmem:s16], [sflag:$0x2] =	stream.indirect.gather [hbm4b:s3+s13], $0x80, s20, s13, $0xb8;
	[tilespmem:$0xE800] =	vst v63  }
0x214: {  	_ =	swait.ge [sflag:s17], $0x4000  }
0x215: {  	[sflag:s17] =	ssyncset.done $0x0  }
0x216: {  	s21 =	simm.s32 $0x5840;
	s20 =	simm.s32 $0x0;
	[sflag:s17] =	ssyncadd.s32 $0xFFFFC000  }
.LBB2_26:
0x217: {  	v9 =	vld [tilespmem:s21+$0xFFFFFFC0]  }
0x218: {  	v10 =	vld [tilespmem:s21+$0xFFFFFFD0]  }
0x219: {  	s22 =	sor.u32 $0x30, s20;
	v11 =	vld [tilespmem:s21+$0xFFFFFFE0]  }
0x21a: {  	v12 =	vld [tilespmem:s21+$0xFFFFFFF0];
	s23 =	sshll.u32 s22, $0x7  }
0x21b: {  	v13 =	vld [tilespmem:s21+$0x0];
	s23 =	sand.u32 $0x3FFFFF80, s23  }
0x21c: {  	v7 =	vld [tilespmem:s23+$0x1800]  }
0x21d: {  	v8 =	vld [tilespmem:s23+$0x1810]  }
0x21e: {  	v14 =	vld [tilespmem:s21+$0x10]  }
0x21f: {  	s26 =	sadd.s32 $0x80, s21;
	v6 =	vld [tilespmem:s23+$0x1820]  }
0x220: {  	v15 =	vld [tilespmem:s26+$0xFFFFFFC0]  }
0x221: {  	v5 =	vld [tilespmem:s23+$0x1830]  }
0x222: {  	v16 =	vld [tilespmem:s26+$0xFFFFFFD0];
	v9 =	vsub.f32 v9, v7;
	v10 =	vsub.f32 v10, v8  }
0x223: {  	v4 =	vld [tilespmem:s23+$0x1840]  }
0x224: {  	v17 =	vld [tilespmem:s26+$0xFFFFFFE0];
	v11 =	vsub.f32 v11, v6;
	v9 =	vmul.f32 v9, v9;
	v10 =	vmul.f32 v10, v10  }
0x225: {  	v3 =	vld [tilespmem:s23+$0x1850]  }
0x226: {  	v2 =	vld [tilespmem:s23+$0x1860];
	v12 =	vsub.f32 v12, v5;
	v9 =	vadd.f32 v10, v9;
	v10 =	vmul.f32 v11, v11  }
0x227: {  	v11 =	vld [tilespmem:s21+$0x20]  }
0x228: {  	v1 =	vld [tilespmem:s23+$0x1870];
	v9 =	vadd.f32 v10, v9;
	v10 =	vmul.f32 v12, v12;
	v12 =	vsub.f32 v13, v4  }
0x229: {  	v13 =	vld [tilespmem:s21+$0x30]  }
0x22a: {  	v18 =	vld [tilespmem:s26+$0xFFFFFFF0];
	v14 =	vsub.f32 v14, v3;
	v9 =	vadd.f32 v10, v9;
	v10 =	vmul.f32 v12, v12  }
0x22b: {  	v19 =	vld [tilespmem:s26+$0x0];
	s24 =	sadd.s32 $0x80, s26;
	v16 =	vsub.f32 v16, v8;
	v12 =	vsub.f32 v15, v7  }
0x22c: {  	v20 =	vld [tilespmem:s24+$0xFFFFFFC0];
	v11 =	vsub.f32 v11, v2;
	v9 =	vadd.f32 v10, v9;
	v10 =	vmul.f32 v14, v14  }
0x22d: {  	v15 =	vld [tilespmem:s26+$0x30];
	v12 =	vmul.f32 v12, v12;
	v14 =	vmul.f32 v16, v16;
	v16 =	vsub.f32 v17, v6  }
0x22e: {  	v17 =	vld [tilespmem:s26+$0x10];
	v13 =	vsub.f32 v13, v1;
	v9 =	vadd.f32 v10, v9;
	v10 =	vmul.f32 v11, v11  }
0x22f: {  	v11 =	vsub.f32 v18, v5;
	v18 =	vld [tilespmem:s24+$0xFFFFFFD0];
	v12 =	vadd.f32 v14, v12;
	v14 =	vmul.f32 v16, v16  }
0x230: {  	v16 =	vld [tilespmem:s26+$0x20];
	v13 =	vmul.f32 v13, v13;
	v9 =	vadd.f32 v10, v9  }
0x231: {  	v21 =	vld [tilespmem:s24+$0xFFFFFFE0];
	v19 =	vsub.f32 v19, v4;
	v14 =	vadd.f32 v14, v12;
	v11 =	vmul.f32 v11, v11  }
0x232: {  	v10 =	vsub.f32 v15, v1;
	v15 =	vld [tilespmem:s24+$0xFFFFFFF0];
	v22 =	vadd.f32 v13, v9  }
0x233: {  	v12 =	vld [tilespmem:s24+$0x30];
	v17 =	vsub.f32 v17, v3;
	v9 =	vadd.f32 v11, v14;
	v14 =	vmul.f32 v19, v19  }
0x234: {  	v19 =	vsub.f32 v20, v7;
	v11 =	vld [tilespmem:s24+$0x20];
	v18 =	vsub.f32 v18, v8;
	(xrf2) =	vadd.scan.msk.f32 $0xffff, v22  }
0x235: {  	v13 =	vld [tilespmem:s24+$0x0];
	v20 =	vsub.f32 v16, v2;
	v17 =	vmul.f32 v17, v17;
	v16 =	vadd.f32 v14, v9  }
0x236: {  	s28 =	sadd.s32 $0x80, s24;
	v24 =	vsub.f32 v21, v6;
	v19 =	vmul.f32 v19, v19;
	v14 =	vld [tilespmem:s24+$0x10];
	v23 =	vmul.f32 v18, v18  }
0x237: {  	s25 =	simm.s32 $0x3;
	s29 =	simm.s32 $0x4;
	v9 =	vimm.f32 $0.0e+00;
	v21 =	vmul.f32 v20, v20;
	v18 =	vadd.f32 v17, v16;
	v16 =	vld [tilespmem:s28+$0xFFFFFFC0]  }
0x238: {  	s23 =	simm.s32 $0x2;
	s26 =	simm.s32 $0x0;
	s24 =	simm.s32 $0x1;
	v15 =	vsub.f32 v15, v5;
	v20 =	vmul.f32 v24, v24;
	v17 =	vld [tilespmem:s28+$0xFFFFFFD0];
	v19 =	vadd.f32 v23, v19  }
.LBB2_27:
0x239: {  	p0 =	sne.s32 s29, $0xF;
	v18 =	vadd.f32 v21, v18;
	v21 =	vmul.f32 v10, v10;
	v10 =	vsub.f32 v12, v1  }
0x23a: {  	v15 =	vmul.f32 v15, v15;
	v22 =	vld [tilespmem:s28+$0xFFFFFFE0];
	v19 =	vadd.f32 v20, v19;
	v13 =	vsub.f32 v13, v4  }
0x23b: {  	v20 =	vld [tilespmem:s28+$0xFFFFFFF0];
	v14 =	vsub.f32 v14, v3;
	v18 =	vadd.f32 v21, v18;
	v21 =	vmov s26;
	s26 =	smov.u32 s24;
	s24 =	smov.u32 s23;
	s23 =	smov.u32 s25  }
0x23c: {  	s25 =	smov.u32 s29;
	v16 =	vsub.f32 v16, v7;
	v12 =	vld [tilespmem:s28+$0x30];
	v25 =	vadd.f32 v15, v19;
	v19 =	vmul.f32 v13, v13  }
.Ltmp12:
0x23d: {  	v23 =	vsub.f32 v11, v2;
	vm0 =	veq.s32 v21, v0;
	v17 =	vsub.f32 v17, v8;
	v11 =	vld [tilespmem:s28+$0x20];
	(xrf2) =	vadd.scan.msk.f32 $0xffff, v18;
	(pc) =	sbr.rel @p0 .LBB2_27-.Ltmp12, $4  }
0x23e: {  	v24 =	vmul.f32 v16, v16;
	v13 =	vld [tilespmem:s28+$0x0];
	v18 =	vadd.f32 v19, v25;
	v19 =	vmul.f32 v14, v14;
	v15, _, _ =	vpop (xrf2)  }
0x23f: {  	v25 =	vmul.f32 v17, v17;
	v22 =	vsub.f32 v22, v6;
	v14 =	vld [tilespmem:s28+$0x10];
	s28 =	sadd.s32 $0x80, s28;
	v26 =	vbroadcast v15, $0xF  }
0x240: {  	v21 =	vmul.f32 v23, v23;
	v16 =	vld [tilespmem:s28+$0xFFFFFFC0];
	v15 =	vsub.f32 v20, v5;
	v18 =	vadd.f32 v19, v18  }
0x241: {  	s29 =	sadd.s32 $0x1, s29;
	v17 =	vld [tilespmem:s28+$0xFFFFFFD0];
	v19 =	vadd.f32 v25, v24;
	v20 =	vmul.f32 v22, v22;
	v9 =	vsel vm0, v26, v9  }
0x242: {  	_ = 	snop  }
0x243: {  	v22 =	vld [tilespmem:s28+$0xFFFFFFE0];
	_ =	sdelay $0x1  }
0x244: {  	v23 =	vld [tilespmem:s28+$0xFFFFFFF0]  }
0x245: {  	v7 =	vsub.f32 v16, v7;
	v8 =	vsub.f32 v17, v8  }
0x246: {  	v49 =	vld [tilespmem:s28+$0x0]  }
0x247: {  	v6 =	vsub.f32 v22, v6;
	v7 =	vmul.f32 v7, v7;
	v8 =	vmul.f32 v8, v8  }
0x248: {  	v12 =	vsub.f32 v12, v1;
	v50 =	vadd.f32 v21, v18;
	v51 =	vld [tilespmem:s28+$0x10]  }
0x249: {  	v5 =	vsub.f32 v23, v5;
	v6 =	vmul.f32 v6, v6;
	v7 =	vadd.f32 v8, v7  }
0x24a: {  	v15 =	vmul.f32 v15, v15;
	v53 =	vld [tilespmem:s28+$0x20];
	v52 =	vadd.f32 v20, v19;
	v13 =	vsub.f32 v13, v4  }
0x24b: {  	v54 =	vsub.f32 v49, v4;
	v5 =	vmul.f32 v5, v5;
	v6 =	vadd.f32 v6, v7  }
0x24c: {  	v56 =	vld [tilespmem:s28+$0x30];
	v55 =	vsub.f32 v14, v3;
	v13 =	vmul.f32 v13, v13;
	v8 =	vadd.f32 v15, v52  }
0x24d: {  	v3 =	vsub.f32 v51, v3;
	v4 =	vmul.f32 v54, v54;
	v5 =	vadd.f32 v5, v6  }
0x24e: {  	v57 =	vsub.f32 v11, v2;
	v8 =	vadd.f32 v13, v8;
	v7 =	vmul.f32 v55, v55  }
0x24f: {  	v2 =	vsub.f32 v53, v2;
	v3 =	vmul.f32 v3, v3;
	v4 =	vadd.f32 v4, v5  }
0x250: {  	v58 =	vmul.f32 v10, v10;
	v7 =	vadd.f32 v7, v8;
	v6 =	vmul.f32 v57, v57  }
0x251: {  	v1 =	vsub.f32 v56, v1;
	v2 =	vmul.f32 v2, v2;
	v3 =	vadd.f32 v3, v4  }
0x252: {  	v59 =	vadd.f32 v58, v50;
	v61 =	vmul.f32 v12, v12;
	v60 =	vadd.f32 v6, v7  }
0x253: {  	v1 =	vmul.f32 v1, v1;
	v2 =	vadd.f32 v2, v3  }
0x254: {  	(xrf2) =	vadd.scan.msk.f32 $0xffff, v59;
	v3 =	vadd.f32 v61, v60  }
0x255: {  	v1 =	vadd.f32 v1, v2  }
0x256: {  	(xrf2) =	vadd.scan.msk.f32 $0xffff, v3  }
0x257: {  	(xrf2) =	vadd.scan.msk.f32 $0xffff, v1;
	_ =	sdelay $0x4  }
0x258: {  	v3 =	vmov s26  }
0x259: {  	s22 =	sshll.u32 s22, $0x4;
	vm0 =	veq.s32 v3, v0;
	v3 =	vmov s24;
	v1, _, _ =	vpop (xrf2)  }
0x25a: {  	v62 =	vld [tilespmem:s22+$0x1000];
	v2, _, _ =	vpop (xrf2);
	v1 =	vbroadcast v1, $0xF  }
0x25b: {  	v2 =	vbroadcast v2, $0xF  }
0x25c: {  	vm13 =	veq.s32 v3, v0;
	v1 =	vsel vm0, v1, v9;
	v3, _, _ =	vpop (xrf2)  }
0x25d: {  	v1 =	vsel vm13, v2, v1;
	v2 =	vmov s23;
	v3 =	vbroadcast v3, $0xF;
	v63, _, _ =	vpop (xrf2)  }
0x25e: {  	vm14 =	veq.s32 v2, v0;
	v2 =	vmov s25;
	v5 =	vbroadcast v63, $0xF  }
0x25f: {  	vm15 =	veq.s32 v2, v0;
	v1 =	vsel vm14, v3, v1  }
0x260: {  	v1 =	vsel vm15, v5, v1  }
0x261: {  	s20 =	sadd.s32 $0x1, s20;
	[tilespmem:s22+$0xD800] =	vst v1  }
0x262: {  	p0 =	sne.s32 s20, $0x8;
	v1 =	vld.idx.msk [tilespmem:v62+s1+$0x0], $0xffff  }
.Ltmp13:
0x263: {  	_ = 	snop;
	(pc) =	sbr.rel @p0 .LBB2_26-.Ltmp13, $2  }
0x264: {  	_ =	sdelay $0x2  }
0x265: {  	s21 =	sadd.s32 $0x800, s21;
	[tilespmem:s22+$0xE000] =	vst v1  }
0x266: {  	s20 =	simm.s32 $0x1400  }
0x267: {  	[tilespmem:s14], [sflag:$0x1] =	stream.indirect.gather [hbm4b:s3+s13], $0x80, s20, s13, $0xb8;
	[tilespmem:$0xE800] =	vst v63  }
0x268: {  	_ =	swait.ge [sflag:s19], $0x4000  }
0x269: {  	[sflag:s19] =	ssyncset.done $0x0  }
0x26a: {  	s21 =	simm.s32 $0x9840;
	s20 =	simm.s32 $0x0;
	[sflag:s19] =	ssyncadd.s32 $0xFFFFC000  }
.LBB2_30:
0x26b: {  	v9 =	vld [tilespmem:s21+$0xFFFFFFC0]  }
0x26c: {  	v10 =	vld [tilespmem:s21+$0xFFFFFFD0]  }
0x26d: {  	s22 =	sor.u32 $0x38, s20;
	v11 =	vld [tilespmem:s21+$0xFFFFFFE0]  }
0x26e: {  	v12 =	vld [tilespmem:s21+$0xFFFFFFF0];
	s23 =	sshll.u32 s22, $0x7  }
0x26f: {  	v13 =	vld [tilespmem:s21+$0x0];
	s23 =	sand.u32 $0x3FFFFF80, s23  }
0x270: {  	v7 =	vld [tilespmem:s23+$0x1800]  }
0x271: {  	v8 =	vld [tilespmem:s23+$0x1810]  }
0x272: {  	v14 =	vld [tilespmem:s21+$0x10]  }
0x273: {  	s26 =	sadd.s32 $0x80, s21;
	v6 =	vld [tilespmem:s23+$0x1820]  }
0x274: {  	v15 =	vld [tilespmem:s26+$0xFFFFFFC0]  }
0x275: {  	v5 =	vld [tilespmem:s23+$0x1830]  }
0x276: {  	v16 =	vld [tilespmem:s26+$0xFFFFFFD0];
	v9 =	vsub.f32 v9, v7;
	v10 =	vsub.f32 v10, v8  }
0x277: {  	v4 =	vld [tilespmem:s23+$0x1840]  }
0x278: {  	v17 =	vld [tilespmem:s26+$0xFFFFFFE0];
	v11 =	vsub.f32 v11, v6;
	v9 =	vmul.f32 v9, v9;
	v10 =	vmul.f32 v10, v10  }
0x279: {  	v3 =	vld [tilespmem:s23+$0x1850]  }
0x27a: {  	v2 =	vld [tilespmem:s23+$0x1860];
	v12 =	vsub.f32 v12, v5;
	v9 =	vadd.f32 v10, v9;
	v10 =	vmul.f32 v11, v11  }
0x27b: {  	v11 =	vld [tilespmem:s21+$0x20]  }
0x27c: {  	v1 =	vld [tilespmem:s23+$0x1870];
	v9 =	vadd.f32 v10, v9;
	v10 =	vmul.f32 v12, v12;
	v12 =	vsub.f32 v13, v4  }
0x27d: {  	v13 =	vld [tilespmem:s21+$0x30]  }
0x27e: {  	v18 =	vld [tilespmem:s26+$0xFFFFFFF0];
	v14 =	vsub.f32 v14, v3;
	v9 =	vadd.f32 v10, v9;
	v10 =	vmul.f32 v12, v12  }
0x27f: {  	v19 =	vld [tilespmem:s26+$0x0];
	s24 =	sadd.s32 $0x80, s26;
	v16 =	vsub.f32 v16, v8;
	v12 =	vsub.f32 v15, v7  }
0x280: {  	v20 =	vld [tilespmem:s24+$0xFFFFFFC0];
	v11 =	vsub.f32 v11, v2;
	v9 =	vadd.f32 v10, v9;
	v10 =	vmul.f32 v14, v14  }
0x281: {  	v15 =	vld [tilespmem:s26+$0x30];
	v12 =	vmul.f32 v12, v12;
	v14 =	vmul.f32 v16, v16;
	v16 =	vsub.f32 v17, v6  }
0x282: {  	v17 =	vld [tilespmem:s26+$0x10];
	v13 =	vsub.f32 v13, v1;
	v9 =	vadd.f32 v10, v9;
	v10 =	vmul.f32 v11, v11  }
0x283: {  	v11 =	vsub.f32 v18, v5;
	v18 =	vld [tilespmem:s24+$0xFFFFFFD0];
	v12 =	vadd.f32 v14, v12;
	v14 =	vmul.f32 v16, v16  }
0x284: {  	v16 =	vld [tilespmem:s26+$0x20];
	v13 =	vmul.f32 v13, v13;
	v9 =	vadd.f32 v10, v9  }
0x285: {  	v21 =	vld [tilespmem:s24+$0xFFFFFFE0];
	v19 =	vsub.f32 v19, v4;
	v14 =	vadd.f32 v14, v12;
	v11 =	vmul.f32 v11, v11  }
0x286: {  	v10 =	vsub.f32 v15, v1;
	v15 =	vld [tilespmem:s24+$0xFFFFFFF0];
	v22 =	vadd.f32 v13, v9  }
0x287: {  	v12 =	vld [tilespmem:s24+$0x30];
	v17 =	vsub.f32 v17, v3;
	v9 =	vadd.f32 v11, v14;
	v14 =	vmul.f32 v19, v19  }
0x288: {  	v19 =	vsub.f32 v20, v7;
	v11 =	vld [tilespmem:s24+$0x20];
	v18 =	vsub.f32 v18, v8;
	(xrf2) =	vadd.scan.msk.f32 $0xffff, v22  }
0x289: {  	v13 =	vld [tilespmem:s24+$0x0];
	v20 =	vsub.f32 v16, v2;
	v17 =	vmul.f32 v17, v17;
	v16 =	vadd.f32 v14, v9  }
0x28a: {  	s28 =	sadd.s32 $0x80, s24;
	v24 =	vsub.f32 v21, v6;
	v19 =	vmul.f32 v19, v19;
	v14 =	vld [tilespmem:s24+$0x10];
	v23 =	vmul.f32 v18, v18  }
0x28b: {  	s25 =	simm.s32 $0x3;
	s29 =	simm.s32 $0x4;
	v9 =	vimm.f32 $0.0e+00;
	v21 =	vmul.f32 v20, v20;
	v18 =	vadd.f32 v17, v16;
	v16 =	vld [tilespmem:s28+$0xFFFFFFC0]  }
0x28c: {  	s23 =	simm.s32 $0x2;
	s26 =	simm.s32 $0x0;
	s24 =	simm.s32 $0x1;
	v15 =	vsub.f32 v15, v5;
	v20 =	vmul.f32 v24, v24;
	v17 =	vld [tilespmem:s28+$0xFFFFFFD0];
	v19 =	vadd.f32 v23, v19  }
.LBB2_31:
0x28d: {  	p0 =	sne.s32 s29, $0xF;
	v18 =	vadd.f32 v21, v18;
	v21 =	vmul.f32 v10, v10;
	v10 =	vsub.f32 v12, v1  }
0x28e: {  	v15 =	vmul.f32 v15, v15;
	v22 =	vld [tilespmem:s28+$0xFFFFFFE0];
	v19 =	vadd.f32 v20, v19;
	v13 =	vsub.f32 v13, v4  }
0x28f: {  	v20 =	vld [tilespmem:s28+$0xFFFFFFF0];
	v14 =	vsub.f32 v14, v3;
	v18 =	vadd.f32 v21, v18;
	v21 =	vmov s26;
	s26 =	smov.u32 s24;
	s24 =	smov.u32 s23;
	s23 =	smov.u32 s25  }
0x290: {  	s25 =	smov.u32 s29;
	v16 =	vsub.f32 v16, v7;
	v12 =	vld [tilespmem:s28+$0x30];
	v25 =	vadd.f32 v15, v19;
	v19 =	vmul.f32 v13, v13  }
.Ltmp14:
0x291: {  	v23 =	vsub.f32 v11, v2;
	vm0 =	veq.s32 v21, v0;
	v17 =	vsub.f32 v17, v8;
	v11 =	vld [tilespmem:s28+$0x20];
	(xrf2) =	vadd.scan.msk.f32 $0xffff, v18;
	(pc) =	sbr.rel @p0 .LBB2_31-.Ltmp14, $4  }
0x292: {  	v24 =	vmul.f32 v16, v16;
	v13 =	vld [tilespmem:s28+$0x0];
	v18 =	vadd.f32 v19, v25;
	v19 =	vmul.f32 v14, v14;
	v15, _, _ =	vpop (xrf2)  }
0x293: {  	v25 =	vmul.f32 v17, v17;
	v22 =	vsub.f32 v22, v6;
	v14 =	vld [tilespmem:s28+$0x10];
	s28 =	sadd.s32 $0x80, s28;
	v26 =	vbroadcast v15, $0xF  }
0x294: {  	v21 =	vmul.f32 v23, v23;
	v16 =	vld [tilespmem:s28+$0xFFFFFFC0];
	v15 =	vsub.f32 v20, v5;
	v18 =	vadd.f32 v19, v18  }
0x295: {  	s29 =	sadd.s32 $0x1, s29;
	v17 =	vld [tilespmem:s28+$0xFFFFFFD0];
	v19 =	vadd.f32 v25, v24;
	v20 =	vmul.f32 v22, v22;
	v9 =	vsel vm0, v26, v9  }
0x296: {  	_ = 	snop  }
0x297: {  	v22 =	vld [tilespmem:s28+$0xFFFFFFE0];
	_ =	sdelay $0x1  }
0x298: {  	v23 =	vld [tilespmem:s28+$0xFFFFFFF0]  }
0x299: {  	v7 =	vsub.f32 v16, v7;
	v8 =	vsub.f32 v17, v8  }
0x29a: {  	v49 =	vld [tilespmem:s28+$0x0]  }
0x29b: {  	v6 =	vsub.f32 v22, v6;
	v7 =	vmul.f32 v7, v7;
	v8 =	vmul.f32 v8, v8  }
0x29c: {  	v12 =	vsub.f32 v12, v1;
	v50 =	vadd.f32 v21, v18;
	v51 =	vld [tilespmem:s28+$0x10]  }
0x29d: {  	v5 =	vsub.f32 v23, v5;
	v6 =	vmul.f32 v6, v6;
	v7 =	vadd.f32 v8, v7  }
0x29e: {  	v15 =	vmul.f32 v15, v15;
	v53 =	vld [tilespmem:s28+$0x20];
	v52 =	vadd.f32 v20, v19;
	v13 =	vsub.f32 v13, v4  }
0x29f: {  	v54 =	vsub.f32 v49, v4;
	v5 =	vmul.f32 v5, v5;
	v6 =	vadd.f32 v6, v7  }
0x2a0: {  	v56 =	vld [tilespmem:s28+$0x30];
	v55 =	vsub.f32 v14, v3;
	v13 =	vmul.f32 v13, v13;
	v8 =	vadd.f32 v15, v52  }
0x2a1: {  	v3 =	vsub.f32 v51, v3;
	v4 =	vmul.f32 v54, v54;
	v5 =	vadd.f32 v5, v6  }
0x2a2: {  	v57 =	vsub.f32 v11, v2;
	v8 =	vadd.f32 v13, v8;
	v7 =	vmul.f32 v55, v55  }
0x2a3: {  	v2 =	vsub.f32 v53, v2;
	v3 =	vmul.f32 v3, v3;
	v4 =	vadd.f32 v4, v5  }
0x2a4: {  	v58 =	vmul.f32 v10, v10;
	v7 =	vadd.f32 v7, v8;
	v6 =	vmul.f32 v57, v57  }
0x2a5: {  	v1 =	vsub.f32 v56, v1;
	v2 =	vmul.f32 v2, v2;
	v3 =	vadd.f32 v3, v4  }
0x2a6: {  	v59 =	vadd.f32 v58, v50;
	v61 =	vmul.f32 v12, v12;
	v60 =	vadd.f32 v6, v7  }
0x2a7: {  	v1 =	vmul.f32 v1, v1;
	v2 =	vadd.f32 v2, v3  }
0x2a8: {  	(xrf2) =	vadd.scan.msk.f32 $0xffff, v59;
	v3 =	vadd.f32 v61, v60  }
0x2a9: {  	v1 =	vadd.f32 v1, v2  }
0x2aa: {  	(xrf2) =	vadd.scan.msk.f32 $0xffff, v3  }
0x2ab: {  	(xrf2) =	vadd.scan.msk.f32 $0xffff, v1;
	_ =	sdelay $0x4  }
0x2ac: {  	v3 =	vmov s26  }
0x2ad: {  	s22 =	sshll.u32 s22, $0x4;
	vm0 =	veq.s32 v3, v0;
	v3 =	vmov s24;
	v1, _, _ =	vpop (xrf2)  }
0x2ae: {  	v62 =	vld [tilespmem:s22+$0x1000];
	v2, _, _ =	vpop (xrf2);
	v1 =	vbroadcast v1, $0xF  }
0x2af: {  	v2 =	vbroadcast v2, $0xF  }
0x2b0: {  	vm13 =	veq.s32 v3, v0;
	v1 =	vsel vm0, v1, v9;
	v3, _, _ =	vpop (xrf2)  }
0x2b1: {  	v1 =	vsel vm13, v2, v1;
	v2 =	vmov s23;
	v3 =	vbroadcast v3, $0xF;
	v63, _, _ =	vpop (xrf2)  }
0x2b2: {  	vm14 =	veq.s32 v2, v0;
	v2 =	vmov s25;
	v5 =	vbroadcast v63, $0xF  }
0x2b3: {  	vm15 =	veq.s32 v2, v0;
	v1 =	vsel vm14, v3, v1  }
0x2b4: {  	v1 =	vsel vm15, v5, v1  }
0x2b5: {  	s20 =	sadd.s32 $0x1, s20;
	[tilespmem:s22+$0xD800] =	vst v1  }
0x2b6: {  	p0 =	sne.s32 s20, $0x8;
	v1 =	vld.idx.msk [tilespmem:v62+s1+$0x0], $0xffff  }
.Ltmp15:
0x2b7: {  	_ = 	snop;
	(pc) =	sbr.rel @p0 .LBB2_30-.Ltmp15, $2  }
0x2b8: {  	_ =	sdelay $0x2  }
0x2b9: {  	s21 =	sadd.s32 $0x800, s21;
	[tilespmem:s22+$0xE000] =	vst v1  }
0x2ba: {  	s20 =	simm.s32 $0x1480  }
0x2bb: {  	[tilespmem:s16], [sflag:$0x2] =	stream.indirect.gather [hbm4b:s3+s13], $0x80, s20, s13, $0xb8;
	[tilespmem:$0xE800] =	vst v63  }
0x2bc: {  	_ =	swait.ge [sflag:s17], $0x4000  }
0x2bd: {  	[sflag:s17] =	ssyncset.done $0x0  }
0x2be: {  	s21 =	simm.s32 $0x5840;
	s20 =	simm.s32 $0x0;
	[sflag:s17] =	ssyncadd.s32 $0xFFFFC000  }
.LBB2_34:
0x2bf: {  	v9 =	vld [tilespmem:s21+$0xFFFFFFC0]  }
0x2c0: {  	v10 =	vld [tilespmem:s21+$0xFFFFFFD0]  }
0x2c1: {  	s22 =	sor.u32 $0x40, s20;
	v11 =	vld [tilespmem:s21+$0xFFFFFFE0]  }
0x2c2: {  	v12 =	vld [tilespmem:s21+$0xFFFFFFF0];
	s23 =	sshll.u32 s22, $0x7  }
0x2c3: {  	v13 =	vld [tilespmem:s21+$0x0];
	s23 =	sand.u32 $0x3FFFFF80, s23  }
0x2c4: {  	v7 =	vld [tilespmem:s23+$0x1800]  }
0x2c5: {  	v8 =	vld [tilespmem:s23+$0x1810]  }
0x2c6: {  	v14 =	vld [tilespmem:s21+$0x10]  }
0x2c7: {  	s26 =	sadd.s32 $0x80, s21;
	v6 =	vld [tilespmem:s23+$0x1820]  }
0x2c8: {  	v15 =	vld [tilespmem:s26+$0xFFFFFFC0]  }
0x2c9: {  	v5 =	vld [tilespmem:s23+$0x1830]  }
0x2ca: {  	v16 =	vld [tilespmem:s26+$0xFFFFFFD0];
	v9 =	vsub.f32 v9, v7;
	v10 =	vsub.f32 v10, v8  }
0x2cb: {  	v4 =	vld [tilespmem:s23+$0x1840]  }
0x2cc: {  	v17 =	vld [tilespmem:s26+$0xFFFFFFE0];
	v11 =	vsub.f32 v11, v6;
	v9 =	vmul.f32 v9, v9;
	v10 =	vmul.f32 v10, v10  }
0x2cd: {  	v3 =	vld [tilespmem:s23+$0x1850]  }
0x2ce: {  	v2 =	vld [tilespmem:s23+$0x1860];
	v12 =	vsub.f32 v12, v5;
	v9 =	vadd.f32 v10, v9;
	v10 =	vmul.f32 v11, v11  }
0x2cf: {  	v11 =	vld [tilespmem:s21+$0x20]  }
0x2d0: {  	v1 =	vld [tilespmem:s23+$0x1870];
	v9 =	vadd.f32 v10, v9;
	v10 =	vmul.f32 v12, v12;
	v12 =	vsub.f32 v13, v4  }
0x2d1: {  	v13 =	vld [tilespmem:s21+$0x30]  }
0x2d2: {  	v18 =	vld [tilespmem:s26+$0xFFFFFFF0];
	v14 =	vsub.f32 v14, v3;
	v9 =	vadd.f32 v10, v9;
	v10 =	vmul.f32 v12, v12  }
0x2d3: {  	v19 =	vld [tilespmem:s26+$0x0];
	s24 =	sadd.s32 $0x80, s26;
	v16 =	vsub.f32 v16, v8;
	v12 =	vsub.f32 v15, v7  }
0x2d4: {  	v20 =	vld [tilespmem:s24+$0xFFFFFFC0];
	v11 =	vsub.f32 v11, v2;
	v9 =	vadd.f32 v10, v9;
	v10 =	vmul.f32 v14, v14  }
0x2d5: {  	v15 =	vld [tilespmem:s26+$0x30];
	v12 =	vmul.f32 v12, v12;
	v14 =	vmul.f32 v16, v16;
	v16 =	vsub.f32 v17, v6  }
0x2d6: {  	v17 =	vld [tilespmem:s26+$0x10];
	v13 =	vsub.f32 v13, v1;
	v9 =	vadd.f32 v10, v9;
	v10 =	vmul.f32 v11, v11  }
0x2d7: {  	v11 =	vsub.f32 v18, v5;
	v18 =	vld [tilespmem:s24+$0xFFFFFFD0];
	v12 =	vadd.f32 v14, v12;
	v14 =	vmul.f32 v16, v16  }
0x2d8: {  	v16 =	vld [tilespmem:s26+$0x20];
	v13 =	vmul.f32 v13, v13;
	v9 =	vadd.f32 v10, v9  }
0x2d9: {  	v21 =	vld [tilespmem:s24+$0xFFFFFFE0];
	v19 =	vsub.f32 v19, v4;
	v14 =	vadd.f32 v14, v12;
	v11 =	vmul.f32 v11, v11  }
0x2da: {  	v10 =	vsub.f32 v15, v1;
	v15 =	vld [tilespmem:s24+$0xFFFFFFF0];
	v22 =	vadd.f32 v13, v9  }
0x2db: {  	v12 =	vld [tilespmem:s24+$0x30];
	v17 =	vsub.f32 v17, v3;
	v9 =	vadd.f32 v11, v14;
	v14 =	vmul.f32 v19, v19  }
0x2dc: {  	v19 =	vsub.f32 v20, v7;
	v11 =	vld [tilespmem:s24+$0x20];
	v18 =	vsub.f32 v18, v8;
	(xrf2) =	vadd.scan.msk.f32 $0xffff, v22  }
0x2dd: {  	v13 =	vld [tilespmem:s24+$0x0];
	v20 =	vsub.f32 v16, v2;
	v17 =	vmul.f32 v17, v17;
	v16 =	vadd.f32 v14, v9  }
0x2de: {  	s28 =	sadd.s32 $0x80, s24;
	v24 =	vsub.f32 v21, v6;
	v19 =	vmul.f32 v19, v19;
	v14 =	vld [tilespmem:s24+$0x10];
	v23 =	vmul.f32 v18, v18  }
0x2df: {  	s25 =	simm.s32 $0x3;
	s29 =	simm.s32 $0x4;
	v9 =	vimm.f32 $0.0e+00;
	v21 =	vmul.f32 v20, v20;
	v18 =	vadd.f32 v17, v16;
	v16 =	vld [tilespmem:s28+$0xFFFFFFC0]  }
0x2e0: {  	s23 =	simm.s32 $0x2;
	s26 =	simm.s32 $0x0;
	s24 =	simm.s32 $0x1;
	v15 =	vsub.f32 v15, v5;
	v20 =	vmul.f32 v24, v24;
	v17 =	vld [tilespmem:s28+$0xFFFFFFD0];
	v19 =	vadd.f32 v23, v19  }
.LBB2_35:
0x2e1: {  	p0 =	sne.s32 s29, $0xF;
	v18 =	vadd.f32 v21, v18;
	v21 =	vmul.f32 v10, v10;
	v10 =	vsub.f32 v12, v1  }
0x2e2: {  	v15 =	vmul.f32 v15, v15;
	v22 =	vld [tilespmem:s28+$0xFFFFFFE0];
	v19 =	vadd.f32 v20, v19;
	v13 =	vsub.f32 v13, v4  }
0x2e3: {  	v20 =	vld [tilespmem:s28+$0xFFFFFFF0];
	v14 =	vsub.f32 v14, v3;
	v18 =	vadd.f32 v21, v18;
	v21 =	vmov s26;
	s26 =	smov.u32 s24;
	s24 =	smov.u32 s23;
	s23 =	smov.u32 s25  }
0x2e4: {  	s25 =	smov.u32 s29;
	v16 =	vsub.f32 v16, v7;
	v12 =	vld [tilespmem:s28+$0x30];
	v25 =	vadd.f32 v15, v19;
	v19 =	vmul.f32 v13, v13  }
.Ltmp16:
0x2e5: {  	v23 =	vsub.f32 v11, v2;
	vm0 =	veq.s32 v21, v0;
	v17 =	vsub.f32 v17, v8;
	v11 =	vld [tilespmem:s28+$0x20];
	(xrf2) =	vadd.scan.msk.f32 $0xffff, v18;
	(pc) =	sbr.rel @p0 .LBB2_35-.Ltmp16, $4  }
0x2e6: {  	v24 =	vmul.f32 v16, v16;
	v13 =	vld [tilespmem:s28+$0x0];
	v18 =	vadd.f32 v19, v25;
	v19 =	vmul.f32 v14, v14;
	v15, _, _ =	vpop (xrf2)  }
0x2e7: {  	v25 =	vmul.f32 v17, v17;
	v22 =	vsub.f32 v22, v6;
	v14 =	vld [tilespmem:s28+$0x10];
	s28 =	sadd.s32 $0x80, s28;
	v26 =	vbroadcast v15, $0xF  }
0x2e8: {  	v21 =	vmul.f32 v23, v23;
	v16 =	vld [tilespmem:s28+$0xFFFFFFC0];
	v15 =	vsub.f32 v20, v5;
	v18 =	vadd.f32 v19, v18  }
0x2e9: {  	s29 =	sadd.s32 $0x1, s29;
	v17 =	vld [tilespmem:s28+$0xFFFFFFD0];
	v19 =	vadd.f32 v25, v24;
	v20 =	vmul.f32 v22, v22;
	v9 =	vsel vm0, v26, v9  }
0x2ea: {  	_ = 	snop  }
0x2eb: {  	v22 =	vld [tilespmem:s28+$0xFFFFFFE0];
	_ =	sdelay $0x1  }
0x2ec: {  	v23 =	vld [tilespmem:s28+$0xFFFFFFF0]  }
0x2ed: {  	v7 =	vsub.f32 v16, v7;
	v8 =	vsub.f32 v17, v8  }
0x2ee: {  	v49 =	vld [tilespmem:s28+$0x0]  }
0x2ef: {  	v6 =	vsub.f32 v22, v6;
	v7 =	vmul.f32 v7, v7;
	v8 =	vmul.f32 v8, v8  }
0x2f0: {  	v12 =	vsub.f32 v12, v1;
	v50 =	vadd.f32 v21, v18;
	v51 =	vld [tilespmem:s28+$0x10]  }
0x2f1: {  	v5 =	vsub.f32 v23, v5;
	v6 =	vmul.f32 v6, v6;
	v7 =	vadd.f32 v8, v7  }
0x2f2: {  	v15 =	vmul.f32 v15, v15;
	v53 =	vld [tilespmem:s28+$0x20];
	v52 =	vadd.f32 v20, v19;
	v13 =	vsub.f32 v13, v4  }
0x2f3: {  	v54 =	vsub.f32 v49, v4;
	v5 =	vmul.f32 v5, v5;
	v6 =	vadd.f32 v6, v7  }
0x2f4: {  	v56 =	vld [tilespmem:s28+$0x30];
	v55 =	vsub.f32 v14, v3;
	v13 =	vmul.f32 v13, v13;
	v8 =	vadd.f32 v15, v52  }
0x2f5: {  	v3 =	vsub.f32 v51, v3;
	v4 =	vmul.f32 v54, v54;
	v5 =	vadd.f32 v5, v6  }
0x2f6: {  	v57 =	vsub.f32 v11, v2;
	v8 =	vadd.f32 v13, v8;
	v7 =	vmul.f32 v55, v55  }
0x2f7: {  	v2 =	vsub.f32 v53, v2;
	v3 =	vmul.f32 v3, v3;
	v4 =	vadd.f32 v4, v5  }
0x2f8: {  	v58 =	vmul.f32 v10, v10;
	v7 =	vadd.f32 v7, v8;
	v6 =	vmul.f32 v57, v57  }
0x2f9: {  	v1 =	vsub.f32 v56, v1;
	v2 =	vmul.f32 v2, v2;
	v3 =	vadd.f32 v3, v4  }
0x2fa: {  	v59 =	vadd.f32 v58, v50;
	v61 =	vmul.f32 v12, v12;
	v60 =	vadd.f32 v6, v7  }
0x2fb: {  	v1 =	vmul.f32 v1, v1;
	v2 =	vadd.f32 v2, v3  }
0x2fc: {  	(xrf2) =	vadd.scan.msk.f32 $0xffff, v59;
	v3 =	vadd.f32 v61, v60  }
0x2fd: {  	v1 =	vadd.f32 v1, v2  }
0x2fe: {  	(xrf2) =	vadd.scan.msk.f32 $0xffff, v3  }
0x2ff: {  	(xrf2) =	vadd.scan.msk.f32 $0xffff, v1;
	_ =	sdelay $0x4  }
0x300: {  	v3 =	vmov s26  }
0x301: {  	s22 =	sshll.u32 s22, $0x4;
	vm0 =	veq.s32 v3, v0;
	v3 =	vmov s24;
	v1, _, _ =	vpop (xrf2)  }
0x302: {  	v62 =	vld [tilespmem:s22+$0x1000];
	v2, _, _ =	vpop (xrf2);
	v1 =	vbroadcast v1, $0xF  }
0x303: {  	v2 =	vbroadcast v2, $0xF  }
0x304: {  	vm13 =	veq.s32 v3, v0;
	v1 =	vsel vm0, v1, v9;
	v3, _, _ =	vpop (xrf2)  }
0x305: {  	v1 =	vsel vm13, v2, v1;
	v2 =	vmov s23;
	v3 =	vbroadcast v3, $0xF;
	v63, _, _ =	vpop (xrf2)  }
0x306: {  	vm14 =	veq.s32 v2, v0;
	v2 =	vmov s25;
	v5 =	vbroadcast v63, $0xF  }
0x307: {  	vm15 =	veq.s32 v2, v0;
	v1 =	vsel vm14, v3, v1  }
0x308: {  	v1 =	vsel vm15, v5, v1  }
0x309: {  	s20 =	sadd.s32 $0x1, s20;
	[tilespmem:s22+$0xD800] =	vst v1  }
0x30a: {  	p0 =	sne.s32 s20, $0x8;
	v1 =	vld.idx.msk [tilespmem:v62+s1+$0x0], $0xffff  }
.Ltmp17:
0x30b: {  	_ = 	snop;
	(pc) =	sbr.rel @p0 .LBB2_34-.Ltmp17, $2  }
0x30c: {  	_ =	sdelay $0x2  }
0x30d: {  	s21 =	sadd.s32 $0x800, s21;
	[tilespmem:s22+$0xE000] =	vst v1  }
0x30e: {  	s20 =	simm.s32 $0x1500  }
0x30f: {  	[tilespmem:s14], [sflag:$0x1] =	stream.indirect.gather [hbm4b:s3+s13], $0x80, s20, s13, $0xb8;
	[tilespmem:$0xE800] =	vst v63  }
0x310: {  	_ =	swait.ge [sflag:s19], $0x4000  }
0x311: {  	[sflag:s19] =	ssyncset.done $0x0  }
0x312: {  	s21 =	simm.s32 $0x9840;
	s20 =	simm.s32 $0x0;
	[sflag:s19] =	ssyncadd.s32 $0xFFFFC000  }
.LBB2_38:
0x313: {  	v9 =	vld [tilespmem:s21+$0xFFFFFFC0]  }
0x314: {  	v10 =	vld [tilespmem:s21+$0xFFFFFFD0]  }
0x315: {  	s22 =	sor.u32 $0x48, s20;
	v11 =	vld [tilespmem:s21+$0xFFFFFFE0]  }
0x316: {  	v12 =	vld [tilespmem:s21+$0xFFFFFFF0];
	s23 =	sshll.u32 s22, $0x7  }
0x317: {  	v13 =	vld [tilespmem:s21+$0x0];
	s23 =	sand.u32 $0x3FFFFF80, s23  }
0x318: {  	v7 =	vld [tilespmem:s23+$0x1800]  }
0x319: {  	v8 =	vld [tilespmem:s23+$0x1810]  }
0x31a: {  	v14 =	vld [tilespmem:s21+$0x10]  }
0x31b: {  	s26 =	sadd.s32 $0x80, s21;
	v6 =	vld [tilespmem:s23+$0x1820]  }
0x31c: {  	v15 =	vld [tilespmem:s26+$0xFFFFFFC0]  }
0x31d: {  	v5 =	vld [tilespmem:s23+$0x1830]  }
0x31e: {  	v16 =	vld [tilespmem:s26+$0xFFFFFFD0];
	v9 =	vsub.f32 v9, v7;
	v10 =	vsub.f32 v10, v8  }
0x31f: {  	v4 =	vld [tilespmem:s23+$0x1840]  }
0x320: {  	v17 =	vld [tilespmem:s26+$0xFFFFFFE0];
	v11 =	vsub.f32 v11, v6;
	v9 =	vmul.f32 v9, v9;
	v10 =	vmul.f32 v10, v10  }
0x321: {  	v3 =	vld [tilespmem:s23+$0x1850]  }
0x322: {  	v2 =	vld [tilespmem:s23+$0x1860];
	v12 =	vsub.f32 v12, v5;
	v9 =	vadd.f32 v10, v9;
	v10 =	vmul.f32 v11, v11  }
0x323: {  	v11 =	vld [tilespmem:s21+$0x20]  }
0x324: {  	v1 =	vld [tilespmem:s23+$0x1870];
	v9 =	vadd.f32 v10, v9;
	v10 =	vmul.f32 v12, v12;
	v12 =	vsub.f32 v13, v4  }
0x325: {  	v13 =	vld [tilespmem:s21+$0x30]  }
0x326: {  	v18 =	vld [tilespmem:s26+$0xFFFFFFF0];
	v14 =	vsub.f32 v14, v3;
	v9 =	vadd.f32 v10, v9;
	v10 =	vmul.f32 v12, v12  }
0x327: {  	v19 =	vld [tilespmem:s26+$0x0];
	s24 =	sadd.s32 $0x80, s26;
	v16 =	vsub.f32 v16, v8;
	v12 =	vsub.f32 v15, v7  }
0x328: {  	v20 =	vld [tilespmem:s24+$0xFFFFFFC0];
	v11 =	vsub.f32 v11, v2;
	v9 =	vadd.f32 v10, v9;
	v10 =	vmul.f32 v14, v14  }
0x329: {  	v15 =	vld [tilespmem:s26+$0x30];
	v12 =	vmul.f32 v12, v12;
	v14 =	vmul.f32 v16, v16;
	v16 =	vsub.f32 v17, v6  }
0x32a: {  	v17 =	vld [tilespmem:s26+$0x10];
	v13 =	vsub.f32 v13, v1;
	v9 =	vadd.f32 v10, v9;
	v10 =	vmul.f32 v11, v11  }
0x32b: {  	v11 =	vsub.f32 v18, v5;
	v18 =	vld [tilespmem:s24+$0xFFFFFFD0];
	v12 =	vadd.f32 v14, v12;
	v14 =	vmul.f32 v16, v16  }
0x32c: {  	v16 =	vld [tilespmem:s26+$0x20];
	v13 =	vmul.f32 v13, v13;
	v9 =	vadd.f32 v10, v9  }
0x32d: {  	v21 =	vld [tilespmem:s24+$0xFFFFFFE0];
	v19 =	vsub.f32 v19, v4;
	v14 =	vadd.f32 v14, v12;
	v11 =	vmul.f32 v11, v11  }
0x32e: {  	v10 =	vsub.f32 v15, v1;
	v15 =	vld [tilespmem:s24+$0xFFFFFFF0];
	v22 =	vadd.f32 v13, v9  }
0x32f: {  	v12 =	vld [tilespmem:s24+$0x30];
	v17 =	vsub.f32 v17, v3;
	v9 =	vadd.f32 v11, v14;
	v14 =	vmul.f32 v19, v19  }
0x330: {  	v19 =	vsub.f32 v20, v7;
	v11 =	vld [tilespmem:s24+$0x20];
	v18 =	vsub.f32 v18, v8;
	(xrf2) =	vadd.scan.msk.f32 $0xffff, v22  }
0x331: {  	v13 =	vld [tilespmem:s24+$0x0];
	v20 =	vsub.f32 v16, v2;
	v17 =	vmul.f32 v17, v17;
	v16 =	vadd.f32 v14, v9  }
0x332: {  	s28 =	sadd.s32 $0x80, s24;
	v24 =	vsub.f32 v21, v6;
	v19 =	vmul.f32 v19, v19;
	v14 =	vld [tilespmem:s24+$0x10];
	v23 =	vmul.f32 v18, v18  }
0x333: {  	s25 =	simm.s32 $0x3;
	s29 =	simm.s32 $0x4;
	v9 =	vimm.f32 $0.0e+00;
	v21 =	vmul.f32 v20, v20;
	v18 =	vadd.f32 v17, v16;
	v16 =	vld [tilespmem:s28+$0xFFFFFFC0]  }
0x334: {  	s23 =	simm.s32 $0x2;
	s26 =	simm.s32 $0x0;
	s24 =	simm.s32 $0x1;
	v15 =	vsub.f32 v15, v5;
	v20 =	vmul.f32 v24, v24;
	v17 =	vld [tilespmem:s28+$0xFFFFFFD0];
	v19 =	vadd.f32 v23, v19  }
.LBB2_39:
0x335: {  	p0 =	sne.s32 s29, $0xF;
	v18 =	vadd.f32 v21, v18;
	v21 =	vmul.f32 v10, v10;
	v10 =	vsub.f32 v12, v1  }
0x336: {  	v15 =	vmul.f32 v15, v15;
	v22 =	vld [tilespmem:s28+$0xFFFFFFE0];
	v19 =	vadd.f32 v20, v19;
	v13 =	vsub.f32 v13, v4  }
0x337: {  	v20 =	vld [tilespmem:s28+$0xFFFFFFF0];
	v14 =	vsub.f32 v14, v3;
	v18 =	vadd.f32 v21, v18;
	v21 =	vmov s26;
	s26 =	smov.u32 s24;
	s24 =	smov.u32 s23;
	s23 =	smov.u32 s25  }
0x338: {  	s25 =	smov.u32 s29;
	v16 =	vsub.f32 v16, v7;
	v12 =	vld [tilespmem:s28+$0x30];
	v25 =	vadd.f32 v15, v19;
	v19 =	vmul.f32 v13, v13  }
.Ltmp18:
0x339: {  	v23 =	vsub.f32 v11, v2;
	vm0 =	veq.s32 v21, v0;
	v17 =	vsub.f32 v17, v8;
	v11 =	vld [tilespmem:s28+$0x20];
	(xrf2) =	vadd.scan.msk.f32 $0xffff, v18;
	(pc) =	sbr.rel @p0 .LBB2_39-.Ltmp18, $4  }
0x33a: {  	v24 =	vmul.f32 v16, v16;
	v13 =	vld [tilespmem:s28+$0x0];
	v18 =	vadd.f32 v19, v25;
	v19 =	vmul.f32 v14, v14;
	v15, _, _ =	vpop (xrf2)  }
0x33b: {  	v25 =	vmul.f32 v17, v17;
	v22 =	vsub.f32 v22, v6;
	v14 =	vld [tilespmem:s28+$0x10];
	s28 =	sadd.s32 $0x80, s28;
	v26 =	vbroadcast v15, $0xF  }
0x33c: {  	v21 =	vmul.f32 v23, v23;
	v16 =	vld [tilespmem:s28+$0xFFFFFFC0];
	v15 =	vsub.f32 v20, v5;
	v18 =	vadd.f32 v19, v18  }
0x33d: {  	s29 =	sadd.s32 $0x1, s29;
	v17 =	vld [tilespmem:s28+$0xFFFFFFD0];
	v19 =	vadd.f32 v25, v24;
	v20 =	vmul.f32 v22, v22;
	v9 =	vsel vm0, v26, v9  }
0x33e: {  	_ = 	snop  }
0x33f: {  	v22 =	vld [tilespmem:s28+$0xFFFFFFE0];
	_ =	sdelay $0x1  }
0x340: {  	v23 =	vld [tilespmem:s28+$0xFFFFFFF0]  }
0x341: {  	v7 =	vsub.f32 v16, v7;
	v8 =	vsub.f32 v17, v8  }
0x342: {  	v49 =	vld [tilespmem:s28+$0x0]  }
0x343: {  	v6 =	vsub.f32 v22, v6;
	v7 =	vmul.f32 v7, v7;
	v8 =	vmul.f32 v8, v8  }
0x344: {  	v12 =	vsub.f32 v12, v1;
	v50 =	vadd.f32 v21, v18;
	v51 =	vld [tilespmem:s28+$0x10]  }
0x345: {  	v5 =	vsub.f32 v23, v5;
	v6 =	vmul.f32 v6, v6;
	v7 =	vadd.f32 v8, v7  }
0x346: {  	v15 =	vmul.f32 v15, v15;
	v53 =	vld [tilespmem:s28+$0x20];
	v52 =	vadd.f32 v20, v19;
	v13 =	vsub.f32 v13, v4  }
0x347: {  	v54 =	vsub.f32 v49, v4;
	v5 =	vmul.f32 v5, v5;
	v6 =	vadd.f32 v6, v7  }
0x348: {  	v56 =	vld [tilespmem:s28+$0x30];
	v55 =	vsub.f32 v14, v3;
	v13 =	vmul.f32 v13, v13;
	v8 =	vadd.f32 v15, v52  }
0x349: {  	v3 =	vsub.f32 v51, v3;
	v4 =	vmul.f32 v54, v54;
	v5 =	vadd.f32 v5, v6  }
0x34a: {  	v57 =	vsub.f32 v11, v2;
	v8 =	vadd.f32 v13, v8;
	v7 =	vmul.f32 v55, v55  }
0x34b: {  	v2 =	vsub.f32 v53, v2;
	v3 =	vmul.f32 v3, v3;
	v4 =	vadd.f32 v4, v5  }
0x34c: {  	v58 =	vmul.f32 v10, v10;
	v7 =	vadd.f32 v7, v8;
	v6 =	vmul.f32 v57, v57  }
0x34d: {  	v1 =	vsub.f32 v56, v1;
	v2 =	vmul.f32 v2, v2;
	v3 =	vadd.f32 v3, v4  }
0x34e: {  	v59 =	vadd.f32 v58, v50;
	v61 =	vmul.f32 v12, v12;
	v60 =	vadd.f32 v6, v7  }
0x34f: {  	v1 =	vmul.f32 v1, v1;
	v2 =	vadd.f32 v2, v3  }
0x350: {  	(xrf2) =	vadd.scan.msk.f32 $0xffff, v59;
	v3 =	vadd.f32 v61, v60  }
0x351: {  	v1 =	vadd.f32 v1, v2  }
0x352: {  	(xrf2) =	vadd.scan.msk.f32 $0xffff, v3  }
0x353: {  	(xrf2) =	vadd.scan.msk.f32 $0xffff, v1;
	_ =	sdelay $0x4  }
0x354: {  	v3 =	vmov s26  }
0x355: {  	s22 =	sshll.u32 s22, $0x4;
	vm0 =	veq.s32 v3, v0;
	v3 =	vmov s24;
	v1, _, _ =	vpop (xrf2)  }
0x356: {  	v62 =	vld [tilespmem:s22+$0x1000];
	v2, _, _ =	vpop (xrf2);
	v1 =	vbroadcast v1, $0xF  }
0x357: {  	v2 =	vbroadcast v2, $0xF  }
0x358: {  	vm13 =	veq.s32 v3, v0;
	v1 =	vsel vm0, v1, v9;
	v3, _, _ =	vpop (xrf2)  }
0x359: {  	v1 =	vsel vm13, v2, v1;
	v2 =	vmov s23;
	v3 =	vbroadcast v3, $0xF;
	v63, _, _ =	vpop (xrf2)  }
0x35a: {  	vm14 =	veq.s32 v2, v0;
	v2 =	vmov s25;
	v5 =	vbroadcast v63, $0xF  }
0x35b: {  	vm15 =	veq.s32 v2, v0;
	v1 =	vsel vm14, v3, v1  }
0x35c: {  	v1 =	vsel vm15, v5, v1  }
0x35d: {  	s20 =	sadd.s32 $0x1, s20;
	[tilespmem:s22+$0xD800] =	vst v1  }
0x35e: {  	p0 =	sne.s32 s20, $0x8;
	v1 =	vld.idx.msk [tilespmem:v62+s1+$0x0], $0xffff  }
.Ltmp19:
0x35f: {  	_ = 	snop;
	(pc) =	sbr.rel @p0 .LBB2_38-.Ltmp19, $2  }
0x360: {  	_ =	sdelay $0x2  }
0x361: {  	s21 =	sadd.s32 $0x800, s21;
	[tilespmem:s22+$0xE000] =	vst v1  }
0x362: {  	s20 =	simm.s32 $0x1580  }
0x363: {  	[tilespmem:s16], [sflag:$0x2] =	stream.indirect.gather [hbm4b:s3+s13], $0x80, s20, s13, $0xb8;
	[tilespmem:$0xE800] =	vst v63  }
0x364: {  	_ =	swait.ge [sflag:s17], $0x4000  }
0x365: {  	[sflag:s17] =	ssyncset.done $0x0  }
0x366: {  	s21 =	simm.s32 $0x5840;
	s20 =	simm.s32 $0x0;
	[sflag:s17] =	ssyncadd.s32 $0xFFFFC000  }
.LBB2_42:
0x367: {  	v9 =	vld [tilespmem:s21+$0xFFFFFFC0]  }
0x368: {  	v10 =	vld [tilespmem:s21+$0xFFFFFFD0]  }
0x369: {  	s22 =	sor.u32 $0x50, s20;
	v11 =	vld [tilespmem:s21+$0xFFFFFFE0]  }
0x36a: {  	v12 =	vld [tilespmem:s21+$0xFFFFFFF0];
	s23 =	sshll.u32 s22, $0x7  }
0x36b: {  	v13 =	vld [tilespmem:s21+$0x0];
	s23 =	sand.u32 $0x3FFFFF80, s23  }
0x36c: {  	v7 =	vld [tilespmem:s23+$0x1800]  }
0x36d: {  	v8 =	vld [tilespmem:s23+$0x1810]  }
0x36e: {  	v14 =	vld [tilespmem:s21+$0x10]  }
0x36f: {  	s26 =	sadd.s32 $0x80, s21;
	v6 =	vld [tilespmem:s23+$0x1820]  }
0x370: {  	v15 =	vld [tilespmem:s26+$0xFFFFFFC0]  }
0x371: {  	v5 =	vld [tilespmem:s23+$0x1830]  }
0x372: {  	v16 =	vld [tilespmem:s26+$0xFFFFFFD0];
	v9 =	vsub.f32 v9, v7;
	v10 =	vsub.f32 v10, v8  }
0x373: {  	v4 =	vld [tilespmem:s23+$0x1840]  }
0x374: {  	v17 =	vld [tilespmem:s26+$0xFFFFFFE0];
	v11 =	vsub.f32 v11, v6;
	v9 =	vmul.f32 v9, v9;
	v10 =	vmul.f32 v10, v10  }
0x375: {  	v3 =	vld [tilespmem:s23+$0x1850]  }
0x376: {  	v2 =	vld [tilespmem:s23+$0x1860];
	v12 =	vsub.f32 v12, v5;
	v9 =	vadd.f32 v10, v9;
	v10 =	vmul.f32 v11, v11  }
0x377: {  	v11 =	vld [tilespmem:s21+$0x20]  }
0x378: {  	v1 =	vld [tilespmem:s23+$0x1870];
	v9 =	vadd.f32 v10, v9;
	v10 =	vmul.f32 v12, v12;
	v12 =	vsub.f32 v13, v4  }
0x379: {  	v13 =	vld [tilespmem:s21+$0x30]  }
0x37a: {  	v18 =	vld [tilespmem:s26+$0xFFFFFFF0];
	v14 =	vsub.f32 v14, v3;
	v9 =	vadd.f32 v10, v9;
	v10 =	vmul.f32 v12, v12  }
0x37b: {  	v19 =	vld [tilespmem:s26+$0x0];
	s24 =	sadd.s32 $0x80, s26;
	v16 =	vsub.f32 v16, v8;
	v12 =	vsub.f32 v15, v7  }
0x37c: {  	v20 =	vld [tilespmem:s24+$0xFFFFFFC0];
	v11 =	vsub.f32 v11, v2;
	v9 =	vadd.f32 v10, v9;
	v10 =	vmul.f32 v14, v14  }
0x37d: {  	v15 =	vld [tilespmem:s26+$0x30];
	v12 =	vmul.f32 v12, v12;
	v14 =	vmul.f32 v16, v16;
	v16 =	vsub.f32 v17, v6  }
0x37e: {  	v17 =	vld [tilespmem:s26+$0x10];
	v13 =	vsub.f32 v13, v1;
	v9 =	vadd.f32 v10, v9;
	v10 =	vmul.f32 v11, v11  }
0x37f: {  	v11 =	vsub.f32 v18, v5;
	v18 =	vld [tilespmem:s24+$0xFFFFFFD0];
	v12 =	vadd.f32 v14, v12;
	v14 =	vmul.f32 v16, v16  }
0x380: {  	v16 =	vld [tilespmem:s26+$0x20];
	v13 =	vmul.f32 v13, v13;
	v9 =	vadd.f32 v10, v9  }
0x381: {  	v21 =	vld [tilespmem:s24+$0xFFFFFFE0];
	v19 =	vsub.f32 v19, v4;
	v14 =	vadd.f32 v14, v12;
	v11 =	vmul.f32 v11, v11  }
0x382: {  	v10 =	vsub.f32 v15, v1;
	v15 =	vld [tilespmem:s24+$0xFFFFFFF0];
	v22 =	vadd.f32 v13, v9  }
0x383: {  	v12 =	vld [tilespmem:s24+$0x30];
	v17 =	vsub.f32 v17, v3;
	v9 =	vadd.f32 v11, v14;
	v14 =	vmul.f32 v19, v19  }
0x384: {  	v19 =	vsub.f32 v20, v7;
	v11 =	vld [tilespmem:s24+$0x20];
	v18 =	vsub.f32 v18, v8;
	(xrf2) =	vadd.scan.msk.f32 $0xffff, v22  }
0x385: {  	v13 =	vld [tilespmem:s24+$0x0];
	v20 =	vsub.f32 v16, v2;
	v17 =	vmul.f32 v17, v17;
	v16 =	vadd.f32 v14, v9  }
0x386: {  	s28 =	sadd.s32 $0x80, s24;
	v24 =	vsub.f32 v21, v6;
	v19 =	vmul.f32 v19, v19;
	v14 =	vld [tilespmem:s24+$0x10];
	v23 =	vmul.f32 v18, v18  }
0x387: {  	s25 =	simm.s32 $0x3;
	s29 =	simm.s32 $0x4;
	v9 =	vimm.f32 $0.0e+00;
	v21 =	vmul.f32 v20, v20;
	v18 =	vadd.f32 v17, v16;
	v16 =	vld [tilespmem:s28+$0xFFFFFFC0]  }
0x388: {  	s23 =	simm.s32 $0x2;
	s26 =	simm.s32 $0x0;
	s24 =	simm.s32 $0x1;
	v15 =	vsub.f32 v15, v5;
	v20 =	vmul.f32 v24, v24;
	v17 =	vld [tilespmem:s28+$0xFFFFFFD0];
	v19 =	vadd.f32 v23, v19  }
.LBB2_43:
0x389: {  	p0 =	sne.s32 s29, $0xF;
	v18 =	vadd.f32 v21, v18;
	v21 =	vmul.f32 v10, v10;
	v10 =	vsub.f32 v12, v1  }
0x38a: {  	v15 =	vmul.f32 v15, v15;
	v22 =	vld [tilespmem:s28+$0xFFFFFFE0];
	v19 =	vadd.f32 v20, v19;
	v13 =	vsub.f32 v13, v4  }
0x38b: {  	v20 =	vld [tilespmem:s28+$0xFFFFFFF0];
	v14 =	vsub.f32 v14, v3;
	v18 =	vadd.f32 v21, v18;
	v21 =	vmov s26;
	s26 =	smov.u32 s24;
	s24 =	smov.u32 s23;
	s23 =	smov.u32 s25  }
0x38c: {  	s25 =	smov.u32 s29;
	v16 =	vsub.f32 v16, v7;
	v12 =	vld [tilespmem:s28+$0x30];
	v25 =	vadd.f32 v15, v19;
	v19 =	vmul.f32 v13, v13  }
.Ltmp20:
0x38d: {  	v23 =	vsub.f32 v11, v2;
	vm0 =	veq.s32 v21, v0;
	v17 =	vsub.f32 v17, v8;
	v11 =	vld [tilespmem:s28+$0x20];
	(xrf2) =	vadd.scan.msk.f32 $0xffff, v18;
	(pc) =	sbr.rel @p0 .LBB2_43-.Ltmp20, $4  }
0x38e: {  	v24 =	vmul.f32 v16, v16;
	v13 =	vld [tilespmem:s28+$0x0];
	v18 =	vadd.f32 v19, v25;
	v19 =	vmul.f32 v14, v14;
	v15, _, _ =	vpop (xrf2)  }
0x38f: {  	v25 =	vmul.f32 v17, v17;
	v22 =	vsub.f32 v22, v6;
	v14 =	vld [tilespmem:s28+$0x10];
	s28 =	sadd.s32 $0x80, s28;
	v26 =	vbroadcast v15, $0xF  }
0x390: {  	v21 =	vmul.f32 v23, v23;
	v16 =	vld [tilespmem:s28+$0xFFFFFFC0];
	v15 =	vsub.f32 v20, v5;
	v18 =	vadd.f32 v19, v18  }
0x391: {  	s29 =	sadd.s32 $0x1, s29;
	v17 =	vld [tilespmem:s28+$0xFFFFFFD0];
	v19 =	vadd.f32 v25, v24;
	v20 =	vmul.f32 v22, v22;
	v9 =	vsel vm0, v26, v9  }
0x392: {  	_ = 	snop  }
0x393: {  	v22 =	vld [tilespmem:s28+$0xFFFFFFE0];
	_ =	sdelay $0x1  }
0x394: {  	v23 =	vld [tilespmem:s28+$0xFFFFFFF0]  }
0x395: {  	v7 =	vsub.f32 v16, v7;
	v8 =	vsub.f32 v17, v8  }
0x396: {  	v49 =	vld [tilespmem:s28+$0x0]  }
0x397: {  	v6 =	vsub.f32 v22, v6;
	v7 =	vmul.f32 v7, v7;
	v8 =	vmul.f32 v8, v8  }
0x398: {  	v12 =	vsub.f32 v12, v1;
	v50 =	vadd.f32 v21, v18;
	v51 =	vld [tilespmem:s28+$0x10]  }
0x399: {  	v5 =	vsub.f32 v23, v5;
	v6 =	vmul.f32 v6, v6;
	v7 =	vadd.f32 v8, v7  }
0x39a: {  	v15 =	vmul.f32 v15, v15;
	v53 =	vld [tilespmem:s28+$0x20];
	v52 =	vadd.f32 v20, v19;
	v13 =	vsub.f32 v13, v4  }
0x39b: {  	v54 =	vsub.f32 v49, v4;
	v5 =	vmul.f32 v5, v5;
	v6 =	vadd.f32 v6, v7  }
0x39c: {  	v56 =	vld [tilespmem:s28+$0x30];
	v55 =	vsub.f32 v14, v3;
	v13 =	vmul.f32 v13, v13;
	v8 =	vadd.f32 v15, v52  }
0x39d: {  	v3 =	vsub.f32 v51, v3;
	v4 =	vmul.f32 v54, v54;
	v5 =	vadd.f32 v5, v6  }
0x39e: {  	v57 =	vsub.f32 v11, v2;
	v8 =	vadd.f32 v13, v8;
	v7 =	vmul.f32 v55, v55  }
0x39f: {  	v2 =	vsub.f32 v53, v2;
	v3 =	vmul.f32 v3, v3;
	v4 =	vadd.f32 v4, v5  }
0x3a0: {  	v58 =	vmul.f32 v10, v10;
	v7 =	vadd.f32 v7, v8;
	v6 =	vmul.f32 v57, v57  }
0x3a1: {  	v1 =	vsub.f32 v56, v1;
	v2 =	vmul.f32 v2, v2;
	v3 =	vadd.f32 v3, v4  }
0x3a2: {  	v59 =	vadd.f32 v58, v50;
	v61 =	vmul.f32 v12, v12;
	v60 =	vadd.f32 v6, v7  }
0x3a3: {  	v1 =	vmul.f32 v1, v1;
	v2 =	vadd.f32 v2, v3  }
0x3a4: {  	(xrf2) =	vadd.scan.msk.f32 $0xffff, v59;
	v3 =	vadd.f32 v61, v60  }
0x3a5: {  	v1 =	vadd.f32 v1, v2  }
0x3a6: {  	(xrf2) =	vadd.scan.msk.f32 $0xffff, v3  }
0x3a7: {  	(xrf2) =	vadd.scan.msk.f32 $0xffff, v1;
	_ =	sdelay $0x4  }
0x3a8: {  	v3 =	vmov s26  }
0x3a9: {  	s22 =	sshll.u32 s22, $0x4;
	vm0 =	veq.s32 v3, v0;
	v3 =	vmov s24;
	v1, _, _ =	vpop (xrf2)  }
0x3aa: {  	v62 =	vld [tilespmem:s22+$0x1000];
	v2, _, _ =	vpop (xrf2);
	v1 =	vbroadcast v1, $0xF  }
0x3ab: {  	v2 =	vbroadcast v2, $0xF  }
0x3ac: {  	vm13 =	veq.s32 v3, v0;
	v1 =	vsel vm0, v1, v9;
	v3, _, _ =	vpop (xrf2)  }
0x3ad: {  	v1 =	vsel vm13, v2, v1;
	v2 =	vmov s23;
	v3 =	vbroadcast v3, $0xF;
	v63, _, _ =	vpop (xrf2)  }
0x3ae: {  	vm14 =	veq.s32 v2, v0;
	v2 =	vmov s25;
	v5 =	vbroadcast v63, $0xF  }
0x3af: {  	vm15 =	veq.s32 v2, v0;
	v1 =	vsel vm14, v3, v1  }
0x3b0: {  	v1 =	vsel vm15, v5, v1  }
0x3b1: {  	s20 =	sadd.s32 $0x1, s20;
	[tilespmem:s22+$0xD800] =	vst v1  }
0x3b2: {  	p0 =	sne.s32 s20, $0x8;
	v1 =	vld.idx.msk [tilespmem:v62+s1+$0x0], $0xffff  }
.Ltmp21:
0x3b3: {  	_ = 	snop;
	(pc) =	sbr.rel @p0 .LBB2_42-.Ltmp21, $2  }
0x3b4: {  	_ =	sdelay $0x2  }
0x3b5: {  	s21 =	sadd.s32 $0x800, s21;
	[tilespmem:s22+$0xE000] =	vst v1  }
0x3b6: {  	[tilespmem:s14], [sflag:$0x1] =	stream.indirect.gather [hbm4b:s3+s13], $0x80, s30, s13, $0xb8;
	[tilespmem:$0xE800] =	vst v63  }
0x3b7: {  	_ =	swait.ge [sflag:s19], $0x4000  }
0x3b8: {  	[sflag:s19] =	ssyncset.done $0x0  }
0x3b9: {  	s20 =	simm.s32 $0x0;
	s21 =	simm.s32 $0x9840;
	[sflag:s19] =	ssyncadd.s32 $0xFFFFC000  }
.LBB2_46:
0x3ba: {  	v9 =	vld [tilespmem:s21+$0xFFFFFFC0]  }
0x3bb: {  	v10 =	vld [tilespmem:s21+$0xFFFFFFD0]  }
0x3bc: {  	s22 =	sor.u32 $0x58, s20;
	v11 =	vld [tilespmem:s21+$0xFFFFFFE0]  }
0x3bd: {  	v12 =	vld [tilespmem:s21+$0xFFFFFFF0];
	s23 =	sshll.u32 s22, $0x7  }
0x3be: {  	v13 =	vld [tilespmem:s21+$0x0];
	s23 =	sand.u32 $0x3FFFFF80, s23  }
0x3bf: {  	v7 =	vld [tilespmem:s23+$0x1800]  }
0x3c0: {  	v8 =	vld [tilespmem:s23+$0x1810]  }
0x3c1: {  	v14 =	vld [tilespmem:s21+$0x10]  }
0x3c2: {  	s26 =	sadd.s32 $0x80, s21;
	v6 =	vld [tilespmem:s23+$0x1820]  }
0x3c3: {  	v15 =	vld [tilespmem:s26+$0xFFFFFFC0]  }
0x3c4: {  	v5 =	vld [tilespmem:s23+$0x1830]  }
0x3c5: {  	v16 =	vld [tilespmem:s26+$0xFFFFFFD0];
	v9 =	vsub.f32 v9, v7;
	v10 =	vsub.f32 v10, v8  }
0x3c6: {  	v4 =	vld [tilespmem:s23+$0x1840]  }
0x3c7: {  	v17 =	vld [tilespmem:s26+$0xFFFFFFE0];
	v11 =	vsub.f32 v11, v6;
	v9 =	vmul.f32 v9, v9;
	v10 =	vmul.f32 v10, v10  }
0x3c8: {  	v3 =	vld [tilespmem:s23+$0x1850]  }
0x3c9: {  	v2 =	vld [tilespmem:s23+$0x1860];
	v12 =	vsub.f32 v12, v5;
	v9 =	vadd.f32 v10, v9;
	v10 =	vmul.f32 v11, v11  }
0x3ca: {  	v11 =	vld [tilespmem:s21+$0x20]  }
0x3cb: {  	v1 =	vld [tilespmem:s23+$0x1870];
	v9 =	vadd.f32 v10, v9;
	v10 =	vmul.f32 v12, v12;
	v12 =	vsub.f32 v13, v4  }
0x3cc: {  	v13 =	vld [tilespmem:s21+$0x30]  }
0x3cd: {  	v18 =	vld [tilespmem:s26+$0xFFFFFFF0];
	v14 =	vsub.f32 v14, v3;
	v9 =	vadd.f32 v10, v9;
	v10 =	vmul.f32 v12, v12  }
0x3ce: {  	v19 =	vld [tilespmem:s26+$0x0];
	s24 =	sadd.s32 $0x80, s26;
	v16 =	vsub.f32 v16, v8;
	v12 =	vsub.f32 v15, v7  }
0x3cf: {  	v20 =	vld [tilespmem:s24+$0xFFFFFFC0];
	v11 =	vsub.f32 v11, v2;
	v9 =	vadd.f32 v10, v9;
	v10 =	vmul.f32 v14, v14  }
0x3d0: {  	v15 =	vld [tilespmem:s26+$0x30];
	v12 =	vmul.f32 v12, v12;
	v14 =	vmul.f32 v16, v16;
	v16 =	vsub.f32 v17, v6  }
0x3d1: {  	v17 =	vld [tilespmem:s26+$0x10];
	v13 =	vsub.f32 v13, v1;
	v9 =	vadd.f32 v10, v9;
	v10 =	vmul.f32 v11, v11  }
0x3d2: {  	v11 =	vsub.f32 v18, v5;
	v18 =	vld [tilespmem:s24+$0xFFFFFFD0];
	v12 =	vadd.f32 v14, v12;
	v14 =	vmul.f32 v16, v16  }
0x3d3: {  	v16 =	vld [tilespmem:s26+$0x20];
	v13 =	vmul.f32 v13, v13;
	v9 =	vadd.f32 v10, v9  }
0x3d4: {  	v21 =	vld [tilespmem:s24+$0xFFFFFFE0];
	v19 =	vsub.f32 v19, v4;
	v14 =	vadd.f32 v14, v12;
	v11 =	vmul.f32 v11, v11  }
0x3d5: {  	v10 =	vsub.f32 v15, v1;
	v15 =	vld [tilespmem:s24+$0xFFFFFFF0];
	v22 =	vadd.f32 v13, v9  }
0x3d6: {  	v12 =	vld [tilespmem:s24+$0x30];
	v17 =	vsub.f32 v17, v3;
	v9 =	vadd.f32 v11, v14;
	v14 =	vmul.f32 v19, v19  }
0x3d7: {  	v19 =	vsub.f32 v20, v7;
	v11 =	vld [tilespmem:s24+$0x20];
	v18 =	vsub.f32 v18, v8;
	(xrf2) =	vadd.scan.msk.f32 $0xffff, v22  }
0x3d8: {  	v13 =	vld [tilespmem:s24+$0x0];
	v20 =	vsub.f32 v16, v2;
	v17 =	vmul.f32 v17, v17;
	v16 =	vadd.f32 v14, v9  }
0x3d9: {  	s28 =	sadd.s32 $0x80, s24;
	v24 =	vsub.f32 v21, v6;
	v19 =	vmul.f32 v19, v19;
	v14 =	vld [tilespmem:s24+$0x10];
	v23 =	vmul.f32 v18, v18  }
0x3da: {  	s25 =	simm.s32 $0x3;
	s29 =	simm.s32 $0x4;
	v9 =	vimm.f32 $0.0e+00;
	v21 =	vmul.f32 v20, v20;
	v18 =	vadd.f32 v17, v16;
	v16 =	vld [tilespmem:s28+$0xFFFFFFC0]  }
0x3db: {  	s23 =	simm.s32 $0x2;
	s26 =	simm.s32 $0x0;
	s24 =	simm.s32 $0x1;
	v15 =	vsub.f32 v15, v5;
	v20 =	vmul.f32 v24, v24;
	v17 =	vld [tilespmem:s28+$0xFFFFFFD0];
	v19 =	vadd.f32 v23, v19  }
.LBB2_47:
0x3dc: {  	p0 =	sne.s32 s29, $0xF;
	v18 =	vadd.f32 v21, v18;
	v21 =	vmul.f32 v10, v10;
	v10 =	vsub.f32 v12, v1  }
0x3dd: {  	v15 =	vmul.f32 v15, v15;
	v22 =	vld [tilespmem:s28+$0xFFFFFFE0];
	v19 =	vadd.f32 v20, v19;
	v13 =	vsub.f32 v13, v4  }
0x3de: {  	v20 =	vld [tilespmem:s28+$0xFFFFFFF0];
	v14 =	vsub.f32 v14, v3;
	v18 =	vadd.f32 v21, v18;
	v21 =	vmov s26;
	s26 =	smov.u32 s24;
	s24 =	smov.u32 s23;
	s23 =	smov.u32 s25  }
0x3df: {  	s25 =	smov.u32 s29;
	v16 =	vsub.f32 v16, v7;
	v12 =	vld [tilespmem:s28+$0x30];
	v25 =	vadd.f32 v15, v19;
	v19 =	vmul.f32 v13, v13  }
.Ltmp22:
0x3e0: {  	v23 =	vsub.f32 v11, v2;
	vm0 =	veq.s32 v21, v0;
	v17 =	vsub.f32 v17, v8;
	v11 =	vld [tilespmem:s28+$0x20];
	(xrf2) =	vadd.scan.msk.f32 $0xffff, v18;
	(pc) =	sbr.rel @p0 .LBB2_47-.Ltmp22, $4  }
0x3e1: {  	v24 =	vmul.f32 v16, v16;
	v13 =	vld [tilespmem:s28+$0x0];
	v18 =	vadd.f32 v19, v25;
	v19 =	vmul.f32 v14, v14;
	v15, _, _ =	vpop (xrf2)  }
0x3e2: {  	v25 =	vmul.f32 v17, v17;
	v22 =	vsub.f32 v22, v6;
	v14 =	vld [tilespmem:s28+$0x10];
	s28 =	sadd.s32 $0x80, s28;
	v26 =	vbroadcast v15, $0xF  }
0x3e3: {  	v21 =	vmul.f32 v23, v23;
	v16 =	vld [tilespmem:s28+$0xFFFFFFC0];
	v15 =	vsub.f32 v20, v5;
	v18 =	vadd.f32 v19, v18  }
0x3e4: {  	s29 =	sadd.s32 $0x1, s29;
	v17 =	vld [tilespmem:s28+$0xFFFFFFD0];
	v19 =	vadd.f32 v25, v24;
	v20 =	vmul.f32 v22, v22;
	v9 =	vsel vm0, v26, v9  }
0x3e5: {  	_ = 	snop  }
0x3e6: {  	v22 =	vld [tilespmem:s28+$0xFFFFFFE0];
	_ =	sdelay $0x1  }
0x3e7: {  	v23 =	vld [tilespmem:s28+$0xFFFFFFF0]  }
0x3e8: {  	v7 =	vsub.f32 v16, v7;
	v8 =	vsub.f32 v17, v8  }
0x3e9: {  	v49 =	vld [tilespmem:s28+$0x0]  }
0x3ea: {  	v6 =	vsub.f32 v22, v6;
	v7 =	vmul.f32 v7, v7;
	v8 =	vmul.f32 v8, v8  }
0x3eb: {  	v12 =	vsub.f32 v12, v1;
	v50 =	vadd.f32 v21, v18;
	v51 =	vld [tilespmem:s28+$0x10]  }
0x3ec: {  	v5 =	vsub.f32 v23, v5;
	v6 =	vmul.f32 v6, v6;
	v7 =	vadd.f32 v8, v7  }
0x3ed: {  	v15 =	vmul.f32 v15, v15;
	v53 =	vld [tilespmem:s28+$0x20];
	v52 =	vadd.f32 v20, v19;
	v13 =	vsub.f32 v13, v4  }
0x3ee: {  	v54 =	vsub.f32 v49, v4;
	v5 =	vmul.f32 v5, v5;
	v6 =	vadd.f32 v6, v7  }
0x3ef: {  	v56 =	vld [tilespmem:s28+$0x30];
	v55 =	vsub.f32 v14, v3;
	v13 =	vmul.f32 v13, v13;
	v8 =	vadd.f32 v15, v52  }
0x3f0: {  	v3 =	vsub.f32 v51, v3;
	v4 =	vmul.f32 v54, v54;
	v5 =	vadd.f32 v5, v6  }
0x3f1: {  	v57 =	vsub.f32 v11, v2;
	v8 =	vadd.f32 v13, v8;
	v7 =	vmul.f32 v55, v55  }
0x3f2: {  	v2 =	vsub.f32 v53, v2;
	v3 =	vmul.f32 v3, v3;
	v4 =	vadd.f32 v4, v5  }
0x3f3: {  	v58 =	vmul.f32 v10, v10;
	v7 =	vadd.f32 v7, v8;
	v6 =	vmul.f32 v57, v57  }
0x3f4: {  	v1 =	vsub.f32 v56, v1;
	v2 =	vmul.f32 v2, v2;
	v3 =	vadd.f32 v3, v4  }
0x3f5: {  	v59 =	vadd.f32 v58, v50;
	v61 =	vmul.f32 v12, v12;
	v60 =	vadd.f32 v6, v7  }
0x3f6: {  	v1 =	vmul.f32 v1, v1;
	v2 =	vadd.f32 v2, v3  }
0x3f7: {  	(xrf2) =	vadd.scan.msk.f32 $0xffff, v59;
	v3 =	vadd.f32 v61, v60  }
0x3f8: {  	v1 =	vadd.f32 v1, v2  }
0x3f9: {  	(xrf2) =	vadd.scan.msk.f32 $0xffff, v3  }
0x3fa: {  	(xrf2) =	vadd.scan.msk.f32 $0xffff, v1;
	_ =	sdelay $0x4  }
0x3fb: {  	v3 =	vmov s26  }
0x3fc: {  	s22 =	sshll.u32 s22, $0x4;
	vm0 =	veq.s32 v3, v0;
	v3 =	vmov s24;
	v1, _, _ =	vpop (xrf2)  }
0x3fd: {  	v62 =	vld [tilespmem:s22+$0x1000];
	v2, _, _ =	vpop (xrf2);
	v1 =	vbroadcast v1, $0xF  }
0x3fe: {  	v2 =	vbroadcast v2, $0xF  }
0x3ff: {  	vm13 =	veq.s32 v3, v0;
	v1 =	vsel vm0, v1, v9;
	v3, _, _ =	vpop (xrf2)  }
0x400: {  	v1 =	vsel vm13, v2, v1;
	v2 =	vmov s23;
	v3 =	vbroadcast v3, $0xF;
	v63, _, _ =	vpop (xrf2)  }
0x401: {  	vm14 =	veq.s32 v2, v0;
	v2 =	vmov s25;
	v5 =	vbroadcast v63, $0xF  }
0x402: {  	vm15 =	veq.s32 v2, v0;
	v1 =	vsel vm14, v3, v1  }
0x403: {  	v1 =	vsel vm15, v5, v1  }
0x404: {  	s20 =	sadd.s32 $0x1, s20;
	[tilespmem:s22+$0xD800] =	vst v1  }
0x405: {  	p0 =	sne.s32 s20, $0x8;
	v1 =	vld.idx.msk [tilespmem:v62+s1+$0x0], $0xffff  }
.Ltmp23:
0x406: {  	_ = 	snop;
	(pc) =	sbr.rel @p0 .LBB2_46-.Ltmp23, $2  }
0x407: {  	_ =	sdelay $0x2  }
0x408: {  	s21 =	sadd.s32 $0x800, s21;
	[tilespmem:s22+$0xE000] =	vst v1  }
0x409: {  	[tilespmem:s16], [sflag:$0x2] =	stream.indirect.gather [hbm4b:s3+s13], $0x80, s31, s13, $0xb8;
	[tilespmem:$0xE800] =	vst v63  }
0x40a: {  	_ =	swait.ge [sflag:s17], $0x4000  }
0x40b: {  	[sflag:s17] =	ssyncset.done $0x0  }
0x40c: {  	s20 =	simm.s32 $0x0;
	s21 =	simm.s32 $0x5840;
	[sflag:s17] =	ssyncadd.s32 $0xFFFFC000  }
.LBB2_50:
0x40d: {  	v9 =	vld [tilespmem:s21+$0xFFFFFFC0]  }
0x40e: {  	v10 =	vld [tilespmem:s21+$0xFFFFFFD0]  }
0x40f: {  	s22 =	sor.u32 $0x60, s20;
	v11 =	vld [tilespmem:s21+$0xFFFFFFE0]  }
0x410: {  	v12 =	vld [tilespmem:s21+$0xFFFFFFF0];
	s23 =	sshll.u32 s22, $0x7  }
0x411: {  	v13 =	vld [tilespmem:s21+$0x0];
	s23 =	sand.u32 $0x3FFFFF80, s23  }
0x412: {  	v7 =	vld [tilespmem:s23+$0x1800]  }
0x413: {  	v8 =	vld [tilespmem:s23+$0x1810]  }
0x414: {  	v14 =	vld [tilespmem:s21+$0x10]  }
0x415: {  	s26 =	sadd.s32 $0x80, s21;
	v6 =	vld [tilespmem:s23+$0x1820]  }
0x416: {  	v15 =	vld [tilespmem:s26+$0xFFFFFFC0]  }
0x417: {  	v5 =	vld [tilespmem:s23+$0x1830]  }
0x418: {  	v16 =	vld [tilespmem:s26+$0xFFFFFFD0];
	v9 =	vsub.f32 v9, v7;
	v10 =	vsub.f32 v10, v8  }
0x419: {  	v4 =	vld [tilespmem:s23+$0x1840]  }
0x41a: {  	v17 =	vld [tilespmem:s26+$0xFFFFFFE0];
	v11 =	vsub.f32 v11, v6;
	v9 =	vmul.f32 v9, v9;
	v10 =	vmul.f32 v10, v10  }
0x41b: {  	v3 =	vld [tilespmem:s23+$0x1850]  }
0x41c: {  	v2 =	vld [tilespmem:s23+$0x1860];
	v12 =	vsub.f32 v12, v5;
	v9 =	vadd.f32 v10, v9;
	v10 =	vmul.f32 v11, v11  }
0x41d: {  	v11 =	vld [tilespmem:s21+$0x20]  }
0x41e: {  	v1 =	vld [tilespmem:s23+$0x1870];
	v9 =	vadd.f32 v10, v9;
	v10 =	vmul.f32 v12, v12;
	v12 =	vsub.f32 v13, v4  }
0x41f: {  	v13 =	vld [tilespmem:s21+$0x30]  }
0x420: {  	v18 =	vld [tilespmem:s26+$0xFFFFFFF0];
	v14 =	vsub.f32 v14, v3;
	v9 =	vadd.f32 v10, v9;
	v10 =	vmul.f32 v12, v12  }
0x421: {  	v19 =	vld [tilespmem:s26+$0x0];
	s24 =	sadd.s32 $0x80, s26;
	v16 =	vsub.f32 v16, v8;
	v12 =	vsub.f32 v15, v7  }
0x422: {  	v20 =	vld [tilespmem:s24+$0xFFFFFFC0];
	v11 =	vsub.f32 v11, v2;
	v9 =	vadd.f32 v10, v9;
	v10 =	vmul.f32 v14, v14  }
0x423: {  	v15 =	vld [tilespmem:s26+$0x30];
	v12 =	vmul.f32 v12, v12;
	v14 =	vmul.f32 v16, v16;
	v16 =	vsub.f32 v17, v6  }
0x424: {  	v17 =	vld [tilespmem:s26+$0x10];
	v13 =	vsub.f32 v13, v1;
	v9 =	vadd.f32 v10, v9;
	v10 =	vmul.f32 v11, v11  }
0x425: {  	v11 =	vsub.f32 v18, v5;
	v18 =	vld [tilespmem:s24+$0xFFFFFFD0];
	v12 =	vadd.f32 v14, v12;
	v14 =	vmul.f32 v16, v16  }
0x426: {  	v16 =	vld [tilespmem:s26+$0x20];
	v13 =	vmul.f32 v13, v13;
	v9 =	vadd.f32 v10, v9  }
0x427: {  	v21 =	vld [tilespmem:s24+$0xFFFFFFE0];
	v19 =	vsub.f32 v19, v4;
	v14 =	vadd.f32 v14, v12;
	v11 =	vmul.f32 v11, v11  }
0x428: {  	v10 =	vsub.f32 v15, v1;
	v15 =	vld [tilespmem:s24+$0xFFFFFFF0];
	v22 =	vadd.f32 v13, v9  }
0x429: {  	v12 =	vld [tilespmem:s24+$0x30];
	v17 =	vsub.f32 v17, v3;
	v9 =	vadd.f32 v11, v14;
	v14 =	vmul.f32 v19, v19  }
0x42a: {  	v19 =	vsub.f32 v20, v7;
	v11 =	vld [tilespmem:s24+$0x20];
	v18 =	vsub.f32 v18, v8;
	(xrf2) =	vadd.scan.msk.f32 $0xffff, v22  }
0x42b: {  	v13 =	vld [tilespmem:s24+$0x0];
	v20 =	vsub.f32 v16, v2;
	v17 =	vmul.f32 v17, v17;
	v16 =	vadd.f32 v14, v9  }
0x42c: {  	s28 =	sadd.s32 $0x80, s24;
	v24 =	vsub.f32 v21, v6;
	v19 =	vmul.f32 v19, v19;
	v14 =	vld [tilespmem:s24+$0x10];
	v23 =	vmul.f32 v18, v18  }
0x42d: {  	s25 =	simm.s32 $0x3;
	s29 =	simm.s32 $0x4;
	v9 =	vimm.f32 $0.0e+00;
	v21 =	vmul.f32 v20, v20;
	v18 =	vadd.f32 v17, v16;
	v16 =	vld [tilespmem:s28+$0xFFFFFFC0]  }
0x42e: {  	s23 =	simm.s32 $0x2;
	s26 =	simm.s32 $0x0;
	s24 =	simm.s32 $0x1;
	v15 =	vsub.f32 v15, v5;
	v20 =	vmul.f32 v24, v24;
	v17 =	vld [tilespmem:s28+$0xFFFFFFD0];
	v19 =	vadd.f32 v23, v19  }
.LBB2_51:
0x42f: {  	p0 =	sne.s32 s29, $0xF;
	v18 =	vadd.f32 v21, v18;
	v21 =	vmul.f32 v10, v10;
	v10 =	vsub.f32 v12, v1  }
0x430: {  	v15 =	vmul.f32 v15, v15;
	v22 =	vld [tilespmem:s28+$0xFFFFFFE0];
	v19 =	vadd.f32 v20, v19;
	v13 =	vsub.f32 v13, v4  }
0x431: {  	v20 =	vld [tilespmem:s28+$0xFFFFFFF0];
	v14 =	vsub.f32 v14, v3;
	v18 =	vadd.f32 v21, v18;
	v21 =	vmov s26;
	s26 =	smov.u32 s24;
	s24 =	smov.u32 s23;
	s23 =	smov.u32 s25  }
0x432: {  	s25 =	smov.u32 s29;
	v16 =	vsub.f32 v16, v7;
	v12 =	vld [tilespmem:s28+$0x30];
	v25 =	vadd.f32 v15, v19;
	v19 =	vmul.f32 v13, v13  }
.Ltmp24:
0x433: {  	v23 =	vsub.f32 v11, v2;
	vm0 =	veq.s32 v21, v0;
	v17 =	vsub.f32 v17, v8;
	v11 =	vld [tilespmem:s28+$0x20];
	(xrf2) =	vadd.scan.msk.f32 $0xffff, v18;
	(pc) =	sbr.rel @p0 .LBB2_51-.Ltmp24, $4  }
0x434: {  	v24 =	vmul.f32 v16, v16;
	v13 =	vld [tilespmem:s28+$0x0];
	v18 =	vadd.f32 v19, v25;
	v19 =	vmul.f32 v14, v14;
	v15, _, _ =	vpop (xrf2)  }
0x435: {  	v25 =	vmul.f32 v17, v17;
	v22 =	vsub.f32 v22, v6;
	v14 =	vld [tilespmem:s28+$0x10];
	s28 =	sadd.s32 $0x80, s28;
	v26 =	vbroadcast v15, $0xF  }
0x436: {  	v21 =	vmul.f32 v23, v23;
	v16 =	vld [tilespmem:s28+$0xFFFFFFC0];
	v15 =	vsub.f32 v20, v5;
	v18 =	vadd.f32 v19, v18  }
0x437: {  	s29 =	sadd.s32 $0x1, s29;
	v17 =	vld [tilespmem:s28+$0xFFFFFFD0];
	v19 =	vadd.f32 v25, v24;
	v20 =	vmul.f32 v22, v22;
	v9 =	vsel vm0, v26, v9  }
0x438: {  	_ = 	snop  }
0x439: {  	v22 =	vld [tilespmem:s28+$0xFFFFFFE0];
	_ =	sdelay $0x1  }
0x43a: {  	v23 =	vld [tilespmem:s28+$0xFFFFFFF0]  }
0x43b: {  	v7 =	vsub.f32 v16, v7;
	v8 =	vsub.f32 v17, v8  }
0x43c: {  	v49 =	vld [tilespmem:s28+$0x0]  }
0x43d: {  	v6 =	vsub.f32 v22, v6;
	v7 =	vmul.f32 v7, v7;
	v8 =	vmul.f32 v8, v8  }
0x43e: {  	v12 =	vsub.f32 v12, v1;
	v50 =	vadd.f32 v21, v18;
	v51 =	vld [tilespmem:s28+$0x10]  }
0x43f: {  	v5 =	vsub.f32 v23, v5;
	v6 =	vmul.f32 v6, v6;
	v7 =	vadd.f32 v8, v7  }
0x440: {  	v15 =	vmul.f32 v15, v15;
	v53 =	vld [tilespmem:s28+$0x20];
	v52 =	vadd.f32 v20, v19;
	v13 =	vsub.f32 v13, v4  }
0x441: {  	v54 =	vsub.f32 v49, v4;
	v5 =	vmul.f32 v5, v5;
	v6 =	vadd.f32 v6, v7  }
0x442: {  	v56 =	vld [tilespmem:s28+$0x30];
	v55 =	vsub.f32 v14, v3;
	v13 =	vmul.f32 v13, v13;
	v8 =	vadd.f32 v15, v52  }
0x443: {  	v3 =	vsub.f32 v51, v3;
	v4 =	vmul.f32 v54, v54;
	v5 =	vadd.f32 v5, v6  }
0x444: {  	v57 =	vsub.f32 v11, v2;
	v8 =	vadd.f32 v13, v8;
	v7 =	vmul.f32 v55, v55  }
0x445: {  	v2 =	vsub.f32 v53, v2;
	v3 =	vmul.f32 v3, v3;
	v4 =	vadd.f32 v4, v5  }
0x446: {  	v58 =	vmul.f32 v10, v10;
	v7 =	vadd.f32 v7, v8;
	v6 =	vmul.f32 v57, v57  }
0x447: {  	v1 =	vsub.f32 v56, v1;
	v2 =	vmul.f32 v2, v2;
	v3 =	vadd.f32 v3, v4  }
0x448: {  	v59 =	vadd.f32 v58, v50;
	v61 =	vmul.f32 v12, v12;
	v60 =	vadd.f32 v6, v7  }
0x449: {  	v1 =	vmul.f32 v1, v1;
	v2 =	vadd.f32 v2, v3  }
0x44a: {  	(xrf2) =	vadd.scan.msk.f32 $0xffff, v59;
	v3 =	vadd.f32 v61, v60  }
0x44b: {  	v1 =	vadd.f32 v1, v2  }
0x44c: {  	(xrf2) =	vadd.scan.msk.f32 $0xffff, v3  }
0x44d: {  	(xrf2) =	vadd.scan.msk.f32 $0xffff, v1;
	_ =	sdelay $0x4  }
0x44e: {  	v3 =	vmov s26  }
0x44f: {  	s22 =	sshll.u32 s22, $0x4;
	vm0 =	veq.s32 v3, v0;
	v3 =	vmov s24;
	v1, _, _ =	vpop (xrf2)  }
0x450: {  	v62 =	vld [tilespmem:s22+$0x1000];
	v2, _, _ =	vpop (xrf2);
	v1 =	vbroadcast v1, $0xF  }
0x451: {  	v2 =	vbroadcast v2, $0xF  }
0x452: {  	vm13 =	veq.s32 v3, v0;
	v1 =	vsel vm0, v1, v9;
	v3, _, _ =	vpop (xrf2)  }
0x453: {  	v1 =	vsel vm13, v2, v1;
	v2 =	vmov s23;
	v3 =	vbroadcast v3, $0xF;
	v63, _, _ =	vpop (xrf2)  }
0x454: {  	vm14 =	veq.s32 v2, v0;
	v2 =	vmov s25;
	v5 =	vbroadcast v63, $0xF  }
0x455: {  	vm15 =	veq.s32 v2, v0;
	v1 =	vsel vm14, v3, v1  }
0x456: {  	v1 =	vsel vm15, v5, v1  }
0x457: {  	s20 =	sadd.s32 $0x1, s20;
	[tilespmem:s22+$0xD800] =	vst v1  }
0x458: {  	p0 =	sne.s32 s20, $0x8;
	v1 =	vld.idx.msk [tilespmem:v62+s1+$0x0], $0xffff  }
.Ltmp25:
0x459: {  	_ = 	snop;
	(pc) =	sbr.rel @p0 .LBB2_50-.Ltmp25, $2  }
0x45a: {  	_ =	sdelay $0x2  }
0x45b: {  	s21 =	sadd.s32 $0x800, s21;
	[tilespmem:s22+$0xE000] =	vst v1  }
0x45c: {  	[tilespmem:s14], [sflag:$0x1] =	stream.indirect.gather [hbm4b:s3+s13], $0x80, s0, s13, $0xb8;
	[tilespmem:$0xE800] =	vst v63  }
0x45d: {  	_ =	swait.ge [sflag:s19], $0x4000  }
0x45e: {  	[sflag:s19] =	ssyncset.done $0x0  }
0x45f: {  	s20 =	simm.s32 $0x0;
	s21 =	simm.s32 $0x9840;
	[sflag:s19] =	ssyncadd.s32 $0xFFFFC000  }
.LBB2_54:
0x460: {  	v9 =	vld [tilespmem:s21+$0xFFFFFFC0]  }
0x461: {  	v10 =	vld [tilespmem:s21+$0xFFFFFFD0]  }
0x462: {  	s22 =	sor.u32 $0x68, s20;
	v11 =	vld [tilespmem:s21+$0xFFFFFFE0]  }
0x463: {  	v12 =	vld [tilespmem:s21+$0xFFFFFFF0];
	s23 =	sshll.u32 s22, $0x7  }
0x464: {  	v13 =	vld [tilespmem:s21+$0x0];
	s23 =	sand.u32 $0x3FFFFF80, s23  }
0x465: {  	v7 =	vld [tilespmem:s23+$0x1800]  }
0x466: {  	v8 =	vld [tilespmem:s23+$0x1810]  }
0x467: {  	v14 =	vld [tilespmem:s21+$0x10]  }
0x468: {  	s26 =	sadd.s32 $0x80, s21;
	v6 =	vld [tilespmem:s23+$0x1820]  }
0x469: {  	v15 =	vld [tilespmem:s26+$0xFFFFFFC0]  }
0x46a: {  	v5 =	vld [tilespmem:s23+$0x1830]  }
0x46b: {  	v16 =	vld [tilespmem:s26+$0xFFFFFFD0];
	v9 =	vsub.f32 v9, v7;
	v10 =	vsub.f32 v10, v8  }
0x46c: {  	v4 =	vld [tilespmem:s23+$0x1840]  }
0x46d: {  	v17 =	vld [tilespmem:s26+$0xFFFFFFE0];
	v11 =	vsub.f32 v11, v6;
	v9 =	vmul.f32 v9, v9;
	v10 =	vmul.f32 v10, v10  }
0x46e: {  	v3 =	vld [tilespmem:s23+$0x1850]  }
0x46f: {  	v2 =	vld [tilespmem:s23+$0x1860];
	v12 =	vsub.f32 v12, v5;
	v9 =	vadd.f32 v10, v9;
	v10 =	vmul.f32 v11, v11  }
0x470: {  	v11 =	vld [tilespmem:s21+$0x20]  }
0x471: {  	v1 =	vld [tilespmem:s23+$0x1870];
	v9 =	vadd.f32 v10, v9;
	v10 =	vmul.f32 v12, v12;
	v12 =	vsub.f32 v13, v4  }
0x472: {  	v13 =	vld [tilespmem:s21+$0x30]  }
0x473: {  	v18 =	vld [tilespmem:s26+$0xFFFFFFF0];
	v14 =	vsub.f32 v14, v3;
	v9 =	vadd.f32 v10, v9;
	v10 =	vmul.f32 v12, v12  }
0x474: {  	v19 =	vld [tilespmem:s26+$0x0];
	s24 =	sadd.s32 $0x80, s26;
	v16 =	vsub.f32 v16, v8;
	v12 =	vsub.f32 v15, v7  }
0x475: {  	v20 =	vld [tilespmem:s24+$0xFFFFFFC0];
	v11 =	vsub.f32 v11, v2;
	v9 =	vadd.f32 v10, v9;
	v10 =	vmul.f32 v14, v14  }
0x476: {  	v15 =	vld [tilespmem:s26+$0x30];
	v12 =	vmul.f32 v12, v12;
	v14 =	vmul.f32 v16, v16;
	v16 =	vsub.f32 v17, v6  }
0x477: {  	v17 =	vld [tilespmem:s26+$0x10];
	v13 =	vsub.f32 v13, v1;
	v9 =	vadd.f32 v10, v9;
	v10 =	vmul.f32 v11, v11  }
0x478: {  	v11 =	vsub.f32 v18, v5;
	v18 =	vld [tilespmem:s24+$0xFFFFFFD0];
	v12 =	vadd.f32 v14, v12;
	v14 =	vmul.f32 v16, v16  }
0x479: {  	v16 =	vld [tilespmem:s26+$0x20];
	v13 =	vmul.f32 v13, v13;
	v9 =	vadd.f32 v10, v9  }
0x47a: {  	v21 =	vld [tilespmem:s24+$0xFFFFFFE0];
	v19 =	vsub.f32 v19, v4;
	v14 =	vadd.f32 v14, v12;
	v11 =	vmul.f32 v11, v11  }
0x47b: {  	v10 =	vsub.f32 v15, v1;
	v15 =	vld [tilespmem:s24+$0xFFFFFFF0];
	v22 =	vadd.f32 v13, v9  }
0x47c: {  	v12 =	vld [tilespmem:s24+$0x30];
	v17 =	vsub.f32 v17, v3;
	v9 =	vadd.f32 v11, v14;
	v14 =	vmul.f32 v19, v19  }
0x47d: {  	v19 =	vsub.f32 v20, v7;
	v11 =	vld [tilespmem:s24+$0x20];
	v18 =	vsub.f32 v18, v8;
	(xrf2) =	vadd.scan.msk.f32 $0xffff, v22  }
0x47e: {  	v13 =	vld [tilespmem:s24+$0x0];
	v20 =	vsub.f32 v16, v2;
	v17 =	vmul.f32 v17, v17;
	v16 =	vadd.f32 v14, v9  }
0x47f: {  	s28 =	sadd.s32 $0x80, s24;
	v24 =	vsub.f32 v21, v6;
	v19 =	vmul.f32 v19, v19;
	v14 =	vld [tilespmem:s24+$0x10];
	v23 =	vmul.f32 v18, v18  }
0x480: {  	s25 =	simm.s32 $0x3;
	s29 =	simm.s32 $0x4;
	v9 =	vimm.f32 $0.0e+00;
	v21 =	vmul.f32 v20, v20;
	v18 =	vadd.f32 v17, v16;
	v16 =	vld [tilespmem:s28+$0xFFFFFFC0]  }
0x481: {  	s23 =	simm.s32 $0x2;
	s26 =	simm.s32 $0x0;
	s24 =	simm.s32 $0x1;
	v15 =	vsub.f32 v15, v5;
	v20 =	vmul.f32 v24, v24;
	v17 =	vld [tilespmem:s28+$0xFFFFFFD0];
	v19 =	vadd.f32 v23, v19  }
.LBB2_55:
0x482: {  	p0 =	sne.s32 s29, $0xF;
	v18 =	vadd.f32 v21, v18;
	v21 =	vmul.f32 v10, v10;
	v10 =	vsub.f32 v12, v1  }
0x483: {  	v15 =	vmul.f32 v15, v15;
	v22 =	vld [tilespmem:s28+$0xFFFFFFE0];
	v19 =	vadd.f32 v20, v19;
	v13 =	vsub.f32 v13, v4  }
0x484: {  	v20 =	vld [tilespmem:s28+$0xFFFFFFF0];
	v14 =	vsub.f32 v14, v3;
	v18 =	vadd.f32 v21, v18;
	v21 =	vmov s26;
	s26 =	smov.u32 s24;
	s24 =	smov.u32 s23;
	s23 =	smov.u32 s25  }
0x485: {  	s25 =	smov.u32 s29;
	v16 =	vsub.f32 v16, v7;
	v12 =	vld [tilespmem:s28+$0x30];
	v25 =	vadd.f32 v15, v19;
	v19 =	vmul.f32 v13, v13  }
.Ltmp26:
0x486: {  	v23 =	vsub.f32 v11, v2;
	vm0 =	veq.s32 v21, v0;
	v17 =	vsub.f32 v17, v8;
	v11 =	vld [tilespmem:s28+$0x20];
	(xrf2) =	vadd.scan.msk.f32 $0xffff, v18;
	(pc) =	sbr.rel @p0 .LBB2_55-.Ltmp26, $4  }
0x487: {  	v24 =	vmul.f32 v16, v16;
	v13 =	vld [tilespmem:s28+$0x0];
	v18 =	vadd.f32 v19, v25;
	v19 =	vmul.f32 v14, v14;
	v15, _, _ =	vpop (xrf2)  }
0x488: {  	v25 =	vmul.f32 v17, v17;
	v22 =	vsub.f32 v22, v6;
	v14 =	vld [tilespmem:s28+$0x10];
	s28 =	sadd.s32 $0x80, s28;
	v26 =	vbroadcast v15, $0xF  }
0x489: {  	v21 =	vmul.f32 v23, v23;
	v16 =	vld [tilespmem:s28+$0xFFFFFFC0];
	v15 =	vsub.f32 v20, v5;
	v18 =	vadd.f32 v19, v18  }
0x48a: {  	s29 =	sadd.s32 $0x1, s29;
	v17 =	vld [tilespmem:s28+$0xFFFFFFD0];
	v19 =	vadd.f32 v25, v24;
	v20 =	vmul.f32 v22, v22;
	v9 =	vsel vm0, v26, v9  }
0x48b: {  	_ = 	snop  }
0x48c: {  	v22 =	vld [tilespmem:s28+$0xFFFFFFE0];
	_ =	sdelay $0x1  }
0x48d: {  	v23 =	vld [tilespmem:s28+$0xFFFFFFF0]  }
0x48e: {  	v7 =	vsub.f32 v16, v7;
	v8 =	vsub.f32 v17, v8  }
0x48f: {  	v49 =	vld [tilespmem:s28+$0x0]  }
0x490: {  	v6 =	vsub.f32 v22, v6;
	v7 =	vmul.f32 v7, v7;
	v8 =	vmul.f32 v8, v8  }
0x491: {  	v12 =	vsub.f32 v12, v1;
	v50 =	vadd.f32 v21, v18;
	v51 =	vld [tilespmem:s28+$0x10]  }
0x492: {  	v5 =	vsub.f32 v23, v5;
	v6 =	vmul.f32 v6, v6;
	v7 =	vadd.f32 v8, v7  }
0x493: {  	v15 =	vmul.f32 v15, v15;
	v53 =	vld [tilespmem:s28+$0x20];
	v52 =	vadd.f32 v20, v19;
	v13 =	vsub.f32 v13, v4  }
0x494: {  	v54 =	vsub.f32 v49, v4;
	v5 =	vmul.f32 v5, v5;
	v6 =	vadd.f32 v6, v7  }
0x495: {  	v56 =	vld [tilespmem:s28+$0x30];
	v55 =	vsub.f32 v14, v3;
	v13 =	vmul.f32 v13, v13;
	v8 =	vadd.f32 v15, v52  }
0x496: {  	v3 =	vsub.f32 v51, v3;
	v4 =	vmul.f32 v54, v54;
	v5 =	vadd.f32 v5, v6  }
0x497: {  	v57 =	vsub.f32 v11, v2;
	v8 =	vadd.f32 v13, v8;
	v7 =	vmul.f32 v55, v55  }
0x498: {  	v2 =	vsub.f32 v53, v2;
	v3 =	vmul.f32 v3, v3;
	v4 =	vadd.f32 v4, v5  }
0x499: {  	v58 =	vmul.f32 v10, v10;
	v7 =	vadd.f32 v7, v8;
	v6 =	vmul.f32 v57, v57  }
0x49a: {  	v1 =	vsub.f32 v56, v1;
	v2 =	vmul.f32 v2, v2;
	v3 =	vadd.f32 v3, v4  }
0x49b: {  	v59 =	vadd.f32 v58, v50;
	v61 =	vmul.f32 v12, v12;
	v60 =	vadd.f32 v6, v7  }
0x49c: {  	v1 =	vmul.f32 v1, v1;
	v2 =	vadd.f32 v2, v3  }
0x49d: {  	(xrf2) =	vadd.scan.msk.f32 $0xffff, v59;
	v3 =	vadd.f32 v61, v60  }
0x49e: {  	v1 =	vadd.f32 v1, v2  }
0x49f: {  	(xrf2) =	vadd.scan.msk.f32 $0xffff, v3  }
0x4a0: {  	(xrf2) =	vadd.scan.msk.f32 $0xffff, v1;
	_ =	sdelay $0x4  }
0x4a1: {  	v3 =	vmov s26  }
0x4a2: {  	s22 =	sshll.u32 s22, $0x4;
	vm0 =	veq.s32 v3, v0;
	v3 =	vmov s24;
	v1, _, _ =	vpop (xrf2)  }
0x4a3: {  	v62 =	vld [tilespmem:s22+$0x1000];
	v2, _, _ =	vpop (xrf2);
	v1 =	vbroadcast v1, $0xF  }
0x4a4: {  	v2 =	vbroadcast v2, $0xF  }
0x4a5: {  	vm13 =	veq.s32 v3, v0;
	v1 =	vsel vm0, v1, v9;
	v3, _, _ =	vpop (xrf2)  }
0x4a6: {  	v1 =	vsel vm13, v2, v1;
	v2 =	vmov s23;
	v3 =	vbroadcast v3, $0xF;
	v63, _, _ =	vpop (xrf2)  }
0x4a7: {  	vm14 =	veq.s32 v2, v0;
	v2 =	vmov s25;
	v5 =	vbroadcast v63, $0xF  }
0x4a8: {  	vm15 =	veq.s32 v2, v0;
	v1 =	vsel vm14, v3, v1  }
0x4a9: {  	v1 =	vsel vm15, v5, v1  }
0x4aa: {  	s20 =	sadd.s32 $0x1, s20;
	[tilespmem:s22+$0xD800] =	vst v1  }
0x4ab: {  	p0 =	sne.s32 s20, $0x8;
	v1 =	vld.idx.msk [tilespmem:v62+s1+$0x0], $0xffff  }
.Ltmp27:
0x4ac: {  	_ = 	snop;
	(pc) =	sbr.rel @p0 .LBB2_54-.Ltmp27, $2  }
0x4ad: {  	_ =	sdelay $0x2  }
0x4ae: {  	s21 =	sadd.s32 $0x800, s21;
	[tilespmem:s22+$0xE000] =	vst v1  }
0x4af: {  	[tilespmem:s16], [sflag:$0x2] =	stream.indirect.gather [hbm4b:s3+s13], $0x80, s2, s13, $0xb8;
	[tilespmem:$0xE800] =	vst v63  }
0x4b0: {  	_ =	swait.ge [sflag:s17], $0x4000  }
0x4b1: {  	[sflag:s17] =	ssyncset.done $0x0  }
0x4b2: {  	s20 =	simm.s32 $0x0;
	s21 =	simm.s32 $0x5840;
	[sflag:s17] =	ssyncadd.s32 $0xFFFFC000  }
.LBB2_58:
0x4b3: {  	v9 =	vld [tilespmem:s21+$0xFFFFFFC0]  }
0x4b4: {  	v10 =	vld [tilespmem:s21+$0xFFFFFFD0]  }
0x4b5: {  	s22 =	sor.u32 $0x70, s20;
	v11 =	vld [tilespmem:s21+$0xFFFFFFE0]  }
0x4b6: {  	v12 =	vld [tilespmem:s21+$0xFFFFFFF0];
	s23 =	sshll.u32 s22, $0x7  }
0x4b7: {  	v13 =	vld [tilespmem:s21+$0x0];
	s23 =	sand.u32 $0x3FFFFF80, s23  }
0x4b8: {  	v7 =	vld [tilespmem:s23+$0x1800]  }
0x4b9: {  	v8 =	vld [tilespmem:s23+$0x1810]  }
0x4ba: {  	v14 =	vld [tilespmem:s21+$0x10]  }
0x4bb: {  	s26 =	sadd.s32 $0x80, s21;
	v6 =	vld [tilespmem:s23+$0x1820]  }
0x4bc: {  	v15 =	vld [tilespmem:s26+$0xFFFFFFC0]  }
0x4bd: {  	v5 =	vld [tilespmem:s23+$0x1830]  }
0x4be: {  	v16 =	vld [tilespmem:s26+$0xFFFFFFD0];
	v9 =	vsub.f32 v9, v7;
	v10 =	vsub.f32 v10, v8  }
0x4bf: {  	v4 =	vld [tilespmem:s23+$0x1840]  }
0x4c0: {  	v17 =	vld [tilespmem:s26+$0xFFFFFFE0];
	v11 =	vsub.f32 v11, v6;
	v9 =	vmul.f32 v9, v9;
	v10 =	vmul.f32 v10, v10  }
0x4c1: {  	v3 =	vld [tilespmem:s23+$0x1850]  }
0x4c2: {  	v2 =	vld [tilespmem:s23+$0x1860];
	v12 =	vsub.f32 v12, v5;
	v9 =	vadd.f32 v10, v9;
	v10 =	vmul.f32 v11, v11  }
0x4c3: {  	v11 =	vld [tilespmem:s21+$0x20]  }
0x4c4: {  	v1 =	vld [tilespmem:s23+$0x1870];
	v9 =	vadd.f32 v10, v9;
	v10 =	vmul.f32 v12, v12;
	v12 =	vsub.f32 v13, v4  }
0x4c5: {  	v13 =	vld [tilespmem:s21+$0x30]  }
0x4c6: {  	v18 =	vld [tilespmem:s26+$0xFFFFFFF0];
	v14 =	vsub.f32 v14, v3;
	v9 =	vadd.f32 v10, v9;
	v10 =	vmul.f32 v12, v12  }
0x4c7: {  	v19 =	vld [tilespmem:s26+$0x0];
	s24 =	sadd.s32 $0x80, s26;
	v16 =	vsub.f32 v16, v8;
	v12 =	vsub.f32 v15, v7  }
0x4c8: {  	v20 =	vld [tilespmem:s24+$0xFFFFFFC0];
	v11 =	vsub.f32 v11, v2;
	v9 =	vadd.f32 v10, v9;
	v10 =	vmul.f32 v14, v14  }
0x4c9: {  	v15 =	vld [tilespmem:s26+$0x30];
	v12 =	vmul.f32 v12, v12;
	v14 =	vmul.f32 v16, v16;
	v16 =	vsub.f32 v17, v6  }
0x4ca: {  	v17 =	vld [tilespmem:s26+$0x10];
	v13 =	vsub.f32 v13, v1;
	v9 =	vadd.f32 v10, v9;
	v10 =	vmul.f32 v11, v11  }
0x4cb: {  	v11 =	vsub.f32 v18, v5;
	v18 =	vld [tilespmem:s24+$0xFFFFFFD0];
	v12 =	vadd.f32 v14, v12;
	v14 =	vmul.f32 v16, v16  }
0x4cc: {  	v16 =	vld [tilespmem:s26+$0x20];
	v13 =	vmul.f32 v13, v13;
	v9 =	vadd.f32 v10, v9  }
0x4cd: {  	v21 =	vld [tilespmem:s24+$0xFFFFFFE0];
	v19 =	vsub.f32 v19, v4;
	v14 =	vadd.f32 v14, v12;
	v11 =	vmul.f32 v11, v11  }
0x4ce: {  	v10 =	vsub.f32 v15, v1;
	v15 =	vld [tilespmem:s24+$0xFFFFFFF0];
	v22 =	vadd.f32 v13, v9  }
0x4cf: {  	v12 =	vld [tilespmem:s24+$0x30];
	v17 =	vsub.f32 v17, v3;
	v9 =	vadd.f32 v11, v14;
	v14 =	vmul.f32 v19, v19  }
0x4d0: {  	v19 =	vsub.f32 v20, v7;
	v11 =	vld [tilespmem:s24+$0x20];
	v18 =	vsub.f32 v18, v8;
	(xrf2) =	vadd.scan.msk.f32 $0xffff, v22  }
0x4d1: {  	v13 =	vld [tilespmem:s24+$0x0];
	v20 =	vsub.f32 v16, v2;
	v17 =	vmul.f32 v17, v17;
	v16 =	vadd.f32 v14, v9  }
0x4d2: {  	s28 =	sadd.s32 $0x80, s24;
	v24 =	vsub.f32 v21, v6;
	v19 =	vmul.f32 v19, v19;
	v14 =	vld [tilespmem:s24+$0x10];
	v23 =	vmul.f32 v18, v18  }
0x4d3: {  	s25 =	simm.s32 $0x3;
	s29 =	simm.s32 $0x4;
	v9 =	vimm.f32 $0.0e+00;
	v21 =	vmul.f32 v20, v20;
	v18 =	vadd.f32 v17, v16;
	v16 =	vld [tilespmem:s28+$0xFFFFFFC0]  }
0x4d4: {  	s23 =	simm.s32 $0x2;
	s26 =	simm.s32 $0x0;
	s24 =	simm.s32 $0x1;
	v15 =	vsub.f32 v15, v5;
	v20 =	vmul.f32 v24, v24;
	v17 =	vld [tilespmem:s28+$0xFFFFFFD0];
	v19 =	vadd.f32 v23, v19  }
.LBB2_59:
0x4d5: {  	p0 =	sne.s32 s29, $0xF;
	v18 =	vadd.f32 v21, v18;
	v21 =	vmul.f32 v10, v10;
	v10 =	vsub.f32 v12, v1  }
0x4d6: {  	v15 =	vmul.f32 v15, v15;
	v22 =	vld [tilespmem:s28+$0xFFFFFFE0];
	v19 =	vadd.f32 v20, v19;
	v13 =	vsub.f32 v13, v4  }
0x4d7: {  	v20 =	vld [tilespmem:s28+$0xFFFFFFF0];
	v14 =	vsub.f32 v14, v3;
	v18 =	vadd.f32 v21, v18;
	v21 =	vmov s26;
	s26 =	smov.u32 s24;
	s24 =	smov.u32 s23;
	s23 =	smov.u32 s25  }
0x4d8: {  	s25 =	smov.u32 s29;
	v16 =	vsub.f32 v16, v7;
	v12 =	vld [tilespmem:s28+$0x30];
	v25 =	vadd.f32 v15, v19;
	v19 =	vmul.f32 v13, v13  }
.Ltmp28:
0x4d9: {  	v23 =	vsub.f32 v11, v2;
	vm0 =	veq.s32 v21, v0;
	v17 =	vsub.f32 v17, v8;
	v11 =	vld [tilespmem:s28+$0x20];
	(xrf2) =	vadd.scan.msk.f32 $0xffff, v18;
	(pc) =	sbr.rel @p0 .LBB2_59-.Ltmp28, $4  }
0x4da: {  	v24 =	vmul.f32 v16, v16;
	v13 =	vld [tilespmem:s28+$0x0];
	v18 =	vadd.f32 v19, v25;
	v19 =	vmul.f32 v14, v14;
	v15, _, _ =	vpop (xrf2)  }
0x4db: {  	v25 =	vmul.f32 v17, v17;
	v22 =	vsub.f32 v22, v6;
	v14 =	vld [tilespmem:s28+$0x10];
	s28 =	sadd.s32 $0x80, s28;
	v26 =	vbroadcast v15, $0xF  }
0x4dc: {  	v21 =	vmul.f32 v23, v23;
	v16 =	vld [tilespmem:s28+$0xFFFFFFC0];
	v15 =	vsub.f32 v20, v5;
	v18 =	vadd.f32 v19, v18  }
0x4dd: {  	s29 =	sadd.s32 $0x1, s29;
	v17 =	vld [tilespmem:s28+$0xFFFFFFD0];
	v19 =	vadd.f32 v25, v24;
	v20 =	vmul.f32 v22, v22;
	v9 =	vsel vm0, v26, v9  }
0x4de: {  	_ = 	snop  }
0x4df: {  	v22 =	vld [tilespmem:s28+$0xFFFFFFE0];
	_ =	sdelay $0x1  }
0x4e0: {  	v23 =	vld [tilespmem:s28+$0xFFFFFFF0]  }
0x4e1: {  	v7 =	vsub.f32 v16, v7;
	v8 =	vsub.f32 v17, v8  }
0x4e2: {  	v49 =	vld [tilespmem:s28+$0x0]  }
0x4e3: {  	v6 =	vsub.f32 v22, v6;
	v7 =	vmul.f32 v7, v7;
	v8 =	vmul.f32 v8, v8  }
0x4e4: {  	v12 =	vsub.f32 v12, v1;
	v50 =	vadd.f32 v21, v18;
	v51 =	vld [tilespmem:s28+$0x10]  }
0x4e5: {  	v5 =	vsub.f32 v23, v5;
	v6 =	vmul.f32 v6, v6;
	v7 =	vadd.f32 v8, v7  }
0x4e6: {  	v15 =	vmul.f32 v15, v15;
	v53 =	vld [tilespmem:s28+$0x20];
	v52 =	vadd.f32 v20, v19;
	v13 =	vsub.f32 v13, v4  }
0x4e7: {  	v54 =	vsub.f32 v49, v4;
	v5 =	vmul.f32 v5, v5;
	v6 =	vadd.f32 v6, v7  }
0x4e8: {  	v56 =	vld [tilespmem:s28+$0x30];
	v55 =	vsub.f32 v14, v3;
	v13 =	vmul.f32 v13, v13;
	v8 =	vadd.f32 v15, v52  }
0x4e9: {  	v3 =	vsub.f32 v51, v3;
	v4 =	vmul.f32 v54, v54;
	v5 =	vadd.f32 v5, v6  }
0x4ea: {  	v57 =	vsub.f32 v11, v2;
	v8 =	vadd.f32 v13, v8;
	v7 =	vmul.f32 v55, v55  }
0x4eb: {  	v2 =	vsub.f32 v53, v2;
	v3 =	vmul.f32 v3, v3;
	v4 =	vadd.f32 v4, v5  }
0x4ec: {  	v58 =	vmul.f32 v10, v10;
	v7 =	vadd.f32 v7, v8;
	v6 =	vmul.f32 v57, v57  }
0x4ed: {  	v1 =	vsub.f32 v56, v1;
	v2 =	vmul.f32 v2, v2;
	v3 =	vadd.f32 v3, v4  }
0x4ee: {  	v59 =	vadd.f32 v58, v50;
	v61 =	vmul.f32 v12, v12;
	v60 =	vadd.f32 v6, v7  }
0x4ef: {  	v1 =	vmul.f32 v1, v1;
	v2 =	vadd.f32 v2, v3  }
0x4f0: {  	(xrf2) =	vadd.scan.msk.f32 $0xffff, v59;
	v3 =	vadd.f32 v61, v60  }
0x4f1: {  	v1 =	vadd.f32 v1, v2  }
0x4f2: {  	(xrf2) =	vadd.scan.msk.f32 $0xffff, v3  }
0x4f3: {  	(xrf2) =	vadd.scan.msk.f32 $0xffff, v1;
	_ =	sdelay $0x4  }
0x4f4: {  	v3 =	vmov s26  }
0x4f5: {  	s22 =	sshll.u32 s22, $0x4;
	vm0 =	veq.s32 v3, v0;
	v3 =	vmov s24;
	v1, _, _ =	vpop (xrf2)  }
0x4f6: {  	v62 =	vld [tilespmem:s22+$0x1000];
	v2, _, _ =	vpop (xrf2);
	v1 =	vbroadcast v1, $0xF  }
0x4f7: {  	v2 =	vbroadcast v2, $0xF  }
0x4f8: {  	vm13 =	veq.s32 v3, v0;
	v1 =	vsel vm0, v1, v9;
	v3, _, _ =	vpop (xrf2)  }
0x4f9: {  	v1 =	vsel vm13, v2, v1;
	v2 =	vmov s23;
	v3 =	vbroadcast v3, $0xF;
	v63, _, _ =	vpop (xrf2)  }
0x4fa: {  	vm14 =	veq.s32 v2, v0;
	v2 =	vmov s25;
	v5 =	vbroadcast v63, $0xF  }
0x4fb: {  	vm15 =	veq.s32 v2, v0;
	v1 =	vsel vm14, v3, v1  }
0x4fc: {  	v1 =	vsel vm15, v5, v1  }
0x4fd: {  	s20 =	sadd.s32 $0x1, s20;
	[tilespmem:s22+$0xD800] =	vst v1  }
0x4fe: {  	p0 =	sne.s32 s20, $0x8;
	v1 =	vld.idx.msk [tilespmem:v62+s1+$0x0], $0xffff  }
.Ltmp29:
0x4ff: {  	_ = 	snop;
	(pc) =	sbr.rel @p0 .LBB2_58-.Ltmp29, $2  }
0x500: {  	_ =	sdelay $0x2  }
0x501: {  	s21 =	sadd.s32 $0x800, s21;
	[tilespmem:s22+$0xE000] =	vst v1  }
0x502: {  	_ =	swait.ge [sflag:s19], $0x4000  }
0x503: {  	[sflag:s19] =	ssyncset.done $0x0  }
0x504: {  	s20 =	simm.s32 $0x0;
	s21 =	simm.s32 $0x9840;
	[sflag:s19] =	ssyncadd.s32 $0xFFFFC000  }
.LBB2_62:
0x505: {  	v9 =	vld [tilespmem:s21+$0xFFFFFFC0]  }
0x506: {  	v10 =	vld [tilespmem:s21+$0xFFFFFFD0]  }
0x507: {  	s22 =	sor.u32 $0x78, s20;
	v11 =	vld [tilespmem:s21+$0xFFFFFFE0]  }
0x508: {  	v12 =	vld [tilespmem:s21+$0xFFFFFFF0];
	s23 =	sshll.u32 s22, $0x7  }
0x509: {  	v13 =	vld [tilespmem:s21+$0x0];
	s23 =	sand.u32 $0x3FFFFF80, s23  }
0x50a: {  	v7 =	vld [tilespmem:s23+$0x1800]  }
0x50b: {  	v8 =	vld [tilespmem:s23+$0x1810]  }
0x50c: {  	v14 =	vld [tilespmem:s21+$0x10]  }
0x50d: {  	s26 =	sadd.s32 $0x80, s21;
	v6 =	vld [tilespmem:s23+$0x1820]  }
0x50e: {  	v15 =	vld [tilespmem:s26+$0xFFFFFFC0]  }
0x50f: {  	v5 =	vld [tilespmem:s23+$0x1830]  }
0x510: {  	v16 =	vld [tilespmem:s26+$0xFFFFFFD0];
	v9 =	vsub.f32 v9, v7;
	v10 =	vsub.f32 v10, v8  }
0x511: {  	v4 =	vld [tilespmem:s23+$0x1840]  }
0x512: {  	v17 =	vld [tilespmem:s26+$0xFFFFFFE0];
	v11 =	vsub.f32 v11, v6;
	v9 =	vmul.f32 v9, v9;
	v10 =	vmul.f32 v10, v10  }
0x513: {  	v3 =	vld [tilespmem:s23+$0x1850]  }
0x514: {  	v2 =	vld [tilespmem:s23+$0x1860];
	v12 =	vsub.f32 v12, v5;
	v9 =	vadd.f32 v10, v9;
	v10 =	vmul.f32 v11, v11  }
0x515: {  	v11 =	vld [tilespmem:s21+$0x20]  }
0x516: {  	v1 =	vld [tilespmem:s23+$0x1870];
	v9 =	vadd.f32 v10, v9;
	v10 =	vmul.f32 v12, v12;
	v12 =	vsub.f32 v13, v4  }
0x517: {  	v13 =	vld [tilespmem:s21+$0x30]  }
0x518: {  	v18 =	vld [tilespmem:s26+$0xFFFFFFF0];
	v14 =	vsub.f32 v14, v3;
	v9 =	vadd.f32 v10, v9;
	v10 =	vmul.f32 v12, v12  }
0x519: {  	v19 =	vld [tilespmem:s26+$0x0];
	s24 =	sadd.s32 $0x80, s26;
	v16 =	vsub.f32 v16, v8;
	v12 =	vsub.f32 v15, v7  }
0x51a: {  	v20 =	vld [tilespmem:s24+$0xFFFFFFC0];
	v11 =	vsub.f32 v11, v2;
	v9 =	vadd.f32 v10, v9;
	v10 =	vmul.f32 v14, v14  }
0x51b: {  	v15 =	vld [tilespmem:s26+$0x30];
	v12 =	vmul.f32 v12, v12;
	v14 =	vmul.f32 v16, v16;
	v16 =	vsub.f32 v17, v6  }
0x51c: {  	v17 =	vld [tilespmem:s26+$0x10];
	v13 =	vsub.f32 v13, v1;
	v9 =	vadd.f32 v10, v9;
	v10 =	vmul.f32 v11, v11  }
0x51d: {  	v11 =	vsub.f32 v18, v5;
	v18 =	vld [tilespmem:s24+$0xFFFFFFD0];
	v12 =	vadd.f32 v14, v12;
	v14 =	vmul.f32 v16, v16  }
0x51e: {  	v16 =	vld [tilespmem:s26+$0x20];
	v13 =	vmul.f32 v13, v13;
	v9 =	vadd.f32 v10, v9  }
0x51f: {  	v21 =	vld [tilespmem:s24+$0xFFFFFFE0];
	v19 =	vsub.f32 v19, v4;
	v14 =	vadd.f32 v14, v12;
	v11 =	vmul.f32 v11, v11  }
0x520: {  	v10 =	vsub.f32 v15, v1;
	v15 =	vld [tilespmem:s24+$0xFFFFFFF0];
	v22 =	vadd.f32 v13, v9  }
0x521: {  	v12 =	vld [tilespmem:s24+$0x30];
	v17 =	vsub.f32 v17, v3;
	v9 =	vadd.f32 v11, v14;
	v14 =	vmul.f32 v19, v19  }
0x522: {  	v19 =	vsub.f32 v20, v7;
	v11 =	vld [tilespmem:s24+$0x20];
	v18 =	vsub.f32 v18, v8;
	(xrf2) =	vadd.scan.msk.f32 $0xffff, v22  }
0x523: {  	v13 =	vld [tilespmem:s24+$0x0];
	v20 =	vsub.f32 v16, v2;
	v17 =	vmul.f32 v17, v17;
	v16 =	vadd.f32 v14, v9  }
0x524: {  	s28 =	sadd.s32 $0x80, s24;
	v24 =	vsub.f32 v21, v6;
	v19 =	vmul.f32 v19, v19;
	v14 =	vld [tilespmem:s24+$0x10];
	v23 =	vmul.f32 v18, v18  }
0x525: {  	s25 =	simm.s32 $0x3;
	s29 =	simm.s32 $0x4;
	v9 =	vimm.f32 $0.0e+00;
	v21 =	vmul.f32 v20, v20;
	v18 =	vadd.f32 v17, v16;
	v16 =	vld [tilespmem:s28+$0xFFFFFFC0]  }
0x526: {  	s23 =	simm.s32 $0x2;
	s26 =	simm.s32 $0x0;
	s24 =	simm.s32 $0x1;
	v15 =	vsub.f32 v15, v5;
	v20 =	vmul.f32 v24, v24;
	v17 =	vld [tilespmem:s28+$0xFFFFFFD0];
	v19 =	vadd.f32 v23, v19  }
.LBB2_63:
0x527: {  	p0 =	sne.s32 s29, $0xF;
	v18 =	vadd.f32 v21, v18;
	v21 =	vmul.f32 v10, v10;
	v10 =	vsub.f32 v12, v1  }
0x528: {  	v15 =	vmul.f32 v15, v15;
	v22 =	vld [tilespmem:s28+$0xFFFFFFE0];
	v19 =	vadd.f32 v20, v19;
	v13 =	vsub.f32 v13, v4  }
0x529: {  	v20 =	vld [tilespmem:s28+$0xFFFFFFF0];
	v14 =	vsub.f32 v14, v3;
	v18 =	vadd.f32 v21, v18;
	v21 =	vmov s26;
	s26 =	smov.u32 s24;
	s24 =	smov.u32 s23;
	s23 =	smov.u32 s25  }
0x52a: {  	s25 =	smov.u32 s29;
	v16 =	vsub.f32 v16, v7;
	v12 =	vld [tilespmem:s28+$0x30];
	v25 =	vadd.f32 v15, v19;
	v19 =	vmul.f32 v13, v13  }
.Ltmp30:
0x52b: {  	v23 =	vsub.f32 v11, v2;
	vm0 =	veq.s32 v21, v0;
	v17 =	vsub.f32 v17, v8;
	v11 =	vld [tilespmem:s28+$0x20];
	(xrf2) =	vadd.scan.msk.f32 $0xffff, v18;
	(pc) =	sbr.rel @p0 .LBB2_63-.Ltmp30, $4  }
0x52c: {  	v24 =	vmul.f32 v16, v16;
	v13 =	vld [tilespmem:s28+$0x0];
	v18 =	vadd.f32 v19, v25;
	v19 =	vmul.f32 v14, v14;
	v15, _, _ =	vpop (xrf2)  }
0x52d: {  	v25 =	vmul.f32 v17, v17;
	v22 =	vsub.f32 v22, v6;
	v14 =	vld [tilespmem:s28+$0x10];
	s28 =	sadd.s32 $0x80, s28;
	v26 =	vbroadcast v15, $0xF  }
0x52e: {  	v21 =	vmul.f32 v23, v23;
	v16 =	vld [tilespmem:s28+$0xFFFFFFC0];
	v15 =	vsub.f32 v20, v5;
	v18 =	vadd.f32 v19, v18  }
0x52f: {  	s29 =	sadd.s32 $0x1, s29;
	v17 =	vld [tilespmem:s28+$0xFFFFFFD0];
	v19 =	vadd.f32 v25, v24;
	v20 =	vmul.f32 v22, v22;
	v9 =	vsel vm0, v26, v9  }
0x530: {  	_ = 	snop  }
0x531: {  	v22 =	vld [tilespmem:s28+$0xFFFFFFE0];
	_ =	sdelay $0x1  }
0x532: {  	v23 =	vld [tilespmem:s28+$0xFFFFFFF0]  }
0x533: {  	v7 =	vsub.f32 v16, v7;
	v8 =	vsub.f32 v17, v8  }
0x534: {  	v49 =	vld [tilespmem:s28+$0x0]  }
0x535: {  	v6 =	vsub.f32 v22, v6;
	v7 =	vmul.f32 v7, v7;
	v8 =	vmul.f32 v8, v8  }
0x536: {  	v12 =	vsub.f32 v12, v1;
	v50 =	vadd.f32 v21, v18;
	v51 =	vld [tilespmem:s28+$0x10]  }
0x537: {  	v5 =	vsub.f32 v23, v5;
	v6 =	vmul.f32 v6, v6;
	v7 =	vadd.f32 v8, v7  }
0x538: {  	v15 =	vmul.f32 v15, v15;
	v53 =	vld [tilespmem:s28+$0x20];
	v52 =	vadd.f32 v20, v19;
	v13 =	vsub.f32 v13, v4  }
0x539: {  	v54 =	vsub.f32 v49, v4;
	v5 =	vmul.f32 v5, v5;
	v6 =	vadd.f32 v6, v7  }
0x53a: {  	v56 =	vld [tilespmem:s28+$0x30];
	v55 =	vsub.f32 v14, v3;
	v13 =	vmul.f32 v13, v13;
	v8 =	vadd.f32 v15, v52  }
0x53b: {  	v3 =	vsub.f32 v51, v3;
	v4 =	vmul.f32 v54, v54;
	v5 =	vadd.f32 v5, v6  }
0x53c: {  	v57 =	vsub.f32 v11, v2;
	v8 =	vadd.f32 v13, v8;
	v7 =	vmul.f32 v55, v55  }
0x53d: {  	v2 =	vsub.f32 v53, v2;
	v3 =	vmul.f32 v3, v3;
	v4 =	vadd.f32 v4, v5  }
0x53e: {  	v58 =	vmul.f32 v10, v10;
	v7 =	vadd.f32 v7, v8;
	v6 =	vmul.f32 v57, v57  }
0x53f: {  	v1 =	vsub.f32 v56, v1;
	v2 =	vmul.f32 v2, v2;
	v3 =	vadd.f32 v3, v4  }
0x540: {  	v59 =	vadd.f32 v58, v50;
	v61 =	vmul.f32 v12, v12;
	v60 =	vadd.f32 v6, v7  }
0x541: {  	v1 =	vmul.f32 v1, v1;
	v2 =	vadd.f32 v2, v3  }
0x542: {  	(xrf2) =	vadd.scan.msk.f32 $0xffff, v59;
	v3 =	vadd.f32 v61, v60  }
0x543: {  	v1 =	vadd.f32 v1, v2  }
0x544: {  	(xrf2) =	vadd.scan.msk.f32 $0xffff, v3  }
0x545: {  	(xrf2) =	vadd.scan.msk.f32 $0xffff, v1;
	_ =	sdelay $0x4  }
0x546: {  	v3 =	vmov s26  }
0x547: {  	s22 =	sshll.u32 s22, $0x4;
	vm0 =	veq.s32 v3, v0;
	v3 =	vmov s24;
	v1, _, _ =	vpop (xrf2)  }
0x548: {  	v62 =	vld [tilespmem:s22+$0x1000];
	v2, _, _ =	vpop (xrf2);
	v1 =	vbroadcast v1, $0xF  }
0x549: {  	v2 =	vbroadcast v2, $0xF  }
0x54a: {  	vm13 =	veq.s32 v3, v0;
	v1 =	vsel vm0, v1, v9;
	v3, _, _ =	vpop (xrf2)  }
0x54b: {  	v1 =	vsel vm13, v2, v1;
	v2 =	vmov s23;
	v3 =	vbroadcast v3, $0xF;
	v63, _, _ =	vpop (xrf2)  }
0x54c: {  	vm14 =	veq.s32 v2, v0;
	v2 =	vmov s25;
	v5 =	vbroadcast v63, $0xF  }
0x54d: {  	vm15 =	veq.s32 v2, v0;
	v1 =	vsel vm14, v3, v1  }
0x54e: {  	v1 =	vsel vm15, v5, v1  }
0x54f: {  	s20 =	sadd.s32 $0x1, s20;
	[tilespmem:s22+$0xD800] =	vst v1  }
0x550: {  	p0 =	sne.s32 s20, $0x8;
	v1 =	vld.idx.msk [tilespmem:v62+s1+$0x0], $0xffff  }
.Ltmp31:
0x551: {  	_ = 	snop;
	(pc) =	sbr.rel @p0 .LBB2_62-.Ltmp31, $2  }
0x552: {  	_ =	sdelay $0x2  }
0x553: {  	s21 =	sadd.s32 $0x800, s21;
	[tilespmem:s22+$0xE000] =	vst v1  }
0x554: {  	[hbm4b:s7+s1] =	stream.linear.scatter [tilespmem:s11], [sflag:$0x3], $0x800, $0x38;
	[tilespmem:$0xE800] =	vst v63  }
0x555: {  	s18 =	sadd.s32 $0x1, s18;
	_ =	swait.ge [sflag:s10], $0x800  }
0x556: {  	p0 =	sne.s32 s18, s9;
	[sflag:s10] =	ssyncset.done $0x0  }
.Ltmp32:
0x557: {  	[sflag:s10] =	ssyncadd.s32 $0xFFFFF800;
	(pc) =	sbr.rel @p0 .LBB2_1-.Ltmp32, $4  }
0x558: {  	[hbm4b:s8+s1] =	stream.linear.scatter [tilespmem:s15], [sflag:$0x3], $0x800, $0x38;
	[tilespmem:$0xE800] =	vst v63  }
0x559: {  	_ =	swait.ge [sflag:s10], $0x800  }
0x55a: {  	[sflag:s10] =	ssyncset.done $0x0  }
0x55b: {  	[sflag:s10] =	ssyncadd.s32 $0xFFFFF800  }
0x55c: {  	_ =	sfence.sel $0x180000  }
0x55d: {  	[bflag:$0x0] =	sbarrier.arrive $0xFFFF  }
0x55e: {  	_ =	strace $0x90000047  }
0x55f: {  	s0 =	stileid.u32;
	[bflag:$0x2] =	sbarrier.arrive $0xFFFF  }
0x560: {  	p0 =	sne.s32 s0, $0x0;
	s0 =	rddreg [dreg:$0x1]  }
0x561: {  	s0 =	sadd.s32 @!p0 $0x100000, s0  }
0x562: {  	[sflag:s0] =	ssyncadd.tile.s32 @!p0 $0x1;
	_ =	shalt  }
.Lfunc_end2:
_tile_overlayer_lowered:
.L_overlay_start_2:
0x563: {  	(tag) =	ssettag $0x2  }
0x564: {  	s0 =	rddreg [dreg:$0x0];
	s2 =	stileid.u32  }
0x565: {  	s1 =	rddreg [dreg:$0x1];
	p0 =	sne.s32 s2, $0x0  }
0x566: {  	s3 =	rddreg [dreg:$0x2];
	[bflag:$0x3] =	sbarrier.arrive $0xFFFF;
	s2 =	simm.s32 @!p0 $0x1C03  }
0x567: {  	[timem:s3], [sflag:s2] =	dma.local @!p0 [hbm:s0], s1  }
0x568: {  	s0 =	simm.s32 @!p0 $0x3  }
0x569: {  	_ =	swait.ge @!p0 [sflag:s0], s1  }
0x56a: {  	s1 =	ssub.s32 @!p0 $0x0, s1;
	[sflag:s0] =	ssyncset.done @!p0 $0x0  }
0x56b: {  	[sflag:s0] =	ssyncadd.s32 @!p0 s1  }
0x56c: {  	[bflag:$0x3] =	sbarrier.arrive $0xFFFF  }
0x56d: {  	_ =	shalt  }

</sc_bundles>
